<compile_context>
chip_gen: v7x
topology: tpu7x:2x2x1
jax: 0.10.2.dev20260603
libtpu: 0.0.44.dev20260713+nightly
codegen_flags: <defaults>
</compile_context>

<pallas_src>
import functools

import jax
import jax.numpy as jnp
from jax import lax
from jax.experimental import pallas as pl
from jax.experimental.pallas import tpu as pltpu
from jax.experimental.pallas import tpu_sc as plsc

NNODE = 10000
NPAD = 10240
DIN = 480
DOUT = 256
HALF = 128
NEG = 0.2
NEDGE = 160000
EP = 172032
KB = 64
NC = 2
NS = 16
LL = 16
TILES = NC * NS
E1 = EP // TILES
B1 = E1 // KB
E2 = EP // NS
B2 = E2 // KB
RPT = NPAD // NS
KB1 = 64
B1X = E1 // KB1

_mesh = plsc.VectorSubcoreMesh(core_axis_name="c", subcore_axis_name="s")
_sc_params = pltpu.CompilerParams(needs_layout_passes=False)


@functools.partial(
    pl.kernel,
    out_type=[
        jax.ShapeDtypeStruct((EP,), jnp.float32),
        jax.ShapeDtypeStruct((TILES * NPAD,), jnp.float32),
    ],
    mesh=_mesh,
    compiler_params=_sc_params,
    scratch_types=[
        pltpu.VMEM((NPAD,), jnp.float32),
        pltpu.VMEM((E1,), jnp.int32),
        pltpu.VMEM((E1,), jnp.int32),
        pltpu.VMEM((2, KB1, HALF), jnp.float32),
        pltpu.VMEM((2, KB1, HALF), jnp.float32),
        pltpu.VMEM((2, KB1, HALF), jnp.float32),
        pltpu.VMEM((2, KB1, HALF), jnp.float32),
        pltpu.VMEM((KB1, LL), jnp.float32),
        pltpu.VMEM((2, KB1), jnp.float32),
        pltpu.VMEM((DOUT,), jnp.float32),
        pltpu.SemaphoreType.DMA,
        pltpu.SemaphoreType.DMA,
        pltpu.SemaphoreType.DMA,
        pltpu.SemaphoreType.DMA,
    ],
)
def _edge_logits(src_hbm, dst_hbm, xl0, xl1, xr0, xr1, att_hbm,
                 w_hbm, denomp_hbm,
                 dnm, srcall, dstall, a0, a1, b0, b1, tbuf, wv, attv,
                 sg0, sg1, sw0, sw1):
    c = lax.axis_index("c")
    s = lax.axis_index("s")
    wid = s * NC + c
    ebase = wid * E1
    pltpu.sync_copy(att_hbm, attv)
    pltpu.sync_copy(src_hbm.at[pl.ds(ebase, E1)], srcall)
    pltpu.sync_copy(dst_hbm.at[pl.ds(ebase, E1)], dstall)
    att_chunks = [attv[pl.ds(i * LL, LL)] for i in range(DOUT // LL)]
    iota = lax.iota(jnp.int32, LL)
    lane_masks = [iota == l for l in range(LL)]
    sgs = (sg0, sg1)
    sws = (sw0, sw1)

    @pl.loop(0, NPAD // LL)
    def _zd(i):
        dnm[pl.ds(i * LL, LL)] = jnp.zeros((LL,), jnp.float32)

    def g_copies(blk, bi):
        off = blk * KB1
        si = srcall.at[pl.ds(off, KB1)]
        di = dstall.at[pl.ds(off, KB1)]
        return [
            pltpu.make_async_copy(xl0.at[si], a0.at[bi], sgs[bi]),
            pltpu.make_async_copy(xl1.at[si], a1.at[bi], sgs[bi]),
            pltpu.make_async_copy(xr0.at[di], b0.at[bi], sgs[bi]),
            pltpu.make_async_copy(xr1.at[di], b1.at[bi], sgs[bi]),
        ]

    def w_copy(blk, bi):
        return pltpu.make_async_copy(
            wv.at[bi], w_hbm.at[pl.ds(ebase + blk * KB1, KB1)], sws[bi])

    def compute(blk, bi):
        off = blk * KB1
        ab0, ab1, bb0, bb1 = a0.at[bi], a1.at[bi], b0.at[bi], b1.at[bi]
        wvb = wv.at[bi]

        @plsc.parallel_loop(0, KB1, unroll=4)
        def _edge(e):
            acc = jnp.zeros((LL,), jnp.float32)
            for half, (ab, bb) in enumerate(((ab0, bb0), (ab1, bb1))):
                for q in range(HALF // LL):
                    sl = pl.ds(q * LL, LL)
                    sv = ab[e, sl] + bb[e, sl]
                    m = jnp.maximum(sv, NEG * sv)
                    acc = acc + att_chunks[half * (HALF // LL) + q] * m
            tbuf[e, :] = acc

        for g in range(KB1 // LL):
            rows = iota + (g * LL)
            tot = jnp.zeros((LL,), jnp.float32)
            for cc in range(LL):
                cols = jnp.full((LL,), cc, jnp.int32)
                tot = tot + plsc.load_gather(tbuf, [rows, cols])
            wvb[pl.ds(g * LL, LL)] = jnp.exp(tot)

        for g in range(KB1 // LL):
            d16 = dstall[pl.ds(off + g * LL, LL)]
            w16 = wvb[pl.ds(g * LL, LL)]
            for l in range(LL):
                plsc.addupdate_scatter(dnm, [d16], w16, mask=lane_masks[l])

    for cp in g_copies(0, 0):
        cp.start()

    @pl.loop(0, B1X, step=2)
    def _blk(blk):
        for cp in g_copies(blk + 1, 1):
            cp.start()
        for cp in g_copies(blk, 0):
            cp.wait()

        @pl.when(blk >= 2)
        def _():
            w_copy(blk - 2, 0).wait()

        compute(blk, 0)
        w_copy(blk, 0).start()

        @pl.when(blk + 2 < B1X)
        def _():
            for cp in g_copies(blk + 2, 0):
                cp.start()
        for cp in g_copies(blk + 1, 1):
            cp.wait()

        @pl.when(blk >= 2)
        def _():
            w_copy(blk - 1, 1).wait()

        compute(blk + 1, 1)
        w_copy(blk + 1, 1).start()

    w_copy(B1X - 2, 0).wait()
    w_copy(B1X - 1, 1).wait()
    pltpu.sync_copy(dnm, denomp_hbm.at[pl.ds(wid * NPAD, NPAD)])


@functools.partial(
    pl.kernel,
    out_type=[
        jax.ShapeDtypeStruct((NPAD, HALF), jnp.float32),
        jax.ShapeDtypeStruct((NPAD, HALF), jnp.float32),
    ],
    mesh=_mesh,
    compiler_params=_sc_params,
    scratch_types=[
        pltpu.VMEM((E2,), jnp.int32),
        pltpu.VMEM((2, KB), jnp.int32),
        pltpu.VMEM((2, KB), jnp.float32),
        pltpu.VMEM((KB,), jnp.int32),
        pltpu.VMEM((2, KB, HALF), jnp.float32),
        pltpu.VMEM((KB, HALF), jnp.float32),
        pltpu.VMEM_SHARED((NPAD, HALF), jnp.float32),
        pltpu.SemaphoreType.DMA,
        pltpu.SemaphoreType.DMA,
        pltpu.SemaphoreType.DMA,
        pltpu.SemaphoreType.DMA,
    ],
)
def _aggregate(src_hbm, dst_hbm, w_hbm, xl0, xl1,
               acc0_hbm, acc1_hbm,
               srcall, dsti, wv, ridx, rows, zb, accv,
               sg0, sg1, ss0, ss1):
    c = lax.axis_index("c")
    s = lax.axis_index("s")
    iota = lax.iota(jnp.int32, LL)
    rbase = s * RPT
    ebase = s * E2
    sgs = (sg0, sg1)
    sss = (ss0, ss1)

    pltpu.sync_copy(src_hbm.at[pl.ds(ebase, E2)], srcall)

    @pl.loop(0, KB)
    def _z(i):
        for q in range(HALF // LL):
            zb[i, pl.ds(q * LL, LL)] = jnp.zeros((LL,), jnp.float32)

    @pl.loop(0, RPT // KB)
    def _zz(i):
        for g in range(KB // LL):
            ridx[pl.ds(g * LL, LL)] = iota + (rbase + i * KB + g * LL)
        pltpu.sync_copy(zb, accv.at[ridx])

    plsc.subcore_barrier()

    def g_copies(blk, bi):
        off = blk * KB
        si = srcall.at[pl.ds(off, KB)]
        xlc_copy = [
            pltpu.make_async_copy(xl0.at[si], rows.at[bi], sgs[bi]),
            pltpu.make_async_copy(xl1.at[si], rows.at[bi], sgs[bi]),
        ]
        small = [
            pltpu.make_async_copy(dst_hbm.at[pl.ds(ebase + off, KB)],
                                  dsti.at[bi], sgs[bi]),
            pltpu.make_async_copy(w_hbm.at[pl.ds(ebase + off, KB)],
                                  wv.at[bi], sgs[bi]),
        ]
        return xlc_copy, small

    def g_start(blk, bi):
        xlc, small = g_copies(blk, bi)

        @pl.when(c == 0)
        def _():
            xlc[0].start()

        @pl.when(c == 1)
        def _():
            xlc[1].start()

        for cp in small:
            cp.start()

    def g_wait(blk, bi):
        xlc, small = g_copies(blk, bi)

        @pl.when(c == 0)
        def _():
            xlc[0].wait()

        @pl.when(c == 1)
        def _():
            xlc[1].wait()

        for cp in small:
            cp.wait()

    def s_start(bi):
        pltpu.async_copy(rows.at[bi], accv.at[dsti.at[bi]], sss[bi], add=True)

    def s_wait(bi):
        pltpu.make_async_copy(rows.at[bi], accv.at[dsti.at[bi]],
                              sss[bi]).wait()

    def scale(blk, bi):
        rb = rows.at[bi]
        wvb = wv.at[bi]

        @plsc.parallel_loop(0, KB, unroll=4)
        def _edge(e):
            espl = jnp.zeros((LL,), jnp.int32) + e
            wspl = plsc.load_gather(wvb, [espl])
            for q in range(HALF // LL):
                sl = pl.ds(q * LL, LL)
                rb[e, sl] = rb[e, sl] * wspl

    g_start(0, 0)

    @pl.loop(0, B2, step=2)
    def _blk(blk):
        g_wait(blk, 0)
        scale(blk, 0)

        @pl.when(blk >= 2)
        def _():
            s_wait(1)

        g_start(blk + 1, 1)
        s_start(0)

        g_wait(blk + 1, 1)
        scale(blk + 1, 1)
        s_wait(0)

        @pl.when(blk + 2 < B2)
        def _():
            g_start(blk + 2, 0)

        s_start(1)

    s_wait(1)

    plsc.subcore_barrier()

    @pl.loop(0, RPT // KB)
    def _f(i):
        for g in range(KB // LL):
            ridx[pl.ds(g * LL, LL)] = iota + (rbase + i * KB + g * LL)
        pltpu.sync_copy(accv.at[ridx], zb)

        @pl.when(c == 0)
        def _():
            pltpu.sync_copy(zb, acc0_hbm.at[ridx])

        @pl.when(c == 1)
        def _():
            pltpu.sync_copy(zb, acc1_hbm.at[ridx])


def _matmul_call(x, W_l, W_r):
    bm = 400

    def mm_kernel(x_ref, wl_ref, wr_ref, o0, o1, o2, o3):
        xb = x_ref[...]
        xl = jnp.dot(xb, wl_ref[...], preferred_element_type=jnp.float32,
                     precision=lax.Precision.HIGHEST)
        xr = jnp.dot(xb, wr_ref[...], preferred_element_type=jnp.float32,
                     precision=lax.Precision.HIGHEST)
        o0[...] = xl[:, :HALF]
        o1[...] = xl[:, HALF:]
        o2[...] = xr[:, :HALF]
        o3[...] = xr[:, HALF:]

    return pl.pallas_call(
        mm_kernel,
        grid=(NNODE // bm,),
        in_specs=[
            pl.BlockSpec((bm, DIN), lambda i: (i, 0)),
            pl.BlockSpec((DIN, DOUT), lambda i: (0, 0)),
            pl.BlockSpec((DIN, DOUT), lambda i: (0, 0)),
        ],
        out_specs=[pl.BlockSpec((bm, HALF), lambda i: (i, 0))] * 4,
        out_shape=[jax.ShapeDtypeStruct((NPAD, HALF), jnp.float32)] * 4,
    )(x, W_l, W_r)


def _finalize_call(acc0, acc1, denomp2d, bias2d):
    bm = 512

    def fin_kernel(a0, a1, dp, b_ref, o_ref):
        d = jnp.sum(dp[...], axis=0)[:, None]
        o_ref[...] = jnp.concatenate([a0[...], a1[...]], axis=1) / d + b_ref[...]

    return pl.pallas_call(
        fin_kernel,
        grid=(NPAD // bm,),
        in_specs=[
            pl.BlockSpec((bm, HALF), lambda i: (i, 0)),
            pl.BlockSpec((bm, HALF), lambda i: (i, 0)),
            pl.BlockSpec((TILES, bm), lambda i: (0, i)),
            pl.BlockSpec((1, DOUT), lambda i: (0, 0)),
        ],
        out_specs=pl.BlockSpec((bm, DOUT), lambda i: (i, 0)),
        out_shape=jax.ShapeDtypeStruct((NPAD, DOUT), jnp.float32),
    )(acc0, acc1, denomp2d, bias2d)


def kernel(x, edge_index, W_l, W_r, att, bias):
    loop = jnp.arange(NNODE, dtype=jnp.int32)
    pad = EP - NEDGE - NNODE
    src = jnp.concatenate(
        [edge_index[0].astype(jnp.int32), loop, jnp.zeros((pad,), jnp.int32)])
    dst = jnp.concatenate(
        [edge_index[1].astype(jnp.int32), loop,
         jnp.full((pad,), NNODE, jnp.int32)])

    xl0, xl1, xr0, xr1 = _matmul_call(x, W_l, W_r)
    w, denomp = _edge_logits(src, dst, xl0, xl1, xr0, xr1, att)
    acc0, acc1 = _aggregate(src, dst, w, xl0, xl1)
    out = _finalize_call(acc0, acc1, denomp.reshape(TILES, NPAD),
                         bias.reshape(1, DOUT))
    return out[:NNODE]

# --- scband reference (transcript-rebuilt; emitter-appended) ---
"""Pipeline reference for scband-gat-fcm-84937273245932 (READ-ONLY COPY).

The authoritative reference and input builder live on the scoring server;
editing this copy changes nothing except your own understanding.
"""

import jax, jax.numpy as jnp
import numpy as np

N = 10000
E = 160000
D_IN = 480
D_OUT = 256
NEG_SLOPE = 0.2


def setup_inputs(seed: int = 0) -> dict:
    key = jax.random.key(seed)
    k1, k2, k3, k4, k5 = jax.random.split(key, 5)
    x = jax.random.normal(k1, (N, D_IN), dtype=jnp.float32)
    edge_index = jax.random.randint(k2, (2, E), 0, N, dtype=jnp.int32)
    # GATv2Conv parameters (heads=1, in=480, out=256)
    W_l = jax.random.normal(k3, (D_IN, D_OUT), dtype=jnp.float32) * 0.05
    W_r = jax.random.normal(k4, (D_IN, D_OUT), dtype=jnp.float32) * 0.05
    att = jax.random.normal(k5, (D_OUT,), dtype=jnp.float32) * 0.05
    bias = jnp.zeros((D_OUT,), dtype=jnp.float32)
    return {"x": x, "edge_index": edge_index, "W_l": W_l, "W_r": W_r, "att": att, "bias": bias}


def reference(x, edge_index, W_l, W_r, att, bias):
    # GatFCM: contact-map edges are concatenated per-protein into one big
    # batched graph, then a single GATv2Conv(480 -> 256) is applied.
    n = x.shape[0]
    src = edge_index[0]
    dst = edge_index[1]
    # add_self_loops=True (PyG GATv2Conv default)
    loop = jnp.arange(n, dtype=src.dtype)
    src = jnp.concatenate([src, loop])
    dst = jnp.concatenate([dst, loop])
    # linear transforms (share_weights=False)
    x_l = x @ W_l  # source-side transform [N, 256]
    x_r = x @ W_r  # target-side transform [N, 256]
    # GATv2 attention: e_ij = att . LeakyReLU(x_l[j] + x_r[i])
    e = jax.nn.leaky_relu(x_l[src] + x_r[dst], NEG_SLOPE)  # [E', 256]
    logits = e @ att  # [E']
    # softmax over incoming edges per target node
    seg_max = jax.ops.segment_max(logits, dst, num_segments=n)
    alpha = jnp.exp(logits - seg_max[dst])
    denom = jax.ops.segment_sum(alpha, dst, num_segments=n)
    alpha = alpha / denom[dst]
    # aggregate messages: out[i] = sum_j alpha_ij * x_l[j]
    out = jax.ops.segment_sum(alpha[:, None] * x_l[src], dst, num_segments=n)
    return out + bias

if __name__ == "__main__":
    import jax
    _d = setup_inputs()
    print(jax.jit(kernel)(*tuple(_d.values())))

</pallas_src>

<mosaic_0001>
#map = affine_map<(d0, d1) -> (0)>
#map1 = affine_map<(d0, d1) -> (0, 0)>
module attributes {stable_mosaic.version = 14 : i64} {
  func.func @_aggregate(%arg0: i32, %arg1: i32, %arg2: memref<172032xi32, #tpu.memory_space<hbm>>, %arg3: memref<172032xi32, #tpu.memory_space<hbm>>, %arg4: memref<172032xf32, #tpu.memory_space<hbm>>, %arg5: memref<10240x128xf32, #tpu.memory_space<hbm>>, %arg6: memref<10240x128xf32, #tpu.memory_space<hbm>>, %arg7: memref<10240x128xf32, #tpu.memory_space<hbm>>, %arg8: memref<10240x128xf32, #tpu.memory_space<hbm>>, %arg9: memref<10752xi32, #tpu.memory_space<vmem>>, %arg10: memref<2x64xi32, #tpu.memory_space<vmem>>, %arg11: memref<2x64xf32, #tpu.memory_space<vmem>>, %arg12: memref<64xi32, #tpu.memory_space<vmem>>, %arg13: memref<2x64x128xf32, #tpu.memory_space<vmem>>, %arg14: memref<64x128xf32, #tpu.memory_space<vmem>>, %arg15: memref<10240x128xf32, #tpu.memory_space<vmem_shared>>, %arg16: memref<!tpu.dma_semaphore, #tpu.memory_space<semaphore_mem>>, %arg17: memref<!tpu.dma_semaphore, #tpu.memory_space<semaphore_mem>>, %arg18: memref<!tpu.dma_semaphore, #tpu.memory_space<semaphore_mem>>, %arg19: memref<!tpu.dma_semaphore, #tpu.memory_space<semaphore_mem>>) attributes {dimension_semantics = [#tpu.dimension_semantics<core_parallel>, #tpu.dimension_semantics<subcore_parallel>], iteration_bounds = array<i64: 2, 16>, scalar_prefetch = 0 : i64, scratch_operands = 11 : i64, tpu.core_type = #tpu.core_type<sc_vector_subcore>, window_params = [{transform_indices = #map}, {transform_indices = #map}, {transform_indices = #map}, {transform_indices = #map1}, {transform_indices = #map1}, {transform_indices = #map1}, {transform_indices = #map1}]} {
    %iota3A = tpu.iota {dimensions = array<i32: 0>} : vector<16xi32>
    %mul3A = arith.constant 640 : i32
    %mul3A_0 = arith.muli %arg1, %mul3A : i32
    %mul3A_1 = arith.constant 10752 : i32
    %mul3A_2 = arith.muli %arg1, %mul3A_1 : i32
    "tpu.region"() ({
      %run_scoped3A = tpu.sem_alloc : memref<!tpu.dma_semaphore, #tpu.memory_space<semaphore_mem>>
      %dma_start3A_63 = tpu.memref_slice %arg2[%mul3A_2] : memref<172032xi32, #tpu.memory_space<hbm>> -> memref<10752xi32, #tpu.memory_space<hbm>>
      %dma_start3A_64 = tpu.memref_slice %arg2[%mul3A_2] : memref<172032xi32, #tpu.memory_space<hbm>> -> memref<10752xi32, #tpu.memory_space<hbm>>
      tpu.enqueue_dma source(%dma_start3A_64 : memref<10752xi32, #tpu.memory_space<hbm>>) target(%arg9 : memref<10752xi32, #tpu.memory_space<vmem>>) target_semaphore(%run_scoped3A : memref<!tpu.dma_semaphore, #tpu.memory_space<semaphore_mem>>)
      %dma_wait3A_65 = tpu.memref_slice %arg2[%mul3A_2] : memref<172032xi32, #tpu.memory_space<hbm>> -> memref<10752xi32, #tpu.memory_space<hbm>>
      %dma_wait3A_66 = tpu.memref_slice %arg2[%mul3A_2] : memref<172032xi32, #tpu.memory_space<hbm>> -> memref<10752xi32, #tpu.memory_space<hbm>>
      tpu.wait_dma2 semaphore(%run_scoped3A : memref<!tpu.dma_semaphore, #tpu.memory_space<semaphore_mem>>) src(%dma_wait3A_66 : memref<10752xi32, #tpu.memory_space<hbm>>) dst(%arg9 : memref<10752xi32, #tpu.memory_space<vmem>>)
      tpu.yield
    }) : () -> ()
    %scan3A = arith.constant 0 : i32
    %scan3A_3 = arith.constant 64 : i32
    %scan3A_4 = arith.addi %scan3A, %scan3A_3 : i32
    %scan3A_5 = arith.constant 1 : i32
    scf.for %scan3A_63 = %scan3A to %scan3A_4 step %scan3A_5  : i32 {
      %mul3A_64 = arith.constant 1 : i32
      %mul3A_65 = arith.muli %scan3A_63, %mul3A_64 : i32
      %add3A_66 = arith.constant 0 : i32
      %add3A_67 = arith.addi %add3A_66, %mul3A_65 : i32
      %broadcast_in_dim3A = arith.constant 0.000000e+00 : f32
      %broadcast_in_dim3A_68 = vector.broadcast %broadcast_in_dim3A : f32 to vector<16xf32>
      %swap3A = arith.index_cast %add3A_67 : i32 to index
      %swap3A_69 = arith.constant 0 : index
      %swap3A_70 = tpu.vector_load %arg14[%swap3A, %swap3A_69] {strides = array<i32>} : memref<64x128xf32, #tpu.memory_space<vmem>>, vector<16xf32>,
      tpu.vector_store %arg14[%swap3A, %swap3A_69], %broadcast_in_dim3A_68 {strides = array<i32>} : memref<64x128xf32, #tpu.memory_space<vmem>>, vector<16xf32>,
      %broadcast_in_dim3A_71 = arith.constant 0.000000e+00 : f32
      %broadcast_in_dim3A_72 = vector.broadcast %broadcast_in_dim3A_71 : f32 to vector<16xf32>
      %swap3A_73 = arith.index_cast %add3A_67 : i32 to index
      %swap3A_74 = arith.constant 16 : index
      %swap3A_75 = tpu.vector_load %arg14[%swap3A_73, %swap3A_74] {strides = array<i32>} : memref<64x128xf32, #tpu.memory_space<vmem>>, vector<16xf32>,
      tpu.vector_store %arg14[%swap3A_73, %swap3A_74], %broadcast_in_dim3A_72 {strides = array<i32>} : memref<64x128xf32, #tpu.memory_space<vmem>>, vector<16xf32>,
      %broadcast_in_dim3A_76 = arith.constant 0.000000e+00 : f32
      %broadcast_in_dim3A_77 = vector.broadcast %broadcast_in_dim3A_76 : f32 to vector<16xf32>
      %swap3A_78 = arith.index_cast %add3A_67 : i32 to index
      %swap3A_79 = arith.constant 32 : index
      %swap3A_80 = tpu.vector_load %arg14[%swap3A_78, %swap3A_79] {strides = array<i32>} : memref<64x128xf32, #tpu.memory_space<vmem>>, vector<16xf32>,
      tpu.vector_store %arg14[%swap3A_78, %swap3A_79], %broadcast_in_dim3A_77 {strides = array<i32>} : memref<64x128xf32, #tpu.memory_space<vmem>>, vector<16xf32>,
      %broadcast_in_dim3A_81 = arith.constant 0.000000e+00 : f32
      %broadcast_in_dim3A_82 = vector.broadcast %broadcast_in_dim3A_81 : f32 to vector<16xf32>
      %swap3A_83 = arith.index_cast %add3A_67 : i32 to index
      %swap3A_84 = arith.constant 48 : index
      %swap3A_85 = tpu.vector_load %arg14[%swap3A_83, %swap3A_84] {strides = array<i32>} : memref<64x128xf32, #tpu.memory_space<vmem>>, vector<16xf32>,
      tpu.vector_store %arg14[%swap3A_83, %swap3A_84], %broadcast_in_dim3A_82 {strides = array<i32>} : memref<64x128xf32, #tpu.memory_space<vmem>>, vector<16xf32>,
      %broadcast_in_dim3A_86 = arith.constant 0.000000e+00 : f32
      %broadcast_in_dim3A_87 = vector.broadcast %broadcast_in_dim3A_86 : f32 to vector<16xf32>
      %swap3A_88 = arith.index_cast %add3A_67 : i32 to index
      %swap3A_89 = arith.constant 64 : index
      %swap3A_90 = tpu.vector_load %arg14[%swap3A_88, %swap3A_89] {strides = array<i32>} : memref<64x128xf32, #tpu.memory_space<vmem>>, vector<16xf32>,
      tpu.vector_store %arg14[%swap3A_88, %swap3A_89], %broadcast_in_dim3A_87 {strides = array<i32>} : memref<64x128xf32, #tpu.memory_space<vmem>>, vector<16xf32>,
      %broadcast_in_dim3A_91 = arith.constant 0.000000e+00 : f32
      %broadcast_in_dim3A_92 = vector.broadcast %broadcast_in_dim3A_91 : f32 to vector<16xf32>
      %swap3A_93 = arith.index_cast %add3A_67 : i32 to index
      %swap3A_94 = arith.constant 80 : index
      %swap3A_95 = tpu.vector_load %arg14[%swap3A_93, %swap3A_94] {strides = array<i32>} : memref<64x128xf32, #tpu.memory_space<vmem>>, vector<16xf32>,
      tpu.vector_store %arg14[%swap3A_93, %swap3A_94], %broadcast_in_dim3A_92 {strides = array<i32>} : memref<64x128xf32, #tpu.memory_space<vmem>>, vector<16xf32>,
      %broadcast_in_dim3A_96 = arith.constant 0.000000e+00 : f32
      %broadcast_in_dim3A_97 = vector.broadcast %broadcast_in_dim3A_96 : f32 to vector<16xf32>
      %swap3A_98 = arith.index_cast %add3A_67 : i32 to index
      %swap3A_99 = arith.constant 96 : index
      %swap3A_100 = tpu.vector_load %arg14[%swap3A_98, %swap3A_99] {strides = array<i32>} : memref<64x128xf32, #tpu.memory_space<vmem>>, vector<16xf32>,
      tpu.vector_store %arg14[%swap3A_98, %swap3A_99], %broadcast_in_dim3A_97 {strides = array<i32>} : memref<64x128xf32, #tpu.memory_space<vmem>>, vector<16xf32>,
      %broadcast_in_dim3A_101 = arith.constant 0.000000e+00 : f32
      %broadcast_in_dim3A_102 = vector.broadcast %broadcast_in_dim3A_101 : f32 to vector<16xf32>
      %swap3A_103 = arith.index_cast %add3A_67 : i32 to index
      %swap3A_104 = arith.constant 112 : index
      %swap3A_105 = tpu.vector_load %arg14[%swap3A_103, %swap3A_104] {strides = array<i32>} : memref<64x128xf32, #tpu.memory_space<vmem>>, vector<16xf32>,
      tpu.vector_store %arg14[%swap3A_103, %swap3A_104], %broadcast_in_dim3A_102 {strides = array<i32>} : memref<64x128xf32, #tpu.memory_space<vmem>>, vector<16xf32>,
    }
    %scan3A_6 = arith.constant 64 : i32
    %scan3A_7 = arith.constant 0 : i32
    %scan3A_8 = arith.constant 10 : i32
    %scan3A_9 = arith.addi %scan3A_7, %scan3A_8 : i32
    %scan3A_10 = arith.constant 1 : i32
    scf.for %scan3A_63 = %scan3A_7 to %scan3A_9 step %scan3A_10  : i32 {
      %mul3A_64 = arith.constant 1 : i32
      %mul3A_65 = arith.muli %scan3A_63, %mul3A_64 : i32
      %add3A_66 = arith.constant 0 : i32
      %add3A_67 = arith.addi %add3A_66, %mul3A_65 : i32
      %mul3A_68 = arith.constant 64 : i32
      %mul3A_69 = arith.muli %add3A_67, %mul3A_68 : i32
      %add3A_70 = arith.addi %mul3A_0, %mul3A_69 : i32
      %add3A_71 = arith.constant 0 : i32
      %add3A_72 = arith.addi %add3A_70, %add3A_71 : i32
      %add3A_73 = vector.broadcast %add3A_72 : i32 to vector<16xi32>
      %add3A_74 = arith.addi %iota3A, %add3A_73 : vector<16xi32>
      %swap3A = arith.constant 0 : index
      %swap3A_75 = tpu.vector_load %arg12[%swap3A] {strides = array<i32>} : memref<64xi32, #tpu.memory_space<vmem>>, vector<16xi32>,
      tpu.vector_store %arg12[%swap3A], %add3A_74 {strides = array<i32>} : memref<64xi32, #tpu.memory_space<vmem>>, vector<16xi32>,
      %mul3A_76 = arith.constant 64 : i32
      %mul3A_77 = arith.muli %add3A_67, %mul3A_76 : i32
      %add3A_78 = arith.addi %mul3A_0, %mul3A_77 : i32
      %add3A_79 = arith.constant 16 : i32
      %add3A_80 = arith.addi %add3A_78, %add3A_79 : i32
      %add3A_81 = vector.broadcast %add3A_80 : i32 to vector<16xi32>
      %add3A_82 = arith.addi %iota3A, %add3A_81 : vector<16xi32>
      %swap3A_83 = arith.constant 16 : index
      %swap3A_84 = tpu.vector_load %arg12[%swap3A_83] {strides = array<i32>} : memref<64xi32, #tpu.memory_space<vmem>>, vector<16xi32>,
      tpu.vector_store %arg12[%swap3A_83], %add3A_82 {strides = array<i32>} : memref<64xi32, #tpu.memory_space<vmem>>, vector<16xi32>,
      %mul3A_85 = arith.constant 64 : i32
      %mul3A_86 = arith.muli %add3A_67, %mul3A_85 : i32
      %add3A_87 = arith.addi %mul3A_0, %mul3A_86 : i32
      %add3A_88 = arith.constant 32 : i32
      %add3A_89 = arith.addi %add3A_87, %add3A_88 : i32
      %add3A_90 = vector.broadcast %add3A_89 : i32 to vector<16xi32>
      %add3A_91 = arith.addi %iota3A, %add3A_90 : vector<16xi32>
      %swap3A_92 = arith.constant 32 : index
      %swap3A_93 = tpu.vector_load %arg12[%swap3A_92] {strides = array<i32>} : memref<64xi32, #tpu.memory_space<vmem>>, vector<16xi32>,
      tpu.vector_store %arg12[%swap3A_92], %add3A_91 {strides = array<i32>} : memref<64xi32, #tpu.memory_space<vmem>>, vector<16xi32>,
      %mul3A_94 = arith.constant 64 : i32
      %mul3A_95 = arith.muli %add3A_67, %mul3A_94 : i32
      %add3A_96 = arith.addi %mul3A_0, %mul3A_95 : i32
      %add3A_97 = arith.constant 48 : i32
      %add3A_98 = arith.addi %add3A_96, %add3A_97 : i32
      %add3A_99 = vector.broadcast %add3A_98 : i32 to vector<16xi32>
      %add3A_100 = arith.addi %iota3A, %add3A_99 : vector<16xi32>
      %swap3A_101 = arith.constant 48 : index
      %swap3A_102 = tpu.vector_load %arg12[%swap3A_101] {strides = array<i32>} : memref<64xi32, #tpu.memory_space<vmem>>, vector<16xi32>,
      tpu.vector_store %arg12[%swap3A_101], %add3A_100 {strides = array<i32>} : memref<64xi32, #tpu.memory_space<vmem>>, vector<16xi32>,
      "tpu.region"() ({
        %run_scoped3A = tpu.sem_alloc : memref<!tpu.dma_semaphore, #tpu.memory_space<semaphore_mem>>
        %dma_start3A_103 = arith.constant 0 : i32
        %dma_start3A_104 = arith.constant 0 : i32
        %dma_start3A_105 = tpu.memref_slice %arg15[%dma_start3A_103, %dma_start3A_104] : memref<10240x128xf32, #tpu.memory_space<vmem_shared>> -> memref<10240x128xf32, #tpu.memory_space<vmem_shared>>
        tpu.enqueue_indirect_dma source(%arg14 : memref<64x128xf32, #tpu.memory_space<vmem>>) target(%dma_start3A_105 : memref<10240x128xf32, #tpu.memory_space<vmem_shared>>) offsets(%arg12 : memref<64xi32, #tpu.memory_space<vmem>>) semaphore(%run_scoped3A : memref<!tpu.dma_semaphore, #tpu.memory_space<semaphore_mem>>)
        %dma_wait3A_106 = arith.constant 0 : i32
        %dma_wait3A_107 = arith.constant 0 : i32
        %dma_wait3A_108 = tpu.memref_slice %arg15[%dma_wait3A_106, %dma_wait3A_107] : memref<10240x128xf32, #tpu.memory_space<vmem_shared>> -> memref<10240x128xf32, #tpu.memory_space<vmem_shared>>
        tpu.wait_indirect_dma semaphore(%run_scoped3A : memref<!tpu.dma_semaphore, #tpu.memory_space<semaphore_mem>>) src(%arg14 : memref<64x128xf32, #tpu.memory_space<vmem>>) dst(%dma_wait3A_108 : memref<10240x128xf32, #tpu.memory_space<vmem_shared>>)
        tpu.yield
      }) : () -> ()
    }
    %scan3A_11 = arith.constant 10 : i32
    %barrier3A = arith.constant 0 : index
    tpu.barrier barrier_id(%barrier3A)
    %add3A = arith.constant 0 : i32
    %add3A_12 = arith.addi %mul3A_2, %add3A : i32
    %add3A_13 = arith.constant 0 : i32
    %add3A_14 = arith.addi %mul3A_2, %add3A_13 : i32
    %eq3A = arith.constant 0 : i32
    %eq3A_15 = arith.cmpi eq, %arg0, %eq3A : i32
    %convert_element_type3A = arith.extui %eq3A_15 : i1 to i32
    %cond3A = arith.constant 0 : i32
    %cond3A_16 = arith.constant 0 : i32
    %cond3A_17 = arith.cmpi ne, %convert_element_type3A, %cond3A_16 : i32
    scf.if %cond3A_17 {
      %dma_start3A_63 = arith.constant 0 : i32
      %dma_start3A_64 = arith.constant 0 : i32
      %dma_start3A_65 = tpu.memref_slice %arg13[%cond3A, %dma_start3A_63, %dma_start3A_64] : memref<2x64x128xf32, #tpu.memory_space<vmem>> -> memref<1x64x128xf32, #tpu.memory_space<vmem>>
      %dma_start3A_66 = tpu.memref_squeeze %dma_start3A_65 : memref<1x64x128xf32, #tpu.memory_space<vmem>> -> memref<64x128xf32, #tpu.memory_space<vmem>>
      %dma_start3A_67 = arith.constant 0 : i32
      %dma_start3A_68 = tpu.memref_slice %arg9[%dma_start3A_67] : memref<10752xi32, #tpu.memory_space<vmem>> -> memref<64xi32, #tpu.memory_space<vmem>>
      %dma_start3A_69 = arith.constant 0 : i32
      %dma_start3A_70 = arith.constant 0 : i32
      %dma_start3A_71 = tpu.memref_slice %arg5[%dma_start3A_69, %dma_start3A_70] : memref<10240x128xf32, #tpu.memory_space<hbm>> -> memref<10240x128xf32, #tpu.memory_space<hbm>>
      tpu.enqueue_indirect_dma source(%dma_start3A_71 : memref<10240x128xf32, #tpu.memory_space<hbm>>) target(%dma_start3A_66 : memref<64x128xf32, #tpu.memory_space<vmem>>) offsets(%dma_start3A_68 : memref<64xi32, #tpu.memory_space<vmem>>) semaphore(%arg16 : memref<!tpu.dma_semaphore, #tpu.memory_space<semaphore_mem>>)
    } else {
    }
    %eq3A_18 = arith.constant 1 : i32
    %eq3A_19 = arith.cmpi eq, %arg0, %eq3A_18 : i32
    %convert_element_type3A_20 = arith.extui %eq3A_19 : i1 to i32
    %cond3A_21 = arith.constant 0 : i32
    %cond3A_22 = arith.constant 0 : i32
    %cond3A_23 = arith.cmpi ne, %convert_element_type3A_20, %cond3A_22 : i32
    scf.if %cond3A_23 {
      %dma_start3A_63 = arith.constant 0 : i32
      %dma_start3A_64 = arith.constant 0 : i32
      %dma_start3A_65 = tpu.memref_slice %arg13[%cond3A_21, %dma_start3A_63, %dma_start3A_64] : memref<2x64x128xf32, #tpu.memory_space<vmem>> -> memref<1x64x128xf32, #tpu.memory_space<vmem>>
      %dma_start3A_66 = tpu.memref_squeeze %dma_start3A_65 : memref<1x64x128xf32, #tpu.memory_space<vmem>> -> memref<64x128xf32, #tpu.memory_space<vmem>>
      %dma_start3A_67 = arith.constant 0 : i32
      %dma_start3A_68 = tpu.memref_slice %arg9[%dma_start3A_67] : memref<10752xi32, #tpu.memory_space<vmem>> -> memref<64xi32, #tpu.memory_space<vmem>>
      %dma_start3A_69 = arith.constant 0 : i32
      %dma_start3A_70 = arith.constant 0 : i32
      %dma_start3A_71 = tpu.memref_slice %arg6[%dma_start3A_69, %dma_start3A_70] : memref<10240x128xf32, #tpu.memory_space<hbm>> -> memref<10240x128xf32, #tpu.memory_space<hbm>>
      tpu.enqueue_indirect_dma source(%dma_start3A_71 : memref<10240x128xf32, #tpu.memory_space<hbm>>) target(%dma_start3A_66 : memref<64x128xf32, #tpu.memory_space<vmem>>) offsets(%dma_start3A_68 : memref<64xi32, #tpu.memory_space<vmem>>) semaphore(%arg16 : memref<!tpu.dma_semaphore, #tpu.memory_space<semaphore_mem>>)
    } else {
    }
    %dma_start3A = arith.constant 0 : i32
    %dma_start3A_24 = arith.constant 0 : i32
    %dma_start3A_25 = tpu.memref_slice %arg10[%dma_start3A, %dma_start3A_24] : memref<2x64xi32, #tpu.memory_space<vmem>> -> memref<1x64xi32, #tpu.memory_space<vmem>>
    %dma_start3A_26 = tpu.memref_squeeze %dma_start3A_25 : memref<1x64xi32, #tpu.memory_space<vmem>> -> memref<64xi32, #tpu.memory_space<vmem>>
    %dma_start3A_27 = tpu.memref_slice %arg3[%add3A_12] : memref<172032xi32, #tpu.memory_space<hbm>> -> memref<64xi32, #tpu.memory_space<hbm>>
    %dma_start3A_28 = arith.constant 0 : i32
    %dma_start3A_29 = tpu.memref_slice %arg10[%dma_start3A, %dma_start3A_28] : memref<2x64xi32, #tpu.memory_space<vmem>> -> memref<1x64xi32, #tpu.memory_space<vmem>>
    %dma_start3A_30 = tpu.memref_squeeze %dma_start3A_29 : memref<1x64xi32, #tpu.memory_space<vmem>> -> memref<64xi32, #tpu.memory_space<vmem>>
    %dma_start3A_31 = tpu.memref_slice %arg3[%add3A_12] : memref<172032xi32, #tpu.memory_space<hbm>> -> memref<64xi32, #tpu.memory_space<hbm>>
    tpu.enqueue_dma source(%dma_start3A_31 : memref<64xi32, #tpu.memory_space<hbm>>) target(%dma_start3A_30 : memref<64xi32, #tpu.memory_space<vmem>>) target_semaphore(%arg16 : memref<!tpu.dma_semaphore, #tpu.memory_space<semaphore_mem>>)
    %dma_start3A_32 = arith.constant 0 : i32
    %dma_start3A_33 = arith.constant 0 : i32
    %dma_start3A_34 = tpu.memref_slice %arg11[%dma_start3A_32, %dma_start3A_33] : memref<2x64xf32, #tpu.memory_space<vmem>> -> memref<1x64xf32, #tpu.memory_space<vmem>>
    %dma_start3A_35 = tpu.memref_squeeze %dma_start3A_34 : memref<1x64xf32, #tpu.memory_space<vmem>> -> memref<64xf32, #tpu.memory_space<vmem>>
    %dma_start3A_36 = tpu.memref_slice %arg4[%add3A_14] : memref<172032xf32, #tpu.memory_space<hbm>> -> memref<64xf32, #tpu.memory_space<hbm>>
    %dma_start3A_37 = arith.constant 0 : i32
    %dma_start3A_38 = tpu.memref_slice %arg11[%dma_start3A_32, %dma_start3A_37] : memref<2x64xf32, #tpu.memory_space<vmem>> -> memref<1x64xf32, #tpu.memory_space<vmem>>
    %dma_start3A_39 = tpu.memref_squeeze %dma_start3A_38 : memref<1x64xf32, #tpu.memory_space<vmem>> -> memref<64xf32, #tpu.memory_space<vmem>>
    %dma_start3A_40 = tpu.memref_slice %arg4[%add3A_14] : memref<172032xf32, #tpu.memory_space<hbm>> -> memref<64xf32, #tpu.memory_space<hbm>>
    tpu.enqueue_dma source(%dma_start3A_40 : memref<64xf32, #tpu.memory_space<hbm>>) target(%dma_start3A_39 : memref<64xf32, #tpu.memory_space<vmem>>) target_semaphore(%arg16 : memref<!tpu.dma_semaphore, #tpu.memory_space<semaphore_mem>>)
    %scan3A_41 = arith.constant 0 : i32
    %scan3A_42 = arith.constant 84 : i32
    %scan3A_43 = arith.addi %scan3A_41, %scan3A_42 : i32
    %scan3A_44 = arith.constant 1 : i32
    scf.for %scan3A_63 = %scan3A_41 to %scan3A_43 step %scan3A_44  : i32 {
      %mul3A_64 = arith.constant 2 : i32
      %mul3A_65 = arith.muli %scan3A_63, %mul3A_64 : i32
      %add3A_66 = arith.constant 0 : i32
      %add3A_67 = arith.addi %add3A_66, %mul3A_65 : i32
      %mul3A_68 = arith.constant 64 : i32
      %mul3A_69 = arith.muli %add3A_67, %mul3A_68 : i32
      %add3A_70 = arith.addi %mul3A_2, %mul3A_69 : i32
      %add3A_71 = arith.addi %mul3A_2, %mul3A_69 : i32
      %eq3A_72 = arith.constant 0 : i32
      %eq3A_73 = arith.cmpi eq, %arg0, %eq3A_72 : i32
      %convert_element_type3A_74 = arith.extui %eq3A_73 : i1 to i32
      %cond3A_75 = arith.constant 0 : i32
      %cond3A_76 = arith.constant 0 : i32
      %cond3A_77 = arith.cmpi ne, %convert_element_type3A_74, %cond3A_76 : i32
      scf.if %cond3A_77 {
        %dma_wait3A_231 = arith.constant 0 : i32
        %dma_wait3A_232 = arith.constant 0 : i32
        %dma_wait3A_233 = tpu.memref_slice %arg13[%cond3A_75, %dma_wait3A_231, %dma_wait3A_232] : memref<2x64x128xf32, #tpu.memory_space<vmem>> -> memref<1x64x128xf32, #tpu.memory_space<vmem>>
        %dma_wait3A_234 = tpu.memref_squeeze %dma_wait3A_233 : memref<1x64x128xf32, #tpu.memory_space<vmem>> -> memref<64x128xf32, #tpu.memory_space<vmem>>
        %dma_wait3A_235 = tpu.memref_slice %arg9[%mul3A_69] : memref<10752xi32, #tpu.memory_space<vmem>> -> memref<64xi32, #tpu.memory_space<vmem>>
        %dma_wait3A_236 = arith.constant 0 : i32
        %dma_wait3A_237 = arith.constant 0 : i32
        %dma_wait3A_238 = tpu.memref_slice %arg5[%dma_wait3A_236, %dma_wait3A_237] : memref<10240x128xf32, #tpu.memory_space<hbm>> -> memref<10240x128xf32, #tpu.memory_space<hbm>>
        tpu.wait_indirect_dma semaphore(%arg16 : memref<!tpu.dma_semaphore, #tpu.memory_space<semaphore_mem>>) src(%dma_wait3A_238 : memref<10240x128xf32, #tpu.memory_space<hbm>>) dst(%dma_wait3A_234 : memref<64x128xf32, #tpu.memory_space<vmem>>)
      } else {
      }
      %eq3A_78 = arith.constant 1 : i32
      %eq3A_79 = arith.cmpi eq, %arg0, %eq3A_78 : i32
      %convert_element_type3A_80 = arith.extui %eq3A_79 : i1 to i32
      %cond3A_81 = arith.constant 0 : i32
      %cond3A_82 = arith.constant 0 : i32
      %cond3A_83 = arith.cmpi ne, %convert_element_type3A_80, %cond3A_82 : i32
      scf.if %cond3A_83 {
        %dma_wait3A_231 = arith.constant 0 : i32
        %dma_wait3A_232 = arith.constant 0 : i32
        %dma_wait3A_233 = tpu.memref_slice %arg13[%cond3A_81, %dma_wait3A_231, %dma_wait3A_232] : memref<2x64x128xf32, #tpu.memory_space<vmem>> -> memref<1x64x128xf32, #tpu.memory_space<vmem>>
        %dma_wait3A_234 = tpu.memref_squeeze %dma_wait3A_233 : memref<1x64x128xf32, #tpu.memory_space<vmem>> -> memref<64x128xf32, #tpu.memory_space<vmem>>
        %dma_wait3A_235 = tpu.memref_slice %arg9[%mul3A_69] : memref<10752xi32, #tpu.memory_space<vmem>> -> memref<64xi32, #tpu.memory_space<vmem>>
        %dma_wait3A_236 = arith.constant 0 : i32
        %dma_wait3A_237 = arith.constant 0 : i32
        %dma_wait3A_238 = tpu.memref_slice %arg6[%dma_wait3A_236, %dma_wait3A_237] : memref<10240x128xf32, #tpu.memory_space<hbm>> -> memref<10240x128xf32, #tpu.memory_space<hbm>>
        tpu.wait_indirect_dma semaphore(%arg16 : memref<!tpu.dma_semaphore, #tpu.memory_space<semaphore_mem>>) src(%dma_wait3A_238 : memref<10240x128xf32, #tpu.memory_space<hbm>>) dst(%dma_wait3A_234 : memref<64x128xf32, #tpu.memory_space<vmem>>)
      } else {
      }
      %dma_wait3A_84 = arith.constant 0 : i32
      %dma_wait3A_85 = arith.constant 0 : i32
      %dma_wait3A_86 = tpu.memref_slice %arg10[%dma_wait3A_84, %dma_wait3A_85] : memref<2x64xi32, #tpu.memory_space<vmem>> -> memref<1x64xi32, #tpu.memory_space<vmem>>
      %dma_wait3A_87 = tpu.memref_squeeze %dma_wait3A_86 : memref<1x64xi32, #tpu.memory_space<vmem>> -> memref<64xi32, #tpu.memory_space<vmem>>
      %dma_wait3A_88 = tpu.memref_slice %arg3[%add3A_70] : memref<172032xi32, #tpu.memory_space<hbm>> -> memref<64xi32, #tpu.memory_space<hbm>>
      %dma_wait3A_89 = arith.constant 0 : i32
      %dma_wait3A_90 = tpu.memref_slice %arg10[%dma_wait3A_84, %dma_wait3A_89] : memref<2x64xi32, #tpu.memory_space<vmem>> -> memref<1x64xi32, #tpu.memory_space<vmem>>
      %dma_wait3A_91 = tpu.memref_squeeze %dma_wait3A_90 : memref<1x64xi32, #tpu.memory_space<vmem>> -> memref<64xi32, #tpu.memory_space<vmem>>
      %dma_wait3A_92 = tpu.memref_slice %arg3[%add3A_70] : memref<172032xi32, #tpu.memory_space<hbm>> -> memref<64xi32, #tpu.memory_space<hbm>>
      tpu.wait_dma2 semaphore(%arg16 : memref<!tpu.dma_semaphore, #tpu.memory_space<semaphore_mem>>) src(%dma_wait3A_92 : memref<64xi32, #tpu.memory_space<hbm>>) dst(%dma_wait3A_91 : memref<64xi32, #tpu.memory_space<vmem>>)
      %dma_wait3A_93 = arith.constant 0 : i32
      %dma_wait3A_94 = arith.constant 0 : i32
      %dma_wait3A_95 = tpu.memref_slice %arg11[%dma_wait3A_93, %dma_wait3A_94] : memref<2x64xf32, #tpu.memory_space<vmem>> -> memref<1x64xf32, #tpu.memory_space<vmem>>
      %dma_wait3A_96 = tpu.memref_squeeze %dma_wait3A_95 : memref<1x64xf32, #tpu.memory_space<vmem>> -> memref<64xf32, #tpu.memory_space<vmem>>
      %dma_wait3A_97 = tpu.memref_slice %arg4[%add3A_71] : memref<172032xf32, #tpu.memory_space<hbm>> -> memref<64xf32, #tpu.memory_space<hbm>>
      %dma_wait3A_98 = arith.constant 0 : i32
      %dma_wait3A_99 = tpu.memref_slice %arg11[%dma_wait3A_93, %dma_wait3A_98] : memref<2x64xf32, #tpu.memory_space<vmem>> -> memref<1x64xf32, #tpu.memory_space<vmem>>
      %dma_wait3A_100 = tpu.memref_squeeze %dma_wait3A_99 : memref<1x64xf32, #tpu.memory_space<vmem>> -> memref<64xf32, #tpu.memory_space<vmem>>
      %dma_wait3A_101 = tpu.memref_slice %arg4[%add3A_71] : memref<172032xf32, #tpu.memory_space<hbm>> -> memref<64xf32, #tpu.memory_space<hbm>>
      tpu.wait_dma2 semaphore(%arg16 : memref<!tpu.dma_semaphore, #tpu.memory_space<semaphore_mem>>) src(%dma_wait3A_101 : memref<64xf32, #tpu.memory_space<hbm>>) dst(%dma_wait3A_100 : memref<64xf32, #tpu.memory_space<vmem>>)
      %parallel_loop3A = arith.constant 0 : i32
      %parallel_loop3A_102 = arith.constant 64 : i32
      %parallel_loop3A_103 = arith.constant 1 : i32
      %parallel_loop3A_104 = arith.constant 0 : i32
      %parallel_loop3A_105 = arith.constant 0 : i32
      scf.for %parallel_loop3A_231 = %parallel_loop3A to %parallel_loop3A_102 step %parallel_loop3A_103  : i32 {
        %parallel_loop3A_232 = arith.constant 0 : i32
        %parallel_loop3A_233 = vector.broadcast %parallel_loop3A_232 : i32 to vector<16xi32>
        %parallel_loop3A_234 = vector.broadcast %parallel_loop3A_231 : i32 to vector<16xi32>
        %parallel_loop3A_235 = arith.addi %parallel_loop3A_233, %parallel_loop3A_234 : vector<16xi32>
        %parallel_loop3A_236 = arith.constant 0 : i32
        %parallel_loop3A_237 = tpu.memref_slice %arg11[%parallel_loop3A_104, %parallel_loop3A_236] : memref<2x64xf32, #tpu.memory_space<vmem>> -> memref<1x64xf32, #tpu.memory_space<vmem>>
        %parallel_loop3A_238 = tpu.memref_squeeze %parallel_loop3A_237 : memref<1x64xf32, #tpu.memory_space<vmem>> -> memref<64xf32, #tpu.memory_space<vmem>>
        %parallel_loop3A_239 = tpu.vector_load_idx %parallel_loop3A_238[%parallel_loop3A_235] : memref<64xf32, #tpu.memory_space<vmem>>[vector<16xi32>], vector<16xf32>,
        %parallel_loop3A_240 = arith.constant 0 : i32
        %parallel_loop3A_241 = arith.constant 0 : i32
        %parallel_loop3A_242 = tpu.memref_slice %arg13[%parallel_loop3A_105, %parallel_loop3A_240, %parallel_loop3A_241] : memref<2x64x128xf32, #tpu.memory_space<vmem>> -> memref<1x64x128xf32, #tpu.memory_space<vmem>>
        %parallel_loop3A_243 = tpu.memref_squeeze %parallel_loop3A_242 : memref<1x64x128xf32, #tpu.memory_space<vmem>> -> memref<64x128xf32, #tpu.memory_space<vmem>>
        %parallel_loop3A_244 = arith.index_cast %parallel_loop3A_231 : i32 to index
        %parallel_loop3A_245 = arith.constant 0 : index
        %parallel_loop3A_246 = tpu.vector_load %parallel_loop3A_243[%parallel_loop3A_244, %parallel_loop3A_245] {strides = array<i32>} : memref<64x128xf32, #tpu.memory_space<vmem>>, vector<16xf32>,
        %parallel_loop3A_247 = arith.mulf %parallel_loop3A_246, %parallel_loop3A_239 : vector<16xf32>
        %parallel_loop3A_248 = arith.constant 0 : i32
        %parallel_loop3A_249 = arith.constant 0 : i32
        %parallel_loop3A_250 = tpu.memref_slice %arg13[%parallel_loop3A_105, %parallel_loop3A_248, %parallel_loop3A_249] : memref<2x64x128xf32, #tpu.memory_space<vmem>> -> memref<1x64x128xf32, #tpu.memory_space<vmem>>
        %parallel_loop3A_251 = tpu.memref_squeeze %parallel_loop3A_250 : memref<1x64x128xf32, #tpu.memory_space<vmem>> -> memref<64x128xf32, #tpu.memory_space<vmem>>
        %parallel_loop3A_252 = arith.index_cast %parallel_loop3A_231 : i32 to index
        %parallel_loop3A_253 = arith.constant 0 : index
        %parallel_loop3A_254 = tpu.vector_load %parallel_loop3A_251[%parallel_loop3A_252, %parallel_loop3A_253] {strides = array<i32>} : memref<64x128xf32, #tpu.memory_space<vmem>>, vector<16xf32>,
        tpu.vector_store %parallel_loop3A_251[%parallel_loop3A_252, %parallel_loop3A_253], %parallel_loop3A_247 {strides = array<i32>} : memref<64x128xf32, #tpu.memory_space<vmem>>, vector<16xf32>,
        %parallel_loop3A_255 = arith.constant 0 : i32
        %parallel_loop3A_256 = arith.constant 0 : i32
        %parallel_loop3A_257 = tpu.memref_slice %arg13[%parallel_loop3A_105, %parallel_loop3A_255, %parallel_loop3A_256] : memref<2x64x128xf32, #tpu.memory_space<vmem>> -> memref<1x64x128xf32, #tpu.memory_space<vmem>>
        %parallel_loop3A_258 = tpu.memref_squeeze %parallel_loop3A_257 : memref<1x64x128xf32, #tpu.memory_space<vmem>> -> memref<64x128xf32, #tpu.memory_space<vmem>>
        %parallel_loop3A_259 = arith.index_cast %parallel_loop3A_231 : i32 to index
        %parallel_loop3A_260 = arith.constant 16 : index
        %parallel_loop3A_261 = tpu.vector_load %parallel_loop3A_258[%parallel_loop3A_259, %parallel_loop3A_260] {strides = array<i32>} : memref<64x128xf32, #tpu.memory_space<vmem>>, vector<16xf32>,
        %parallel_loop3A_262 = arith.mulf %parallel_loop3A_261, %parallel_loop3A_239 : vector<16xf32>
        %parallel_loop3A_263 = arith.constant 0 : i32
        %parallel_loop3A_264 = arith.constant 0 : i32
        %parallel_loop3A_265 = tpu.memref_slice %arg13[%parallel_loop3A_105, %parallel_loop3A_263, %parallel_loop3A_264] : memref<2x64x128xf32, #tpu.memory_space<vmem>> -> memref<1x64x128xf32, #tpu.memory_space<vmem>>
        %parallel_loop3A_266 = tpu.memref_squeeze %parallel_loop3A_265 : memref<1x64x128xf32, #tpu.memory_space<vmem>> -> memref<64x128xf32, #tpu.memory_space<vmem>>
        %parallel_loop3A_267 = arith.index_cast %parallel_loop3A_231 : i32 to index
        %parallel_loop3A_268 = arith.constant 16 : index
        %parallel_loop3A_269 = tpu.vector_load %parallel_loop3A_266[%parallel_loop3A_267, %parallel_loop3A_268] {strides = array<i32>} : memref<64x128xf32, #tpu.memory_space<vmem>>, vector<16xf32>,
        tpu.vector_store %parallel_loop3A_266[%parallel_loop3A_267, %parallel_loop3A_268], %parallel_loop3A_262 {strides = array<i32>} : memref<64x128xf32, #tpu.memory_space<vmem>>, vector<16xf32>,
        %parallel_loop3A_270 = arith.constant 0 : i32
        %parallel_loop3A_271 = arith.constant 0 : i32
        %parallel_loop3A_272 = tpu.memref_slice %arg13[%parallel_loop3A_105, %parallel_loop3A_270, %parallel_loop3A_271] : memref<2x64x128xf32, #tpu.memory_space<vmem>> -> memref<1x64x128xf32, #tpu.memory_space<vmem>>
        %parallel_loop3A_273 = tpu.memref_squeeze %parallel_loop3A_272 : memref<1x64x128xf32, #tpu.memory_space<vmem>> -> memref<64x128xf32, #tpu.memory_space<vmem>>
        %parallel_loop3A_274 = arith.index_cast %parallel_loop3A_231 : i32 to index
        %parallel_loop3A_275 = arith.constant 32 : index
        %parallel_loop3A_276 = tpu.vector_load %parallel_loop3A_273[%parallel_loop3A_274, %parallel_loop3A_275] {strides = array<i32>} : memref<64x128xf32, #tpu.memory_space<vmem>>, vector<16xf32>,
        %parallel_loop3A_277 = arith.mulf %parallel_loop3A_276, %parallel_loop3A_239 : vector<16xf32>
        %parallel_loop3A_278 = arith.constant 0 : i32
        %parallel_loop3A_279 = arith.constant 0 : i32
        %parallel_loop3A_280 = tpu.memref_slice %arg13[%parallel_loop3A_105, %parallel_loop3A_278, %parallel_loop3A_279] : memref<2x64x128xf32, #tpu.memory_space<vmem>> -> memref<1x64x128xf32, #tpu.memory_space<vmem>>
        %parallel_loop3A_281 = tpu.memref_squeeze %parallel_loop3A_280 : memref<1x64x128xf32, #tpu.memory_space<vmem>> -> memref<64x128xf32, #tpu.memory_space<vmem>>
        %parallel_loop3A_282 = arith.index_cast %parallel_loop3A_231 : i32 to index
        %parallel_loop3A_283 = arith.constant 32 : index
        %parallel_loop3A_284 = tpu.vector_load %parallel_loop3A_281[%parallel_loop3A_282, %parallel_loop3A_283] {strides = array<i32>} : memref<64x128xf32, #tpu.memory_space<vmem>>, vector<16xf32>,
        tpu.vector_store %parallel_loop3A_281[%parallel_loop3A_282, %parallel_loop3A_283], %parallel_loop3A_277 {strides = array<i32>} : memref<64x128xf32, #tpu.memory_space<vmem>>, vector<16xf32>,
        %parallel_loop3A_285 = arith.constant 0 : i32
        %parallel_loop3A_286 = arith.constant 0 : i32
        %parallel_loop3A_287 = tpu.memref_slice %arg13[%parallel_loop3A_105, %parallel_loop3A_285, %parallel_loop3A_286] : memref<2x64x128xf32, #tpu.memory_space<vmem>> -> memref<1x64x128xf32, #tpu.memory_space<vmem>>
        %parallel_loop3A_288 = tpu.memref_squeeze %parallel_loop3A_287 : memref<1x64x128xf32, #tpu.memory_space<vmem>> -> memref<64x128xf32, #tpu.memory_space<vmem>>
        %parallel_loop3A_289 = arith.index_cast %parallel_loop3A_231 : i32 to index
        %parallel_loop3A_290 = arith.constant 48 : index
        %parallel_loop3A_291 = tpu.vector_load %parallel_loop3A_288[%parallel_loop3A_289, %parallel_loop3A_290] {strides = array<i32>} : memref<64x128xf32, #tpu.memory_space<vmem>>, vector<16xf32>,
        %parallel_loop3A_292 = arith.mulf %parallel_loop3A_291, %parallel_loop3A_239 : vector<16xf32>
        %parallel_loop3A_293 = arith.constant 0 : i32
        %parallel_loop3A_294 = arith.constant 0 : i32
        %parallel_loop3A_295 = tpu.memref_slice %arg13[%parallel_loop3A_105, %parallel_loop3A_293, %parallel_loop3A_294] : memref<2x64x128xf32, #tpu.memory_space<vmem>> -> memref<1x64x128xf32, #tpu.memory_space<vmem>>
        %parallel_loop3A_296 = tpu.memref_squeeze %parallel_loop3A_295 : memref<1x64x128xf32, #tpu.memory_space<vmem>> -> memref<64x128xf32, #tpu.memory_space<vmem>>
        %parallel_loop3A_297 = arith.index_cast %parallel_loop3A_231 : i32 to index
        %parallel_loop3A_298 = arith.constant 48 : index
        %parallel_loop3A_299 = tpu.vector_load %parallel_loop3A_296[%parallel_loop3A_297, %parallel_loop3A_298] {strides = array<i32>} : memref<64x128xf32, #tpu.memory_space<vmem>>, vector<16xf32>,
        tpu.vector_store %parallel_loop3A_296[%parallel_loop3A_297, %parallel_loop3A_298], %parallel_loop3A_292 {strides = array<i32>} : memref<64x128xf32, #tpu.memory_space<vmem>>, vector<16xf32>,
        %parallel_loop3A_300 = arith.constant 0 : i32
        %parallel_loop3A_301 = arith.constant 0 : i32
        %parallel_loop3A_302 = tpu.memref_slice %arg13[%parallel_loop3A_105, %parallel_loop3A_300, %parallel_loop3A_301] : memref<2x64x128xf32, #tpu.memory_space<vmem>> -> memref<1x64x128xf32, #tpu.memory_space<vmem>>
        %parallel_loop3A_303 = tpu.memref_squeeze %parallel_loop3A_302 : memref<1x64x128xf32, #tpu.memory_space<vmem>> -> memref<64x128xf32, #tpu.memory_space<vmem>>
        %parallel_loop3A_304 = arith.index_cast %parallel_loop3A_231 : i32 to index
        %parallel_loop3A_305 = arith.constant 64 : index
        %parallel_loop3A_306 = tpu.vector_load %parallel_loop3A_303[%parallel_loop3A_304, %parallel_loop3A_305] {strides = array<i32>} : memref<64x128xf32, #tpu.memory_space<vmem>>, vector<16xf32>,
        %parallel_loop3A_307 = arith.mulf %parallel_loop3A_306, %parallel_loop3A_239 : vector<16xf32>
        %parallel_loop3A_308 = arith.constant 0 : i32
        %parallel_loop3A_309 = arith.constant 0 : i32
        %parallel_loop3A_310 = tpu.memref_slice %arg13[%parallel_loop3A_105, %parallel_loop3A_308, %parallel_loop3A_309] : memref<2x64x128xf32, #tpu.memory_space<vmem>> -> memref<1x64x128xf32, #tpu.memory_space<vmem>>
        %parallel_loop3A_311 = tpu.memref_squeeze %parallel_loop3A_310 : memref<1x64x128xf32, #tpu.memory_space<vmem>> -> memref<64x128xf32, #tpu.memory_space<vmem>>
        %parallel_loop3A_312 = arith.index_cast %parallel_loop3A_231 : i32 to index
        %parallel_loop3A_313 = arith.constant 64 : index
        %parallel_loop3A_314 = tpu.vector_load %parallel_loop3A_311[%parallel_loop3A_312, %parallel_loop3A_313] {strides = array<i32>} : memref<64x128xf32, #tpu.memory_space<vmem>>, vector<16xf32>,
        tpu.vector_store %parallel_loop3A_311[%parallel_loop3A_312, %parallel_loop3A_313], %parallel_loop3A_307 {strides = array<i32>} : memref<64x128xf32, #tpu.memory_space<vmem>>, vector<16xf32>,
        %parallel_loop3A_315 = arith.constant 0 : i32
        %parallel_loop3A_316 = arith.constant 0 : i32
        %parallel_loop3A_317 = tpu.memref_slice %arg13[%parallel_loop3A_105, %parallel_loop3A_315, %parallel_loop3A_316] : memref<2x64x128xf32, #tpu.memory_space<vmem>> -> memref<1x64x128xf32, #tpu.memory_space<vmem>>
        %parallel_loop3A_318 = tpu.memref_squeeze %parallel_loop3A_317 : memref<1x64x128xf32, #tpu.memory_space<vmem>> -> memref<64x128xf32, #tpu.memory_space<vmem>>
        %parallel_loop3A_319 = arith.index_cast %parallel_loop3A_231 : i32 to index
        %parallel_loop3A_320 = arith.constant 80 : index
        %parallel_loop3A_321 = tpu.vector_load %parallel_loop3A_318[%parallel_loop3A_319, %parallel_loop3A_320] {strides = array<i32>} : memref<64x128xf32, #tpu.memory_space<vmem>>, vector<16xf32>,
        %parallel_loop3A_322 = arith.mulf %parallel_loop3A_321, %parallel_loop3A_239 : vector<16xf32>
        %parallel_loop3A_323 = arith.constant 0 : i32
        %parallel_loop3A_324 = arith.constant 0 : i32
        %parallel_loop3A_325 = tpu.memref_slice %arg13[%parallel_loop3A_105, %parallel_loop3A_323, %parallel_loop3A_324] : memref<2x64x128xf32, #tpu.memory_space<vmem>> -> memref<1x64x128xf32, #tpu.memory_space<vmem>>
        %parallel_loop3A_326 = tpu.memref_squeeze %parallel_loop3A_325 : memref<1x64x128xf32, #tpu.memory_space<vmem>> -> memref<64x128xf32, #tpu.memory_space<vmem>>
        %parallel_loop3A_327 = arith.index_cast %parallel_loop3A_231 : i32 to index
        %parallel_loop3A_328 = arith.constant 80 : index
        %parallel_loop3A_329 = tpu.vector_load %parallel_loop3A_326[%parallel_loop3A_327, %parallel_loop3A_328] {strides = array<i32>} : memref<64x128xf32, #tpu.memory_space<vmem>>, vector<16xf32>,
        tpu.vector_store %parallel_loop3A_326[%parallel_loop3A_327, %parallel_loop3A_328], %parallel_loop3A_322 {strides = array<i32>} : memref<64x128xf32, #tpu.memory_space<vmem>>, vector<16xf32>,
        %parallel_loop3A_330 = arith.constant 0 : i32
        %parallel_loop3A_331 = arith.constant 0 : i32
        %parallel_loop3A_332 = tpu.memref_slice %arg13[%parallel_loop3A_105, %parallel_loop3A_330, %parallel_loop3A_331] : memref<2x64x128xf32, #tpu.memory_space<vmem>> -> memref<1x64x128xf32, #tpu.memory_space<vmem>>
        %parallel_loop3A_333 = tpu.memref_squeeze %parallel_loop3A_332 : memref<1x64x128xf32, #tpu.memory_space<vmem>> -> memref<64x128xf32, #tpu.memory_space<vmem>>
        %parallel_loop3A_334 = arith.index_cast %parallel_loop3A_231 : i32 to index
        %parallel_loop3A_335 = arith.constant 96 : index
        %parallel_loop3A_336 = tpu.vector_load %parallel_loop3A_333[%parallel_loop3A_334, %parallel_loop3A_335] {strides = array<i32>} : memref<64x128xf32, #tpu.memory_space<vmem>>, vector<16xf32>,
        %parallel_loop3A_337 = arith.mulf %parallel_loop3A_336, %parallel_loop3A_239 : vector<16xf32>
        %parallel_loop3A_338 = arith.constant 0 : i32
        %parallel_loop3A_339 = arith.constant 0 : i32
        %parallel_loop3A_340 = tpu.memref_slice %arg13[%parallel_loop3A_105, %parallel_loop3A_338, %parallel_loop3A_339] : memref<2x64x128xf32, #tpu.memory_space<vmem>> -> memref<1x64x128xf32, #tpu.memory_space<vmem>>
        %parallel_loop3A_341 = tpu.memref_squeeze %parallel_loop3A_340 : memref<1x64x128xf32, #tpu.memory_space<vmem>> -> memref<64x128xf32, #tpu.memory_space<vmem>>
        %parallel_loop3A_342 = arith.index_cast %parallel_loop3A_231 : i32 to index
        %parallel_loop3A_343 = arith.constant 96 : index
        %parallel_loop3A_344 = tpu.vector_load %parallel_loop3A_341[%parallel_loop3A_342, %parallel_loop3A_343] {strides = array<i32>} : memref<64x128xf32, #tpu.memory_space<vmem>>, vector<16xf32>,
        tpu.vector_store %parallel_loop3A_341[%parallel_loop3A_342, %parallel_loop3A_343], %parallel_loop3A_337 {strides = array<i32>} : memref<64x128xf32, #tpu.memory_space<vmem>>, vector<16xf32>,
        %parallel_loop3A_345 = arith.constant 0 : i32
        %parallel_loop3A_346 = arith.constant 0 : i32
        %parallel_loop3A_347 = tpu.memref_slice %arg13[%parallel_loop3A_105, %parallel_loop3A_345, %parallel_loop3A_346] : memref<2x64x128xf32, #tpu.memory_space<vmem>> -> memref<1x64x128xf32, #tpu.memory_space<vmem>>
        %parallel_loop3A_348 = tpu.memref_squeeze %parallel_loop3A_347 : memref<1x64x128xf32, #tpu.memory_space<vmem>> -> memref<64x128xf32, #tpu.memory_space<vmem>>
        %parallel_loop3A_349 = arith.index_cast %parallel_loop3A_231 : i32 to index
        %parallel_loop3A_350 = arith.constant 112 : index
        %parallel_loop3A_351 = tpu.vector_load %parallel_loop3A_348[%parallel_loop3A_349, %parallel_loop3A_350] {strides = array<i32>} : memref<64x128xf32, #tpu.memory_space<vmem>>, vector<16xf32>,
        %parallel_loop3A_352 = arith.mulf %parallel_loop3A_351, %parallel_loop3A_239 : vector<16xf32>
        %parallel_loop3A_353 = arith.constant 0 : i32
        %parallel_loop3A_354 = arith.constant 0 : i32
        %parallel_loop3A_355 = tpu.memref_slice %arg13[%parallel_loop3A_105, %parallel_loop3A_353, %parallel_loop3A_354] : memref<2x64x128xf32, #tpu.memory_space<vmem>> -> memref<1x64x128xf32, #tpu.memory_space<vmem>>
        %parallel_loop3A_356 = tpu.memref_squeeze %parallel_loop3A_355 : memref<1x64x128xf32, #tpu.memory_space<vmem>> -> memref<64x128xf32, #tpu.memory_space<vmem>>
        %parallel_loop3A_357 = arith.index_cast %parallel_loop3A_231 : i32 to index
        %parallel_loop3A_358 = arith.constant 112 : index
        %parallel_loop3A_359 = tpu.vector_load %parallel_loop3A_356[%parallel_loop3A_357, %parallel_loop3A_358] {strides = array<i32>} : memref<64x128xf32, #tpu.memory_space<vmem>>, vector<16xf32>,
        tpu.vector_store %parallel_loop3A_356[%parallel_loop3A_357, %parallel_loop3A_358], %parallel_loop3A_352 {strides = array<i32>} : memref<64x128xf32, #tpu.memory_space<vmem>>, vector<16xf32>,
      } {sc.loop_unroll_factor = 4 : i64, sc.parallel_access}
      %ge3A = arith.constant 2 : i32
      %ge3A_106 = arith.cmpi sge, %add3A_67, %ge3A : i32
      %convert_element_type3A_107 = arith.extui %ge3A_106 : i1 to i32
      %cond3A_108 = arith.constant 0 : i32
      %cond3A_109 = arith.cmpi ne, %convert_element_type3A_107, %cond3A_108 : i32
      scf.if %cond3A_109 {
        %dma_wait3A_231 = arith.constant 1 : i32
        %dma_wait3A_232 = arith.constant 1 : i32
        %dma_wait3A_233 = arith.constant 0 : i32
        %dma_wait3A_234 = arith.constant 0 : i32
        %dma_wait3A_235 = tpu.memref_slice %arg13[%dma_wait3A_231, %dma_wait3A_233, %dma_wait3A_234] : memref<2x64x128xf32, #tpu.memory_space<vmem>> -> memref<1x64x128xf32, #tpu.memory_space<vmem>>
        %dma_wait3A_236 = tpu.memref_squeeze %dma_wait3A_235 : memref<1x64x128xf32, #tpu.memory_space<vmem>> -> memref<64x128xf32, #tpu.memory_space<vmem>>
        %dma_wait3A_237 = arith.constant 0 : i32
        %dma_wait3A_238 = tpu.memref_slice %arg10[%dma_wait3A_232, %dma_wait3A_237] : memref<2x64xi32, #tpu.memory_space<vmem>> -> memref<1x64xi32, #tpu.memory_space<vmem>>
        %dma_wait3A_239 = tpu.memref_squeeze %dma_wait3A_238 : memref<1x64xi32, #tpu.memory_space<vmem>> -> memref<64xi32, #tpu.memory_space<vmem>>
        %dma_wait3A_240 = arith.constant 0 : i32
        %dma_wait3A_241 = arith.constant 0 : i32
        %dma_wait3A_242 = tpu.memref_slice %arg15[%dma_wait3A_240, %dma_wait3A_241] : memref<10240x128xf32, #tpu.memory_space<vmem_shared>> -> memref<10240x128xf32, #tpu.memory_space<vmem_shared>>
        tpu.wait_indirect_dma semaphore(%arg19 : memref<!tpu.dma_semaphore, #tpu.memory_space<semaphore_mem>>) src(%dma_wait3A_236 : memref<64x128xf32, #tpu.memory_space<vmem>>) dst(%dma_wait3A_242 : memref<10240x128xf32, #tpu.memory_space<vmem_shared>>)
      } else {
      }
      %add3A_110 = arith.constant 1 : i32
      %add3A_111 = arith.addi %add3A_67, %add3A_110 : i32
      %mul3A_112 = arith.constant 64 : i32
      %mul3A_113 = arith.muli %add3A_111, %mul3A_112 : i32
      %add3A_114 = arith.addi %mul3A_2, %mul3A_113 : i32
      %add3A_115 = arith.addi %mul3A_2, %mul3A_113 : i32
      %eq3A_116 = arith.constant 0 : i32
      %eq3A_117 = arith.cmpi eq, %arg0, %eq3A_116 : i32
      %convert_element_type3A_118 = arith.extui %eq3A_117 : i1 to i32
      %cond3A_119 = arith.constant 1 : i32
      %cond3A_120 = arith.constant 0 : i32
      %cond3A_121 = arith.cmpi ne, %convert_element_type3A_118, %cond3A_120 : i32
      scf.if %cond3A_121 {
        %dma_start3A_231 = arith.constant 0 : i32
        %dma_start3A_232 = arith.constant 0 : i32
        %dma_start3A_233 = tpu.memref_slice %arg13[%cond3A_119, %dma_start3A_231, %dma_start3A_232] : memref<2x64x128xf32, #tpu.memory_space<vmem>> -> memref<1x64x128xf32, #tpu.memory_space<vmem>>
        %dma_start3A_234 = tpu.memref_squeeze %dma_start3A_233 : memref<1x64x128xf32, #tpu.memory_space<vmem>> -> memref<64x128xf32, #tpu.memory_space<vmem>>
        %dma_start3A_235 = tpu.memref_slice %arg9[%mul3A_113] : memref<10752xi32, #tpu.memory_space<vmem>> -> memref<64xi32, #tpu.memory_space<vmem>>
        %dma_start3A_236 = arith.constant 0 : i32
        %dma_start3A_237 = arith.constant 0 : i32
        %dma_start3A_238 = tpu.memref_slice %arg5[%dma_start3A_236, %dma_start3A_237] : memref<10240x128xf32, #tpu.memory_space<hbm>> -> memref<10240x128xf32, #tpu.memory_space<hbm>>
        tpu.enqueue_indirect_dma source(%dma_start3A_238 : memref<10240x128xf32, #tpu.memory_space<hbm>>) target(%dma_start3A_234 : memref<64x128xf32, #tpu.memory_space<vmem>>) offsets(%dma_start3A_235 : memref<64xi32, #tpu.memory_space<vmem>>) semaphore(%arg17 : memref<!tpu.dma_semaphore, #tpu.memory_space<semaphore_mem>>)
      } else {
      }
      %eq3A_122 = arith.constant 1 : i32
      %eq3A_123 = arith.cmpi eq, %arg0, %eq3A_122 : i32
      %convert_element_type3A_124 = arith.extui %eq3A_123 : i1 to i32
      %cond3A_125 = arith.constant 1 : i32
      %cond3A_126 = arith.constant 0 : i32
      %cond3A_127 = arith.cmpi ne, %convert_element_type3A_124, %cond3A_126 : i32
      scf.if %cond3A_127 {
        %dma_start3A_231 = arith.constant 0 : i32
        %dma_start3A_232 = arith.constant 0 : i32
        %dma_start3A_233 = tpu.memref_slice %arg13[%cond3A_125, %dma_start3A_231, %dma_start3A_232] : memref<2x64x128xf32, #tpu.memory_space<vmem>> -> memref<1x64x128xf32, #tpu.memory_space<vmem>>
        %dma_start3A_234 = tpu.memref_squeeze %dma_start3A_233 : memref<1x64x128xf32, #tpu.memory_space<vmem>> -> memref<64x128xf32, #tpu.memory_space<vmem>>
        %dma_start3A_235 = tpu.memref_slice %arg9[%mul3A_113] : memref<10752xi32, #tpu.memory_space<vmem>> -> memref<64xi32, #tpu.memory_space<vmem>>
        %dma_start3A_236 = arith.constant 0 : i32
        %dma_start3A_237 = arith.constant 0 : i32
        %dma_start3A_238 = tpu.memref_slice %arg6[%dma_start3A_236, %dma_start3A_237] : memref<10240x128xf32, #tpu.memory_space<hbm>> -> memref<10240x128xf32, #tpu.memory_space<hbm>>
        tpu.enqueue_indirect_dma source(%dma_start3A_238 : memref<10240x128xf32, #tpu.memory_space<hbm>>) target(%dma_start3A_234 : memref<64x128xf32, #tpu.memory_space<vmem>>) offsets(%dma_start3A_235 : memref<64xi32, #tpu.memory_space<vmem>>) semaphore(%arg17 : memref<!tpu.dma_semaphore, #tpu.memory_space<semaphore_mem>>)
      } else {
      }
      %dma_start3A_128 = arith.constant 1 : i32
      %dma_start3A_129 = arith.constant 0 : i32
      %dma_start3A_130 = tpu.memref_slice %arg10[%dma_start3A_128, %dma_start3A_129] : memref<2x64xi32, #tpu.memory_space<vmem>> -> memref<1x64xi32, #tpu.memory_space<vmem>>
      %dma_start3A_131 = tpu.memref_squeeze %dma_start3A_130 : memref<1x64xi32, #tpu.memory_space<vmem>> -> memref<64xi32, #tpu.memory_space<vmem>>
      %dma_start3A_132 = tpu.memref_slice %arg3[%add3A_114] : memref<172032xi32, #tpu.memory_space<hbm>> -> memref<64xi32, #tpu.memory_space<hbm>>
      %dma_start3A_133 = arith.constant 0 : i32
      %dma_start3A_134 = tpu.memref_slice %arg10[%dma_start3A_128, %dma_start3A_133] : memref<2x64xi32, #tpu.memory_space<vmem>> -> memref<1x64xi32, #tpu.memory_space<vmem>>
      %dma_start3A_135 = tpu.memref_squeeze %dma_start3A_134 : memref<1x64xi32, #tpu.memory_space<vmem>> -> memref<64xi32, #tpu.memory_space<vmem>>
      %dma_start3A_136 = tpu.memref_slice %arg3[%add3A_114] : memref<172032xi32, #tpu.memory_space<hbm>> -> memref<64xi32, #tpu.memory_space<hbm>>
      tpu.enqueue_dma source(%dma_start3A_136 : memref<64xi32, #tpu.memory_space<hbm>>) target(%dma_start3A_135 : memref<64xi32, #tpu.memory_space<vmem>>) target_semaphore(%arg17 : memref<!tpu.dma_semaphore, #tpu.memory_space<semaphore_mem>>)
      %dma_start3A_137 = arith.constant 1 : i32
      %dma_start3A_138 = arith.constant 0 : i32
      %dma_start3A_139 = tpu.memref_slice %arg11[%dma_start3A_137, %dma_start3A_138] : memref<2x64xf32, #tpu.memory_space<vmem>> -> memref<1x64xf32, #tpu.memory_space<vmem>>
      %dma_start3A_140 = tpu.memref_squeeze %dma_start3A_139 : memref<1x64xf32, #tpu.memory_space<vmem>> -> memref<64xf32, #tpu.memory_space<vmem>>
      %dma_start3A_141 = tpu.memref_slice %arg4[%add3A_115] : memref<172032xf32, #tpu.memory_space<hbm>> -> memref<64xf32, #tpu.memory_space<hbm>>
      %dma_start3A_142 = arith.constant 0 : i32
      %dma_start3A_143 = tpu.memref_slice %arg11[%dma_start3A_137, %dma_start3A_142] : memref<2x64xf32, #tpu.memory_space<vmem>> -> memref<1x64xf32, #tpu.memory_space<vmem>>
      %dma_start3A_144 = tpu.memref_squeeze %dma_start3A_143 : memref<1x64xf32, #tpu.memory_space<vmem>> -> memref<64xf32, #tpu.memory_space<vmem>>
      %dma_start3A_145 = tpu.memref_slice %arg4[%add3A_115] : memref<172032xf32, #tpu.memory_space<hbm>> -> memref<64xf32, #tpu.memory_space<hbm>>
      tpu.enqueue_dma source(%dma_start3A_145 : memref<64xf32, #tpu.memory_space<hbm>>) target(%dma_start3A_144 : memref<64xf32, #tpu.memory_space<vmem>>) target_semaphore(%arg17 : memref<!tpu.dma_semaphore, #tpu.memory_space<semaphore_mem>>)
      %dma_start3A_146 = arith.constant 0 : i32
      %dma_start3A_147 = arith.constant 0 : i32
      %dma_start3A_148 = arith.constant 0 : i32
      %dma_start3A_149 = arith.constant 0 : i32
      %dma_start3A_150 = tpu.memref_slice %arg13[%dma_start3A_146, %dma_start3A_148, %dma_start3A_149] : memref<2x64x128xf32, #tpu.memory_space<vmem>> -> memref<1x64x128xf32, #tpu.memory_space<vmem>>
      %dma_start3A_151 = tpu.memref_squeeze %dma_start3A_150 : memref<1x64x128xf32, #tpu.memory_space<vmem>> -> memref<64x128xf32, #tpu.memory_space<vmem>>
      %dma_start3A_152 = arith.constant 0 : i32
      %dma_start3A_153 = tpu.memref_slice %arg10[%dma_start3A_147, %dma_start3A_152] : memref<2x64xi32, #tpu.memory_space<vmem>> -> memref<1x64xi32, #tpu.memory_space<vmem>>
      %dma_start3A_154 = tpu.memref_squeeze %dma_start3A_153 : memref<1x64xi32, #tpu.memory_space<vmem>> -> memref<64xi32, #tpu.memory_space<vmem>>
      %dma_start3A_155 = arith.constant 0 : i32
      %dma_start3A_156 = arith.constant 0 : i32
      %dma_start3A_157 = tpu.memref_slice %arg15[%dma_start3A_155, %dma_start3A_156] : memref<10240x128xf32, #tpu.memory_space<vmem_shared>> -> memref<10240x128xf32, #tpu.memory_space<vmem_shared>>
      tpu.enqueue_indirect_dma source(%dma_start3A_151 : memref<64x128xf32, #tpu.memory_space<vmem>>) target(%dma_start3A_157 : memref<10240x128xf32, #tpu.memory_space<vmem_shared>>) offsets(%dma_start3A_154 : memref<64xi32, #tpu.memory_space<vmem>>) semaphore(%arg18 : memref<!tpu.dma_semaphore, #tpu.memory_space<semaphore_mem>>) {add = true}
      %add3A_158 = arith.constant 1 : i32
      %add3A_159 = arith.addi %add3A_67, %add3A_158 : i32
      %mul3A_160 = arith.constant 64 : i32
      %mul3A_161 = arith.muli %add3A_159, %mul3A_160 : i32
      %add3A_162 = arith.addi %mul3A_2, %mul3A_161 : i32
      %add3A_163 = arith.addi %mul3A_2, %mul3A_161 : i32
      %eq3A_164 = arith.constant 0 : i32
      %eq3A_165 = arith.cmpi eq, %arg0, %eq3A_164 : i32
      %convert_element_type3A_166 = arith.extui %eq3A_165 : i1 to i32
      %cond3A_167 = arith.constant 1 : i32
      %cond3A_168 = arith.constant 0 : i32
      %cond3A_169 = arith.cmpi ne, %convert_element_type3A_166, %cond3A_168 : i32
      scf.if %cond3A_169 {
        %dma_wait3A_231 = arith.constant 0 : i32
        %dma_wait3A_232 = arith.constant 0 : i32
        %dma_wait3A_233 = tpu.memref_slice %arg13[%cond3A_167, %dma_wait3A_231, %dma_wait3A_232] : memref<2x64x128xf32, #tpu.memory_space<vmem>> -> memref<1x64x128xf32, #tpu.memory_space<vmem>>
        %dma_wait3A_234 = tpu.memref_squeeze %dma_wait3A_233 : memref<1x64x128xf32, #tpu.memory_space<vmem>> -> memref<64x128xf32, #tpu.memory_space<vmem>>
        %dma_wait3A_235 = tpu.memref_slice %arg9[%mul3A_161] : memref<10752xi32, #tpu.memory_space<vmem>> -> memref<64xi32, #tpu.memory_space<vmem>>
        %dma_wait3A_236 = arith.constant 0 : i32
        %dma_wait3A_237 = arith.constant 0 : i32
        %dma_wait3A_238 = tpu.memref_slice %arg5[%dma_wait3A_236, %dma_wait3A_237] : memref<10240x128xf32, #tpu.memory_space<hbm>> -> memref<10240x128xf32, #tpu.memory_space<hbm>>
        tpu.wait_indirect_dma semaphore(%arg17 : memref<!tpu.dma_semaphore, #tpu.memory_space<semaphore_mem>>) src(%dma_wait3A_238 : memref<10240x128xf32, #tpu.memory_space<hbm>>) dst(%dma_wait3A_234 : memref<64x128xf32, #tpu.memory_space<vmem>>)
      } else {
      }
      %eq3A_170 = arith.constant 1 : i32
      %eq3A_171 = arith.cmpi eq, %arg0, %eq3A_170 : i32
      %convert_element_type3A_172 = arith.extui %eq3A_171 : i1 to i32
      %cond3A_173 = arith.constant 1 : i32
      %cond3A_174 = arith.constant 0 : i32
      %cond3A_175 = arith.cmpi ne, %convert_element_type3A_172, %cond3A_174 : i32
      scf.if %cond3A_175 {
        %dma_wait3A_231 = arith.constant 0 : i32
        %dma_wait3A_232 = arith.constant 0 : i32
        %dma_wait3A_233 = tpu.memref_slice %arg13[%cond3A_173, %dma_wait3A_231, %dma_wait3A_232] : memref<2x64x128xf32, #tpu.memory_space<vmem>> -> memref<1x64x128xf32, #tpu.memory_space<vmem>>
        %dma_wait3A_234 = tpu.memref_squeeze %dma_wait3A_233 : memref<1x64x128xf32, #tpu.memory_space<vmem>> -> memref<64x128xf32, #tpu.memory_space<vmem>>
        %dma_wait3A_235 = tpu.memref_slice %arg9[%mul3A_161] : memref<10752xi32, #tpu.memory_space<vmem>> -> memref<64xi32, #tpu.memory_space<vmem>>
        %dma_wait3A_236 = arith.constant 0 : i32
        %dma_wait3A_237 = arith.constant 0 : i32
        %dma_wait3A_238 = tpu.memref_slice %arg6[%dma_wait3A_236, %dma_wait3A_237] : memref<10240x128xf32, #tpu.memory_space<hbm>> -> memref<10240x128xf32, #tpu.memory_space<hbm>>
        tpu.wait_indirect_dma semaphore(%arg17 : memref<!tpu.dma_semaphore, #tpu.memory_space<semaphore_mem>>) src(%dma_wait3A_238 : memref<10240x128xf32, #tpu.memory_space<hbm>>) dst(%dma_wait3A_234 : memref<64x128xf32, #tpu.memory_space<vmem>>)
      } else {
      }
      %dma_wait3A_176 = arith.constant 1 : i32
      %dma_wait3A_177 = arith.constant 0 : i32
      %dma_wait3A_178 = tpu.memref_slice %arg10[%dma_wait3A_176, %dma_wait3A_177] : memref<2x64xi32, #tpu.memory_space<vmem>> -> memref<1x64xi32, #tpu.memory_space<vmem>>
      %dma_wait3A_179 = tpu.memref_squeeze %dma_wait3A_178 : memref<1x64xi32, #tpu.memory_space<vmem>> -> memref<64xi32, #tpu.memory_space<vmem>>
      %dma_wait3A_180 = tpu.memref_slice %arg3[%add3A_162] : memref<172032xi32, #tpu.memory_space<hbm>> -> memref<64xi32, #tpu.memory_space<hbm>>
      %dma_wait3A_181 = arith.constant 0 : i32
      %dma_wait3A_182 = tpu.memref_slice %arg10[%dma_wait3A_176, %dma_wait3A_181] : memref<2x64xi32, #tpu.memory_space<vmem>> -> memref<1x64xi32, #tpu.memory_space<vmem>>
      %dma_wait3A_183 = tpu.memref_squeeze %dma_wait3A_182 : memref<1x64xi32, #tpu.memory_space<vmem>> -> memref<64xi32, #tpu.memory_space<vmem>>
      %dma_wait3A_184 = tpu.memref_slice %arg3[%add3A_162] : memref<172032xi32, #tpu.memory_space<hbm>> -> memref<64xi32, #tpu.memory_space<hbm>>
      tpu.wait_dma2 semaphore(%arg17 : memref<!tpu.dma_semaphore, #tpu.memory_space<semaphore_mem>>) src(%dma_wait3A_184 : memref<64xi32, #tpu.memory_space<hbm>>) dst(%dma_wait3A_183 : memref<64xi32, #tpu.memory_space<vmem>>)
      %dma_wait3A_185 = arith.constant 1 : i32
      %dma_wait3A_186 = arith.constant 0 : i32
      %dma_wait3A_187 = tpu.memref_slice %arg11[%dma_wait3A_185, %dma_wait3A_186] : memref<2x64xf32, #tpu.memory_space<vmem>> -> memref<1x64xf32, #tpu.memory_space<vmem>>
      %dma_wait3A_188 = tpu.memref_squeeze %dma_wait3A_187 : memref<1x64xf32, #tpu.memory_space<vmem>> -> memref<64xf32, #tpu.memory_space<vmem>>
      %dma_wait3A_189 = tpu.memref_slice %arg4[%add3A_163] : memref<172032xf32, #tpu.memory_space<hbm>> -> memref<64xf32, #tpu.memory_space<hbm>>
      %dma_wait3A_190 = arith.constant 0 : i32
      %dma_wait3A_191 = tpu.memref_slice %arg11[%dma_wait3A_185, %dma_wait3A_190] : memref<2x64xf32, #tpu.memory_space<vmem>> -> memref<1x64xf32, #tpu.memory_space<vmem>>
      %dma_wait3A_192 = tpu.memref_squeeze %dma_wait3A_191 : memref<1x64xf32, #tpu.memory_space<vmem>> -> memref<64xf32, #tpu.memory_space<vmem>>
      %dma_wait3A_193 = tpu.memref_slice %arg4[%add3A_163] : memref<172032xf32, #tpu.memory_space<hbm>> -> memref<64xf32, #tpu.memory_space<hbm>>
      tpu.wait_dma2 semaphore(%arg17 : memref<!tpu.dma_semaphore, #tpu.memory_space<semaphore_mem>>) src(%dma_wait3A_193 : memref<64xf32, #tpu.memory_space<hbm>>) dst(%dma_wait3A_192 : memref<64xf32, #tpu.memory_space<vmem>>)
      %add3A_194 = arith.constant 1 : i32
      %add3A_195 = arith.addi %add3A_67, %add3A_194 : i32
      %parallel_loop3A_196 = arith.constant 0 : i32
      %parallel_loop3A_197 = arith.constant 64 : i32
      %parallel_loop3A_198 = arith.constant 1 : i32
      %parallel_loop3A_199 = arith.constant 1 : i32
      %parallel_loop3A_200 = arith.constant 1 : i32
      scf.for %parallel_loop3A_231 = %parallel_loop3A_196 to %parallel_loop3A_197 step %parallel_loop3A_198  : i32 {
        %parallel_loop3A_232 = arith.constant 0 : i32
        %parallel_loop3A_233 = vector.broadcast %parallel_loop3A_232 : i32 to vector<16xi32>
        %parallel_loop3A_234 = vector.broadcast %parallel_loop3A_231 : i32 to vector<16xi32>
        %parallel_loop3A_235 = arith.addi %parallel_loop3A_233, %parallel_loop3A_234 : vector<16xi32>
        %parallel_loop3A_236 = arith.constant 0 : i32
        %parallel_loop3A_237 = tpu.memref_slice %arg11[%parallel_loop3A_199, %parallel_loop3A_236] : memref<2x64xf32, #tpu.memory_space<vmem>> -> memref<1x64xf32, #tpu.memory_space<vmem>>
        %parallel_loop3A_238 = tpu.memref_squeeze %parallel_loop3A_237 : memref<1x64xf32, #tpu.memory_space<vmem>> -> memref<64xf32, #tpu.memory_space<vmem>>
        %parallel_loop3A_239 = tpu.vector_load_idx %parallel_loop3A_238[%parallel_loop3A_235] : memref<64xf32, #tpu.memory_space<vmem>>[vector<16xi32>], vector<16xf32>,
        %parallel_loop3A_240 = arith.constant 0 : i32
        %parallel_loop3A_241 = arith.constant 0 : i32
        %parallel_loop3A_242 = tpu.memref_slice %arg13[%parallel_loop3A_200, %parallel_loop3A_240, %parallel_loop3A_241] : memref<2x64x128xf32, #tpu.memory_space<vmem>> -> memref<1x64x128xf32, #tpu.memory_space<vmem>>
        %parallel_loop3A_243 = tpu.memref_squeeze %parallel_loop3A_242 : memref<1x64x128xf32, #tpu.memory_space<vmem>> -> memref<64x128xf32, #tpu.memory_space<vmem>>
        %parallel_loop3A_244 = arith.index_cast %parallel_loop3A_231 : i32 to index
        %parallel_loop3A_245 = arith.constant 0 : index
        %parallel_loop3A_246 = tpu.vector_load %parallel_loop3A_243[%parallel_loop3A_244, %parallel_loop3A_245] {strides = array<i32>} : memref<64x128xf32, #tpu.memory_space<vmem>>, vector<16xf32>,
        %parallel_loop3A_247 = arith.mulf %parallel_loop3A_246, %parallel_loop3A_239 : vector<16xf32>
        %parallel_loop3A_248 = arith.constant 0 : i32
        %parallel_loop3A_249 = arith.constant 0 : i32
        %parallel_loop3A_250 = tpu.memref_slice %arg13[%parallel_loop3A_200, %parallel_loop3A_248, %parallel_loop3A_249] : memref<2x64x128xf32, #tpu.memory_space<vmem>> -> memref<1x64x128xf32, #tpu.memory_space<vmem>>
        %parallel_loop3A_251 = tpu.memref_squeeze %parallel_loop3A_250 : memref<1x64x128xf32, #tpu.memory_space<vmem>> -> memref<64x128xf32, #tpu.memory_space<vmem>>
        %parallel_loop3A_252 = arith.index_cast %parallel_loop3A_231 : i32 to index
        %parallel_loop3A_253 = arith.constant 0 : index
        %parallel_loop3A_254 = tpu.vector_load %parallel_loop3A_251[%parallel_loop3A_252, %parallel_loop3A_253] {strides = array<i32>} : memref<64x128xf32, #tpu.memory_space<vmem>>, vector<16xf32>,
        tpu.vector_store %parallel_loop3A_251[%parallel_loop3A_252, %parallel_loop3A_253], %parallel_loop3A_247 {strides = array<i32>} : memref<64x128xf32, #tpu.memory_space<vmem>>, vector<16xf32>,
        %parallel_loop3A_255 = arith.constant 0 : i32
        %parallel_loop3A_256 = arith.constant 0 : i32
        %parallel_loop3A_257 = tpu.memref_slice %arg13[%parallel_loop3A_200, %parallel_loop3A_255, %parallel_loop3A_256] : memref<2x64x128xf32, #tpu.memory_space<vmem>> -> memref<1x64x128xf32, #tpu.memory_space<vmem>>
        %parallel_loop3A_258 = tpu.memref_squeeze %parallel_loop3A_257 : memref<1x64x128xf32, #tpu.memory_space<vmem>> -> memref<64x128xf32, #tpu.memory_space<vmem>>
        %parallel_loop3A_259 = arith.index_cast %parallel_loop3A_231 : i32 to index
        %parallel_loop3A_260 = arith.constant 16 : index
        %parallel_loop3A_261 = tpu.vector_load %parallel_loop3A_258[%parallel_loop3A_259, %parallel_loop3A_260] {strides = array<i32>} : memref<64x128xf32, #tpu.memory_space<vmem>>, vector<16xf32>,
        %parallel_loop3A_262 = arith.mulf %parallel_loop3A_261, %parallel_loop3A_239 : vector<16xf32>
        %parallel_loop3A_263 = arith.constant 0 : i32
        %parallel_loop3A_264 = arith.constant 0 : i32
        %parallel_loop3A_265 = tpu.memref_slice %arg13[%parallel_loop3A_200, %parallel_loop3A_263, %parallel_loop3A_264] : memref<2x64x128xf32, #tpu.memory_space<vmem>> -> memref<1x64x128xf32, #tpu.memory_space<vmem>>
        %parallel_loop3A_266 = tpu.memref_squeeze %parallel_loop3A_265 : memref<1x64x128xf32, #tpu.memory_space<vmem>> -> memref<64x128xf32, #tpu.memory_space<vmem>>
        %parallel_loop3A_267 = arith.index_cast %parallel_loop3A_231 : i32 to index
        %parallel_loop3A_268 = arith.constant 16 : index
        %parallel_loop3A_269 = tpu.vector_load %parallel_loop3A_266[%parallel_loop3A_267, %parallel_loop3A_268] {strides = array<i32>} : memref<64x128xf32, #tpu.memory_space<vmem>>, vector<16xf32>,
        tpu.vector_store %parallel_loop3A_266[%parallel_loop3A_267, %parallel_loop3A_268], %parallel_loop3A_262 {strides = array<i32>} : memref<64x128xf32, #tpu.memory_space<vmem>>, vector<16xf32>,
        %parallel_loop3A_270 = arith.constant 0 : i32
        %parallel_loop3A_271 = arith.constant 0 : i32
        %parallel_loop3A_272 = tpu.memref_slice %arg13[%parallel_loop3A_200, %parallel_loop3A_270, %parallel_loop3A_271] : memref<2x64x128xf32, #tpu.memory_space<vmem>> -> memref<1x64x128xf32, #tpu.memory_space<vmem>>
        %parallel_loop3A_273 = tpu.memref_squeeze %parallel_loop3A_272 : memref<1x64x128xf32, #tpu.memory_space<vmem>> -> memref<64x128xf32, #tpu.memory_space<vmem>>
        %parallel_loop3A_274 = arith.index_cast %parallel_loop3A_231 : i32 to index
        %parallel_loop3A_275 = arith.constant 32 : index
        %parallel_loop3A_276 = tpu.vector_load %parallel_loop3A_273[%parallel_loop3A_274, %parallel_loop3A_275] {strides = array<i32>} : memref<64x128xf32, #tpu.memory_space<vmem>>, vector<16xf32>,
        %parallel_loop3A_277 = arith.mulf %parallel_loop3A_276, %parallel_loop3A_239 : vector<16xf32>
        %parallel_loop3A_278 = arith.constant 0 : i32
        %parallel_loop3A_279 = arith.constant 0 : i32
        %parallel_loop3A_280 = tpu.memref_slice %arg13[%parallel_loop3A_200, %parallel_loop3A_278, %parallel_loop3A_279] : memref<2x64x128xf32, #tpu.memory_space<vmem>> -> memref<1x64x128xf32, #tpu.memory_space<vmem>>
        %parallel_loop3A_281 = tpu.memref_squeeze %parallel_loop3A_280 : memref<1x64x128xf32, #tpu.memory_space<vmem>> -> memref<64x128xf32, #tpu.memory_space<vmem>>
        %parallel_loop3A_282 = arith.index_cast %parallel_loop3A_231 : i32 to index
        %parallel_loop3A_283 = arith.constant 32 : index
        %parallel_loop3A_284 = tpu.vector_load %parallel_loop3A_281[%parallel_loop3A_282, %parallel_loop3A_283] {strides = array<i32>} : memref<64x128xf32, #tpu.memory_space<vmem>>, vector<16xf32>,
        tpu.vector_store %parallel_loop3A_281[%parallel_loop3A_282, %parallel_loop3A_283], %parallel_loop3A_277 {strides = array<i32>} : memref<64x128xf32, #tpu.memory_space<vmem>>, vector<16xf32>,
        %parallel_loop3A_285 = arith.constant 0 : i32
        %parallel_loop3A_286 = arith.constant 0 : i32
        %parallel_loop3A_287 = tpu.memref_slice %arg13[%parallel_loop3A_200, %parallel_loop3A_285, %parallel_loop3A_286] : memref<2x64x128xf32, #tpu.memory_space<vmem>> -> memref<1x64x128xf32, #tpu.memory_space<vmem>>
        %parallel_loop3A_288 = tpu.memref_squeeze %parallel_loop3A_287 : memref<1x64x128xf32, #tpu.memory_space<vmem>> -> memref<64x128xf32, #tpu.memory_space<vmem>>
        %parallel_loop3A_289 = arith.index_cast %parallel_loop3A_231 : i32 to index
        %parallel_loop3A_290 = arith.constant 48 : index
        %parallel_loop3A_291 = tpu.vector_load %parallel_loop3A_288[%parallel_loop3A_289, %parallel_loop3A_290] {strides = array<i32>} : memref<64x128xf32, #tpu.memory_space<vmem>>, vector<16xf32>,
        %parallel_loop3A_292 = arith.mulf %parallel_loop3A_291, %parallel_loop3A_239 : vector<16xf32>
        %parallel_loop3A_293 = arith.constant 0 : i32
        %parallel_loop3A_294 = arith.constant 0 : i32
        %parallel_loop3A_295 = tpu.memref_slice %arg13[%parallel_loop3A_200, %parallel_loop3A_293, %parallel_loop3A_294] : memref<2x64x128xf32, #tpu.memory_space<vmem>> -> memref<1x64x128xf32, #tpu.memory_space<vmem>>
        %parallel_loop3A_296 = tpu.memref_squeeze %parallel_loop3A_295 : memref<1x64x128xf32, #tpu.memory_space<vmem>> -> memref<64x128xf32, #tpu.memory_space<vmem>>
        %parallel_loop3A_297 = arith.index_cast %parallel_loop3A_231 : i32 to index
        %parallel_loop3A_298 = arith.constant 48 : index
        %parallel_loop3A_299 = tpu.vector_load %parallel_loop3A_296[%parallel_loop3A_297, %parallel_loop3A_298] {strides = array<i32>} : memref<64x128xf32, #tpu.memory_space<vmem>>, vector<16xf32>,
        tpu.vector_store %parallel_loop3A_296[%parallel_loop3A_297, %parallel_loop3A_298], %parallel_loop3A_292 {strides = array<i32>} : memref<64x128xf32, #tpu.memory_space<vmem>>, vector<16xf32>,
        %parallel_loop3A_300 = arith.constant 0 : i32
        %parallel_loop3A_301 = arith.constant 0 : i32
        %parallel_loop3A_302 = tpu.memref_slice %arg13[%parallel_loop3A_200, %parallel_loop3A_300, %parallel_loop3A_301] : memref<2x64x128xf32, #tpu.memory_space<vmem>> -> memref<1x64x128xf32, #tpu.memory_space<vmem>>
        %parallel_loop3A_303 = tpu.memref_squeeze %parallel_loop3A_302 : memref<1x64x128xf32, #tpu.memory_space<vmem>> -> memref<64x128xf32, #tpu.memory_space<vmem>>
        %parallel_loop3A_304 = arith.index_cast %parallel_loop3A_231 : i32 to index
        %parallel_loop3A_305 = arith.constant 64 : index
        %parallel_loop3A_306 = tpu.vector_load %parallel_loop3A_303[%parallel_loop3A_304, %parallel_loop3A_305] {strides = array<i32>} : memref<64x128xf32, #tpu.memory_space<vmem>>, vector<16xf32>,
        %parallel_loop3A_307 = arith.mulf %parallel_loop3A_306, %parallel_loop3A_239 : vector<16xf32>
        %parallel_loop3A_308 = arith.constant 0 : i32
        %parallel_loop3A_309 = arith.constant 0 : i32
        %parallel_loop3A_310 = tpu.memref_slice %arg13[%parallel_loop3A_200, %parallel_loop3A_308, %parallel_loop3A_309] : memref<2x64x128xf32, #tpu.memory_space<vmem>> -> memref<1x64x128xf32, #tpu.memory_space<vmem>>
        %parallel_loop3A_311 = tpu.memref_squeeze %parallel_loop3A_310 : memref<1x64x128xf32, #tpu.memory_space<vmem>> -> memref<64x128xf32, #tpu.memory_space<vmem>>
        %parallel_loop3A_312 = arith.index_cast %parallel_loop3A_231 : i32 to index
        %parallel_loop3A_313 = arith.constant 64 : index
        %parallel_loop3A_314 = tpu.vector_load %parallel_loop3A_311[%parallel_loop3A_312, %parallel_loop3A_313] {strides = array<i32>} : memref<64x128xf32, #tpu.memory_space<vmem>>, vector<16xf32>,
        tpu.vector_store %parallel_loop3A_311[%parallel_loop3A_312, %parallel_loop3A_313], %parallel_loop3A_307 {strides = array<i32>} : memref<64x128xf32, #tpu.memory_space<vmem>>, vector<16xf32>,
        %parallel_loop3A_315 = arith.constant 0 : i32
        %parallel_loop3A_316 = arith.constant 0 : i32
        %parallel_loop3A_317 = tpu.memref_slice %arg13[%parallel_loop3A_200, %parallel_loop3A_315, %parallel_loop3A_316] : memref<2x64x128xf32, #tpu.memory_space<vmem>> -> memref<1x64x128xf32, #tpu.memory_space<vmem>>
        %parallel_loop3A_318 = tpu.memref_squeeze %parallel_loop3A_317 : memref<1x64x128xf32, #tpu.memory_space<vmem>> -> memref<64x128xf32, #tpu.memory_space<vmem>>
        %parallel_loop3A_319 = arith.index_cast %parallel_loop3A_231 : i32 to index
        %parallel_loop3A_320 = arith.constant 80 : index
        %parallel_loop3A_321 = tpu.vector_load %parallel_loop3A_318[%parallel_loop3A_319, %parallel_loop3A_320] {strides = array<i32>} : memref<64x128xf32, #tpu.memory_space<vmem>>, vector<16xf32>,
        %parallel_loop3A_322 = arith.mulf %parallel_loop3A_321, %parallel_loop3A_239 : vector<16xf32>
        %parallel_loop3A_323 = arith.constant 0 : i32
        %parallel_loop3A_324 = arith.constant 0 : i32
        %parallel_loop3A_325 = tpu.memref_slice %arg13[%parallel_loop3A_200, %parallel_loop3A_323, %parallel_loop3A_324] : memref<2x64x128xf32, #tpu.memory_space<vmem>> -> memref<1x64x128xf32, #tpu.memory_space<vmem>>
        %parallel_loop3A_326 = tpu.memref_squeeze %parallel_loop3A_325 : memref<1x64x128xf32, #tpu.memory_space<vmem>> -> memref<64x128xf32, #tpu.memory_space<vmem>>
        %parallel_loop3A_327 = arith.index_cast %parallel_loop3A_231 : i32 to index
        %parallel_loop3A_328 = arith.constant 80 : index
        %parallel_loop3A_329 = tpu.vector_load %parallel_loop3A_326[%parallel_loop3A_327, %parallel_loop3A_328] {strides = array<i32>} : memref<64x128xf32, #tpu.memory_space<vmem>>, vector<16xf32>,
        tpu.vector_store %parallel_loop3A_326[%parallel_loop3A_327, %parallel_loop3A_328], %parallel_loop3A_322 {strides = array<i32>} : memref<64x128xf32, #tpu.memory_space<vmem>>, vector<16xf32>,
        %parallel_loop3A_330 = arith.constant 0 : i32
        %parallel_loop3A_331 = arith.constant 0 : i32
        %parallel_loop3A_332 = tpu.memref_slice %arg13[%parallel_loop3A_200, %parallel_loop3A_330, %parallel_loop3A_331] : memref<2x64x128xf32, #tpu.memory_space<vmem>> -> memref<1x64x128xf32, #tpu.memory_space<vmem>>
        %parallel_loop3A_333 = tpu.memref_squeeze %parallel_loop3A_332 : memref<1x64x128xf32, #tpu.memory_space<vmem>> -> memref<64x128xf32, #tpu.memory_space<vmem>>
        %parallel_loop3A_334 = arith.index_cast %parallel_loop3A_231 : i32 to index
        %parallel_loop3A_335 = arith.constant 96 : index
        %parallel_loop3A_336 = tpu.vector_load %parallel_loop3A_333[%parallel_loop3A_334, %parallel_loop3A_335] {strides = array<i32>} : memref<64x128xf32, #tpu.memory_space<vmem>>, vector<16xf32>,
        %parallel_loop3A_337 = arith.mulf %parallel_loop3A_336, %parallel_loop3A_239 : vector<16xf32>
        %parallel_loop3A_338 = arith.constant 0 : i32
        %parallel_loop3A_339 = arith.constant 0 : i32
        %parallel_loop3A_340 = tpu.memref_slice %arg13[%parallel_loop3A_200, %parallel_loop3A_338, %parallel_loop3A_339] : memref<2x64x128xf32, #tpu.memory_space<vmem>> -> memref<1x64x128xf32, #tpu.memory_space<vmem>>
        %parallel_loop3A_341 = tpu.memref_squeeze %parallel_loop3A_340 : memref<1x64x128xf32, #tpu.memory_space<vmem>> -> memref<64x128xf32, #tpu.memory_space<vmem>>
        %parallel_loop3A_342 = arith.index_cast %parallel_loop3A_231 : i32 to index
        %parallel_loop3A_343 = arith.constant 96 : index
        %parallel_loop3A_344 = tpu.vector_load %parallel_loop3A_341[%parallel_loop3A_342, %parallel_loop3A_343] {strides = array<i32>} : memref<64x128xf32, #tpu.memory_space<vmem>>, vector<16xf32>,
        tpu.vector_store %parallel_loop3A_341[%parallel_loop3A_342, %parallel_loop3A_343], %parallel_loop3A_337 {strides = array<i32>} : memref<64x128xf32, #tpu.memory_space<vmem>>, vector<16xf32>,
        %parallel_loop3A_345 = arith.constant 0 : i32
        %parallel_loop3A_346 = arith.constant 0 : i32
        %parallel_loop3A_347 = tpu.memref_slice %arg13[%parallel_loop3A_200, %parallel_loop3A_345, %parallel_loop3A_346] : memref<2x64x128xf32, #tpu.memory_space<vmem>> -> memref<1x64x128xf32, #tpu.memory_space<vmem>>
        %parallel_loop3A_348 = tpu.memref_squeeze %parallel_loop3A_347 : memref<1x64x128xf32, #tpu.memory_space<vmem>> -> memref<64x128xf32, #tpu.memory_space<vmem>>
        %parallel_loop3A_349 = arith.index_cast %parallel_loop3A_231 : i32 to index
        %parallel_loop3A_350 = arith.constant 112 : index
        %parallel_loop3A_351 = tpu.vector_load %parallel_loop3A_348[%parallel_loop3A_349, %parallel_loop3A_350] {strides = array<i32>} : memref<64x128xf32, #tpu.memory_space<vmem>>, vector<16xf32>,
        %parallel_loop3A_352 = arith.mulf %parallel_loop3A_351, %parallel_loop3A_239 : vector<16xf32>
        %parallel_loop3A_353 = arith.constant 0 : i32
        %parallel_loop3A_354 = arith.constant 0 : i32
        %parallel_loop3A_355 = tpu.memref_slice %arg13[%parallel_loop3A_200, %parallel_loop3A_353, %parallel_loop3A_354] : memref<2x64x128xf32, #tpu.memory_space<vmem>> -> memref<1x64x128xf32, #tpu.memory_space<vmem>>
        %parallel_loop3A_356 = tpu.memref_squeeze %parallel_loop3A_355 : memref<1x64x128xf32, #tpu.memory_space<vmem>> -> memref<64x128xf32, #tpu.memory_space<vmem>>
        %parallel_loop3A_357 = arith.index_cast %parallel_loop3A_231 : i32 to index
        %parallel_loop3A_358 = arith.constant 112 : index
        %parallel_loop3A_359 = tpu.vector_load %parallel_loop3A_356[%parallel_loop3A_357, %parallel_loop3A_358] {strides = array<i32>} : memref<64x128xf32, #tpu.memory_space<vmem>>, vector<16xf32>,
        tpu.vector_store %parallel_loop3A_356[%parallel_loop3A_357, %parallel_loop3A_358], %parallel_loop3A_352 {strides = array<i32>} : memref<64x128xf32, #tpu.memory_space<vmem>>, vector<16xf32>,
      } {sc.loop_unroll_factor = 4 : i64, sc.parallel_access}
      %dma_wait3A_201 = arith.constant 0 : i32
      %dma_wait3A_202 = arith.constant 0 : i32
      %dma_wait3A_203 = arith.constant 0 : i32
      %dma_wait3A_204 = arith.constant 0 : i32
      %dma_wait3A_205 = tpu.memref_slice %arg13[%dma_wait3A_201, %dma_wait3A_203, %dma_wait3A_204] : memref<2x64x128xf32, #tpu.memory_space<vmem>> -> memref<1x64x128xf32, #tpu.memory_space<vmem>>
      %dma_wait3A_206 = tpu.memref_squeeze %dma_wait3A_205 : memref<1x64x128xf32, #tpu.memory_space<vmem>> -> memref<64x128xf32, #tpu.memory_space<vmem>>
      %dma_wait3A_207 = arith.constant 0 : i32
      %dma_wait3A_208 = tpu.memref_slice %arg10[%dma_wait3A_202, %dma_wait3A_207] : memref<2x64xi32, #tpu.memory_space<vmem>> -> memref<1x64xi32, #tpu.memory_space<vmem>>
      %dma_wait3A_209 = tpu.memref_squeeze %dma_wait3A_208 : memref<1x64xi32, #tpu.memory_space<vmem>> -> memref<64xi32, #tpu.memory_space<vmem>>
      %dma_wait3A_210 = arith.constant 0 : i32
      %dma_wait3A_211 = arith.constant 0 : i32
      %dma_wait3A_212 = tpu.memref_slice %arg15[%dma_wait3A_210, %dma_wait3A_211] : memref<10240x128xf32, #tpu.memory_space<vmem_shared>> -> memref<10240x128xf32, #tpu.memory_space<vmem_shared>>
      tpu.wait_indirect_dma semaphore(%arg18 : memref<!tpu.dma_semaphore, #tpu.memory_space<semaphore_mem>>) src(%dma_wait3A_206 : memref<64x128xf32, #tpu.memory_space<vmem>>) dst(%dma_wait3A_212 : memref<10240x128xf32, #tpu.memory_space<vmem_shared>>)
      %add3A_213 = arith.constant 2 : i32
      %add3A_214 = arith.addi %add3A_67, %add3A_213 : i32
      %lt3A = arith.constant 168 : i32
      %lt3A_215 = arith.cmpi slt, %add3A_214, %lt3A : i32
      %convert_element_type3A_216 = arith.extui %lt3A_215 : i1 to i32
      %cond3A_217 = arith.constant 0 : i32
      %cond3A_218 = arith.cmpi ne, %convert_element_type3A_216, %cond3A_217 : i32
      scf.if %cond3A_218 {
        %add3A_231 = arith.constant 2 : i32
        %add3A_232 = arith.addi %add3A_67, %add3A_231 : i32
        %mul3A_233 = arith.constant 64 : i32
        %mul3A_234 = arith.muli %add3A_232, %mul3A_233 : i32
        %add3A_235 = arith.addi %mul3A_2, %mul3A_234 : i32
        %add3A_236 = arith.addi %mul3A_2, %mul3A_234 : i32
        %eq3A_237 = arith.constant 0 : i32
        %eq3A_238 = arith.cmpi eq, %arg0, %eq3A_237 : i32
        %convert_element_type3A_239 = arith.extui %eq3A_238 : i1 to i32
        %cond3A_240 = arith.constant 0 : i32
        %cond3A_241 = arith.constant 0 : i32
        %cond3A_242 = arith.cmpi ne, %convert_element_type3A_239, %cond3A_241 : i32
        scf.if %cond3A_242 {
          %dma_start3A_267 = arith.constant 0 : i32
          %dma_start3A_268 = arith.constant 0 : i32
          %dma_start3A_269 = tpu.memref_slice %arg13[%cond3A_240, %dma_start3A_267, %dma_start3A_268] : memref<2x64x128xf32, #tpu.memory_space<vmem>> -> memref<1x64x128xf32, #tpu.memory_space<vmem>>
          %dma_start3A_270 = tpu.memref_squeeze %dma_start3A_269 : memref<1x64x128xf32, #tpu.memory_space<vmem>> -> memref<64x128xf32, #tpu.memory_space<vmem>>
          %dma_start3A_271 = tpu.memref_slice %arg9[%mul3A_234] : memref<10752xi32, #tpu.memory_space<vmem>> -> memref<64xi32, #tpu.memory_space<vmem>>
          %dma_start3A_272 = arith.constant 0 : i32
          %dma_start3A_273 = arith.constant 0 : i32
          %dma_start3A_274 = tpu.memref_slice %arg5[%dma_start3A_272, %dma_start3A_273] : memref<10240x128xf32, #tpu.memory_space<hbm>> -> memref<10240x128xf32, #tpu.memory_space<hbm>>
          tpu.enqueue_indirect_dma source(%dma_start3A_274 : memref<10240x128xf32, #tpu.memory_space<hbm>>) target(%dma_start3A_270 : memref<64x128xf32, #tpu.memory_space<vmem>>) offsets(%dma_start3A_271 : memref<64xi32, #tpu.memory_space<vmem>>) semaphore(%arg16 : memref<!tpu.dma_semaphore, #tpu.memory_space<semaphore_mem>>)
        } else {
        }
        %eq3A_243 = arith.constant 1 : i32
        %eq3A_244 = arith.cmpi eq, %arg0, %eq3A_243 : i32
        %convert_element_type3A_245 = arith.extui %eq3A_244 : i1 to i32
        %cond3A_246 = arith.constant 0 : i32
        %cond3A_247 = arith.constant 0 : i32
        %cond3A_248 = arith.cmpi ne, %convert_element_type3A_245, %cond3A_247 : i32
        scf.if %cond3A_248 {
          %dma_start3A_267 = arith.constant 0 : i32
          %dma_start3A_268 = arith.constant 0 : i32
          %dma_start3A_269 = tpu.memref_slice %arg13[%cond3A_246, %dma_start3A_267, %dma_start3A_268] : memref<2x64x128xf32, #tpu.memory_space<vmem>> -> memref<1x64x128xf32, #tpu.memory_space<vmem>>
          %dma_start3A_270 = tpu.memref_squeeze %dma_start3A_269 : memref<1x64x128xf32, #tpu.memory_space<vmem>> -> memref<64x128xf32, #tpu.memory_space<vmem>>
          %dma_start3A_271 = tpu.memref_slice %arg9[%mul3A_234] : memref<10752xi32, #tpu.memory_space<vmem>> -> memref<64xi32, #tpu.memory_space<vmem>>
          %dma_start3A_272 = arith.constant 0 : i32
          %dma_start3A_273 = arith.constant 0 : i32
          %dma_start3A_274 = tpu.memref_slice %arg6[%dma_start3A_272, %dma_start3A_273] : memref<10240x128xf32, #tpu.memory_space<hbm>> -> memref<10240x128xf32, #tpu.memory_space<hbm>>
          tpu.enqueue_indirect_dma source(%dma_start3A_274 : memref<10240x128xf32, #tpu.memory_space<hbm>>) target(%dma_start3A_270 : memref<64x128xf32, #tpu.memory_space<vmem>>) offsets(%dma_start3A_271 : memref<64xi32, #tpu.memory_space<vmem>>) semaphore(%arg16 : memref<!tpu.dma_semaphore, #tpu.memory_space<semaphore_mem>>)
        } else {
        }
        %dma_start3A_249 = arith.constant 0 : i32
        %dma_start3A_250 = arith.constant 0 : i32
        %dma_start3A_251 = tpu.memref_slice %arg10[%dma_start3A_249, %dma_start3A_250] : memref<2x64xi32, #tpu.memory_space<vmem>> -> memref<1x64xi32, #tpu.memory_space<vmem>>
        %dma_start3A_252 = tpu.memref_squeeze %dma_start3A_251 : memref<1x64xi32, #tpu.memory_space<vmem>> -> memref<64xi32, #tpu.memory_space<vmem>>
        %dma_start3A_253 = tpu.memref_slice %arg3[%add3A_235] : memref<172032xi32, #tpu.memory_space<hbm>> -> memref<64xi32, #tpu.memory_space<hbm>>
        %dma_start3A_254 = arith.constant 0 : i32
        %dma_start3A_255 = tpu.memref_slice %arg10[%dma_start3A_249, %dma_start3A_254] : memref<2x64xi32, #tpu.memory_space<vmem>> -> memref<1x64xi32, #tpu.memory_space<vmem>>
        %dma_start3A_256 = tpu.memref_squeeze %dma_start3A_255 : memref<1x64xi32, #tpu.memory_space<vmem>> -> memref<64xi32, #tpu.memory_space<vmem>>
        %dma_start3A_257 = tpu.memref_slice %arg3[%add3A_235] : memref<172032xi32, #tpu.memory_space<hbm>> -> memref<64xi32, #tpu.memory_space<hbm>>
        tpu.enqueue_dma source(%dma_start3A_257 : memref<64xi32, #tpu.memory_space<hbm>>) target(%dma_start3A_256 : memref<64xi32, #tpu.memory_space<vmem>>) target_semaphore(%arg16 : memref<!tpu.dma_semaphore, #tpu.memory_space<semaphore_mem>>)
        %dma_start3A_258 = arith.constant 0 : i32
        %dma_start3A_259 = arith.constant 0 : i32
        %dma_start3A_260 = tpu.memref_slice %arg11[%dma_start3A_258, %dma_start3A_259] : memref<2x64xf32, #tpu.memory_space<vmem>> -> memref<1x64xf32, #tpu.memory_space<vmem>>
        %dma_start3A_261 = tpu.memref_squeeze %dma_start3A_260 : memref<1x64xf32, #tpu.memory_space<vmem>> -> memref<64xf32, #tpu.memory_space<vmem>>
        %dma_start3A_262 = tpu.memref_slice %arg4[%add3A_236] : memref<172032xf32, #tpu.memory_space<hbm>> -> memref<64xf32, #tpu.memory_space<hbm>>
        %dma_start3A_263 = arith.constant 0 : i32
        %dma_start3A_264 = tpu.memref_slice %arg11[%dma_start3A_258, %dma_start3A_263] : memref<2x64xf32, #tpu.memory_space<vmem>> -> memref<1x64xf32, #tpu.memory_space<vmem>>
        %dma_start3A_265 = tpu.memref_squeeze %dma_start3A_264 : memref<1x64xf32, #tpu.memory_space<vmem>> -> memref<64xf32, #tpu.memory_space<vmem>>
        %dma_start3A_266 = tpu.memref_slice %arg4[%add3A_236] : memref<172032xf32, #tpu.memory_space<hbm>> -> memref<64xf32, #tpu.memory_space<hbm>>
        tpu.enqueue_dma source(%dma_start3A_266 : memref<64xf32, #tpu.memory_space<hbm>>) target(%dma_start3A_265 : memref<64xf32, #tpu.memory_space<vmem>>) target_semaphore(%arg16 : memref<!tpu.dma_semaphore, #tpu.memory_space<semaphore_mem>>)
      } else {
      }
      %dma_start3A_219 = arith.constant 1 : i32
      %dma_start3A_220 = arith.constant 1 : i32
      %dma_start3A_221 = arith.constant 0 : i32
      %dma_start3A_222 = arith.constant 0 : i32
      %dma_start3A_223 = tpu.memref_slice %arg13[%dma_start3A_219, %dma_start3A_221, %dma_start3A_222] : memref<2x64x128xf32, #tpu.memory_space<vmem>> -> memref<1x64x128xf32, #tpu.memory_space<vmem>>
      %dma_start3A_224 = tpu.memref_squeeze %dma_start3A_223 : memref<1x64x128xf32, #tpu.memory_space<vmem>> -> memref<64x128xf32, #tpu.memory_space<vmem>>
      %dma_start3A_225 = arith.constant 0 : i32
      %dma_start3A_226 = tpu.memref_slice %arg10[%dma_start3A_220, %dma_start3A_225] : memref<2x64xi32, #tpu.memory_space<vmem>> -> memref<1x64xi32, #tpu.memory_space<vmem>>
      %dma_start3A_227 = tpu.memref_squeeze %dma_start3A_226 : memref<1x64xi32, #tpu.memory_space<vmem>> -> memref<64xi32, #tpu.memory_space<vmem>>
      %dma_start3A_228 = arith.constant 0 : i32
      %dma_start3A_229 = arith.constant 0 : i32
      %dma_start3A_230 = tpu.memref_slice %arg15[%dma_start3A_228, %dma_start3A_229] : memref<10240x128xf32, #tpu.memory_space<vmem_shared>> -> memref<10240x128xf32, #tpu.memory_space<vmem_shared>>
      tpu.enqueue_indirect_dma source(%dma_start3A_224 : memref<64x128xf32, #tpu.memory_space<vmem>>) target(%dma_start3A_230 : memref<10240x128xf32, #tpu.memory_space<vmem_shared>>) offsets(%dma_start3A_227 : memref<64xi32, #tpu.memory_space<vmem>>) semaphore(%arg19 : memref<!tpu.dma_semaphore, #tpu.memory_space<semaphore_mem>>) {add = true}
    }
    %scan3A_45 = arith.constant 84 : i32
    %dma_wait3A = arith.constant 1 : i32
    %dma_wait3A_46 = arith.constant 1 : i32
    %dma_wait3A_47 = arith.constant 0 : i32
    %dma_wait3A_48 = arith.constant 0 : i32
    %dma_wait3A_49 = tpu.memref_slice %arg13[%dma_wait3A, %dma_wait3A_47, %dma_wait3A_48] : memref<2x64x128xf32, #tpu.memory_space<vmem>> -> memref<1x64x128xf32, #tpu.memory_space<vmem>>
    %dma_wait3A_50 = tpu.memref_squeeze %dma_wait3A_49 : memref<1x64x128xf32, #tpu.memory_space<vmem>> -> memref<64x128xf32, #tpu.memory_space<vmem>>
    %dma_wait3A_51 = arith.constant 0 : i32
    %dma_wait3A_52 = tpu.memref_slice %arg10[%dma_wait3A_46, %dma_wait3A_51] : memref<2x64xi32, #tpu.memory_space<vmem>> -> memref<1x64xi32, #tpu.memory_space<vmem>>
    %dma_wait3A_53 = tpu.memref_squeeze %dma_wait3A_52 : memref<1x64xi32, #tpu.memory_space<vmem>> -> memref<64xi32, #tpu.memory_space<vmem>>
    %dma_wait3A_54 = arith.constant 0 : i32
    %dma_wait3A_55 = arith.constant 0 : i32
    %dma_wait3A_56 = tpu.memref_slice %arg15[%dma_wait3A_54, %dma_wait3A_55] : memref<10240x128xf32, #tpu.memory_space<vmem_shared>> -> memref<10240x128xf32, #tpu.memory_space<vmem_shared>>
    tpu.wait_indirect_dma semaphore(%arg19 : memref<!tpu.dma_semaphore, #tpu.memory_space<semaphore_mem>>) src(%dma_wait3A_50 : memref<64x128xf32, #tpu.memory_space<vmem>>) dst(%dma_wait3A_56 : memref<10240x128xf32, #tpu.memory_space<vmem_shared>>)
    %barrier3A_57 = arith.constant 0 : index
    tpu.barrier barrier_id(%barrier3A_57)
    %scan3A_58 = arith.constant 0 : i32
    %scan3A_59 = arith.constant 10 : i32
    %scan3A_60 = arith.addi %scan3A_58, %scan3A_59 : i32
    %scan3A_61 = arith.constant 1 : i32
    scf.for %scan3A_63 = %scan3A_58 to %scan3A_60 step %scan3A_61  : i32 {
      %mul3A_64 = arith.constant 1 : i32
      %mul3A_65 = arith.muli %scan3A_63, %mul3A_64 : i32
      %add3A_66 = arith.constant 0 : i32
      %add3A_67 = arith.addi %add3A_66, %mul3A_65 : i32
      %mul3A_68 = arith.constant 64 : i32
      %mul3A_69 = arith.muli %add3A_67, %mul3A_68 : i32
      %add3A_70 = arith.addi %mul3A_0, %mul3A_69 : i32
      %add3A_71 = arith.constant 0 : i32
      %add3A_72 = arith.addi %add3A_70, %add3A_71 : i32
      %add3A_73 = vector.broadcast %add3A_72 : i32 to vector<16xi32>
      %add3A_74 = arith.addi %iota3A, %add3A_73 : vector<16xi32>
      %swap3A = arith.constant 0 : index
      %swap3A_75 = tpu.vector_load %arg12[%swap3A] {strides = array<i32>} : memref<64xi32, #tpu.memory_space<vmem>>, vector<16xi32>,
      tpu.vector_store %arg12[%swap3A], %add3A_74 {strides = array<i32>} : memref<64xi32, #tpu.memory_space<vmem>>, vector<16xi32>,
      %mul3A_76 = arith.constant 64 : i32
      %mul3A_77 = arith.muli %add3A_67, %mul3A_76 : i32
      %add3A_78 = arith.addi %mul3A_0, %mul3A_77 : i32
      %add3A_79 = arith.constant 16 : i32
      %add3A_80 = arith.addi %add3A_78, %add3A_79 : i32
      %add3A_81 = vector.broadcast %add3A_80 : i32 to vector<16xi32>
      %add3A_82 = arith.addi %iota3A, %add3A_81 : vector<16xi32>
      %swap3A_83 = arith.constant 16 : index
      %swap3A_84 = tpu.vector_load %arg12[%swap3A_83] {strides = array<i32>} : memref<64xi32, #tpu.memory_space<vmem>>, vector<16xi32>,
      tpu.vector_store %arg12[%swap3A_83], %add3A_82 {strides = array<i32>} : memref<64xi32, #tpu.memory_space<vmem>>, vector<16xi32>,
      %mul3A_85 = arith.constant 64 : i32
      %mul3A_86 = arith.muli %add3A_67, %mul3A_85 : i32
      %add3A_87 = arith.addi %mul3A_0, %mul3A_86 : i32
      %add3A_88 = arith.constant 32 : i32
      %add3A_89 = arith.addi %add3A_87, %add3A_88 : i32
      %add3A_90 = vector.broadcast %add3A_89 : i32 to vector<16xi32>
      %add3A_91 = arith.addi %iota3A, %add3A_90 : vector<16xi32>
      %swap3A_92 = arith.constant 32 : index
      %swap3A_93 = tpu.vector_load %arg12[%swap3A_92] {strides = array<i32>} : memref<64xi32, #tpu.memory_space<vmem>>, vector<16xi32>,
      tpu.vector_store %arg12[%swap3A_92], %add3A_91 {strides = array<i32>} : memref<64xi32, #tpu.memory_space<vmem>>, vector<16xi32>,
      %mul3A_94 = arith.constant 64 : i32
      %mul3A_95 = arith.muli %add3A_67, %mul3A_94 : i32
      %add3A_96 = arith.addi %mul3A_0, %mul3A_95 : i32
      %add3A_97 = arith.constant 48 : i32
      %add3A_98 = arith.addi %add3A_96, %add3A_97 : i32
      %add3A_99 = vector.broadcast %add3A_98 : i32 to vector<16xi32>
      %add3A_100 = arith.addi %iota3A, %add3A_99 : vector<16xi32>
      %swap3A_101 = arith.constant 48 : index
      %swap3A_102 = tpu.vector_load %arg12[%swap3A_101] {strides = array<i32>} : memref<64xi32, #tpu.memory_space<vmem>>, vector<16xi32>,
      tpu.vector_store %arg12[%swap3A_101], %add3A_100 {strides = array<i32>} : memref<64xi32, #tpu.memory_space<vmem>>, vector<16xi32>,
      "tpu.region"() ({
        %run_scoped3A = tpu.sem_alloc : memref<!tpu.dma_semaphore, #tpu.memory_space<semaphore_mem>>
        %dma_start3A_113 = arith.constant 0 : i32
        %dma_start3A_114 = arith.constant 0 : i32
        %dma_start3A_115 = tpu.memref_slice %arg15[%dma_start3A_113, %dma_start3A_114] : memref<10240x128xf32, #tpu.memory_space<vmem_shared>> -> memref<10240x128xf32, #tpu.memory_space<vmem_shared>>
        tpu.enqueue_indirect_dma source(%dma_start3A_115 : memref<10240x128xf32, #tpu.memory_space<vmem_shared>>) target(%arg14 : memref<64x128xf32, #tpu.memory_space<vmem>>) offsets(%arg12 : memref<64xi32, #tpu.memory_space<vmem>>) semaphore(%run_scoped3A : memref<!tpu.dma_semaphore, #tpu.memory_space<semaphore_mem>>)
        %dma_wait3A_116 = arith.constant 0 : i32
        %dma_wait3A_117 = arith.constant 0 : i32
        %dma_wait3A_118 = tpu.memref_slice %arg15[%dma_wait3A_116, %dma_wait3A_117] : memref<10240x128xf32, #tpu.memory_space<vmem_shared>> -> memref<10240x128xf32, #tpu.memory_space<vmem_shared>>
        tpu.wait_indirect_dma semaphore(%run_scoped3A : memref<!tpu.dma_semaphore, #tpu.memory_space<semaphore_mem>>) src(%dma_wait3A_118 : memref<10240x128xf32, #tpu.memory_space<vmem_shared>>) dst(%arg14 : memref<64x128xf32, #tpu.memory_space<vmem>>)
        tpu.yield
      }) : () -> ()
      %eq3A_103 = arith.constant 0 : i32
      %eq3A_104 = arith.cmpi eq, %arg0, %eq3A_103 : i32
      %convert_element_type3A_105 = arith.extui %eq3A_104 : i1 to i32
      %cond3A_106 = arith.constant 0 : i32
      %cond3A_107 = arith.cmpi ne, %convert_element_type3A_105, %cond3A_106 : i32
      scf.if %cond3A_107 {
        "tpu.region"() ({
          %run_scoped3A = tpu.sem_alloc : memref<!tpu.dma_semaphore, #tpu.memory_space<semaphore_mem>>
          %dma_start3A_113 = arith.constant 0 : i32
          %dma_start3A_114 = arith.constant 0 : i32
          %dma_start3A_115 = tpu.memref_slice %arg7[%dma_start3A_113, %dma_start3A_114] : memref<10240x128xf32, #tpu.memory_space<hbm>> -> memref<10240x128xf32, #tpu.memory_space<hbm>>
          tpu.enqueue_indirect_dma source(%arg14 : memref<64x128xf32, #tpu.memory_space<vmem>>) target(%dma_start3A_115 : memref<10240x128xf32, #tpu.memory_space<hbm>>) offsets(%arg12 : memref<64xi32, #tpu.memory_space<vmem>>) semaphore(%run_scoped3A : memref<!tpu.dma_semaphore, #tpu.memory_space<semaphore_mem>>)
          %dma_wait3A_116 = arith.constant 0 : i32
          %dma_wait3A_117 = arith.constant 0 : i32
          %dma_wait3A_118 = tpu.memref_slice %arg7[%dma_wait3A_116, %dma_wait3A_117] : memref<10240x128xf32, #tpu.memory_space<hbm>> -> memref<10240x128xf32, #tpu.memory_space<hbm>>
          tpu.wait_indirect_dma semaphore(%run_scoped3A : memref<!tpu.dma_semaphore, #tpu.memory_space<semaphore_mem>>) src(%arg14 : memref<64x128xf32, #tpu.memory_space<vmem>>) dst(%dma_wait3A_118 : memref<10240x128xf32, #tpu.memory_space<hbm>>)
          tpu.yield
        }) : () -> ()
      } else {
      }
      %eq3A_108 = arith.constant 1 : i32
      %eq3A_109 = arith.cmpi eq, %arg0, %eq3A_108 : i32
      %convert_element_type3A_110 = arith.extui %eq3A_109 : i1 to i32
      %cond3A_111 = arith.constant 0 : i32
      %cond3A_112 = arith.cmpi ne, %convert_element_type3A_110, %cond3A_111 : i32
      scf.if %cond3A_112 {
        "tpu.region"() ({
          %run_scoped3A = tpu.sem_alloc : memref<!tpu.dma_semaphore, #tpu.memory_space<semaphore_mem>>
          %dma_start3A_113 = arith.constant 0 : i32
          %dma_start3A_114 = arith.constant 0 : i32
          %dma_start3A_115 = tpu.memref_slice %arg8[%dma_start3A_113, %dma_start3A_114] : memref<10240x128xf32, #tpu.memory_space<hbm>> -> memref<10240x128xf32, #tpu.memory_space<hbm>>
          tpu.enqueue_indirect_dma source(%arg14 : memref<64x128xf32, #tpu.memory_space<vmem>>) target(%dma_start3A_115 : memref<10240x128xf32, #tpu.memory_space<hbm>>) offsets(%arg12 : memref<64xi32, #tpu.memory_space<vmem>>) semaphore(%run_scoped3A : memref<!tpu.dma_semaphore, #tpu.memory_space<semaphore_mem>>)
          %dma_wait3A_116 = arith.constant 0 : i32
          %dma_wait3A_117 = arith.constant 0 : i32
          %dma_wait3A_118 = tpu.memref_slice %arg8[%dma_wait3A_116, %dma_wait3A_117] : memref<10240x128xf32, #tpu.memory_space<hbm>> -> memref<10240x128xf32, #tpu.memory_space<hbm>>
          tpu.wait_indirect_dma semaphore(%run_scoped3A : memref<!tpu.dma_semaphore, #tpu.memory_space<semaphore_mem>>) src(%arg14 : memref<64x128xf32, #tpu.memory_space<vmem>>) dst(%dma_wait3A_118 : memref<10240x128xf32, #tpu.memory_space<hbm>>)
          tpu.yield
        }) : () -> ()
      } else {
      }
    }
    %scan3A_62 = arith.constant 10 : i32
    return
  }
}

#map = affine_map<(d0, d1) -> (0)>
#map1 = affine_map<(d0, d1) -> (0, 0)>
module attributes {stable_mosaic.version = 14 : i64} {
  func.func @_edge_logits(%arg0: i32, %arg1: i32, %arg2: memref<172032xi32, #tpu.memory_space<hbm>>, %arg3: memref<172032xi32, #tpu.memory_space<hbm>>, %arg4: memref<10240x128xf32, #tpu.memory_space<hbm>>, %arg5: memref<10240x128xf32, #tpu.memory_space<hbm>>, %arg6: memref<10240x128xf32, #tpu.memory_space<hbm>>, %arg7: memref<10240x128xf32, #tpu.memory_space<hbm>>, %arg8: memref<256xf32, #tpu.memory_space<hbm>>, %arg9: memref<172032xf32, #tpu.memory_space<hbm>>, %arg10: memref<327680xf32, #tpu.memory_space<hbm>>, %arg11: memref<10240xf32, #tpu.memory_space<vmem>>, %arg12: memref<5376xi32, #tpu.memory_space<vmem>>, %arg13: memref<5376xi32, #tpu.memory_space<vmem>>, %arg14: memref<2x64x128xf32, #tpu.memory_space<vmem>>, %arg15: memref<2x64x128xf32, #tpu.memory_space<vmem>>, %arg16: memref<2x64x128xf32, #tpu.memory_space<vmem>>, %arg17: memref<2x64x128xf32, #tpu.memory_space<vmem>>, %arg18: memref<64x16xf32, #tpu.memory_space<vmem>>, %arg19: memref<2x64xf32, #tpu.memory_space<vmem>>, %arg20: memref<256xf32, #tpu.memory_space<vmem>>, %arg21: memref<!tpu.dma_semaphore, #tpu.memory_space<semaphore_mem>>, %arg22: memref<!tpu.dma_semaphore, #tpu.memory_space<semaphore_mem>>, %arg23: memref<!tpu.dma_semaphore, #tpu.memory_space<semaphore_mem>>, %arg24: memref<!tpu.dma_semaphore, #tpu.memory_space<semaphore_mem>>) attributes {dimension_semantics = [#tpu.dimension_semantics<core_parallel>, #tpu.dimension_semantics<subcore_parallel>], iteration_bounds = array<i64: 2, 16>, scalar_prefetch = 0 : i64, scratch_operands = 14 : i64, tpu.core_type = #tpu.core_type<sc_vector_subcore>, window_params = [{transform_indices = #map}, {transform_indices = #map}, {transform_indices = #map1}, {transform_indices = #map1}, {transform_indices = #map1}, {transform_indices = #map1}, {transform_indices = #map}, {transform_indices = #map}, {transform_indices = #map}]} {
    %mul3A = arith.constant 2 : i32
    %mul3A_0 = arith.muli %arg1, %mul3A : i32
    %add3A = arith.addi %mul3A_0, %arg0 : i32
    %mul3A_1 = arith.constant 5376 : i32
    %mul3A_2 = arith.muli %add3A, %mul3A_1 : i32
    "tpu.region"() ({
      %run_scoped3A = tpu.sem_alloc : memref<!tpu.dma_semaphore, #tpu.memory_space<semaphore_mem>>
      tpu.enqueue_dma source(%arg8 : memref<256xf32, #tpu.memory_space<hbm>>) target(%arg20 : memref<256xf32, #tpu.memory_space<vmem>>) target_semaphore(%run_scoped3A : memref<!tpu.dma_semaphore, #tpu.memory_space<semaphore_mem>>)
      tpu.wait_dma2 semaphore(%run_scoped3A : memref<!tpu.dma_semaphore, #tpu.memory_space<semaphore_mem>>) src(%arg8 : memref<256xf32, #tpu.memory_space<hbm>>) dst(%arg20 : memref<256xf32, #tpu.memory_space<vmem>>)
      tpu.yield
    }) : () -> ()
    "tpu.region"() ({
      %run_scoped3A = tpu.sem_alloc : memref<!tpu.dma_semaphore, #tpu.memory_space<semaphore_mem>>
      %dma_start3A_152 = tpu.memref_slice %arg2[%mul3A_2] : memref<172032xi32, #tpu.memory_space<hbm>> -> memref<5376xi32, #tpu.memory_space<hbm>>
      %dma_start3A_153 = tpu.memref_slice %arg2[%mul3A_2] : memref<172032xi32, #tpu.memory_space<hbm>> -> memref<5376xi32, #tpu.memory_space<hbm>>
      tpu.enqueue_dma source(%dma_start3A_153 : memref<5376xi32, #tpu.memory_space<hbm>>) target(%arg12 : memref<5376xi32, #tpu.memory_space<vmem>>) target_semaphore(%run_scoped3A : memref<!tpu.dma_semaphore, #tpu.memory_space<semaphore_mem>>)
      %dma_wait3A_154 = tpu.memref_slice %arg2[%mul3A_2] : memref<172032xi32, #tpu.memory_space<hbm>> -> memref<5376xi32, #tpu.memory_space<hbm>>
      %dma_wait3A_155 = tpu.memref_slice %arg2[%mul3A_2] : memref<172032xi32, #tpu.memory_space<hbm>> -> memref<5376xi32, #tpu.memory_space<hbm>>
      tpu.wait_dma2 semaphore(%run_scoped3A : memref<!tpu.dma_semaphore, #tpu.memory_space<semaphore_mem>>) src(%dma_wait3A_155 : memref<5376xi32, #tpu.memory_space<hbm>>) dst(%arg12 : memref<5376xi32, #tpu.memory_space<vmem>>)
      tpu.yield
    }) : () -> ()
    "tpu.region"() ({
      %run_scoped3A = tpu.sem_alloc : memref<!tpu.dma_semaphore, #tpu.memory_space<semaphore_mem>>
      %dma_start3A_152 = tpu.memref_slice %arg3[%mul3A_2] : memref<172032xi32, #tpu.memory_space<hbm>> -> memref<5376xi32, #tpu.memory_space<hbm>>
      %dma_start3A_153 = tpu.memref_slice %arg3[%mul3A_2] : memref<172032xi32, #tpu.memory_space<hbm>> -> memref<5376xi32, #tpu.memory_space<hbm>>
      tpu.enqueue_dma source(%dma_start3A_153 : memref<5376xi32, #tpu.memory_space<hbm>>) target(%arg13 : memref<5376xi32, #tpu.memory_space<vmem>>) target_semaphore(%run_scoped3A : memref<!tpu.dma_semaphore, #tpu.memory_space<semaphore_mem>>)
      %dma_wait3A_154 = tpu.memref_slice %arg3[%mul3A_2] : memref<172032xi32, #tpu.memory_space<hbm>> -> memref<5376xi32, #tpu.memory_space<hbm>>
      %dma_wait3A_155 = tpu.memref_slice %arg3[%mul3A_2] : memref<172032xi32, #tpu.memory_space<hbm>> -> memref<5376xi32, #tpu.memory_space<hbm>>
      tpu.wait_dma2 semaphore(%run_scoped3A : memref<!tpu.dma_semaphore, #tpu.memory_space<semaphore_mem>>) src(%dma_wait3A_155 : memref<5376xi32, #tpu.memory_space<hbm>>) dst(%arg13 : memref<5376xi32, #tpu.memory_space<vmem>>)
      tpu.yield
    }) : () -> ()
    %get3A = arith.constant 0 : index
    %get3A_3 = tpu.vector_load %arg20[%get3A] {strides = array<i32>} : memref<256xf32, #tpu.memory_space<vmem>>, vector<16xf32>,
    %get3A_4 = arith.constant 16 : index
    %get3A_5 = tpu.vector_load %arg20[%get3A_4] {strides = array<i32>} : memref<256xf32, #tpu.memory_space<vmem>>, vector<16xf32>,
    %get3A_6 = arith.constant 32 : index
    %get3A_7 = tpu.vector_load %arg20[%get3A_6] {strides = array<i32>} : memref<256xf32, #tpu.memory_space<vmem>>, vector<16xf32>,
    %get3A_8 = arith.constant 48 : index
    %get3A_9 = tpu.vector_load %arg20[%get3A_8] {strides = array<i32>} : memref<256xf32, #tpu.memory_space<vmem>>, vector<16xf32>,
    %get3A_10 = arith.constant 64 : index
    %get3A_11 = tpu.vector_load %arg20[%get3A_10] {strides = array<i32>} : memref<256xf32, #tpu.memory_space<vmem>>, vector<16xf32>,
    %get3A_12 = arith.constant 80 : index
    %get3A_13 = tpu.vector_load %arg20[%get3A_12] {strides = array<i32>} : memref<256xf32, #tpu.memory_space<vmem>>, vector<16xf32>,
    %get3A_14 = arith.constant 96 : index
    %get3A_15 = tpu.vector_load %arg20[%get3A_14] {strides = array<i32>} : memref<256xf32, #tpu.memory_space<vmem>>, vector<16xf32>,
    %get3A_16 = arith.constant 112 : index
    %get3A_17 = tpu.vector_load %arg20[%get3A_16] {strides = array<i32>} : memref<256xf32, #tpu.memory_space<vmem>>, vector<16xf32>,
    %get3A_18 = arith.constant 128 : index
    %get3A_19 = tpu.vector_load %arg20[%get3A_18] {strides = array<i32>} : memref<256xf32, #tpu.memory_space<vmem>>, vector<16xf32>,
    %get3A_20 = arith.constant 144 : index
    %get3A_21 = tpu.vector_load %arg20[%get3A_20] {strides = array<i32>} : memref<256xf32, #tpu.memory_space<vmem>>, vector<16xf32>,
    %get3A_22 = arith.constant 160 : index
    %get3A_23 = tpu.vector_load %arg20[%get3A_22] {strides = array<i32>} : memref<256xf32, #tpu.memory_space<vmem>>, vector<16xf32>,
    %get3A_24 = arith.constant 176 : index
    %get3A_25 = tpu.vector_load %arg20[%get3A_24] {strides = array<i32>} : memref<256xf32, #tpu.memory_space<vmem>>, vector<16xf32>,
    %get3A_26 = arith.constant 192 : index
    %get3A_27 = tpu.vector_load %arg20[%get3A_26] {strides = array<i32>} : memref<256xf32, #tpu.memory_space<vmem>>, vector<16xf32>,
    %get3A_28 = arith.constant 208 : index
    %get3A_29 = tpu.vector_load %arg20[%get3A_28] {strides = array<i32>} : memref<256xf32, #tpu.memory_space<vmem>>, vector<16xf32>,
    %get3A_30 = arith.constant 224 : index
    %get3A_31 = tpu.vector_load %arg20[%get3A_30] {strides = array<i32>} : memref<256xf32, #tpu.memory_space<vmem>>, vector<16xf32>,
    %get3A_32 = arith.constant 240 : index
    %get3A_33 = tpu.vector_load %arg20[%get3A_32] {strides = array<i32>} : memref<256xf32, #tpu.memory_space<vmem>>, vector<16xf32>,
    %iota3A = tpu.iota {dimensions = array<i32: 0>} : vector<16xi32>
    %eq3A = arith.constant 0 : i32
    %eq3A_34 = vector.broadcast %eq3A : i32 to vector<16xi32>
    %eq3A_35 = arith.cmpi eq, %iota3A, %eq3A_34 : vector<16xi32>
    %eq3A_36 = arith.constant 1 : i32
    %eq3A_37 = vector.broadcast %eq3A_36 : i32 to vector<16xi32>
    %eq3A_38 = arith.cmpi eq, %iota3A, %eq3A_37 : vector<16xi32>
    %eq3A_39 = arith.constant 2 : i32
    %eq3A_40 = vector.broadcast %eq3A_39 : i32 to vector<16xi32>
    %eq3A_41 = arith.cmpi eq, %iota3A, %eq3A_40 : vector<16xi32>
    %eq3A_42 = arith.constant 3 : i32
    %eq3A_43 = vector.broadcast %eq3A_42 : i32 to vector<16xi32>
    %eq3A_44 = arith.cmpi eq, %iota3A, %eq3A_43 : vector<16xi32>
    %eq3A_45 = arith.constant 4 : i32
    %eq3A_46 = vector.broadcast %eq3A_45 : i32 to vector<16xi32>
    %eq3A_47 = arith.cmpi eq, %iota3A, %eq3A_46 : vector<16xi32>
    %eq3A_48 = arith.constant 5 : i32
    %eq3A_49 = vector.broadcast %eq3A_48 : i32 to vector<16xi32>
    %eq3A_50 = arith.cmpi eq, %iota3A, %eq3A_49 : vector<16xi32>
    %eq3A_51 = arith.constant 6 : i32
    %eq3A_52 = vector.broadcast %eq3A_51 : i32 to vector<16xi32>
    %eq3A_53 = arith.cmpi eq, %iota3A, %eq3A_52 : vector<16xi32>
    %eq3A_54 = arith.constant 7 : i32
    %eq3A_55 = vector.broadcast %eq3A_54 : i32 to vector<16xi32>
    %eq3A_56 = arith.cmpi eq, %iota3A, %eq3A_55 : vector<16xi32>
    %eq3A_57 = arith.constant 8 : i32
    %eq3A_58 = vector.broadcast %eq3A_57 : i32 to vector<16xi32>
    %eq3A_59 = arith.cmpi eq, %iota3A, %eq3A_58 : vector<16xi32>
    %eq3A_60 = arith.constant 9 : i32
    %eq3A_61 = vector.broadcast %eq3A_60 : i32 to vector<16xi32>
    %eq3A_62 = arith.cmpi eq, %iota3A, %eq3A_61 : vector<16xi32>
    %eq3A_63 = arith.constant 10 : i32
    %eq3A_64 = vector.broadcast %eq3A_63 : i32 to vector<16xi32>
    %eq3A_65 = arith.cmpi eq, %iota3A, %eq3A_64 : vector<16xi32>
    %eq3A_66 = arith.constant 11 : i32
    %eq3A_67 = vector.broadcast %eq3A_66 : i32 to vector<16xi32>
    %eq3A_68 = arith.cmpi eq, %iota3A, %eq3A_67 : vector<16xi32>
    %eq3A_69 = arith.constant 12 : i32
    %eq3A_70 = vector.broadcast %eq3A_69 : i32 to vector<16xi32>
    %eq3A_71 = arith.cmpi eq, %iota3A, %eq3A_70 : vector<16xi32>
    %eq3A_72 = arith.constant 13 : i32
    %eq3A_73 = vector.broadcast %eq3A_72 : i32 to vector<16xi32>
    %eq3A_74 = arith.cmpi eq, %iota3A, %eq3A_73 : vector<16xi32>
    %eq3A_75 = arith.constant 14 : i32
    %eq3A_76 = vector.broadcast %eq3A_75 : i32 to vector<16xi32>
    %eq3A_77 = arith.cmpi eq, %iota3A, %eq3A_76 : vector<16xi32>
    %eq3A_78 = arith.constant 15 : i32
    %eq3A_79 = vector.broadcast %eq3A_78 : i32 to vector<16xi32>
    %eq3A_80 = arith.cmpi eq, %iota3A, %eq3A_79 : vector<16xi32>
    %scan3A = arith.constant 0 : i32
    %scan3A_81 = arith.constant 640 : i32
    %scan3A_82 = arith.addi %scan3A, %scan3A_81 : i32
    %scan3A_83 = arith.constant 1 : i32
    scf.for %scan3A_152 = %scan3A to %scan3A_82 step %scan3A_83  : i32 {
      %mul3A_153 = arith.constant 1 : i32
      %mul3A_154 = arith.muli %scan3A_152, %mul3A_153 : i32
      %add3A_155 = arith.constant 0 : i32
      %add3A_156 = arith.addi %add3A_155, %mul3A_154 : i32
      %broadcast_in_dim3A = arith.constant 0.000000e+00 : f32
      %broadcast_in_dim3A_157 = vector.broadcast %broadcast_in_dim3A : f32 to vector<16xf32>
      %mul3A_158 = arith.constant 16 : i32
      %mul3A_159 = arith.muli %add3A_156, %mul3A_158 : i32
      %swap3A = arith.index_cast %mul3A_159 : i32 to index
      %swap3A_160 = tpu.vector_load %arg11[%swap3A] {strides = array<i32>} : memref<10240xf32, #tpu.memory_space<vmem>>, vector<16xf32>,
      tpu.vector_store %arg11[%swap3A], %broadcast_in_dim3A_157 {strides = array<i32>} : memref<10240xf32, #tpu.memory_space<vmem>>, vector<16xf32>,
    }
    %scan3A_84 = arith.constant 640 : i32
    %dma_start3A = arith.constant 0 : i32
    %dma_start3A_85 = arith.constant 0 : i32
    %dma_start3A_86 = arith.constant 0 : i32
    %dma_start3A_87 = tpu.memref_slice %arg14[%dma_start3A, %dma_start3A_85, %dma_start3A_86] : memref<2x64x128xf32, #tpu.memory_space<vmem>> -> memref<1x64x128xf32, #tpu.memory_space<vmem>>
    %dma_start3A_88 = tpu.memref_squeeze %dma_start3A_87 : memref<1x64x128xf32, #tpu.memory_space<vmem>> -> memref<64x128xf32, #tpu.memory_space<vmem>>
    %dma_start3A_89 = arith.constant 0 : i32
    %dma_start3A_90 = tpu.memref_slice %arg12[%dma_start3A_89] : memref<5376xi32, #tpu.memory_space<vmem>> -> memref<64xi32, #tpu.memory_space<vmem>>
    %dma_start3A_91 = arith.constant 0 : i32
    %dma_start3A_92 = arith.constant 0 : i32
    %dma_start3A_93 = tpu.memref_slice %arg4[%dma_start3A_91, %dma_start3A_92] : memref<10240x128xf32, #tpu.memory_space<hbm>> -> memref<10240x128xf32, #tpu.memory_space<hbm>>
    tpu.enqueue_indirect_dma source(%dma_start3A_93 : memref<10240x128xf32, #tpu.memory_space<hbm>>) target(%dma_start3A_88 : memref<64x128xf32, #tpu.memory_space<vmem>>) offsets(%dma_start3A_90 : memref<64xi32, #tpu.memory_space<vmem>>) semaphore(%arg21 : memref<!tpu.dma_semaphore, #tpu.memory_space<semaphore_mem>>)
    %dma_start3A_94 = arith.constant 0 : i32
    %dma_start3A_95 = arith.constant 0 : i32
    %dma_start3A_96 = arith.constant 0 : i32
    %dma_start3A_97 = tpu.memref_slice %arg15[%dma_start3A_94, %dma_start3A_95, %dma_start3A_96] : memref<2x64x128xf32, #tpu.memory_space<vmem>> -> memref<1x64x128xf32, #tpu.memory_space<vmem>>
    %dma_start3A_98 = tpu.memref_squeeze %dma_start3A_97 : memref<1x64x128xf32, #tpu.memory_space<vmem>> -> memref<64x128xf32, #tpu.memory_space<vmem>>
    %dma_start3A_99 = arith.constant 0 : i32
    %dma_start3A_100 = tpu.memref_slice %arg12[%dma_start3A_99] : memref<5376xi32, #tpu.memory_space<vmem>> -> memref<64xi32, #tpu.memory_space<vmem>>
    %dma_start3A_101 = arith.constant 0 : i32
    %dma_start3A_102 = arith.constant 0 : i32
    %dma_start3A_103 = tpu.memref_slice %arg5[%dma_start3A_101, %dma_start3A_102] : memref<10240x128xf32, #tpu.memory_space<hbm>> -> memref<10240x128xf32, #tpu.memory_space<hbm>>
    tpu.enqueue_indirect_dma source(%dma_start3A_103 : memref<10240x128xf32, #tpu.memory_space<hbm>>) target(%dma_start3A_98 : memref<64x128xf32, #tpu.memory_space<vmem>>) offsets(%dma_start3A_100 : memref<64xi32, #tpu.memory_space<vmem>>) semaphore(%arg21 : memref<!tpu.dma_semaphore, #tpu.memory_space<semaphore_mem>>)
    %dma_start3A_104 = arith.constant 0 : i32
    %dma_start3A_105 = arith.constant 0 : i32
    %dma_start3A_106 = arith.constant 0 : i32
    %dma_start3A_107 = tpu.memref_slice %arg16[%dma_start3A_104, %dma_start3A_105, %dma_start3A_106] : memref<2x64x128xf32, #tpu.memory_space<vmem>> -> memref<1x64x128xf32, #tpu.memory_space<vmem>>
    %dma_start3A_108 = tpu.memref_squeeze %dma_start3A_107 : memref<1x64x128xf32, #tpu.memory_space<vmem>> -> memref<64x128xf32, #tpu.memory_space<vmem>>
    %dma_start3A_109 = arith.constant 0 : i32
    %dma_start3A_110 = tpu.memref_slice %arg13[%dma_start3A_109] : memref<5376xi32, #tpu.memory_space<vmem>> -> memref<64xi32, #tpu.memory_space<vmem>>
    %dma_start3A_111 = arith.constant 0 : i32
    %dma_start3A_112 = arith.constant 0 : i32
    %dma_start3A_113 = tpu.memref_slice %arg6[%dma_start3A_111, %dma_start3A_112] : memref<10240x128xf32, #tpu.memory_space<hbm>> -> memref<10240x128xf32, #tpu.memory_space<hbm>>
    tpu.enqueue_indirect_dma source(%dma_start3A_113 : memref<10240x128xf32, #tpu.memory_space<hbm>>) target(%dma_start3A_108 : memref<64x128xf32, #tpu.memory_space<vmem>>) offsets(%dma_start3A_110 : memref<64xi32, #tpu.memory_space<vmem>>) semaphore(%arg21 : memref<!tpu.dma_semaphore, #tpu.memory_space<semaphore_mem>>)
    %dma_start3A_114 = arith.constant 0 : i32
    %dma_start3A_115 = arith.constant 0 : i32
    %dma_start3A_116 = arith.constant 0 : i32
    %dma_start3A_117 = tpu.memref_slice %arg17[%dma_start3A_114, %dma_start3A_115, %dma_start3A_116] : memref<2x64x128xf32, #tpu.memory_space<vmem>> -> memref<1x64x128xf32, #tpu.memory_space<vmem>>
    %dma_start3A_118 = tpu.memref_squeeze %dma_start3A_117 : memref<1x64x128xf32, #tpu.memory_space<vmem>> -> memref<64x128xf32, #tpu.memory_space<vmem>>
    %dma_start3A_119 = arith.constant 0 : i32
    %dma_start3A_120 = tpu.memref_slice %arg13[%dma_start3A_119] : memref<5376xi32, #tpu.memory_space<vmem>> -> memref<64xi32, #tpu.memory_space<vmem>>
    %dma_start3A_121 = arith.constant 0 : i32
    %dma_start3A_122 = arith.constant 0 : i32
    %dma_start3A_123 = tpu.memref_slice %arg7[%dma_start3A_121, %dma_start3A_122] : memref<10240x128xf32, #tpu.memory_space<hbm>> -> memref<10240x128xf32, #tpu.memory_space<hbm>>
    tpu.enqueue_indirect_dma source(%dma_start3A_123 : memref<10240x128xf32, #tpu.memory_space<hbm>>) target(%dma_start3A_118 : memref<64x128xf32, #tpu.memory_space<vmem>>) offsets(%dma_start3A_120 : memref<64xi32, #tpu.memory_space<vmem>>) semaphore(%arg21 : memref<!tpu.dma_semaphore, #tpu.memory_space<semaphore_mem>>)
    %scan3A_124 = arith.constant 0 : i32
    %scan3A_125 = arith.constant 42 : i32
    %scan3A_126 = arith.addi %scan3A_124, %scan3A_125 : i32
    %scan3A_127 = arith.constant 1 : i32
    scf.for %scan3A_152 = %scan3A_124 to %scan3A_126 step %scan3A_127  : i32 {
      %mul3A_153 = arith.constant 2 : i32
      %mul3A_154 = arith.muli %scan3A_152, %mul3A_153 : i32
      %add3A_155 = arith.constant 0 : i32
      %add3A_156 = arith.addi %add3A_155, %mul3A_154 : i32
      %add3A_157 = arith.constant 1 : i32
      %add3A_158 = arith.addi %add3A_156, %add3A_157 : i32
      %mul3A_159 = arith.constant 64 : i32
      %mul3A_160 = arith.muli %add3A_158, %mul3A_159 : i32
      %dma_start3A_161 = arith.constant 1 : i32
      %dma_start3A_162 = arith.constant 0 : i32
      %dma_start3A_163 = arith.constant 0 : i32
      %dma_start3A_164 = tpu.memref_slice %arg14[%dma_start3A_161, %dma_start3A_162, %dma_start3A_163] : memref<2x64x128xf32, #tpu.memory_space<vmem>> -> memref<1x64x128xf32, #tpu.memory_space<vmem>>
      %dma_start3A_165 = tpu.memref_squeeze %dma_start3A_164 : memref<1x64x128xf32, #tpu.memory_space<vmem>> -> memref<64x128xf32, #tpu.memory_space<vmem>>
      %dma_start3A_166 = tpu.memref_slice %arg12[%mul3A_160] : memref<5376xi32, #tpu.memory_space<vmem>> -> memref<64xi32, #tpu.memory_space<vmem>>
      %dma_start3A_167 = arith.constant 0 : i32
      %dma_start3A_168 = arith.constant 0 : i32
      %dma_start3A_169 = tpu.memref_slice %arg4[%dma_start3A_167, %dma_start3A_168] : memref<10240x128xf32, #tpu.memory_space<hbm>> -> memref<10240x128xf32, #tpu.memory_space<hbm>>
      tpu.enqueue_indirect_dma source(%dma_start3A_169 : memref<10240x128xf32, #tpu.memory_space<hbm>>) target(%dma_start3A_165 : memref<64x128xf32, #tpu.memory_space<vmem>>) offsets(%dma_start3A_166 : memref<64xi32, #tpu.memory_space<vmem>>) semaphore(%arg22 : memref<!tpu.dma_semaphore, #tpu.memory_space<semaphore_mem>>)
      %dma_start3A_170 = arith.constant 1 : i32
      %dma_start3A_171 = arith.constant 0 : i32
      %dma_start3A_172 = arith.constant 0 : i32
      %dma_start3A_173 = tpu.memref_slice %arg15[%dma_start3A_170, %dma_start3A_171, %dma_start3A_172] : memref<2x64x128xf32, #tpu.memory_space<vmem>> -> memref<1x64x128xf32, #tpu.memory_space<vmem>>
      %dma_start3A_174 = tpu.memref_squeeze %dma_start3A_173 : memref<1x64x128xf32, #tpu.memory_space<vmem>> -> memref<64x128xf32, #tpu.memory_space<vmem>>
      %dma_start3A_175 = tpu.memref_slice %arg12[%mul3A_160] : memref<5376xi32, #tpu.memory_space<vmem>> -> memref<64xi32, #tpu.memory_space<vmem>>
      %dma_start3A_176 = arith.constant 0 : i32
      %dma_start3A_177 = arith.constant 0 : i32
      %dma_start3A_178 = tpu.memref_slice %arg5[%dma_start3A_176, %dma_start3A_177] : memref<10240x128xf32, #tpu.memory_space<hbm>> -> memref<10240x128xf32, #tpu.memory_space<hbm>>
      tpu.enqueue_indirect_dma source(%dma_start3A_178 : memref<10240x128xf32, #tpu.memory_space<hbm>>) target(%dma_start3A_174 : memref<64x128xf32, #tpu.memory_space<vmem>>) offsets(%dma_start3A_175 : memref<64xi32, #tpu.memory_space<vmem>>) semaphore(%arg22 : memref<!tpu.dma_semaphore, #tpu.memory_space<semaphore_mem>>)
      %dma_start3A_179 = arith.constant 1 : i32
      %dma_start3A_180 = arith.constant 0 : i32
      %dma_start3A_181 = arith.constant 0 : i32
      %dma_start3A_182 = tpu.memref_slice %arg16[%dma_start3A_179, %dma_start3A_180, %dma_start3A_181] : memref<2x64x128xf32, #tpu.memory_space<vmem>> -> memref<1x64x128xf32, #tpu.memory_space<vmem>>
      %dma_start3A_183 = tpu.memref_squeeze %dma_start3A_182 : memref<1x64x128xf32, #tpu.memory_space<vmem>> -> memref<64x128xf32, #tpu.memory_space<vmem>>
      %dma_start3A_184 = tpu.memref_slice %arg13[%mul3A_160] : memref<5376xi32, #tpu.memory_space<vmem>> -> memref<64xi32, #tpu.memory_space<vmem>>
      %dma_start3A_185 = arith.constant 0 : i32
      %dma_start3A_186 = arith.constant 0 : i32
      %dma_start3A_187 = tpu.memref_slice %arg6[%dma_start3A_185, %dma_start3A_186] : memref<10240x128xf32, #tpu.memory_space<hbm>> -> memref<10240x128xf32, #tpu.memory_space<hbm>>
      tpu.enqueue_indirect_dma source(%dma_start3A_187 : memref<10240x128xf32, #tpu.memory_space<hbm>>) target(%dma_start3A_183 : memref<64x128xf32, #tpu.memory_space<vmem>>) offsets(%dma_start3A_184 : memref<64xi32, #tpu.memory_space<vmem>>) semaphore(%arg22 : memref<!tpu.dma_semaphore, #tpu.memory_space<semaphore_mem>>)
      %dma_start3A_188 = arith.constant 1 : i32
      %dma_start3A_189 = arith.constant 0 : i32
      %dma_start3A_190 = arith.constant 0 : i32
      %dma_start3A_191 = tpu.memref_slice %arg17[%dma_start3A_188, %dma_start3A_189, %dma_start3A_190] : memref<2x64x128xf32, #tpu.memory_space<vmem>> -> memref<1x64x128xf32, #tpu.memory_space<vmem>>
      %dma_start3A_192 = tpu.memref_squeeze %dma_start3A_191 : memref<1x64x128xf32, #tpu.memory_space<vmem>> -> memref<64x128xf32, #tpu.memory_space<vmem>>
      %dma_start3A_193 = tpu.memref_slice %arg13[%mul3A_160] : memref<5376xi32, #tpu.memory_space<vmem>> -> memref<64xi32, #tpu.memory_space<vmem>>
      %dma_start3A_194 = arith.constant 0 : i32
      %dma_start3A_195 = arith.constant 0 : i32
      %dma_start3A_196 = tpu.memref_slice %arg7[%dma_start3A_194, %dma_start3A_195] : memref<10240x128xf32, #tpu.memory_space<hbm>> -> memref<10240x128xf32, #tpu.memory_space<hbm>>
      tpu.enqueue_indirect_dma source(%dma_start3A_196 : memref<10240x128xf32, #tpu.memory_space<hbm>>) target(%dma_start3A_192 : memref<64x128xf32, #tpu.memory_space<vmem>>) offsets(%dma_start3A_193 : memref<64xi32, #tpu.memory_space<vmem>>) semaphore(%arg22 : memref<!tpu.dma_semaphore, #tpu.memory_space<semaphore_mem>>)
      %mul3A_197 = arith.constant 64 : i32
      %mul3A_198 = arith.muli %add3A_156, %mul3A_197 : i32
      %dma_wait3A_199 = arith.constant 0 : i32
      %dma_wait3A_200 = arith.constant 0 : i32
      %dma_wait3A_201 = arith.constant 0 : i32
      %dma_wait3A_202 = tpu.memref_slice %arg14[%dma_wait3A_199, %dma_wait3A_200, %dma_wait3A_201] : memref<2x64x128xf32, #tpu.memory_space<vmem>> -> memref<1x64x128xf32, #tpu.memory_space<vmem>>
      %dma_wait3A_203 = tpu.memref_squeeze %dma_wait3A_202 : memref<1x64x128xf32, #tpu.memory_space<vmem>> -> memref<64x128xf32, #tpu.memory_space<vmem>>
      %dma_wait3A_204 = tpu.memref_slice %arg12[%mul3A_198] : memref<5376xi32, #tpu.memory_space<vmem>> -> memref<64xi32, #tpu.memory_space<vmem>>
      %dma_wait3A_205 = arith.constant 0 : i32
      %dma_wait3A_206 = arith.constant 0 : i32
      %dma_wait3A_207 = tpu.memref_slice %arg4[%dma_wait3A_205, %dma_wait3A_206] : memref<10240x128xf32, #tpu.memory_space<hbm>> -> memref<10240x128xf32, #tpu.memory_space<hbm>>
      tpu.wait_indirect_dma semaphore(%arg21 : memref<!tpu.dma_semaphore, #tpu.memory_space<semaphore_mem>>) src(%dma_wait3A_207 : memref<10240x128xf32, #tpu.memory_space<hbm>>) dst(%dma_wait3A_203 : memref<64x128xf32, #tpu.memory_space<vmem>>)
      %dma_wait3A_208 = arith.constant 0 : i32
      %dma_wait3A_209 = arith.constant 0 : i32
      %dma_wait3A_210 = arith.constant 0 : i32
      %dma_wait3A_211 = tpu.memref_slice %arg15[%dma_wait3A_208, %dma_wait3A_209, %dma_wait3A_210] : memref<2x64x128xf32, #tpu.memory_space<vmem>> -> memref<1x64x128xf32, #tpu.memory_space<vmem>>
      %dma_wait3A_212 = tpu.memref_squeeze %dma_wait3A_211 : memref<1x64x128xf32, #tpu.memory_space<vmem>> -> memref<64x128xf32, #tpu.memory_space<vmem>>
      %dma_wait3A_213 = tpu.memref_slice %arg12[%mul3A_198] : memref<5376xi32, #tpu.memory_space<vmem>> -> memref<64xi32, #tpu.memory_space<vmem>>
      %dma_wait3A_214 = arith.constant 0 : i32
      %dma_wait3A_215 = arith.constant 0 : i32
      %dma_wait3A_216 = tpu.memref_slice %arg5[%dma_wait3A_214, %dma_wait3A_215] : memref<10240x128xf32, #tpu.memory_space<hbm>> -> memref<10240x128xf32, #tpu.memory_space<hbm>>
      tpu.wait_indirect_dma semaphore(%arg21 : memref<!tpu.dma_semaphore, #tpu.memory_space<semaphore_mem>>) src(%dma_wait3A_216 : memref<10240x128xf32, #tpu.memory_space<hbm>>) dst(%dma_wait3A_212 : memref<64x128xf32, #tpu.memory_space<vmem>>)
      %dma_wait3A_217 = arith.constant 0 : i32
      %dma_wait3A_218 = arith.constant 0 : i32
      %dma_wait3A_219 = arith.constant 0 : i32
      %dma_wait3A_220 = tpu.memref_slice %arg16[%dma_wait3A_217, %dma_wait3A_218, %dma_wait3A_219] : memref<2x64x128xf32, #tpu.memory_space<vmem>> -> memref<1x64x128xf32, #tpu.memory_space<vmem>>
      %dma_wait3A_221 = tpu.memref_squeeze %dma_wait3A_220 : memref<1x64x128xf32, #tpu.memory_space<vmem>> -> memref<64x128xf32, #tpu.memory_space<vmem>>
      %dma_wait3A_222 = tpu.memref_slice %arg13[%mul3A_198] : memref<5376xi32, #tpu.memory_space<vmem>> -> memref<64xi32, #tpu.memory_space<vmem>>
      %dma_wait3A_223 = arith.constant 0 : i32
      %dma_wait3A_224 = arith.constant 0 : i32
      %dma_wait3A_225 = tpu.memref_slice %arg6[%dma_wait3A_223, %dma_wait3A_224] : memref<10240x128xf32, #tpu.memory_space<hbm>> -> memref<10240x128xf32, #tpu.memory_space<hbm>>
      tpu.wait_indirect_dma semaphore(%arg21 : memref<!tpu.dma_semaphore, #tpu.memory_space<semaphore_mem>>) src(%dma_wait3A_225 : memref<10240x128xf32, #tpu.memory_space<hbm>>) dst(%dma_wait3A_221 : memref<64x128xf32, #tpu.memory_space<vmem>>)
      %dma_wait3A_226 = arith.constant 0 : i32
      %dma_wait3A_227 = arith.constant 0 : i32
      %dma_wait3A_228 = arith.constant 0 : i32
      %dma_wait3A_229 = tpu.memref_slice %arg17[%dma_wait3A_226, %dma_wait3A_227, %dma_wait3A_228] : memref<2x64x128xf32, #tpu.memory_space<vmem>> -> memref<1x64x128xf32, #tpu.memory_space<vmem>>
      %dma_wait3A_230 = tpu.memref_squeeze %dma_wait3A_229 : memref<1x64x128xf32, #tpu.memory_space<vmem>> -> memref<64x128xf32, #tpu.memory_space<vmem>>
      %dma_wait3A_231 = tpu.memref_slice %arg13[%mul3A_198] : memref<5376xi32, #tpu.memory_space<vmem>> -> memref<64xi32, #tpu.memory_space<vmem>>
      %dma_wait3A_232 = arith.constant 0 : i32
      %dma_wait3A_233 = arith.constant 0 : i32
      %dma_wait3A_234 = tpu.memref_slice %arg7[%dma_wait3A_232, %dma_wait3A_233] : memref<10240x128xf32, #tpu.memory_space<hbm>> -> memref<10240x128xf32, #tpu.memory_space<hbm>>
      tpu.wait_indirect_dma semaphore(%arg21 : memref<!tpu.dma_semaphore, #tpu.memory_space<semaphore_mem>>) src(%dma_wait3A_234 : memref<10240x128xf32, #tpu.memory_space<hbm>>) dst(%dma_wait3A_230 : memref<64x128xf32, #tpu.memory_space<vmem>>)
      %ge3A = arith.constant 2 : i32
      %ge3A_235 = arith.cmpi sge, %add3A_156, %ge3A : i32
      %convert_element_type3A = arith.extui %ge3A_235 : i1 to i32
      %cond3A = arith.constant 0 : i32
      %cond3A_236 = arith.cmpi ne, %convert_element_type3A, %cond3A : i32
      scf.if %cond3A_236 {
        %sub3A = arith.constant 2 : i32
        %sub3A_1017 = arith.subi %add3A_156, %sub3A : i32
        %mul3A_1018 = arith.constant 64 : i32
        %mul3A_1019 = arith.muli %sub3A_1017, %mul3A_1018 : i32
        %add3A_1020 = arith.addi %mul3A_2, %mul3A_1019 : i32
        %dma_wait3A_1021 = arith.constant 0 : i32
        %dma_wait3A_1022 = arith.constant 0 : i32
        %dma_wait3A_1023 = tpu.memref_slice %arg19[%dma_wait3A_1021, %dma_wait3A_1022] : memref<2x64xf32, #tpu.memory_space<vmem>> -> memref<1x64xf32, #tpu.memory_space<vmem>>
        %dma_wait3A_1024 = tpu.memref_squeeze %dma_wait3A_1023 : memref<1x64xf32, #tpu.memory_space<vmem>> -> memref<64xf32, #tpu.memory_space<vmem>>
        %dma_wait3A_1025 = tpu.memref_slice %arg9[%add3A_1020] : memref<172032xf32, #tpu.memory_space<hbm>> -> memref<64xf32, #tpu.memory_space<hbm>>
        %dma_wait3A_1026 = tpu.memref_slice %arg9[%add3A_1020] : memref<172032xf32, #tpu.memory_space<hbm>> -> memref<64xf32, #tpu.memory_space<hbm>>
        %dma_wait3A_1027 = arith.constant 0 : i32
        %dma_wait3A_1028 = tpu.memref_slice %arg19[%dma_wait3A_1021, %dma_wait3A_1027] : memref<2x64xf32, #tpu.memory_space<vmem>> -> memref<1x64xf32, #tpu.memory_space<vmem>>
        %dma_wait3A_1029 = tpu.memref_squeeze %dma_wait3A_1028 : memref<1x64xf32, #tpu.memory_space<vmem>> -> memref<64xf32, #tpu.memory_space<vmem>>
        tpu.wait_dma2 semaphore(%arg23 : memref<!tpu.dma_semaphore, #tpu.memory_space<semaphore_mem>>) src(%dma_wait3A_1029 : memref<64xf32, #tpu.memory_space<vmem>>) dst(%dma_wait3A_1026 : memref<64xf32, #tpu.memory_space<hbm>>)
      } else {
      }
      %mul3A_237 = arith.constant 64 : i32
      %mul3A_238 = arith.muli %add3A_156, %mul3A_237 : i32
      %parallel_loop3A = arith.constant 0 : i32
      %parallel_loop3A_239 = arith.constant 64 : i32
      %parallel_loop3A_240 = arith.constant 1 : i32
      %parallel_loop3A_241 = arith.constant 0 : i32
      %parallel_loop3A_242 = arith.constant 0 : i32
      %parallel_loop3A_243 = arith.constant 0 : i32
      %parallel_loop3A_244 = arith.constant 0 : i32
      scf.for %parallel_loop3A_1017 = %parallel_loop3A to %parallel_loop3A_239 step %parallel_loop3A_240  : i32 {
        %parallel_loop3A_1018 = arith.constant 0.000000e+00 : f32
        %parallel_loop3A_1019 = vector.broadcast %parallel_loop3A_1018 : f32 to vector<16xf32>
        %parallel_loop3A_1020 = arith.constant 0 : i32
        %parallel_loop3A_1021 = arith.constant 0 : i32
        %parallel_loop3A_1022 = tpu.memref_slice %arg14[%parallel_loop3A_241, %parallel_loop3A_1020, %parallel_loop3A_1021] : memref<2x64x128xf32, #tpu.memory_space<vmem>> -> memref<1x64x128xf32, #tpu.memory_space<vmem>>
        %parallel_loop3A_1023 = tpu.memref_squeeze %parallel_loop3A_1022 : memref<1x64x128xf32, #tpu.memory_space<vmem>> -> memref<64x128xf32, #tpu.memory_space<vmem>>
        %parallel_loop3A_1024 = arith.index_cast %parallel_loop3A_1017 : i32 to index
        %parallel_loop3A_1025 = arith.constant 0 : index
        %parallel_loop3A_1026 = tpu.vector_load %parallel_loop3A_1023[%parallel_loop3A_1024, %parallel_loop3A_1025] {strides = array<i32>} : memref<64x128xf32, #tpu.memory_space<vmem>>, vector<16xf32>,
        %parallel_loop3A_1027 = arith.constant 0 : i32
        %parallel_loop3A_1028 = arith.constant 0 : i32
        %parallel_loop3A_1029 = tpu.memref_slice %arg16[%parallel_loop3A_242, %parallel_loop3A_1027, %parallel_loop3A_1028] : memref<2x64x128xf32, #tpu.memory_space<vmem>> -> memref<1x64x128xf32, #tpu.memory_space<vmem>>
        %parallel_loop3A_1030 = tpu.memref_squeeze %parallel_loop3A_1029 : memref<1x64x128xf32, #tpu.memory_space<vmem>> -> memref<64x128xf32, #tpu.memory_space<vmem>>
        %parallel_loop3A_1031 = arith.index_cast %parallel_loop3A_1017 : i32 to index
        %parallel_loop3A_1032 = arith.constant 0 : index
        %parallel_loop3A_1033 = tpu.vector_load %parallel_loop3A_1030[%parallel_loop3A_1031, %parallel_loop3A_1032] {strides = array<i32>} : memref<64x128xf32, #tpu.memory_space<vmem>>, vector<16xf32>,
        %parallel_loop3A_1034 = arith.addf %parallel_loop3A_1026, %parallel_loop3A_1033 : vector<16xf32>
        %parallel_loop3A_1035 = arith.constant 2.000000e-01 : f32
        %parallel_loop3A_1036 = vector.broadcast %parallel_loop3A_1035 : f32 to vector<16xf32>
        %parallel_loop3A_1037 = arith.mulf %parallel_loop3A_1036, %parallel_loop3A_1034 : vector<16xf32>
        %parallel_loop3A_1038 = arith.maximumf %parallel_loop3A_1034, %parallel_loop3A_1037 : vector<16xf32>
        %parallel_loop3A_1039 = arith.mulf %get3A_3, %parallel_loop3A_1038 : vector<16xf32>
        %parallel_loop3A_1040 = arith.addf %parallel_loop3A_1019, %parallel_loop3A_1039 : vector<16xf32>
        %parallel_loop3A_1041 = arith.constant 0 : i32
        %parallel_loop3A_1042 = arith.constant 0 : i32
        %parallel_loop3A_1043 = tpu.memref_slice %arg14[%parallel_loop3A_241, %parallel_loop3A_1041, %parallel_loop3A_1042] : memref<2x64x128xf32, #tpu.memory_space<vmem>> -> memref<1x64x128xf32, #tpu.memory_space<vmem>>
        %parallel_loop3A_1044 = tpu.memref_squeeze %parallel_loop3A_1043 : memref<1x64x128xf32, #tpu.memory_space<vmem>> -> memref<64x128xf32, #tpu.memory_space<vmem>>
        %parallel_loop3A_1045 = arith.index_cast %parallel_loop3A_1017 : i32 to index
        %parallel_loop3A_1046 = arith.constant 16 : index
        %parallel_loop3A_1047 = tpu.vector_load %parallel_loop3A_1044[%parallel_loop3A_1045, %parallel_loop3A_1046] {strides = array<i32>} : memref<64x128xf32, #tpu.memory_space<vmem>>, vector<16xf32>,
        %parallel_loop3A_1048 = arith.constant 0 : i32
        %parallel_loop3A_1049 = arith.constant 0 : i32
        %parallel_loop3A_1050 = tpu.memref_slice %arg16[%parallel_loop3A_242, %parallel_loop3A_1048, %parallel_loop3A_1049] : memref<2x64x128xf32, #tpu.memory_space<vmem>> -> memref<1x64x128xf32, #tpu.memory_space<vmem>>
        %parallel_loop3A_1051 = tpu.memref_squeeze %parallel_loop3A_1050 : memref<1x64x128xf32, #tpu.memory_space<vmem>> -> memref<64x128xf32, #tpu.memory_space<vmem>>
        %parallel_loop3A_1052 = arith.index_cast %parallel_loop3A_1017 : i32 to index
        %parallel_loop3A_1053 = arith.constant 16 : index
        %parallel_loop3A_1054 = tpu.vector_load %parallel_loop3A_1051[%parallel_loop3A_1052, %parallel_loop3A_1053] {strides = array<i32>} : memref<64x128xf32, #tpu.memory_space<vmem>>, vector<16xf32>,
        %parallel_loop3A_1055 = arith.addf %parallel_loop3A_1047, %parallel_loop3A_1054 : vector<16xf32>
        %parallel_loop3A_1056 = arith.constant 2.000000e-01 : f32
        %parallel_loop3A_1057 = vector.broadcast %parallel_loop3A_1056 : f32 to vector<16xf32>
        %parallel_loop3A_1058 = arith.mulf %parallel_loop3A_1057, %parallel_loop3A_1055 : vector<16xf32>
        %parallel_loop3A_1059 = arith.maximumf %parallel_loop3A_1055, %parallel_loop3A_1058 : vector<16xf32>
        %parallel_loop3A_1060 = arith.mulf %get3A_5, %parallel_loop3A_1059 : vector<16xf32>
        %parallel_loop3A_1061 = arith.addf %parallel_loop3A_1040, %parallel_loop3A_1060 : vector<16xf32>
        %parallel_loop3A_1062 = arith.constant 0 : i32
        %parallel_loop3A_1063 = arith.constant 0 : i32
        %parallel_loop3A_1064 = tpu.memref_slice %arg14[%parallel_loop3A_241, %parallel_loop3A_1062, %parallel_loop3A_1063] : memref<2x64x128xf32, #tpu.memory_space<vmem>> -> memref<1x64x128xf32, #tpu.memory_space<vmem>>
        %parallel_loop3A_1065 = tpu.memref_squeeze %parallel_loop3A_1064 : memref<1x64x128xf32, #tpu.memory_space<vmem>> -> memref<64x128xf32, #tpu.memory_space<vmem>>
        %parallel_loop3A_1066 = arith.index_cast %parallel_loop3A_1017 : i32 to index
        %parallel_loop3A_1067 = arith.constant 32 : index
        %parallel_loop3A_1068 = tpu.vector_load %parallel_loop3A_1065[%parallel_loop3A_1066, %parallel_loop3A_1067] {strides = array<i32>} : memref<64x128xf32, #tpu.memory_space<vmem>>, vector<16xf32>,
        %parallel_loop3A_1069 = arith.constant 0 : i32
        %parallel_loop3A_1070 = arith.constant 0 : i32
        %parallel_loop3A_1071 = tpu.memref_slice %arg16[%parallel_loop3A_242, %parallel_loop3A_1069, %parallel_loop3A_1070] : memref<2x64x128xf32, #tpu.memory_space<vmem>> -> memref<1x64x128xf32, #tpu.memory_space<vmem>>
        %parallel_loop3A_1072 = tpu.memref_squeeze %parallel_loop3A_1071 : memref<1x64x128xf32, #tpu.memory_space<vmem>> -> memref<64x128xf32, #tpu.memory_space<vmem>>
        %parallel_loop3A_1073 = arith.index_cast %parallel_loop3A_1017 : i32 to index
        %parallel_loop3A_1074 = arith.constant 32 : index
        %parallel_loop3A_1075 = tpu.vector_load %parallel_loop3A_1072[%parallel_loop3A_1073, %parallel_loop3A_1074] {strides = array<i32>} : memref<64x128xf32, #tpu.memory_space<vmem>>, vector<16xf32>,
        %parallel_loop3A_1076 = arith.addf %parallel_loop3A_1068, %parallel_loop3A_1075 : vector<16xf32>
        %parallel_loop3A_1077 = arith.constant 2.000000e-01 : f32
        %parallel_loop3A_1078 = vector.broadcast %parallel_loop3A_1077 : f32 to vector<16xf32>
        %parallel_loop3A_1079 = arith.mulf %parallel_loop3A_1078, %parallel_loop3A_1076 : vector<16xf32>
        %parallel_loop3A_1080 = arith.maximumf %parallel_loop3A_1076, %parallel_loop3A_1079 : vector<16xf32>
        %parallel_loop3A_1081 = arith.mulf %get3A_7, %parallel_loop3A_1080 : vector<16xf32>
        %parallel_loop3A_1082 = arith.addf %parallel_loop3A_1061, %parallel_loop3A_1081 : vector<16xf32>
        %parallel_loop3A_1083 = arith.constant 0 : i32
        %parallel_loop3A_1084 = arith.constant 0 : i32
        %parallel_loop3A_1085 = tpu.memref_slice %arg14[%parallel_loop3A_241, %parallel_loop3A_1083, %parallel_loop3A_1084] : memref<2x64x128xf32, #tpu.memory_space<vmem>> -> memref<1x64x128xf32, #tpu.memory_space<vmem>>
        %parallel_loop3A_1086 = tpu.memref_squeeze %parallel_loop3A_1085 : memref<1x64x128xf32, #tpu.memory_space<vmem>> -> memref<64x128xf32, #tpu.memory_space<vmem>>
        %parallel_loop3A_1087 = arith.index_cast %parallel_loop3A_1017 : i32 to index
        %parallel_loop3A_1088 = arith.constant 48 : index
        %parallel_loop3A_1089 = tpu.vector_load %parallel_loop3A_1086[%parallel_loop3A_1087, %parallel_loop3A_1088] {strides = array<i32>} : memref<64x128xf32, #tpu.memory_space<vmem>>, vector<16xf32>,
        %parallel_loop3A_1090 = arith.constant 0 : i32
        %parallel_loop3A_1091 = arith.constant 0 : i32
        %parallel_loop3A_1092 = tpu.memref_slice %arg16[%parallel_loop3A_242, %parallel_loop3A_1090, %parallel_loop3A_1091] : memref<2x64x128xf32, #tpu.memory_space<vmem>> -> memref<1x64x128xf32, #tpu.memory_space<vmem>>
        %parallel_loop3A_1093 = tpu.memref_squeeze %parallel_loop3A_1092 : memref<1x64x128xf32, #tpu.memory_space<vmem>> -> memref<64x128xf32, #tpu.memory_space<vmem>>
        %parallel_loop3A_1094 = arith.index_cast %parallel_loop3A_1017 : i32 to index
        %parallel_loop3A_1095 = arith.constant 48 : index
        %parallel_loop3A_1096 = tpu.vector_load %parallel_loop3A_1093[%parallel_loop3A_1094, %parallel_loop3A_1095] {strides = array<i32>} : memref<64x128xf32, #tpu.memory_space<vmem>>, vector<16xf32>,
        %parallel_loop3A_1097 = arith.addf %parallel_loop3A_1089, %parallel_loop3A_1096 : vector<16xf32>
        %parallel_loop3A_1098 = arith.constant 2.000000e-01 : f32
        %parallel_loop3A_1099 = vector.broadcast %parallel_loop3A_1098 : f32 to vector<16xf32>
        %parallel_loop3A_1100 = arith.mulf %parallel_loop3A_1099, %parallel_loop3A_1097 : vector<16xf32>
        %parallel_loop3A_1101 = arith.maximumf %parallel_loop3A_1097, %parallel_loop3A_1100 : vector<16xf32>
        %parallel_loop3A_1102 = arith.mulf %get3A_9, %parallel_loop3A_1101 : vector<16xf32>
        %parallel_loop3A_1103 = arith.addf %parallel_loop3A_1082, %parallel_loop3A_1102 : vector<16xf32>
        %parallel_loop3A_1104 = arith.constant 0 : i32
        %parallel_loop3A_1105 = arith.constant 0 : i32
        %parallel_loop3A_1106 = tpu.memref_slice %arg14[%parallel_loop3A_241, %parallel_loop3A_1104, %parallel_loop3A_1105] : memref<2x64x128xf32, #tpu.memory_space<vmem>> -> memref<1x64x128xf32, #tpu.memory_space<vmem>>
        %parallel_loop3A_1107 = tpu.memref_squeeze %parallel_loop3A_1106 : memref<1x64x128xf32, #tpu.memory_space<vmem>> -> memref<64x128xf32, #tpu.memory_space<vmem>>
        %parallel_loop3A_1108 = arith.index_cast %parallel_loop3A_1017 : i32 to index
        %parallel_loop3A_1109 = arith.constant 64 : index
        %parallel_loop3A_1110 = tpu.vector_load %parallel_loop3A_1107[%parallel_loop3A_1108, %parallel_loop3A_1109] {strides = array<i32>} : memref<64x128xf32, #tpu.memory_space<vmem>>, vector<16xf32>,
        %parallel_loop3A_1111 = arith.constant 0 : i32
        %parallel_loop3A_1112 = arith.constant 0 : i32
        %parallel_loop3A_1113 = tpu.memref_slice %arg16[%parallel_loop3A_242, %parallel_loop3A_1111, %parallel_loop3A_1112] : memref<2x64x128xf32, #tpu.memory_space<vmem>> -> memref<1x64x128xf32, #tpu.memory_space<vmem>>
        %parallel_loop3A_1114 = tpu.memref_squeeze %parallel_loop3A_1113 : memref<1x64x128xf32, #tpu.memory_space<vmem>> -> memref<64x128xf32, #tpu.memory_space<vmem>>
        %parallel_loop3A_1115 = arith.index_cast %parallel_loop3A_1017 : i32 to index
        %parallel_loop3A_1116 = arith.constant 64 : index
        %parallel_loop3A_1117 = tpu.vector_load %parallel_loop3A_1114[%parallel_loop3A_1115, %parallel_loop3A_1116] {strides = array<i32>} : memref<64x128xf32, #tpu.memory_space<vmem>>, vector<16xf32>,
        %parallel_loop3A_1118 = arith.addf %parallel_loop3A_1110, %parallel_loop3A_1117 : vector<16xf32>
        %parallel_loop3A_1119 = arith.constant 2.000000e-01 : f32
        %parallel_loop3A_1120 = vector.broadcast %parallel_loop3A_1119 : f32 to vector<16xf32>
        %parallel_loop3A_1121 = arith.mulf %parallel_loop3A_1120, %parallel_loop3A_1118 : vector<16xf32>
        %parallel_loop3A_1122 = arith.maximumf %parallel_loop3A_1118, %parallel_loop3A_1121 : vector<16xf32>
        %parallel_loop3A_1123 = arith.mulf %get3A_11, %parallel_loop3A_1122 : vector<16xf32>
        %parallel_loop3A_1124 = arith.addf %parallel_loop3A_1103, %parallel_loop3A_1123 : vector<16xf32>
        %parallel_loop3A_1125 = arith.constant 0 : i32
        %parallel_loop3A_1126 = arith.constant 0 : i32
        %parallel_loop3A_1127 = tpu.memref_slice %arg14[%parallel_loop3A_241, %parallel_loop3A_1125, %parallel_loop3A_1126] : memref<2x64x128xf32, #tpu.memory_space<vmem>> -> memref<1x64x128xf32, #tpu.memory_space<vmem>>
        %parallel_loop3A_1128 = tpu.memref_squeeze %parallel_loop3A_1127 : memref<1x64x128xf32, #tpu.memory_space<vmem>> -> memref<64x128xf32, #tpu.memory_space<vmem>>
        %parallel_loop3A_1129 = arith.index_cast %parallel_loop3A_1017 : i32 to index
        %parallel_loop3A_1130 = arith.constant 80 : index
        %parallel_loop3A_1131 = tpu.vector_load %parallel_loop3A_1128[%parallel_loop3A_1129, %parallel_loop3A_1130] {strides = array<i32>} : memref<64x128xf32, #tpu.memory_space<vmem>>, vector<16xf32>,
        %parallel_loop3A_1132 = arith.constant 0 : i32
        %parallel_loop3A_1133 = arith.constant 0 : i32
        %parallel_loop3A_1134 = tpu.memref_slice %arg16[%parallel_loop3A_242, %parallel_loop3A_1132, %parallel_loop3A_1133] : memref<2x64x128xf32, #tpu.memory_space<vmem>> -> memref<1x64x128xf32, #tpu.memory_space<vmem>>
        %parallel_loop3A_1135 = tpu.memref_squeeze %parallel_loop3A_1134 : memref<1x64x128xf32, #tpu.memory_space<vmem>> -> memref<64x128xf32, #tpu.memory_space<vmem>>
        %parallel_loop3A_1136 = arith.index_cast %parallel_loop3A_1017 : i32 to index
        %parallel_loop3A_1137 = arith.constant 80 : index
        %parallel_loop3A_1138 = tpu.vector_load %parallel_loop3A_1135[%parallel_loop3A_1136, %parallel_loop3A_1137] {strides = array<i32>} : memref<64x128xf32, #tpu.memory_space<vmem>>, vector<16xf32>,
        %parallel_loop3A_1139 = arith.addf %parallel_loop3A_1131, %parallel_loop3A_1138 : vector<16xf32>
        %parallel_loop3A_1140 = arith.constant 2.000000e-01 : f32
        %parallel_loop3A_1141 = vector.broadcast %parallel_loop3A_1140 : f32 to vector<16xf32>
        %parallel_loop3A_1142 = arith.mulf %parallel_loop3A_1141, %parallel_loop3A_1139 : vector<16xf32>
        %parallel_loop3A_1143 = arith.maximumf %parallel_loop3A_1139, %parallel_loop3A_1142 : vector<16xf32>
        %parallel_loop3A_1144 = arith.mulf %get3A_13, %parallel_loop3A_1143 : vector<16xf32>
        %parallel_loop3A_1145 = arith.addf %parallel_loop3A_1124, %parallel_loop3A_1144 : vector<16xf32>
        %parallel_loop3A_1146 = arith.constant 0 : i32
        %parallel_loop3A_1147 = arith.constant 0 : i32
        %parallel_loop3A_1148 = tpu.memref_slice %arg14[%parallel_loop3A_241, %parallel_loop3A_1146, %parallel_loop3A_1147] : memref<2x64x128xf32, #tpu.memory_space<vmem>> -> memref<1x64x128xf32, #tpu.memory_space<vmem>>
        %parallel_loop3A_1149 = tpu.memref_squeeze %parallel_loop3A_1148 : memref<1x64x128xf32, #tpu.memory_space<vmem>> -> memref<64x128xf32, #tpu.memory_space<vmem>>
        %parallel_loop3A_1150 = arith.index_cast %parallel_loop3A_1017 : i32 to index
        %parallel_loop3A_1151 = arith.constant 96 : index
        %parallel_loop3A_1152 = tpu.vector_load %parallel_loop3A_1149[%parallel_loop3A_1150, %parallel_loop3A_1151] {strides = array<i32>} : memref<64x128xf32, #tpu.memory_space<vmem>>, vector<16xf32>,
        %parallel_loop3A_1153 = arith.constant 0 : i32
        %parallel_loop3A_1154 = arith.constant 0 : i32
        %parallel_loop3A_1155 = tpu.memref_slice %arg16[%parallel_loop3A_242, %parallel_loop3A_1153, %parallel_loop3A_1154] : memref<2x64x128xf32, #tpu.memory_space<vmem>> -> memref<1x64x128xf32, #tpu.memory_space<vmem>>
        %parallel_loop3A_1156 = tpu.memref_squeeze %parallel_loop3A_1155 : memref<1x64x128xf32, #tpu.memory_space<vmem>> -> memref<64x128xf32, #tpu.memory_space<vmem>>
        %parallel_loop3A_1157 = arith.index_cast %parallel_loop3A_1017 : i32 to index
        %parallel_loop3A_1158 = arith.constant 96 : index
        %parallel_loop3A_1159 = tpu.vector_load %parallel_loop3A_1156[%parallel_loop3A_1157, %parallel_loop3A_1158] {strides = array<i32>} : memref<64x128xf32, #tpu.memory_space<vmem>>, vector<16xf32>,
        %parallel_loop3A_1160 = arith.addf %parallel_loop3A_1152, %parallel_loop3A_1159 : vector<16xf32>
        %parallel_loop3A_1161 = arith.constant 2.000000e-01 : f32
        %parallel_loop3A_1162 = vector.broadcast %parallel_loop3A_1161 : f32 to vector<16xf32>
        %parallel_loop3A_1163 = arith.mulf %parallel_loop3A_1162, %parallel_loop3A_1160 : vector<16xf32>
        %parallel_loop3A_1164 = arith.maximumf %parallel_loop3A_1160, %parallel_loop3A_1163 : vector<16xf32>
        %parallel_loop3A_1165 = arith.mulf %get3A_15, %parallel_loop3A_1164 : vector<16xf32>
        %parallel_loop3A_1166 = arith.addf %parallel_loop3A_1145, %parallel_loop3A_1165 : vector<16xf32>
        %parallel_loop3A_1167 = arith.constant 0 : i32
        %parallel_loop3A_1168 = arith.constant 0 : i32
        %parallel_loop3A_1169 = tpu.memref_slice %arg14[%parallel_loop3A_241, %parallel_loop3A_1167, %parallel_loop3A_1168] : memref<2x64x128xf32, #tpu.memory_space<vmem>> -> memref<1x64x128xf32, #tpu.memory_space<vmem>>
        %parallel_loop3A_1170 = tpu.memref_squeeze %parallel_loop3A_1169 : memref<1x64x128xf32, #tpu.memory_space<vmem>> -> memref<64x128xf32, #tpu.memory_space<vmem>>
        %parallel_loop3A_1171 = arith.index_cast %parallel_loop3A_1017 : i32 to index
        %parallel_loop3A_1172 = arith.constant 112 : index
        %parallel_loop3A_1173 = tpu.vector_load %parallel_loop3A_1170[%parallel_loop3A_1171, %parallel_loop3A_1172] {strides = array<i32>} : memref<64x128xf32, #tpu.memory_space<vmem>>, vector<16xf32>,
        %parallel_loop3A_1174 = arith.constant 0 : i32
        %parallel_loop3A_1175 = arith.constant 0 : i32
        %parallel_loop3A_1176 = tpu.memref_slice %arg16[%parallel_loop3A_242, %parallel_loop3A_1174, %parallel_loop3A_1175] : memref<2x64x128xf32, #tpu.memory_space<vmem>> -> memref<1x64x128xf32, #tpu.memory_space<vmem>>
        %parallel_loop3A_1177 = tpu.memref_squeeze %parallel_loop3A_1176 : memref<1x64x128xf32, #tpu.memory_space<vmem>> -> memref<64x128xf32, #tpu.memory_space<vmem>>
        %parallel_loop3A_1178 = arith.index_cast %parallel_loop3A_1017 : i32 to index
        %parallel_loop3A_1179 = arith.constant 112 : index
        %parallel_loop3A_1180 = tpu.vector_load %parallel_loop3A_1177[%parallel_loop3A_1178, %parallel_loop3A_1179] {strides = array<i32>} : memref<64x128xf32, #tpu.memory_space<vmem>>, vector<16xf32>,
        %parallel_loop3A_1181 = arith.addf %parallel_loop3A_1173, %parallel_loop3A_1180 : vector<16xf32>
        %parallel_loop3A_1182 = arith.constant 2.000000e-01 : f32
        %parallel_loop3A_1183 = vector.broadcast %parallel_loop3A_1182 : f32 to vector<16xf32>
        %parallel_loop3A_1184 = arith.mulf %parallel_loop3A_1183, %parallel_loop3A_1181 : vector<16xf32>
        %parallel_loop3A_1185 = arith.maximumf %parallel_loop3A_1181, %parallel_loop3A_1184 : vector<16xf32>
        %parallel_loop3A_1186 = arith.mulf %get3A_17, %parallel_loop3A_1185 : vector<16xf32>
        %parallel_loop3A_1187 = arith.addf %parallel_loop3A_1166, %parallel_loop3A_1186 : vector<16xf32>
        %parallel_loop3A_1188 = arith.constant 0 : i32
        %parallel_loop3A_1189 = arith.constant 0 : i32
        %parallel_loop3A_1190 = tpu.memref_slice %arg15[%parallel_loop3A_243, %parallel_loop3A_1188, %parallel_loop3A_1189] : memref<2x64x128xf32, #tpu.memory_space<vmem>> -> memref<1x64x128xf32, #tpu.memory_space<vmem>>
        %parallel_loop3A_1191 = tpu.memref_squeeze %parallel_loop3A_1190 : memref<1x64x128xf32, #tpu.memory_space<vmem>> -> memref<64x128xf32, #tpu.memory_space<vmem>>
        %parallel_loop3A_1192 = arith.index_cast %parallel_loop3A_1017 : i32 to index
        %parallel_loop3A_1193 = arith.constant 0 : index
        %parallel_loop3A_1194 = tpu.vector_load %parallel_loop3A_1191[%parallel_loop3A_1192, %parallel_loop3A_1193] {strides = array<i32>} : memref<64x128xf32, #tpu.memory_space<vmem>>, vector<16xf32>,
        %parallel_loop3A_1195 = arith.constant 0 : i32
        %parallel_loop3A_1196 = arith.constant 0 : i32
        %parallel_loop3A_1197 = tpu.memref_slice %arg17[%parallel_loop3A_244, %parallel_loop3A_1195, %parallel_loop3A_1196] : memref<2x64x128xf32, #tpu.memory_space<vmem>> -> memref<1x64x128xf32, #tpu.memory_space<vmem>>
        %parallel_loop3A_1198 = tpu.memref_squeeze %parallel_loop3A_1197 : memref<1x64x128xf32, #tpu.memory_space<vmem>> -> memref<64x128xf32, #tpu.memory_space<vmem>>
        %parallel_loop3A_1199 = arith.index_cast %parallel_loop3A_1017 : i32 to index
        %parallel_loop3A_1200 = arith.constant 0 : index
        %parallel_loop3A_1201 = tpu.vector_load %parallel_loop3A_1198[%parallel_loop3A_1199, %parallel_loop3A_1200] {strides = array<i32>} : memref<64x128xf32, #tpu.memory_space<vmem>>, vector<16xf32>,
        %parallel_loop3A_1202 = arith.addf %parallel_loop3A_1194, %parallel_loop3A_1201 : vector<16xf32>
        %parallel_loop3A_1203 = arith.constant 2.000000e-01 : f32
        %parallel_loop3A_1204 = vector.broadcast %parallel_loop3A_1203 : f32 to vector<16xf32>
        %parallel_loop3A_1205 = arith.mulf %parallel_loop3A_1204, %parallel_loop3A_1202 : vector<16xf32>
        %parallel_loop3A_1206 = arith.maximumf %parallel_loop3A_1202, %parallel_loop3A_1205 : vector<16xf32>
        %parallel_loop3A_1207 = arith.mulf %get3A_19, %parallel_loop3A_1206 : vector<16xf32>
        %parallel_loop3A_1208 = arith.addf %parallel_loop3A_1187, %parallel_loop3A_1207 : vector<16xf32>
        %parallel_loop3A_1209 = arith.constant 0 : i32
        %parallel_loop3A_1210 = arith.constant 0 : i32
        %parallel_loop3A_1211 = tpu.memref_slice %arg15[%parallel_loop3A_243, %parallel_loop3A_1209, %parallel_loop3A_1210] : memref<2x64x128xf32, #tpu.memory_space<vmem>> -> memref<1x64x128xf32, #tpu.memory_space<vmem>>
        %parallel_loop3A_1212 = tpu.memref_squeeze %parallel_loop3A_1211 : memref<1x64x128xf32, #tpu.memory_space<vmem>> -> memref<64x128xf32, #tpu.memory_space<vmem>>
        %parallel_loop3A_1213 = arith.index_cast %parallel_loop3A_1017 : i32 to index
        %parallel_loop3A_1214 = arith.constant 16 : index
        %parallel_loop3A_1215 = tpu.vector_load %parallel_loop3A_1212[%parallel_loop3A_1213, %parallel_loop3A_1214] {strides = array<i32>} : memref<64x128xf32, #tpu.memory_space<vmem>>, vector<16xf32>,
        %parallel_loop3A_1216 = arith.constant 0 : i32
        %parallel_loop3A_1217 = arith.constant 0 : i32
        %parallel_loop3A_1218 = tpu.memref_slice %arg17[%parallel_loop3A_244, %parallel_loop3A_1216, %parallel_loop3A_1217] : memref<2x64x128xf32, #tpu.memory_space<vmem>> -> memref<1x64x128xf32, #tpu.memory_space<vmem>>
        %parallel_loop3A_1219 = tpu.memref_squeeze %parallel_loop3A_1218 : memref<1x64x128xf32, #tpu.memory_space<vmem>> -> memref<64x128xf32, #tpu.memory_space<vmem>>
        %parallel_loop3A_1220 = arith.index_cast %parallel_loop3A_1017 : i32 to index
        %parallel_loop3A_1221 = arith.constant 16 : index
        %parallel_loop3A_1222 = tpu.vector_load %parallel_loop3A_1219[%parallel_loop3A_1220, %parallel_loop3A_1221] {strides = array<i32>} : memref<64x128xf32, #tpu.memory_space<vmem>>, vector<16xf32>,
        %parallel_loop3A_1223 = arith.addf %parallel_loop3A_1215, %parallel_loop3A_1222 : vector<16xf32>
        %parallel_loop3A_1224 = arith.constant 2.000000e-01 : f32
        %parallel_loop3A_1225 = vector.broadcast %parallel_loop3A_1224 : f32 to vector<16xf32>
        %parallel_loop3A_1226 = arith.mulf %parallel_loop3A_1225, %parallel_loop3A_1223 : vector<16xf32>
        %parallel_loop3A_1227 = arith.maximumf %parallel_loop3A_1223, %parallel_loop3A_1226 : vector<16xf32>
        %parallel_loop3A_1228 = arith.mulf %get3A_21, %parallel_loop3A_1227 : vector<16xf32>
        %parallel_loop3A_1229 = arith.addf %parallel_loop3A_1208, %parallel_loop3A_1228 : vector<16xf32>
        %parallel_loop3A_1230 = arith.constant 0 : i32
        %parallel_loop3A_1231 = arith.constant 0 : i32
        %parallel_loop3A_1232 = tpu.memref_slice %arg15[%parallel_loop3A_243, %parallel_loop3A_1230, %parallel_loop3A_1231] : memref<2x64x128xf32, #tpu.memory_space<vmem>> -> memref<1x64x128xf32, #tpu.memory_space<vmem>>
        %parallel_loop3A_1233 = tpu.memref_squeeze %parallel_loop3A_1232 : memref<1x64x128xf32, #tpu.memory_space<vmem>> -> memref<64x128xf32, #tpu.memory_space<vmem>>
        %parallel_loop3A_1234 = arith.index_cast %parallel_loop3A_1017 : i32 to index
        %parallel_loop3A_1235 = arith.constant 32 : index
        %parallel_loop3A_1236 = tpu.vector_load %parallel_loop3A_1233[%parallel_loop3A_1234, %parallel_loop3A_1235] {strides = array<i32>} : memref<64x128xf32, #tpu.memory_space<vmem>>, vector<16xf32>,
        %parallel_loop3A_1237 = arith.constant 0 : i32
        %parallel_loop3A_1238 = arith.constant 0 : i32
        %parallel_loop3A_1239 = tpu.memref_slice %arg17[%parallel_loop3A_244, %parallel_loop3A_1237, %parallel_loop3A_1238] : memref<2x64x128xf32, #tpu.memory_space<vmem>> -> memref<1x64x128xf32, #tpu.memory_space<vmem>>
        %parallel_loop3A_1240 = tpu.memref_squeeze %parallel_loop3A_1239 : memref<1x64x128xf32, #tpu.memory_space<vmem>> -> memref<64x128xf32, #tpu.memory_space<vmem>>
        %parallel_loop3A_1241 = arith.index_cast %parallel_loop3A_1017 : i32 to index
        %parallel_loop3A_1242 = arith.constant 32 : index
        %parallel_loop3A_1243 = tpu.vector_load %parallel_loop3A_1240[%parallel_loop3A_1241, %parallel_loop3A_1242] {strides = array<i32>} : memref<64x128xf32, #tpu.memory_space<vmem>>, vector<16xf32>,
        %parallel_loop3A_1244 = arith.addf %parallel_loop3A_1236, %parallel_loop3A_1243 : vector<16xf32>
        %parallel_loop3A_1245 = arith.constant 2.000000e-01 : f32
        %parallel_loop3A_1246 = vector.broadcast %parallel_loop3A_1245 : f32 to vector<16xf32>
        %parallel_loop3A_1247 = arith.mulf %parallel_loop3A_1246, %parallel_loop3A_1244 : vector<16xf32>
        %parallel_loop3A_1248 = arith.maximumf %parallel_loop3A_1244, %parallel_loop3A_1247 : vector<16xf32>
        %parallel_loop3A_1249 = arith.mulf %get3A_23, %parallel_loop3A_1248 : vector<16xf32>
        %parallel_loop3A_1250 = arith.addf %parallel_loop3A_1229, %parallel_loop3A_1249 : vector<16xf32>
        %parallel_loop3A_1251 = arith.constant 0 : i32
        %parallel_loop3A_1252 = arith.constant 0 : i32
        %parallel_loop3A_1253 = tpu.memref_slice %arg15[%parallel_loop3A_243, %parallel_loop3A_1251, %parallel_loop3A_1252] : memref<2x64x128xf32, #tpu.memory_space<vmem>> -> memref<1x64x128xf32, #tpu.memory_space<vmem>>
        %parallel_loop3A_1254 = tpu.memref_squeeze %parallel_loop3A_1253 : memref<1x64x128xf32, #tpu.memory_space<vmem>> -> memref<64x128xf32, #tpu.memory_space<vmem>>
        %parallel_loop3A_1255 = arith.index_cast %parallel_loop3A_1017 : i32 to index
        %parallel_loop3A_1256 = arith.constant 48 : index
        %parallel_loop3A_1257 = tpu.vector_load %parallel_loop3A_1254[%parallel_loop3A_1255, %parallel_loop3A_1256] {strides = array<i32>} : memref<64x128xf32, #tpu.memory_space<vmem>>, vector<16xf32>,
        %parallel_loop3A_1258 = arith.constant 0 : i32
        %parallel_loop3A_1259 = arith.constant 0 : i32
        %parallel_loop3A_1260 = tpu.memref_slice %arg17[%parallel_loop3A_244, %parallel_loop3A_1258, %parallel_loop3A_1259] : memref<2x64x128xf32, #tpu.memory_space<vmem>> -> memref<1x64x128xf32, #tpu.memory_space<vmem>>
        %parallel_loop3A_1261 = tpu.memref_squeeze %parallel_loop3A_1260 : memref<1x64x128xf32, #tpu.memory_space<vmem>> -> memref<64x128xf32, #tpu.memory_space<vmem>>
        %parallel_loop3A_1262 = arith.index_cast %parallel_loop3A_1017 : i32 to index
        %parallel_loop3A_1263 = arith.constant 48 : index
        %parallel_loop3A_1264 = tpu.vector_load %parallel_loop3A_1261[%parallel_loop3A_1262, %parallel_loop3A_1263] {strides = array<i32>} : memref<64x128xf32, #tpu.memory_space<vmem>>, vector<16xf32>,
        %parallel_loop3A_1265 = arith.addf %parallel_loop3A_1257, %parallel_loop3A_1264 : vector<16xf32>
        %parallel_loop3A_1266 = arith.constant 2.000000e-01 : f32
        %parallel_loop3A_1267 = vector.broadcast %parallel_loop3A_1266 : f32 to vector<16xf32>
        %parallel_loop3A_1268 = arith.mulf %parallel_loop3A_1267, %parallel_loop3A_1265 : vector<16xf32>
        %parallel_loop3A_1269 = arith.maximumf %parallel_loop3A_1265, %parallel_loop3A_1268 : vector<16xf32>
        %parallel_loop3A_1270 = arith.mulf %get3A_25, %parallel_loop3A_1269 : vector<16xf32>
        %parallel_loop3A_1271 = arith.addf %parallel_loop3A_1250, %parallel_loop3A_1270 : vector<16xf32>
        %parallel_loop3A_1272 = arith.constant 0 : i32
        %parallel_loop3A_1273 = arith.constant 0 : i32
        %parallel_loop3A_1274 = tpu.memref_slice %arg15[%parallel_loop3A_243, %parallel_loop3A_1272, %parallel_loop3A_1273] : memref<2x64x128xf32, #tpu.memory_space<vmem>> -> memref<1x64x128xf32, #tpu.memory_space<vmem>>
        %parallel_loop3A_1275 = tpu.memref_squeeze %parallel_loop3A_1274 : memref<1x64x128xf32, #tpu.memory_space<vmem>> -> memref<64x128xf32, #tpu.memory_space<vmem>>
        %parallel_loop3A_1276 = arith.index_cast %parallel_loop3A_1017 : i32 to index
        %parallel_loop3A_1277 = arith.constant 64 : index
        %parallel_loop3A_1278 = tpu.vector_load %parallel_loop3A_1275[%parallel_loop3A_1276, %parallel_loop3A_1277] {strides = array<i32>} : memref<64x128xf32, #tpu.memory_space<vmem>>, vector<16xf32>,
        %parallel_loop3A_1279 = arith.constant 0 : i32
        %parallel_loop3A_1280 = arith.constant 0 : i32
        %parallel_loop3A_1281 = tpu.memref_slice %arg17[%parallel_loop3A_244, %parallel_loop3A_1279, %parallel_loop3A_1280] : memref<2x64x128xf32, #tpu.memory_space<vmem>> -> memref<1x64x128xf32, #tpu.memory_space<vmem>>
        %parallel_loop3A_1282 = tpu.memref_squeeze %parallel_loop3A_1281 : memref<1x64x128xf32, #tpu.memory_space<vmem>> -> memref<64x128xf32, #tpu.memory_space<vmem>>
        %parallel_loop3A_1283 = arith.index_cast %parallel_loop3A_1017 : i32 to index
        %parallel_loop3A_1284 = arith.constant 64 : index
        %parallel_loop3A_1285 = tpu.vector_load %parallel_loop3A_1282[%parallel_loop3A_1283, %parallel_loop3A_1284] {strides = array<i32>} : memref<64x128xf32, #tpu.memory_space<vmem>>, vector<16xf32>,
        %parallel_loop3A_1286 = arith.addf %parallel_loop3A_1278, %parallel_loop3A_1285 : vector<16xf32>
        %parallel_loop3A_1287 = arith.constant 2.000000e-01 : f32
        %parallel_loop3A_1288 = vector.broadcast %parallel_loop3A_1287 : f32 to vector<16xf32>
        %parallel_loop3A_1289 = arith.mulf %parallel_loop3A_1288, %parallel_loop3A_1286 : vector<16xf32>
        %parallel_loop3A_1290 = arith.maximumf %parallel_loop3A_1286, %parallel_loop3A_1289 : vector<16xf32>
        %parallel_loop3A_1291 = arith.mulf %get3A_27, %parallel_loop3A_1290 : vector<16xf32>
        %parallel_loop3A_1292 = arith.addf %parallel_loop3A_1271, %parallel_loop3A_1291 : vector<16xf32>
        %parallel_loop3A_1293 = arith.constant 0 : i32
        %parallel_loop3A_1294 = arith.constant 0 : i32
        %parallel_loop3A_1295 = tpu.memref_slice %arg15[%parallel_loop3A_243, %parallel_loop3A_1293, %parallel_loop3A_1294] : memref<2x64x128xf32, #tpu.memory_space<vmem>> -> memref<1x64x128xf32, #tpu.memory_space<vmem>>
        %parallel_loop3A_1296 = tpu.memref_squeeze %parallel_loop3A_1295 : memref<1x64x128xf32, #tpu.memory_space<vmem>> -> memref<64x128xf32, #tpu.memory_space<vmem>>
        %parallel_loop3A_1297 = arith.index_cast %parallel_loop3A_1017 : i32 to index
        %parallel_loop3A_1298 = arith.constant 80 : index
        %parallel_loop3A_1299 = tpu.vector_load %parallel_loop3A_1296[%parallel_loop3A_1297, %parallel_loop3A_1298] {strides = array<i32>} : memref<64x128xf32, #tpu.memory_space<vmem>>, vector<16xf32>,
        %parallel_loop3A_1300 = arith.constant 0 : i32
        %parallel_loop3A_1301 = arith.constant 0 : i32
        %parallel_loop3A_1302 = tpu.memref_slice %arg17[%parallel_loop3A_244, %parallel_loop3A_1300, %parallel_loop3A_1301] : memref<2x64x128xf32, #tpu.memory_space<vmem>> -> memref<1x64x128xf32, #tpu.memory_space<vmem>>
        %parallel_loop3A_1303 = tpu.memref_squeeze %parallel_loop3A_1302 : memref<1x64x128xf32, #tpu.memory_space<vmem>> -> memref<64x128xf32, #tpu.memory_space<vmem>>
        %parallel_loop3A_1304 = arith.index_cast %parallel_loop3A_1017 : i32 to index
        %parallel_loop3A_1305 = arith.constant 80 : index
        %parallel_loop3A_1306 = tpu.vector_load %parallel_loop3A_1303[%parallel_loop3A_1304, %parallel_loop3A_1305] {strides = array<i32>} : memref<64x128xf32, #tpu.memory_space<vmem>>, vector<16xf32>,
        %parallel_loop3A_1307 = arith.addf %parallel_loop3A_1299, %parallel_loop3A_1306 : vector<16xf32>
        %parallel_loop3A_1308 = arith.constant 2.000000e-01 : f32
        %parallel_loop3A_1309 = vector.broadcast %parallel_loop3A_1308 : f32 to vector<16xf32>
        %parallel_loop3A_1310 = arith.mulf %parallel_loop3A_1309, %parallel_loop3A_1307 : vector<16xf32>
        %parallel_loop3A_1311 = arith.maximumf %parallel_loop3A_1307, %parallel_loop3A_1310 : vector<16xf32>
        %parallel_loop3A_1312 = arith.mulf %get3A_29, %parallel_loop3A_1311 : vector<16xf32>
        %parallel_loop3A_1313 = arith.addf %parallel_loop3A_1292, %parallel_loop3A_1312 : vector<16xf32>
        %parallel_loop3A_1314 = arith.constant 0 : i32
        %parallel_loop3A_1315 = arith.constant 0 : i32
        %parallel_loop3A_1316 = tpu.memref_slice %arg15[%parallel_loop3A_243, %parallel_loop3A_1314, %parallel_loop3A_1315] : memref<2x64x128xf32, #tpu.memory_space<vmem>> -> memref<1x64x128xf32, #tpu.memory_space<vmem>>
        %parallel_loop3A_1317 = tpu.memref_squeeze %parallel_loop3A_1316 : memref<1x64x128xf32, #tpu.memory_space<vmem>> -> memref<64x128xf32, #tpu.memory_space<vmem>>
        %parallel_loop3A_1318 = arith.index_cast %parallel_loop3A_1017 : i32 to index
        %parallel_loop3A_1319 = arith.constant 96 : index
        %parallel_loop3A_1320 = tpu.vector_load %parallel_loop3A_1317[%parallel_loop3A_1318, %parallel_loop3A_1319] {strides = array<i32>} : memref<64x128xf32, #tpu.memory_space<vmem>>, vector<16xf32>,
        %parallel_loop3A_1321 = arith.constant 0 : i32
        %parallel_loop3A_1322 = arith.constant 0 : i32
        %parallel_loop3A_1323 = tpu.memref_slice %arg17[%parallel_loop3A_244, %parallel_loop3A_1321, %parallel_loop3A_1322] : memref<2x64x128xf32, #tpu.memory_space<vmem>> -> memref<1x64x128xf32, #tpu.memory_space<vmem>>
        %parallel_loop3A_1324 = tpu.memref_squeeze %parallel_loop3A_1323 : memref<1x64x128xf32, #tpu.memory_space<vmem>> -> memref<64x128xf32, #tpu.memory_space<vmem>>
        %parallel_loop3A_1325 = arith.index_cast %parallel_loop3A_1017 : i32 to index
        %parallel_loop3A_1326 = arith.constant 96 : index
        %parallel_loop3A_1327 = tpu.vector_load %parallel_loop3A_1324[%parallel_loop3A_1325, %parallel_loop3A_1326] {strides = array<i32>} : memref<64x128xf32, #tpu.memory_space<vmem>>, vector<16xf32>,
        %parallel_loop3A_1328 = arith.addf %parallel_loop3A_1320, %parallel_loop3A_1327 : vector<16xf32>
        %parallel_loop3A_1329 = arith.constant 2.000000e-01 : f32
        %parallel_loop3A_1330 = vector.broadcast %parallel_loop3A_1329 : f32 to vector<16xf32>
        %parallel_loop3A_1331 = arith.mulf %parallel_loop3A_1330, %parallel_loop3A_1328 : vector<16xf32>
        %parallel_loop3A_1332 = arith.maximumf %parallel_loop3A_1328, %parallel_loop3A_1331 : vector<16xf32>
        %parallel_loop3A_1333 = arith.mulf %get3A_31, %parallel_loop3A_1332 : vector<16xf32>
        %parallel_loop3A_1334 = arith.addf %parallel_loop3A_1313, %parallel_loop3A_1333 : vector<16xf32>
        %parallel_loop3A_1335 = arith.constant 0 : i32
        %parallel_loop3A_1336 = arith.constant 0 : i32
        %parallel_loop3A_1337 = tpu.memref_slice %arg15[%parallel_loop3A_243, %parallel_loop3A_1335, %parallel_loop3A_1336] : memref<2x64x128xf32, #tpu.memory_space<vmem>> -> memref<1x64x128xf32, #tpu.memory_space<vmem>>
        %parallel_loop3A_1338 = tpu.memref_squeeze %parallel_loop3A_1337 : memref<1x64x128xf32, #tpu.memory_space<vmem>> -> memref<64x128xf32, #tpu.memory_space<vmem>>
        %parallel_loop3A_1339 = arith.index_cast %parallel_loop3A_1017 : i32 to index
        %parallel_loop3A_1340 = arith.constant 112 : index
        %parallel_loop3A_1341 = tpu.vector_load %parallel_loop3A_1338[%parallel_loop3A_1339, %parallel_loop3A_1340] {strides = array<i32>} : memref<64x128xf32, #tpu.memory_space<vmem>>, vector<16xf32>,
        %parallel_loop3A_1342 = arith.constant 0 : i32
        %parallel_loop3A_1343 = arith.constant 0 : i32
        %parallel_loop3A_1344 = tpu.memref_slice %arg17[%parallel_loop3A_244, %parallel_loop3A_1342, %parallel_loop3A_1343] : memref<2x64x128xf32, #tpu.memory_space<vmem>> -> memref<1x64x128xf32, #tpu.memory_space<vmem>>
        %parallel_loop3A_1345 = tpu.memref_squeeze %parallel_loop3A_1344 : memref<1x64x128xf32, #tpu.memory_space<vmem>> -> memref<64x128xf32, #tpu.memory_space<vmem>>
        %parallel_loop3A_1346 = arith.index_cast %parallel_loop3A_1017 : i32 to index
        %parallel_loop3A_1347 = arith.constant 112 : index
        %parallel_loop3A_1348 = tpu.vector_load %parallel_loop3A_1345[%parallel_loop3A_1346, %parallel_loop3A_1347] {strides = array<i32>} : memref<64x128xf32, #tpu.memory_space<vmem>>, vector<16xf32>,
        %parallel_loop3A_1349 = arith.addf %parallel_loop3A_1341, %parallel_loop3A_1348 : vector<16xf32>
        %parallel_loop3A_1350 = arith.constant 2.000000e-01 : f32
        %parallel_loop3A_1351 = vector.broadcast %parallel_loop3A_1350 : f32 to vector<16xf32>
        %parallel_loop3A_1352 = arith.mulf %parallel_loop3A_1351, %parallel_loop3A_1349 : vector<16xf32>
        %parallel_loop3A_1353 = arith.maximumf %parallel_loop3A_1349, %parallel_loop3A_1352 : vector<16xf32>
        %parallel_loop3A_1354 = arith.mulf %get3A_33, %parallel_loop3A_1353 : vector<16xf32>
        %parallel_loop3A_1355 = arith.addf %parallel_loop3A_1334, %parallel_loop3A_1354 : vector<16xf32>
        %parallel_loop3A_1356 = arith.index_cast %parallel_loop3A_1017 : i32 to index
        %parallel_loop3A_1357 = arith.constant 0 : index
        %parallel_loop3A_1358 = tpu.vector_load %arg18[%parallel_loop3A_1356, %parallel_loop3A_1357] {strides = array<i32>} : memref<64x16xf32, #tpu.memory_space<vmem>>, vector<16xf32>,
        tpu.vector_store %arg18[%parallel_loop3A_1356, %parallel_loop3A_1357], %parallel_loop3A_1355 {strides = array<i32>} : memref<64x16xf32, #tpu.memory_space<vmem>>, vector<16xf32>,
      } {sc.loop_unroll_factor = 4 : i64, sc.parallel_access}
      %add3A_245 = arith.constant 0 : i32
      %add3A_246 = vector.broadcast %add3A_245 : i32 to vector<16xi32>
      %add3A_247 = arith.addi %iota3A, %add3A_246 : vector<16xi32>
      %broadcast_in_dim3A = arith.constant 0.000000e+00 : f32
      %broadcast_in_dim3A_248 = vector.broadcast %broadcast_in_dim3A : f32 to vector<16xf32>
      %broadcast_in_dim3A_249 = arith.constant 0 : i32
      %broadcast_in_dim3A_250 = vector.broadcast %broadcast_in_dim3A_249 : i32 to vector<16xi32>
      %gather3A = tpu.vector_load_idx %arg18[%add3A_247, %broadcast_in_dim3A_250] : memref<64x16xf32, #tpu.memory_space<vmem>>[vector<16xi32>, vector<16xi32>], vector<16xf32>,
      %add3A_251 = arith.addf %broadcast_in_dim3A_248, %gather3A : vector<16xf32>
      %broadcast_in_dim3A_252 = arith.constant 1 : i32
      %broadcast_in_dim3A_253 = vector.broadcast %broadcast_in_dim3A_252 : i32 to vector<16xi32>
      %gather3A_254 = tpu.vector_load_idx %arg18[%add3A_247, %broadcast_in_dim3A_253] : memref<64x16xf32, #tpu.memory_space<vmem>>[vector<16xi32>, vector<16xi32>], vector<16xf32>,
      %add3A_255 = arith.addf %add3A_251, %gather3A_254 : vector<16xf32>
      %broadcast_in_dim3A_256 = arith.constant 2 : i32
      %broadcast_in_dim3A_257 = vector.broadcast %broadcast_in_dim3A_256 : i32 to vector<16xi32>
      %gather3A_258 = tpu.vector_load_idx %arg18[%add3A_247, %broadcast_in_dim3A_257] : memref<64x16xf32, #tpu.memory_space<vmem>>[vector<16xi32>, vector<16xi32>], vector<16xf32>,
      %add3A_259 = arith.addf %add3A_255, %gather3A_258 : vector<16xf32>
      %broadcast_in_dim3A_260 = arith.constant 3 : i32
      %broadcast_in_dim3A_261 = vector.broadcast %broadcast_in_dim3A_260 : i32 to vector<16xi32>
      %gather3A_262 = tpu.vector_load_idx %arg18[%add3A_247, %broadcast_in_dim3A_261] : memref<64x16xf32, #tpu.memory_space<vmem>>[vector<16xi32>, vector<16xi32>], vector<16xf32>,
      %add3A_263 = arith.addf %add3A_259, %gather3A_262 : vector<16xf32>
      %broadcast_in_dim3A_264 = arith.constant 4 : i32
      %broadcast_in_dim3A_265 = vector.broadcast %broadcast_in_dim3A_264 : i32 to vector<16xi32>
      %gather3A_266 = tpu.vector_load_idx %arg18[%add3A_247, %broadcast_in_dim3A_265] : memref<64x16xf32, #tpu.memory_space<vmem>>[vector<16xi32>, vector<16xi32>], vector<16xf32>,
      %add3A_267 = arith.addf %add3A_263, %gather3A_266 : vector<16xf32>
      %broadcast_in_dim3A_268 = arith.constant 5 : i32
      %broadcast_in_dim3A_269 = vector.broadcast %broadcast_in_dim3A_268 : i32 to vector<16xi32>
      %gather3A_270 = tpu.vector_load_idx %arg18[%add3A_247, %broadcast_in_dim3A_269] : memref<64x16xf32, #tpu.memory_space<vmem>>[vector<16xi32>, vector<16xi32>], vector<16xf32>,
      %add3A_271 = arith.addf %add3A_267, %gather3A_270 : vector<16xf32>
      %broadcast_in_dim3A_272 = arith.constant 6 : i32
      %broadcast_in_dim3A_273 = vector.broadcast %broadcast_in_dim3A_272 : i32 to vector<16xi32>
      %gather3A_274 = tpu.vector_load_idx %arg18[%add3A_247, %broadcast_in_dim3A_273] : memref<64x16xf32, #tpu.memory_space<vmem>>[vector<16xi32>, vector<16xi32>], vector<16xf32>,
      %add3A_275 = arith.addf %add3A_271, %gather3A_274 : vector<16xf32>
      %broadcast_in_dim3A_276 = arith.constant 7 : i32
      %broadcast_in_dim3A_277 = vector.broadcast %broadcast_in_dim3A_276 : i32 to vector<16xi32>
      %gather3A_278 = tpu.vector_load_idx %arg18[%add3A_247, %broadcast_in_dim3A_277] : memref<64x16xf32, #tpu.memory_space<vmem>>[vector<16xi32>, vector<16xi32>], vector<16xf32>,
      %add3A_279 = arith.addf %add3A_275, %gather3A_278 : vector<16xf32>
      %broadcast_in_dim3A_280 = arith.constant 8 : i32
      %broadcast_in_dim3A_281 = vector.broadcast %broadcast_in_dim3A_280 : i32 to vector<16xi32>
      %gather3A_282 = tpu.vector_load_idx %arg18[%add3A_247, %broadcast_in_dim3A_281] : memref<64x16xf32, #tpu.memory_space<vmem>>[vector<16xi32>, vector<16xi32>], vector<16xf32>,
      %add3A_283 = arith.addf %add3A_279, %gather3A_282 : vector<16xf32>
      %broadcast_in_dim3A_284 = arith.constant 9 : i32
      %broadcast_in_dim3A_285 = vector.broadcast %broadcast_in_dim3A_284 : i32 to vector<16xi32>
      %gather3A_286 = tpu.vector_load_idx %arg18[%add3A_247, %broadcast_in_dim3A_285] : memref<64x16xf32, #tpu.memory_space<vmem>>[vector<16xi32>, vector<16xi32>], vector<16xf32>,
      %add3A_287 = arith.addf %add3A_283, %gather3A_286 : vector<16xf32>
      %broadcast_in_dim3A_288 = arith.constant 10 : i32
      %broadcast_in_dim3A_289 = vector.broadcast %broadcast_in_dim3A_288 : i32 to vector<16xi32>
      %gather3A_290 = tpu.vector_load_idx %arg18[%add3A_247, %broadcast_in_dim3A_289] : memref<64x16xf32, #tpu.memory_space<vmem>>[vector<16xi32>, vector<16xi32>], vector<16xf32>,
      %add3A_291 = arith.addf %add3A_287, %gather3A_290 : vector<16xf32>
      %broadcast_in_dim3A_292 = arith.constant 11 : i32
      %broadcast_in_dim3A_293 = vector.broadcast %broadcast_in_dim3A_292 : i32 to vector<16xi32>
      %gather3A_294 = tpu.vector_load_idx %arg18[%add3A_247, %broadcast_in_dim3A_293] : memref<64x16xf32, #tpu.memory_space<vmem>>[vector<16xi32>, vector<16xi32>], vector<16xf32>,
      %add3A_295 = arith.addf %add3A_291, %gather3A_294 : vector<16xf32>
      %broadcast_in_dim3A_296 = arith.constant 12 : i32
      %broadcast_in_dim3A_297 = vector.broadcast %broadcast_in_dim3A_296 : i32 to vector<16xi32>
      %gather3A_298 = tpu.vector_load_idx %arg18[%add3A_247, %broadcast_in_dim3A_297] : memref<64x16xf32, #tpu.memory_space<vmem>>[vector<16xi32>, vector<16xi32>], vector<16xf32>,
      %add3A_299 = arith.addf %add3A_295, %gather3A_298 : vector<16xf32>
      %broadcast_in_dim3A_300 = arith.constant 13 : i32
      %broadcast_in_dim3A_301 = vector.broadcast %broadcast_in_dim3A_300 : i32 to vector<16xi32>
      %gather3A_302 = tpu.vector_load_idx %arg18[%add3A_247, %broadcast_in_dim3A_301] : memref<64x16xf32, #tpu.memory_space<vmem>>[vector<16xi32>, vector<16xi32>], vector<16xf32>,
      %add3A_303 = arith.addf %add3A_299, %gather3A_302 : vector<16xf32>
      %broadcast_in_dim3A_304 = arith.constant 14 : i32
      %broadcast_in_dim3A_305 = vector.broadcast %broadcast_in_dim3A_304 : i32 to vector<16xi32>
      %gather3A_306 = tpu.vector_load_idx %arg18[%add3A_247, %broadcast_in_dim3A_305] : memref<64x16xf32, #tpu.memory_space<vmem>>[vector<16xi32>, vector<16xi32>], vector<16xf32>,
      %add3A_307 = arith.addf %add3A_303, %gather3A_306 : vector<16xf32>
      %broadcast_in_dim3A_308 = arith.constant 15 : i32
      %broadcast_in_dim3A_309 = vector.broadcast %broadcast_in_dim3A_308 : i32 to vector<16xi32>
      %gather3A_310 = tpu.vector_load_idx %arg18[%add3A_247, %broadcast_in_dim3A_309] : memref<64x16xf32, #tpu.memory_space<vmem>>[vector<16xi32>, vector<16xi32>], vector<16xf32>,
      %add3A_311 = arith.addf %add3A_307, %gather3A_310 : vector<16xf32>
      %exp3A = math.exp %add3A_311 : vector<16xf32>
      %swap3A = arith.constant 0 : i32
      %swap3A_312 = arith.constant 0 : i32
      %swap3A_313 = tpu.memref_slice %arg19[%swap3A, %swap3A_312] : memref<2x64xf32, #tpu.memory_space<vmem>> -> memref<1x64xf32, #tpu.memory_space<vmem>>
      %swap3A_314 = tpu.memref_squeeze %swap3A_313 : memref<1x64xf32, #tpu.memory_space<vmem>> -> memref<64xf32, #tpu.memory_space<vmem>>
      %swap3A_315 = arith.constant 0 : index
      %swap3A_316 = tpu.vector_load %swap3A_314[%swap3A_315] {strides = array<i32>} : memref<64xf32, #tpu.memory_space<vmem>>, vector<16xf32>,
      tpu.vector_store %swap3A_314[%swap3A_315], %exp3A {strides = array<i32>} : memref<64xf32, #tpu.memory_space<vmem>>, vector<16xf32>,
      %add3A_317 = arith.constant 16 : i32
      %add3A_318 = vector.broadcast %add3A_317 : i32 to vector<16xi32>
      %add3A_319 = arith.addi %iota3A, %add3A_318 : vector<16xi32>
      %broadcast_in_dim3A_320 = arith.constant 0.000000e+00 : f32
      %broadcast_in_dim3A_321 = vector.broadcast %broadcast_in_dim3A_320 : f32 to vector<16xf32>
      %broadcast_in_dim3A_322 = arith.constant 0 : i32
      %broadcast_in_dim3A_323 = vector.broadcast %broadcast_in_dim3A_322 : i32 to vector<16xi32>
      %gather3A_324 = tpu.vector_load_idx %arg18[%add3A_319, %broadcast_in_dim3A_323] : memref<64x16xf32, #tpu.memory_space<vmem>>[vector<16xi32>, vector<16xi32>], vector<16xf32>,
      %add3A_325 = arith.addf %broadcast_in_dim3A_321, %gather3A_324 : vector<16xf32>
      %broadcast_in_dim3A_326 = arith.constant 1 : i32
      %broadcast_in_dim3A_327 = vector.broadcast %broadcast_in_dim3A_326 : i32 to vector<16xi32>
      %gather3A_328 = tpu.vector_load_idx %arg18[%add3A_319, %broadcast_in_dim3A_327] : memref<64x16xf32, #tpu.memory_space<vmem>>[vector<16xi32>, vector<16xi32>], vector<16xf32>,
      %add3A_329 = arith.addf %add3A_325, %gather3A_328 : vector<16xf32>
      %broadcast_in_dim3A_330 = arith.constant 2 : i32
      %broadcast_in_dim3A_331 = vector.broadcast %broadcast_in_dim3A_330 : i32 to vector<16xi32>
      %gather3A_332 = tpu.vector_load_idx %arg18[%add3A_319, %broadcast_in_dim3A_331] : memref<64x16xf32, #tpu.memory_space<vmem>>[vector<16xi32>, vector<16xi32>], vector<16xf32>,
      %add3A_333 = arith.addf %add3A_329, %gather3A_332 : vector<16xf32>
      %broadcast_in_dim3A_334 = arith.constant 3 : i32
      %broadcast_in_dim3A_335 = vector.broadcast %broadcast_in_dim3A_334 : i32 to vector<16xi32>
      %gather3A_336 = tpu.vector_load_idx %arg18[%add3A_319, %broadcast_in_dim3A_335] : memref<64x16xf32, #tpu.memory_space<vmem>>[vector<16xi32>, vector<16xi32>], vector<16xf32>,
      %add3A_337 = arith.addf %add3A_333, %gather3A_336 : vector<16xf32>
      %broadcast_in_dim3A_338 = arith.constant 4 : i32
      %broadcast_in_dim3A_339 = vector.broadcast %broadcast_in_dim3A_338 : i32 to vector<16xi32>
      %gather3A_340 = tpu.vector_load_idx %arg18[%add3A_319, %broadcast_in_dim3A_339] : memref<64x16xf32, #tpu.memory_space<vmem>>[vector<16xi32>, vector<16xi32>], vector<16xf32>,
      %add3A_341 = arith.addf %add3A_337, %gather3A_340 : vector<16xf32>
      %broadcast_in_dim3A_342 = arith.constant 5 : i32
      %broadcast_in_dim3A_343 = vector.broadcast %broadcast_in_dim3A_342 : i32 to vector<16xi32>
      %gather3A_344 = tpu.vector_load_idx %arg18[%add3A_319, %broadcast_in_dim3A_343] : memref<64x16xf32, #tpu.memory_space<vmem>>[vector<16xi32>, vector<16xi32>], vector<16xf32>,
      %add3A_345 = arith.addf %add3A_341, %gather3A_344 : vector<16xf32>
      %broadcast_in_dim3A_346 = arith.constant 6 : i32
      %broadcast_in_dim3A_347 = vector.broadcast %broadcast_in_dim3A_346 : i32 to vector<16xi32>
      %gather3A_348 = tpu.vector_load_idx %arg18[%add3A_319, %broadcast_in_dim3A_347] : memref<64x16xf32, #tpu.memory_space<vmem>>[vector<16xi32>, vector<16xi32>], vector<16xf32>,
      %add3A_349 = arith.addf %add3A_345, %gather3A_348 : vector<16xf32>
      %broadcast_in_dim3A_350 = arith.constant 7 : i32
      %broadcast_in_dim3A_351 = vector.broadcast %broadcast_in_dim3A_350 : i32 to vector<16xi32>
      %gather3A_352 = tpu.vector_load_idx %arg18[%add3A_319, %broadcast_in_dim3A_351] : memref<64x16xf32, #tpu.memory_space<vmem>>[vector<16xi32>, vector<16xi32>], vector<16xf32>,
      %add3A_353 = arith.addf %add3A_349, %gather3A_352 : vector<16xf32>
      %broadcast_in_dim3A_354 = arith.constant 8 : i32
      %broadcast_in_dim3A_355 = vector.broadcast %broadcast_in_dim3A_354 : i32 to vector<16xi32>
      %gather3A_356 = tpu.vector_load_idx %arg18[%add3A_319, %broadcast_in_dim3A_355] : memref<64x16xf32, #tpu.memory_space<vmem>>[vector<16xi32>, vector<16xi32>], vector<16xf32>,
      %add3A_357 = arith.addf %add3A_353, %gather3A_356 : vector<16xf32>
      %broadcast_in_dim3A_358 = arith.constant 9 : i32
      %broadcast_in_dim3A_359 = vector.broadcast %broadcast_in_dim3A_358 : i32 to vector<16xi32>
      %gather3A_360 = tpu.vector_load_idx %arg18[%add3A_319, %broadcast_in_dim3A_359] : memref<64x16xf32, #tpu.memory_space<vmem>>[vector<16xi32>, vector<16xi32>], vector<16xf32>,
      %add3A_361 = arith.addf %add3A_357, %gather3A_360 : vector<16xf32>
      %broadcast_in_dim3A_362 = arith.constant 10 : i32
      %broadcast_in_dim3A_363 = vector.broadcast %broadcast_in_dim3A_362 : i32 to vector<16xi32>
      %gather3A_364 = tpu.vector_load_idx %arg18[%add3A_319, %broadcast_in_dim3A_363] : memref<64x16xf32, #tpu.memory_space<vmem>>[vector<16xi32>, vector<16xi32>], vector<16xf32>,
      %add3A_365 = arith.addf %add3A_361, %gather3A_364 : vector<16xf32>
      %broadcast_in_dim3A_366 = arith.constant 11 : i32
      %broadcast_in_dim3A_367 = vector.broadcast %broadcast_in_dim3A_366 : i32 to vector<16xi32>
      %gather3A_368 = tpu.vector_load_idx %arg18[%add3A_319, %broadcast_in_dim3A_367] : memref<64x16xf32, #tpu.memory_space<vmem>>[vector<16xi32>, vector<16xi32>], vector<16xf32>,
      %add3A_369 = arith.addf %add3A_365, %gather3A_368 : vector<16xf32>
      %broadcast_in_dim3A_370 = arith.constant 12 : i32
      %broadcast_in_dim3A_371 = vector.broadcast %broadcast_in_dim3A_370 : i32 to vector<16xi32>
      %gather3A_372 = tpu.vector_load_idx %arg18[%add3A_319, %broadcast_in_dim3A_371] : memref<64x16xf32, #tpu.memory_space<vmem>>[vector<16xi32>, vector<16xi32>], vector<16xf32>,
      %add3A_373 = arith.addf %add3A_369, %gather3A_372 : vector<16xf32>
      %broadcast_in_dim3A_374 = arith.constant 13 : i32
      %broadcast_in_dim3A_375 = vector.broadcast %broadcast_in_dim3A_374 : i32 to vector<16xi32>
      %gather3A_376 = tpu.vector_load_idx %arg18[%add3A_319, %broadcast_in_dim3A_375] : memref<64x16xf32, #tpu.memory_space<vmem>>[vector<16xi32>, vector<16xi32>], vector<16xf32>,
      %add3A_377 = arith.addf %add3A_373, %gather3A_376 : vector<16xf32>
      %broadcast_in_dim3A_378 = arith.constant 14 : i32
      %broadcast_in_dim3A_379 = vector.broadcast %broadcast_in_dim3A_378 : i32 to vector<16xi32>
      %gather3A_380 = tpu.vector_load_idx %arg18[%add3A_319, %broadcast_in_dim3A_379] : memref<64x16xf32, #tpu.memory_space<vmem>>[vector<16xi32>, vector<16xi32>], vector<16xf32>,
      %add3A_381 = arith.addf %add3A_377, %gather3A_380 : vector<16xf32>
      %broadcast_in_dim3A_382 = arith.constant 15 : i32
      %broadcast_in_dim3A_383 = vector.broadcast %broadcast_in_dim3A_382 : i32 to vector<16xi32>
      %gather3A_384 = tpu.vector_load_idx %arg18[%add3A_319, %broadcast_in_dim3A_383] : memref<64x16xf32, #tpu.memory_space<vmem>>[vector<16xi32>, vector<16xi32>], vector<16xf32>,
      %add3A_385 = arith.addf %add3A_381, %gather3A_384 : vector<16xf32>
      %exp3A_386 = math.exp %add3A_385 : vector<16xf32>
      %swap3A_387 = arith.constant 0 : i32
      %swap3A_388 = arith.constant 0 : i32
      %swap3A_389 = tpu.memref_slice %arg19[%swap3A_387, %swap3A_388] : memref<2x64xf32, #tpu.memory_space<vmem>> -> memref<1x64xf32, #tpu.memory_space<vmem>>
      %swap3A_390 = tpu.memref_squeeze %swap3A_389 : memref<1x64xf32, #tpu.memory_space<vmem>> -> memref<64xf32, #tpu.memory_space<vmem>>
      %swap3A_391 = arith.constant 16 : index
      %swap3A_392 = tpu.vector_load %swap3A_390[%swap3A_391] {strides = array<i32>} : memref<64xf32, #tpu.memory_space<vmem>>, vector<16xf32>,
      tpu.vector_store %swap3A_390[%swap3A_391], %exp3A_386 {strides = array<i32>} : memref<64xf32, #tpu.memory_space<vmem>>, vector<16xf32>,
      %add3A_393 = arith.constant 32 : i32
      %add3A_394 = vector.broadcast %add3A_393 : i32 to vector<16xi32>
      %add3A_395 = arith.addi %iota3A, %add3A_394 : vector<16xi32>
      %broadcast_in_dim3A_396 = arith.constant 0.000000e+00 : f32
      %broadcast_in_dim3A_397 = vector.broadcast %broadcast_in_dim3A_396 : f32 to vector<16xf32>
      %broadcast_in_dim3A_398 = arith.constant 0 : i32
      %broadcast_in_dim3A_399 = vector.broadcast %broadcast_in_dim3A_398 : i32 to vector<16xi32>
      %gather3A_400 = tpu.vector_load_idx %arg18[%add3A_395, %broadcast_in_dim3A_399] : memref<64x16xf32, #tpu.memory_space<vmem>>[vector<16xi32>, vector<16xi32>], vector<16xf32>,
      %add3A_401 = arith.addf %broadcast_in_dim3A_397, %gather3A_400 : vector<16xf32>
      %broadcast_in_dim3A_402 = arith.constant 1 : i32
      %broadcast_in_dim3A_403 = vector.broadcast %broadcast_in_dim3A_402 : i32 to vector<16xi32>
      %gather3A_404 = tpu.vector_load_idx %arg18[%add3A_395, %broadcast_in_dim3A_403] : memref<64x16xf32, #tpu.memory_space<vmem>>[vector<16xi32>, vector<16xi32>], vector<16xf32>,
      %add3A_405 = arith.addf %add3A_401, %gather3A_404 : vector<16xf32>
      %broadcast_in_dim3A_406 = arith.constant 2 : i32
      %broadcast_in_dim3A_407 = vector.broadcast %broadcast_in_dim3A_406 : i32 to vector<16xi32>
      %gather3A_408 = tpu.vector_load_idx %arg18[%add3A_395, %broadcast_in_dim3A_407] : memref<64x16xf32, #tpu.memory_space<vmem>>[vector<16xi32>, vector<16xi32>], vector<16xf32>,
      %add3A_409 = arith.addf %add3A_405, %gather3A_408 : vector<16xf32>
      %broadcast_in_dim3A_410 = arith.constant 3 : i32
      %broadcast_in_dim3A_411 = vector.broadcast %broadcast_in_dim3A_410 : i32 to vector<16xi32>
      %gather3A_412 = tpu.vector_load_idx %arg18[%add3A_395, %broadcast_in_dim3A_411] : memref<64x16xf32, #tpu.memory_space<vmem>>[vector<16xi32>, vector<16xi32>], vector<16xf32>,
      %add3A_413 = arith.addf %add3A_409, %gather3A_412 : vector<16xf32>
      %broadcast_in_dim3A_414 = arith.constant 4 : i32
      %broadcast_in_dim3A_415 = vector.broadcast %broadcast_in_dim3A_414 : i32 to vector<16xi32>
      %gather3A_416 = tpu.vector_load_idx %arg18[%add3A_395, %broadcast_in_dim3A_415] : memref<64x16xf32, #tpu.memory_space<vmem>>[vector<16xi32>, vector<16xi32>], vector<16xf32>,
      %add3A_417 = arith.addf %add3A_413, %gather3A_416 : vector<16xf32>
      %broadcast_in_dim3A_418 = arith.constant 5 : i32
      %broadcast_in_dim3A_419 = vector.broadcast %broadcast_in_dim3A_418 : i32 to vector<16xi32>
      %gather3A_420 = tpu.vector_load_idx %arg18[%add3A_395, %broadcast_in_dim3A_419] : memref<64x16xf32, #tpu.memory_space<vmem>>[vector<16xi32>, vector<16xi32>], vector<16xf32>,
      %add3A_421 = arith.addf %add3A_417, %gather3A_420 : vector<16xf32>
      %broadcast_in_dim3A_422 = arith.constant 6 : i32
      %broadcast_in_dim3A_423 = vector.broadcast %broadcast_in_dim3A_422 : i32 to vector<16xi32>
      %gather3A_424 = tpu.vector_load_idx %arg18[%add3A_395, %broadcast_in_dim3A_423] : memref<64x16xf32, #tpu.memory_space<vmem>>[vector<16xi32>, vector<16xi32>], vector<16xf32>,
      %add3A_425 = arith.addf %add3A_421, %gather3A_424 : vector<16xf32>
      %broadcast_in_dim3A_426 = arith.constant 7 : i32
      %broadcast_in_dim3A_427 = vector.broadcast %broadcast_in_dim3A_426 : i32 to vector<16xi32>
      %gather3A_428 = tpu.vector_load_idx %arg18[%add3A_395, %broadcast_in_dim3A_427] : memref<64x16xf32, #tpu.memory_space<vmem>>[vector<16xi32>, vector<16xi32>], vector<16xf32>,
      %add3A_429 = arith.addf %add3A_425, %gather3A_428 : vector<16xf32>
      %broadcast_in_dim3A_430 = arith.constant 8 : i32
      %broadcast_in_dim3A_431 = vector.broadcast %broadcast_in_dim3A_430 : i32 to vector<16xi32>
      %gather3A_432 = tpu.vector_load_idx %arg18[%add3A_395, %broadcast_in_dim3A_431] : memref<64x16xf32, #tpu.memory_space<vmem>>[vector<16xi32>, vector<16xi32>], vector<16xf32>,
      %add3A_433 = arith.addf %add3A_429, %gather3A_432 : vector<16xf32>
      %broadcast_in_dim3A_434 = arith.constant 9 : i32
      %broadcast_in_dim3A_435 = vector.broadcast %broadcast_in_dim3A_434 : i32 to vector<16xi32>
      %gather3A_436 = tpu.vector_load_idx %arg18[%add3A_395, %broadcast_in_dim3A_435] : memref<64x16xf32, #tpu.memory_space<vmem>>[vector<16xi32>, vector<16xi32>], vector<16xf32>,
      %add3A_437 = arith.addf %add3A_433, %gather3A_436 : vector<16xf32>
      %broadcast_in_dim3A_438 = arith.constant 10 : i32
      %broadcast_in_dim3A_439 = vector.broadcast %broadcast_in_dim3A_438 : i32 to vector<16xi32>
      %gather3A_440 = tpu.vector_load_idx %arg18[%add3A_395, %broadcast_in_dim3A_439] : memref<64x16xf32, #tpu.memory_space<vmem>>[vector<16xi32>, vector<16xi32>], vector<16xf32>,
      %add3A_441 = arith.addf %add3A_437, %gather3A_440 : vector<16xf32>
      %broadcast_in_dim3A_442 = arith.constant 11 : i32
      %broadcast_in_dim3A_443 = vector.broadcast %broadcast_in_dim3A_442 : i32 to vector<16xi32>
      %gather3A_444 = tpu.vector_load_idx %arg18[%add3A_395, %broadcast_in_dim3A_443] : memref<64x16xf32, #tpu.memory_space<vmem>>[vector<16xi32>, vector<16xi32>], vector<16xf32>,
      %add3A_445 = arith.addf %add3A_441, %gather3A_444 : vector<16xf32>
      %broadcast_in_dim3A_446 = arith.constant 12 : i32
      %broadcast_in_dim3A_447 = vector.broadcast %broadcast_in_dim3A_446 : i32 to vector<16xi32>
      %gather3A_448 = tpu.vector_load_idx %arg18[%add3A_395, %broadcast_in_dim3A_447] : memref<64x16xf32, #tpu.memory_space<vmem>>[vector<16xi32>, vector<16xi32>], vector<16xf32>,
      %add3A_449 = arith.addf %add3A_445, %gather3A_448 : vector<16xf32>
      %broadcast_in_dim3A_450 = arith.constant 13 : i32
      %broadcast_in_dim3A_451 = vector.broadcast %broadcast_in_dim3A_450 : i32 to vector<16xi32>
      %gather3A_452 = tpu.vector_load_idx %arg18[%add3A_395, %broadcast_in_dim3A_451] : memref<64x16xf32, #tpu.memory_space<vmem>>[vector<16xi32>, vector<16xi32>], vector<16xf32>,
      %add3A_453 = arith.addf %add3A_449, %gather3A_452 : vector<16xf32>
      %broadcast_in_dim3A_454 = arith.constant 14 : i32
      %broadcast_in_dim3A_455 = vector.broadcast %broadcast_in_dim3A_454 : i32 to vector<16xi32>
      %gather3A_456 = tpu.vector_load_idx %arg18[%add3A_395, %broadcast_in_dim3A_455] : memref<64x16xf32, #tpu.memory_space<vmem>>[vector<16xi32>, vector<16xi32>], vector<16xf32>,
      %add3A_457 = arith.addf %add3A_453, %gather3A_456 : vector<16xf32>
      %broadcast_in_dim3A_458 = arith.constant 15 : i32
      %broadcast_in_dim3A_459 = vector.broadcast %broadcast_in_dim3A_458 : i32 to vector<16xi32>
      %gather3A_460 = tpu.vector_load_idx %arg18[%add3A_395, %broadcast_in_dim3A_459] : memref<64x16xf32, #tpu.memory_space<vmem>>[vector<16xi32>, vector<16xi32>], vector<16xf32>,
      %add3A_461 = arith.addf %add3A_457, %gather3A_460 : vector<16xf32>
      %exp3A_462 = math.exp %add3A_461 : vector<16xf32>
      %swap3A_463 = arith.constant 0 : i32
      %swap3A_464 = arith.constant 0 : i32
      %swap3A_465 = tpu.memref_slice %arg19[%swap3A_463, %swap3A_464] : memref<2x64xf32, #tpu.memory_space<vmem>> -> memref<1x64xf32, #tpu.memory_space<vmem>>
      %swap3A_466 = tpu.memref_squeeze %swap3A_465 : memref<1x64xf32, #tpu.memory_space<vmem>> -> memref<64xf32, #tpu.memory_space<vmem>>
      %swap3A_467 = arith.constant 32 : index
      %swap3A_468 = tpu.vector_load %swap3A_466[%swap3A_467] {strides = array<i32>} : memref<64xf32, #tpu.memory_space<vmem>>, vector<16xf32>,
      tpu.vector_store %swap3A_466[%swap3A_467], %exp3A_462 {strides = array<i32>} : memref<64xf32, #tpu.memory_space<vmem>>, vector<16xf32>,
      %add3A_469 = arith.constant 48 : i32
      %add3A_470 = vector.broadcast %add3A_469 : i32 to vector<16xi32>
      %add3A_471 = arith.addi %iota3A, %add3A_470 : vector<16xi32>
      %broadcast_in_dim3A_472 = arith.constant 0.000000e+00 : f32
      %broadcast_in_dim3A_473 = vector.broadcast %broadcast_in_dim3A_472 : f32 to vector<16xf32>
      %broadcast_in_dim3A_474 = arith.constant 0 : i32
      %broadcast_in_dim3A_475 = vector.broadcast %broadcast_in_dim3A_474 : i32 to vector<16xi32>
      %gather3A_476 = tpu.vector_load_idx %arg18[%add3A_471, %broadcast_in_dim3A_475] : memref<64x16xf32, #tpu.memory_space<vmem>>[vector<16xi32>, vector<16xi32>], vector<16xf32>,
      %add3A_477 = arith.addf %broadcast_in_dim3A_473, %gather3A_476 : vector<16xf32>
      %broadcast_in_dim3A_478 = arith.constant 1 : i32
      %broadcast_in_dim3A_479 = vector.broadcast %broadcast_in_dim3A_478 : i32 to vector<16xi32>
      %gather3A_480 = tpu.vector_load_idx %arg18[%add3A_471, %broadcast_in_dim3A_479] : memref<64x16xf32, #tpu.memory_space<vmem>>[vector<16xi32>, vector<16xi32>], vector<16xf32>,
      %add3A_481 = arith.addf %add3A_477, %gather3A_480 : vector<16xf32>
      %broadcast_in_dim3A_482 = arith.constant 2 : i32
      %broadcast_in_dim3A_483 = vector.broadcast %broadcast_in_dim3A_482 : i32 to vector<16xi32>
      %gather3A_484 = tpu.vector_load_idx %arg18[%add3A_471, %broadcast_in_dim3A_483] : memref<64x16xf32, #tpu.memory_space<vmem>>[vector<16xi32>, vector<16xi32>], vector<16xf32>,
      %add3A_485 = arith.addf %add3A_481, %gather3A_484 : vector<16xf32>
      %broadcast_in_dim3A_486 = arith.constant 3 : i32
      %broadcast_in_dim3A_487 = vector.broadcast %broadcast_in_dim3A_486 : i32 to vector<16xi32>
      %gather3A_488 = tpu.vector_load_idx %arg18[%add3A_471, %broadcast_in_dim3A_487] : memref<64x16xf32, #tpu.memory_space<vmem>>[vector<16xi32>, vector<16xi32>], vector<16xf32>,
      %add3A_489 = arith.addf %add3A_485, %gather3A_488 : vector<16xf32>
      %broadcast_in_dim3A_490 = arith.constant 4 : i32
      %broadcast_in_dim3A_491 = vector.broadcast %broadcast_in_dim3A_490 : i32 to vector<16xi32>
      %gather3A_492 = tpu.vector_load_idx %arg18[%add3A_471, %broadcast_in_dim3A_491] : memref<64x16xf32, #tpu.memory_space<vmem>>[vector<16xi32>, vector<16xi32>], vector<16xf32>,
      %add3A_493 = arith.addf %add3A_489, %gather3A_492 : vector<16xf32>
      %broadcast_in_dim3A_494 = arith.constant 5 : i32
      %broadcast_in_dim3A_495 = vector.broadcast %broadcast_in_dim3A_494 : i32 to vector<16xi32>
      %gather3A_496 = tpu.vector_load_idx %arg18[%add3A_471, %broadcast_in_dim3A_495] : memref<64x16xf32, #tpu.memory_space<vmem>>[vector<16xi32>, vector<16xi32>], vector<16xf32>,
      %add3A_497 = arith.addf %add3A_493, %gather3A_496 : vector<16xf32>
      %broadcast_in_dim3A_498 = arith.constant 6 : i32
      %broadcast_in_dim3A_499 = vector.broadcast %broadcast_in_dim3A_498 : i32 to vector<16xi32>
      %gather3A_500 = tpu.vector_load_idx %arg18[%add3A_471, %broadcast_in_dim3A_499] : memref<64x16xf32, #tpu.memory_space<vmem>>[vector<16xi32>, vector<16xi32>], vector<16xf32>,
      %add3A_501 = arith.addf %add3A_497, %gather3A_500 : vector<16xf32>
      %broadcast_in_dim3A_502 = arith.constant 7 : i32
      %broadcast_in_dim3A_503 = vector.broadcast %broadcast_in_dim3A_502 : i32 to vector<16xi32>
      %gather3A_504 = tpu.vector_load_idx %arg18[%add3A_471, %broadcast_in_dim3A_503] : memref<64x16xf32, #tpu.memory_space<vmem>>[vector<16xi32>, vector<16xi32>], vector<16xf32>,
      %add3A_505 = arith.addf %add3A_501, %gather3A_504 : vector<16xf32>
      %broadcast_in_dim3A_506 = arith.constant 8 : i32
      %broadcast_in_dim3A_507 = vector.broadcast %broadcast_in_dim3A_506 : i32 to vector<16xi32>
      %gather3A_508 = tpu.vector_load_idx %arg18[%add3A_471, %broadcast_in_dim3A_507] : memref<64x16xf32, #tpu.memory_space<vmem>>[vector<16xi32>, vector<16xi32>], vector<16xf32>,
      %add3A_509 = arith.addf %add3A_505, %gather3A_508 : vector<16xf32>
      %broadcast_in_dim3A_510 = arith.constant 9 : i32
      %broadcast_in_dim3A_511 = vector.broadcast %broadcast_in_dim3A_510 : i32 to vector<16xi32>
      %gather3A_512 = tpu.vector_load_idx %arg18[%add3A_471, %broadcast_in_dim3A_511] : memref<64x16xf32, #tpu.memory_space<vmem>>[vector<16xi32>, vector<16xi32>], vector<16xf32>,
      %add3A_513 = arith.addf %add3A_509, %gather3A_512 : vector<16xf32>
      %broadcast_in_dim3A_514 = arith.constant 10 : i32
      %broadcast_in_dim3A_515 = vector.broadcast %broadcast_in_dim3A_514 : i32 to vector<16xi32>
      %gather3A_516 = tpu.vector_load_idx %arg18[%add3A_471, %broadcast_in_dim3A_515] : memref<64x16xf32, #tpu.memory_space<vmem>>[vector<16xi32>, vector<16xi32>], vector<16xf32>,
      %add3A_517 = arith.addf %add3A_513, %gather3A_516 : vector<16xf32>
      %broadcast_in_dim3A_518 = arith.constant 11 : i32
      %broadcast_in_dim3A_519 = vector.broadcast %broadcast_in_dim3A_518 : i32 to vector<16xi32>
      %gather3A_520 = tpu.vector_load_idx %arg18[%add3A_471, %broadcast_in_dim3A_519] : memref<64x16xf32, #tpu.memory_space<vmem>>[vector<16xi32>, vector<16xi32>], vector<16xf32>,
      %add3A_521 = arith.addf %add3A_517, %gather3A_520 : vector<16xf32>
      %broadcast_in_dim3A_522 = arith.constant 12 : i32
      %broadcast_in_dim3A_523 = vector.broadcast %broadcast_in_dim3A_522 : i32 to vector<16xi32>
      %gather3A_524 = tpu.vector_load_idx %arg18[%add3A_471, %broadcast_in_dim3A_523] : memref<64x16xf32, #tpu.memory_space<vmem>>[vector<16xi32>, vector<16xi32>], vector<16xf32>,
      %add3A_525 = arith.addf %add3A_521, %gather3A_524 : vector<16xf32>
      %broadcast_in_dim3A_526 = arith.constant 13 : i32
      %broadcast_in_dim3A_527 = vector.broadcast %broadcast_in_dim3A_526 : i32 to vector<16xi32>
      %gather3A_528 = tpu.vector_load_idx %arg18[%add3A_471, %broadcast_in_dim3A_527] : memref<64x16xf32, #tpu.memory_space<vmem>>[vector<16xi32>, vector<16xi32>], vector<16xf32>,
      %add3A_529 = arith.addf %add3A_525, %gather3A_528 : vector<16xf32>
      %broadcast_in_dim3A_530 = arith.constant 14 : i32
      %broadcast_in_dim3A_531 = vector.broadcast %broadcast_in_dim3A_530 : i32 to vector<16xi32>
      %gather3A_532 = tpu.vector_load_idx %arg18[%add3A_471, %broadcast_in_dim3A_531] : memref<64x16xf32, #tpu.memory_space<vmem>>[vector<16xi32>, vector<16xi32>], vector<16xf32>,
      %add3A_533 = arith.addf %add3A_529, %gather3A_532 : vector<16xf32>
      %broadcast_in_dim3A_534 = arith.constant 15 : i32
      %broadcast_in_dim3A_535 = vector.broadcast %broadcast_in_dim3A_534 : i32 to vector<16xi32>
      %gather3A_536 = tpu.vector_load_idx %arg18[%add3A_471, %broadcast_in_dim3A_535] : memref<64x16xf32, #tpu.memory_space<vmem>>[vector<16xi32>, vector<16xi32>], vector<16xf32>,
      %add3A_537 = arith.addf %add3A_533, %gather3A_536 : vector<16xf32>
      %exp3A_538 = math.exp %add3A_537 : vector<16xf32>
      %swap3A_539 = arith.constant 0 : i32
      %swap3A_540 = arith.constant 0 : i32
      %swap3A_541 = tpu.memref_slice %arg19[%swap3A_539, %swap3A_540] : memref<2x64xf32, #tpu.memory_space<vmem>> -> memref<1x64xf32, #tpu.memory_space<vmem>>
      %swap3A_542 = tpu.memref_squeeze %swap3A_541 : memref<1x64xf32, #tpu.memory_space<vmem>> -> memref<64xf32, #tpu.memory_space<vmem>>
      %swap3A_543 = arith.constant 48 : index
      %swap3A_544 = tpu.vector_load %swap3A_542[%swap3A_543] {strides = array<i32>} : memref<64xf32, #tpu.memory_space<vmem>>, vector<16xf32>,
      tpu.vector_store %swap3A_542[%swap3A_543], %exp3A_538 {strides = array<i32>} : memref<64xf32, #tpu.memory_space<vmem>>, vector<16xf32>,
      %add3A_545 = arith.constant 0 : i32
      %add3A_546 = arith.addi %mul3A_238, %add3A_545 : i32
      %get3A_547 = arith.index_cast %add3A_546 : i32 to index
      %get3A_548 = tpu.vector_load %arg13[%get3A_547] {strides = array<i32>} : memref<5376xi32, #tpu.memory_space<vmem>>, vector<16xi32>,
      %get3A_549 = arith.constant 0 : i32
      %get3A_550 = arith.constant 0 : i32
      %get3A_551 = tpu.memref_slice %arg19[%get3A_549, %get3A_550] : memref<2x64xf32, #tpu.memory_space<vmem>> -> memref<1x64xf32, #tpu.memory_space<vmem>>
      %get3A_552 = tpu.memref_squeeze %get3A_551 : memref<1x64xf32, #tpu.memory_space<vmem>> -> memref<64xf32, #tpu.memory_space<vmem>>
      %get3A_553 = arith.constant 0 : index
      %get3A_554 = tpu.vector_load %get3A_552[%get3A_553] {strides = array<i32>} : memref<64xf32, #tpu.memory_space<vmem>>, vector<16xf32>,
      tpu.vector_store_idx %arg11[%get3A_548], %get3A_554 masked %eq3A_35 {add = true} : memref<10240xf32, #tpu.memory_space<vmem>>[vector<16xi32>], vector<16xf32>, vector<16xi1>
      tpu.vector_store_idx %arg11[%get3A_548], %get3A_554 masked %eq3A_38 {add = true} : memref<10240xf32, #tpu.memory_space<vmem>>[vector<16xi32>], vector<16xf32>, vector<16xi1>
      tpu.vector_store_idx %arg11[%get3A_548], %get3A_554 masked %eq3A_41 {add = true} : memref<10240xf32, #tpu.memory_space<vmem>>[vector<16xi32>], vector<16xf32>, vector<16xi1>
      tpu.vector_store_idx %arg11[%get3A_548], %get3A_554 masked %eq3A_44 {add = true} : memref<10240xf32, #tpu.memory_space<vmem>>[vector<16xi32>], vector<16xf32>, vector<16xi1>
      tpu.vector_store_idx %arg11[%get3A_548], %get3A_554 masked %eq3A_47 {add = true} : memref<10240xf32, #tpu.memory_space<vmem>>[vector<16xi32>], vector<16xf32>, vector<16xi1>
      tpu.vector_store_idx %arg11[%get3A_548], %get3A_554 masked %eq3A_50 {add = true} : memref<10240xf32, #tpu.memory_space<vmem>>[vector<16xi32>], vector<16xf32>, vector<16xi1>
      tpu.vector_store_idx %arg11[%get3A_548], %get3A_554 masked %eq3A_53 {add = true} : memref<10240xf32, #tpu.memory_space<vmem>>[vector<16xi32>], vector<16xf32>, vector<16xi1>
      tpu.vector_store_idx %arg11[%get3A_548], %get3A_554 masked %eq3A_56 {add = true} : memref<10240xf32, #tpu.memory_space<vmem>>[vector<16xi32>], vector<16xf32>, vector<16xi1>
      tpu.vector_store_idx %arg11[%get3A_548], %get3A_554 masked %eq3A_59 {add = true} : memref<10240xf32, #tpu.memory_space<vmem>>[vector<16xi32>], vector<16xf32>, vector<16xi1>
      tpu.vector_store_idx %arg11[%get3A_548], %get3A_554 masked %eq3A_62 {add = true} : memref<10240xf32, #tpu.memory_space<vmem>>[vector<16xi32>], vector<16xf32>, vector<16xi1>
      tpu.vector_store_idx %arg11[%get3A_548], %get3A_554 masked %eq3A_65 {add = true} : memref<10240xf32, #tpu.memory_space<vmem>>[vector<16xi32>], vector<16xf32>, vector<16xi1>
      tpu.vector_store_idx %arg11[%get3A_548], %get3A_554 masked %eq3A_68 {add = true} : memref<10240xf32, #tpu.memory_space<vmem>>[vector<16xi32>], vector<16xf32>, vector<16xi1>
      tpu.vector_store_idx %arg11[%get3A_548], %get3A_554 masked %eq3A_71 {add = true} : memref<10240xf32, #tpu.memory_space<vmem>>[vector<16xi32>], vector<16xf32>, vector<16xi1>
      tpu.vector_store_idx %arg11[%get3A_548], %get3A_554 masked %eq3A_74 {add = true} : memref<10240xf32, #tpu.memory_space<vmem>>[vector<16xi32>], vector<16xf32>, vector<16xi1>
      tpu.vector_store_idx %arg11[%get3A_548], %get3A_554 masked %eq3A_77 {add = true} : memref<10240xf32, #tpu.memory_space<vmem>>[vector<16xi32>], vector<16xf32>, vector<16xi1>
      tpu.vector_store_idx %arg11[%get3A_548], %get3A_554 masked %eq3A_80 {add = true} : memref<10240xf32, #tpu.memory_space<vmem>>[vector<16xi32>], vector<16xf32>, vector<16xi1>
      %add3A_555 = arith.constant 16 : i32
      %add3A_556 = arith.addi %mul3A_238, %add3A_555 : i32
      %get3A_557 = arith.index_cast %add3A_556 : i32 to index
      %get3A_558 = tpu.vector_load %arg13[%get3A_557] {strides = array<i32>} : memref<5376xi32, #tpu.memory_space<vmem>>, vector<16xi32>,
      %get3A_559 = arith.constant 0 : i32
      %get3A_560 = arith.constant 0 : i32
      %get3A_561 = tpu.memref_slice %arg19[%get3A_559, %get3A_560] : memref<2x64xf32, #tpu.memory_space<vmem>> -> memref<1x64xf32, #tpu.memory_space<vmem>>
      %get3A_562 = tpu.memref_squeeze %get3A_561 : memref<1x64xf32, #tpu.memory_space<vmem>> -> memref<64xf32, #tpu.memory_space<vmem>>
      %get3A_563 = arith.constant 16 : index
      %get3A_564 = tpu.vector_load %get3A_562[%get3A_563] {strides = array<i32>} : memref<64xf32, #tpu.memory_space<vmem>>, vector<16xf32>,
      tpu.vector_store_idx %arg11[%get3A_558], %get3A_564 masked %eq3A_35 {add = true} : memref<10240xf32, #tpu.memory_space<vmem>>[vector<16xi32>], vector<16xf32>, vector<16xi1>
      tpu.vector_store_idx %arg11[%get3A_558], %get3A_564 masked %eq3A_38 {add = true} : memref<10240xf32, #tpu.memory_space<vmem>>[vector<16xi32>], vector<16xf32>, vector<16xi1>
      tpu.vector_store_idx %arg11[%get3A_558], %get3A_564 masked %eq3A_41 {add = true} : memref<10240xf32, #tpu.memory_space<vmem>>[vector<16xi32>], vector<16xf32>, vector<16xi1>
      tpu.vector_store_idx %arg11[%get3A_558], %get3A_564 masked %eq3A_44 {add = true} : memref<10240xf32, #tpu.memory_space<vmem>>[vector<16xi32>], vector<16xf32>, vector<16xi1>
      tpu.vector_store_idx %arg11[%get3A_558], %get3A_564 masked %eq3A_47 {add = true} : memref<10240xf32, #tpu.memory_space<vmem>>[vector<16xi32>], vector<16xf32>, vector<16xi1>
      tpu.vector_store_idx %arg11[%get3A_558], %get3A_564 masked %eq3A_50 {add = true} : memref<10240xf32, #tpu.memory_space<vmem>>[vector<16xi32>], vector<16xf32>, vector<16xi1>
      tpu.vector_store_idx %arg11[%get3A_558], %get3A_564 masked %eq3A_53 {add = true} : memref<10240xf32, #tpu.memory_space<vmem>>[vector<16xi32>], vector<16xf32>, vector<16xi1>
      tpu.vector_store_idx %arg11[%get3A_558], %get3A_564 masked %eq3A_56 {add = true} : memref<10240xf32, #tpu.memory_space<vmem>>[vector<16xi32>], vector<16xf32>, vector<16xi1>
      tpu.vector_store_idx %arg11[%get3A_558], %get3A_564 masked %eq3A_59 {add = true} : memref<10240xf32, #tpu.memory_space<vmem>>[vector<16xi32>], vector<16xf32>, vector<16xi1>
      tpu.vector_store_idx %arg11[%get3A_558], %get3A_564 masked %eq3A_62 {add = true} : memref<10240xf32, #tpu.memory_space<vmem>>[vector<16xi32>], vector<16xf32>, vector<16xi1>
      tpu.vector_store_idx %arg11[%get3A_558], %get3A_564 masked %eq3A_65 {add = true} : memref<10240xf32, #tpu.memory_space<vmem>>[vector<16xi32>], vector<16xf32>, vector<16xi1>
      tpu.vector_store_idx %arg11[%get3A_558], %get3A_564 masked %eq3A_68 {add = true} : memref<10240xf32, #tpu.memory_space<vmem>>[vector<16xi32>], vector<16xf32>, vector<16xi1>
      tpu.vector_store_idx %arg11[%get3A_558], %get3A_564 masked %eq3A_71 {add = true} : memref<10240xf32, #tpu.memory_space<vmem>>[vector<16xi32>], vector<16xf32>, vector<16xi1>
      tpu.vector_store_idx %arg11[%get3A_558], %get3A_564 masked %eq3A_74 {add = true} : memref<10240xf32, #tpu.memory_space<vmem>>[vector<16xi32>], vector<16xf32>, vector<16xi1>
      tpu.vector_store_idx %arg11[%get3A_558], %get3A_564 masked %eq3A_77 {add = true} : memref<10240xf32, #tpu.memory_space<vmem>>[vector<16xi32>], vector<16xf32>, vector<16xi1>
      tpu.vector_store_idx %arg11[%get3A_558], %get3A_564 masked %eq3A_80 {add = true} : memref<10240xf32, #tpu.memory_space<vmem>>[vector<16xi32>], vector<16xf32>, vector<16xi1>
      %add3A_565 = arith.constant 32 : i32
      %add3A_566 = arith.addi %mul3A_238, %add3A_565 : i32
      %get3A_567 = arith.index_cast %add3A_566 : i32 to index
      %get3A_568 = tpu.vector_load %arg13[%get3A_567] {strides = array<i32>} : memref<5376xi32, #tpu.memory_space<vmem>>, vector<16xi32>,
      %get3A_569 = arith.constant 0 : i32
      %get3A_570 = arith.constant 0 : i32
      %get3A_571 = tpu.memref_slice %arg19[%get3A_569, %get3A_570] : memref<2x64xf32, #tpu.memory_space<vmem>> -> memref<1x64xf32, #tpu.memory_space<vmem>>
      %get3A_572 = tpu.memref_squeeze %get3A_571 : memref<1x64xf32, #tpu.memory_space<vmem>> -> memref<64xf32, #tpu.memory_space<vmem>>
      %get3A_573 = arith.constant 32 : index
      %get3A_574 = tpu.vector_load %get3A_572[%get3A_573] {strides = array<i32>} : memref<64xf32, #tpu.memory_space<vmem>>, vector<16xf32>,
      tpu.vector_store_idx %arg11[%get3A_568], %get3A_574 masked %eq3A_35 {add = true} : memref<10240xf32, #tpu.memory_space<vmem>>[vector<16xi32>], vector<16xf32>, vector<16xi1>
      tpu.vector_store_idx %arg11[%get3A_568], %get3A_574 masked %eq3A_38 {add = true} : memref<10240xf32, #tpu.memory_space<vmem>>[vector<16xi32>], vector<16xf32>, vector<16xi1>
      tpu.vector_store_idx %arg11[%get3A_568], %get3A_574 masked %eq3A_41 {add = true} : memref<10240xf32, #tpu.memory_space<vmem>>[vector<16xi32>], vector<16xf32>, vector<16xi1>
      tpu.vector_store_idx %arg11[%get3A_568], %get3A_574 masked %eq3A_44 {add = true} : memref<10240xf32, #tpu.memory_space<vmem>>[vector<16xi32>], vector<16xf32>, vector<16xi1>
      tpu.vector_store_idx %arg11[%get3A_568], %get3A_574 masked %eq3A_47 {add = true} : memref<10240xf32, #tpu.memory_space<vmem>>[vector<16xi32>], vector<16xf32>, vector<16xi1>
      tpu.vector_store_idx %arg11[%get3A_568], %get3A_574 masked %eq3A_50 {add = true} : memref<10240xf32, #tpu.memory_space<vmem>>[vector<16xi32>], vector<16xf32>, vector<16xi1>
      tpu.vector_store_idx %arg11[%get3A_568], %get3A_574 masked %eq3A_53 {add = true} : memref<10240xf32, #tpu.memory_space<vmem>>[vector<16xi32>], vector<16xf32>, vector<16xi1>
      tpu.vector_store_idx %arg11[%get3A_568], %get3A_574 masked %eq3A_56 {add = true} : memref<10240xf32, #tpu.memory_space<vmem>>[vector<16xi32>], vector<16xf32>, vector<16xi1>
      tpu.vector_store_idx %arg11[%get3A_568], %get3A_574 masked %eq3A_59 {add = true} : memref<10240xf32, #tpu.memory_space<vmem>>[vector<16xi32>], vector<16xf32>, vector<16xi1>
      tpu.vector_store_idx %arg11[%get3A_568], %get3A_574 masked %eq3A_62 {add = true} : memref<10240xf32, #tpu.memory_space<vmem>>[vector<16xi32>], vector<16xf32>, vector<16xi1>
      tpu.vector_store_idx %arg11[%get3A_568], %get3A_574 masked %eq3A_65 {add = true} : memref<10240xf32, #tpu.memory_space<vmem>>[vector<16xi32>], vector<16xf32>, vector<16xi1>
      tpu.vector_store_idx %arg11[%get3A_568], %get3A_574 masked %eq3A_68 {add = true} : memref<10240xf32, #tpu.memory_space<vmem>>[vector<16xi32>], vector<16xf32>, vector<16xi1>
      tpu.vector_store_idx %arg11[%get3A_568], %get3A_574 masked %eq3A_71 {add = true} : memref<10240xf32, #tpu.memory_space<vmem>>[vector<16xi32>], vector<16xf32>, vector<16xi1>
      tpu.vector_store_idx %arg11[%get3A_568], %get3A_574 masked %eq3A_74 {add = true} : memref<10240xf32, #tpu.memory_space<vmem>>[vector<16xi32>], vector<16xf32>, vector<16xi1>
      tpu.vector_store_idx %arg11[%get3A_568], %get3A_574 masked %eq3A_77 {add = true} : memref<10240xf32, #tpu.memory_space<vmem>>[vector<16xi32>], vector<16xf32>, vector<16xi1>
      tpu.vector_store_idx %arg11[%get3A_568], %get3A_574 masked %eq3A_80 {add = true} : memref<10240xf32, #tpu.memory_space<vmem>>[vector<16xi32>], vector<16xf32>, vector<16xi1>
      %add3A_575 = arith.constant 48 : i32
      %add3A_576 = arith.addi %mul3A_238, %add3A_575 : i32
      %get3A_577 = arith.index_cast %add3A_576 : i32 to index
      %get3A_578 = tpu.vector_load %arg13[%get3A_577] {strides = array<i32>} : memref<5376xi32, #tpu.memory_space<vmem>>, vector<16xi32>,
      %get3A_579 = arith.constant 0 : i32
      %get3A_580 = arith.constant 0 : i32
      %get3A_581 = tpu.memref_slice %arg19[%get3A_579, %get3A_580] : memref<2x64xf32, #tpu.memory_space<vmem>> -> memref<1x64xf32, #tpu.memory_space<vmem>>
      %get3A_582 = tpu.memref_squeeze %get3A_581 : memref<1x64xf32, #tpu.memory_space<vmem>> -> memref<64xf32, #tpu.memory_space<vmem>>
      %get3A_583 = arith.constant 48 : index
      %get3A_584 = tpu.vector_load %get3A_582[%get3A_583] {strides = array<i32>} : memref<64xf32, #tpu.memory_space<vmem>>, vector<16xf32>,
      tpu.vector_store_idx %arg11[%get3A_578], %get3A_584 masked %eq3A_35 {add = true} : memref<10240xf32, #tpu.memory_space<vmem>>[vector<16xi32>], vector<16xf32>, vector<16xi1>
      tpu.vector_store_idx %arg11[%get3A_578], %get3A_584 masked %eq3A_38 {add = true} : memref<10240xf32, #tpu.memory_space<vmem>>[vector<16xi32>], vector<16xf32>, vector<16xi1>
      tpu.vector_store_idx %arg11[%get3A_578], %get3A_584 masked %eq3A_41 {add = true} : memref<10240xf32, #tpu.memory_space<vmem>>[vector<16xi32>], vector<16xf32>, vector<16xi1>
      tpu.vector_store_idx %arg11[%get3A_578], %get3A_584 masked %eq3A_44 {add = true} : memref<10240xf32, #tpu.memory_space<vmem>>[vector<16xi32>], vector<16xf32>, vector<16xi1>
      tpu.vector_store_idx %arg11[%get3A_578], %get3A_584 masked %eq3A_47 {add = true} : memref<10240xf32, #tpu.memory_space<vmem>>[vector<16xi32>], vector<16xf32>, vector<16xi1>
      tpu.vector_store_idx %arg11[%get3A_578], %get3A_584 masked %eq3A_50 {add = true} : memref<10240xf32, #tpu.memory_space<vmem>>[vector<16xi32>], vector<16xf32>, vector<16xi1>
      tpu.vector_store_idx %arg11[%get3A_578], %get3A_584 masked %eq3A_53 {add = true} : memref<10240xf32, #tpu.memory_space<vmem>>[vector<16xi32>], vector<16xf32>, vector<16xi1>
      tpu.vector_store_idx %arg11[%get3A_578], %get3A_584 masked %eq3A_56 {add = true} : memref<10240xf32, #tpu.memory_space<vmem>>[vector<16xi32>], vector<16xf32>, vector<16xi1>
      tpu.vector_store_idx %arg11[%get3A_578], %get3A_584 masked %eq3A_59 {add = true} : memref<10240xf32, #tpu.memory_space<vmem>>[vector<16xi32>], vector<16xf32>, vector<16xi1>
      tpu.vector_store_idx %arg11[%get3A_578], %get3A_584 masked %eq3A_62 {add = true} : memref<10240xf32, #tpu.memory_space<vmem>>[vector<16xi32>], vector<16xf32>, vector<16xi1>
      tpu.vector_store_idx %arg11[%get3A_578], %get3A_584 masked %eq3A_65 {add = true} : memref<10240xf32, #tpu.memory_space<vmem>>[vector<16xi32>], vector<16xf32>, vector<16xi1>
      tpu.vector_store_idx %arg11[%get3A_578], %get3A_584 masked %eq3A_68 {add = true} : memref<10240xf32, #tpu.memory_space<vmem>>[vector<16xi32>], vector<16xf32>, vector<16xi1>
      tpu.vector_store_idx %arg11[%get3A_578], %get3A_584 masked %eq3A_71 {add = true} : memref<10240xf32, #tpu.memory_space<vmem>>[vector<16xi32>], vector<16xf32>, vector<16xi1>
      tpu.vector_store_idx %arg11[%get3A_578], %get3A_584 masked %eq3A_74 {add = true} : memref<10240xf32, #tpu.memory_space<vmem>>[vector<16xi32>], vector<16xf32>, vector<16xi1>
      tpu.vector_store_idx %arg11[%get3A_578], %get3A_584 masked %eq3A_77 {add = true} : memref<10240xf32, #tpu.memory_space<vmem>>[vector<16xi32>], vector<16xf32>, vector<16xi1>
      tpu.vector_store_idx %arg11[%get3A_578], %get3A_584 masked %eq3A_80 {add = true} : memref<10240xf32, #tpu.memory_space<vmem>>[vector<16xi32>], vector<16xf32>, vector<16xi1>
      %mul3A_585 = arith.constant 64 : i32
      %mul3A_586 = arith.muli %add3A_156, %mul3A_585 : i32
      %add3A_587 = arith.addi %mul3A_2, %mul3A_586 : i32
      %dma_start3A_588 = arith.constant 0 : i32
      %dma_start3A_589 = arith.constant 0 : i32
      %dma_start3A_590 = tpu.memref_slice %arg19[%dma_start3A_588, %dma_start3A_589] : memref<2x64xf32, #tpu.memory_space<vmem>> -> memref<1x64xf32, #tpu.memory_space<vmem>>
      %dma_start3A_591 = tpu.memref_squeeze %dma_start3A_590 : memref<1x64xf32, #tpu.memory_space<vmem>> -> memref<64xf32, #tpu.memory_space<vmem>>
      %dma_start3A_592 = tpu.memref_slice %arg9[%add3A_587] : memref<172032xf32, #tpu.memory_space<hbm>> -> memref<64xf32, #tpu.memory_space<hbm>>
      %dma_start3A_593 = tpu.memref_slice %arg9[%add3A_587] : memref<172032xf32, #tpu.memory_space<hbm>> -> memref<64xf32, #tpu.memory_space<hbm>>
      %dma_start3A_594 = arith.constant 0 : i32
      %dma_start3A_595 = tpu.memref_slice %arg19[%dma_start3A_588, %dma_start3A_594] : memref<2x64xf32, #tpu.memory_space<vmem>> -> memref<1x64xf32, #tpu.memory_space<vmem>>
      %dma_start3A_596 = tpu.memref_squeeze %dma_start3A_595 : memref<1x64xf32, #tpu.memory_space<vmem>> -> memref<64xf32, #tpu.memory_space<vmem>>
      tpu.enqueue_dma source(%dma_start3A_596 : memref<64xf32, #tpu.memory_space<vmem>>) target(%dma_start3A_593 : memref<64xf32, #tpu.memory_space<hbm>>) target_semaphore(%arg23 : memref<!tpu.dma_semaphore, #tpu.memory_space<semaphore_mem>>)
      %add3A_597 = arith.constant 2 : i32
      %add3A_598 = arith.addi %add3A_156, %add3A_597 : i32
      %lt3A = arith.constant 84 : i32
      %lt3A_599 = arith.cmpi slt, %add3A_598, %lt3A : i32
      %convert_element_type3A_600 = arith.extui %lt3A_599 : i1 to i32
      %cond3A_601 = arith.constant 0 : i32
      %cond3A_602 = arith.cmpi ne, %convert_element_type3A_600, %cond3A_601 : i32
      scf.if %cond3A_602 {
        %add3A_1017 = arith.constant 2 : i32
        %add3A_1018 = arith.addi %add3A_156, %add3A_1017 : i32
        %mul3A_1019 = arith.constant 64 : i32
        %mul3A_1020 = arith.muli %add3A_1018, %mul3A_1019 : i32
        %dma_start3A_1021 = arith.constant 0 : i32
        %dma_start3A_1022 = arith.constant 0 : i32
        %dma_start3A_1023 = arith.constant 0 : i32
        %dma_start3A_1024 = tpu.memref_slice %arg14[%dma_start3A_1021, %dma_start3A_1022, %dma_start3A_1023] : memref<2x64x128xf32, #tpu.memory_space<vmem>> -> memref<1x64x128xf32, #tpu.memory_space<vmem>>
        %dma_start3A_1025 = tpu.memref_squeeze %dma_start3A_1024 : memref<1x64x128xf32, #tpu.memory_space<vmem>> -> memref<64x128xf32, #tpu.memory_space<vmem>>
        %dma_start3A_1026 = tpu.memref_slice %arg12[%mul3A_1020] : memref<5376xi32, #tpu.memory_space<vmem>> -> memref<64xi32, #tpu.memory_space<vmem>>
        %dma_start3A_1027 = arith.constant 0 : i32
        %dma_start3A_1028 = arith.constant 0 : i32
        %dma_start3A_1029 = tpu.memref_slice %arg4[%dma_start3A_1027, %dma_start3A_1028] : memref<10240x128xf32, #tpu.memory_space<hbm>> -> memref<10240x128xf32, #tpu.memory_space<hbm>>
        tpu.enqueue_indirect_dma source(%dma_start3A_1029 : memref<10240x128xf32, #tpu.memory_space<hbm>>) target(%dma_start3A_1025 : memref<64x128xf32, #tpu.memory_space<vmem>>) offsets(%dma_start3A_1026 : memref<64xi32, #tpu.memory_space<vmem>>) semaphore(%arg21 : memref<!tpu.dma_semaphore, #tpu.memory_space<semaphore_mem>>)
        %dma_start3A_1030 = arith.constant 0 : i32
        %dma_start3A_1031 = arith.constant 0 : i32
        %dma_start3A_1032 = arith.constant 0 : i32
        %dma_start3A_1033 = tpu.memref_slice %arg15[%dma_start3A_1030, %dma_start3A_1031, %dma_start3A_1032] : memref<2x64x128xf32, #tpu.memory_space<vmem>> -> memref<1x64x128xf32, #tpu.memory_space<vmem>>
        %dma_start3A_1034 = tpu.memref_squeeze %dma_start3A_1033 : memref<1x64x128xf32, #tpu.memory_space<vmem>> -> memref<64x128xf32, #tpu.memory_space<vmem>>
        %dma_start3A_1035 = tpu.memref_slice %arg12[%mul3A_1020] : memref<5376xi32, #tpu.memory_space<vmem>> -> memref<64xi32, #tpu.memory_space<vmem>>
        %dma_start3A_1036 = arith.constant 0 : i32
        %dma_start3A_1037 = arith.constant 0 : i32
        %dma_start3A_1038 = tpu.memref_slice %arg5[%dma_start3A_1036, %dma_start3A_1037] : memref<10240x128xf32, #tpu.memory_space<hbm>> -> memref<10240x128xf32, #tpu.memory_space<hbm>>
        tpu.enqueue_indirect_dma source(%dma_start3A_1038 : memref<10240x128xf32, #tpu.memory_space<hbm>>) target(%dma_start3A_1034 : memref<64x128xf32, #tpu.memory_space<vmem>>) offsets(%dma_start3A_1035 : memref<64xi32, #tpu.memory_space<vmem>>) semaphore(%arg21 : memref<!tpu.dma_semaphore, #tpu.memory_space<semaphore_mem>>)
        %dma_start3A_1039 = arith.constant 0 : i32
        %dma_start3A_1040 = arith.constant 0 : i32
        %dma_start3A_1041 = arith.constant 0 : i32
        %dma_start3A_1042 = tpu.memref_slice %arg16[%dma_start3A_1039, %dma_start3A_1040, %dma_start3A_1041] : memref<2x64x128xf32, #tpu.memory_space<vmem>> -> memref<1x64x128xf32, #tpu.memory_space<vmem>>
        %dma_start3A_1043 = tpu.memref_squeeze %dma_start3A_1042 : memref<1x64x128xf32, #tpu.memory_space<vmem>> -> memref<64x128xf32, #tpu.memory_space<vmem>>
        %dma_start3A_1044 = tpu.memref_slice %arg13[%mul3A_1020] : memref<5376xi32, #tpu.memory_space<vmem>> -> memref<64xi32, #tpu.memory_space<vmem>>
        %dma_start3A_1045 = arith.constant 0 : i32
        %dma_start3A_1046 = arith.constant 0 : i32
        %dma_start3A_1047 = tpu.memref_slice %arg6[%dma_start3A_1045, %dma_start3A_1046] : memref<10240x128xf32, #tpu.memory_space<hbm>> -> memref<10240x128xf32, #tpu.memory_space<hbm>>
        tpu.enqueue_indirect_dma source(%dma_start3A_1047 : memref<10240x128xf32, #tpu.memory_space<hbm>>) target(%dma_start3A_1043 : memref<64x128xf32, #tpu.memory_space<vmem>>) offsets(%dma_start3A_1044 : memref<64xi32, #tpu.memory_space<vmem>>) semaphore(%arg21 : memref<!tpu.dma_semaphore, #tpu.memory_space<semaphore_mem>>)
        %dma_start3A_1048 = arith.constant 0 : i32
        %dma_start3A_1049 = arith.constant 0 : i32
        %dma_start3A_1050 = arith.constant 0 : i32
        %dma_start3A_1051 = tpu.memref_slice %arg17[%dma_start3A_1048, %dma_start3A_1049, %dma_start3A_1050] : memref<2x64x128xf32, #tpu.memory_space<vmem>> -> memref<1x64x128xf32, #tpu.memory_space<vmem>>
        %dma_start3A_1052 = tpu.memref_squeeze %dma_start3A_1051 : memref<1x64x128xf32, #tpu.memory_space<vmem>> -> memref<64x128xf32, #tpu.memory_space<vmem>>
        %dma_start3A_1053 = tpu.memref_slice %arg13[%mul3A_1020] : memref<5376xi32, #tpu.memory_space<vmem>> -> memref<64xi32, #tpu.memory_space<vmem>>
        %dma_start3A_1054 = arith.constant 0 : i32
        %dma_start3A_1055 = arith.constant 0 : i32
        %dma_start3A_1056 = tpu.memref_slice %arg7[%dma_start3A_1054, %dma_start3A_1055] : memref<10240x128xf32, #tpu.memory_space<hbm>> -> memref<10240x128xf32, #tpu.memory_space<hbm>>
        tpu.enqueue_indirect_dma source(%dma_start3A_1056 : memref<10240x128xf32, #tpu.memory_space<hbm>>) target(%dma_start3A_1052 : memref<64x128xf32, #tpu.memory_space<vmem>>) offsets(%dma_start3A_1053 : memref<64xi32, #tpu.memory_space<vmem>>) semaphore(%arg21 : memref<!tpu.dma_semaphore, #tpu.memory_space<semaphore_mem>>)
      } else {
      }
      %add3A_603 = arith.constant 1 : i32
      %add3A_604 = arith.addi %add3A_156, %add3A_603 : i32
      %mul3A_605 = arith.constant 64 : i32
      %mul3A_606 = arith.muli %add3A_604, %mul3A_605 : i32
      %dma_wait3A_607 = arith.constant 1 : i32
      %dma_wait3A_608 = arith.constant 0 : i32
      %dma_wait3A_609 = arith.constant 0 : i32
      %dma_wait3A_610 = tpu.memref_slice %arg14[%dma_wait3A_607, %dma_wait3A_608, %dma_wait3A_609] : memref<2x64x128xf32, #tpu.memory_space<vmem>> -> memref<1x64x128xf32, #tpu.memory_space<vmem>>
      %dma_wait3A_611 = tpu.memref_squeeze %dma_wait3A_610 : memref<1x64x128xf32, #tpu.memory_space<vmem>> -> memref<64x128xf32, #tpu.memory_space<vmem>>
      %dma_wait3A_612 = tpu.memref_slice %arg12[%mul3A_606] : memref<5376xi32, #tpu.memory_space<vmem>> -> memref<64xi32, #tpu.memory_space<vmem>>
      %dma_wait3A_613 = arith.constant 0 : i32
      %dma_wait3A_614 = arith.constant 0 : i32
      %dma_wait3A_615 = tpu.memref_slice %arg4[%dma_wait3A_613, %dma_wait3A_614] : memref<10240x128xf32, #tpu.memory_space<hbm>> -> memref<10240x128xf32, #tpu.memory_space<hbm>>
      tpu.wait_indirect_dma semaphore(%arg22 : memref<!tpu.dma_semaphore, #tpu.memory_space<semaphore_mem>>) src(%dma_wait3A_615 : memref<10240x128xf32, #tpu.memory_space<hbm>>) dst(%dma_wait3A_611 : memref<64x128xf32, #tpu.memory_space<vmem>>)
      %dma_wait3A_616 = arith.constant 1 : i32
      %dma_wait3A_617 = arith.constant 0 : i32
      %dma_wait3A_618 = arith.constant 0 : i32
      %dma_wait3A_619 = tpu.memref_slice %arg15[%dma_wait3A_616, %dma_wait3A_617, %dma_wait3A_618] : memref<2x64x128xf32, #tpu.memory_space<vmem>> -> memref<1x64x128xf32, #tpu.memory_space<vmem>>
      %dma_wait3A_620 = tpu.memref_squeeze %dma_wait3A_619 : memref<1x64x128xf32, #tpu.memory_space<vmem>> -> memref<64x128xf32, #tpu.memory_space<vmem>>
      %dma_wait3A_621 = tpu.memref_slice %arg12[%mul3A_606] : memref<5376xi32, #tpu.memory_space<vmem>> -> memref<64xi32, #tpu.memory_space<vmem>>
      %dma_wait3A_622 = arith.constant 0 : i32
      %dma_wait3A_623 = arith.constant 0 : i32
      %dma_wait3A_624 = tpu.memref_slice %arg5[%dma_wait3A_622, %dma_wait3A_623] : memref<10240x128xf32, #tpu.memory_space<hbm>> -> memref<10240x128xf32, #tpu.memory_space<hbm>>
      tpu.wait_indirect_dma semaphore(%arg22 : memref<!tpu.dma_semaphore, #tpu.memory_space<semaphore_mem>>) src(%dma_wait3A_624 : memref<10240x128xf32, #tpu.memory_space<hbm>>) dst(%dma_wait3A_620 : memref<64x128xf32, #tpu.memory_space<vmem>>)
      %dma_wait3A_625 = arith.constant 1 : i32
      %dma_wait3A_626 = arith.constant 0 : i32
      %dma_wait3A_627 = arith.constant 0 : i32
      %dma_wait3A_628 = tpu.memref_slice %arg16[%dma_wait3A_625, %dma_wait3A_626, %dma_wait3A_627] : memref<2x64x128xf32, #tpu.memory_space<vmem>> -> memref<1x64x128xf32, #tpu.memory_space<vmem>>
      %dma_wait3A_629 = tpu.memref_squeeze %dma_wait3A_628 : memref<1x64x128xf32, #tpu.memory_space<vmem>> -> memref<64x128xf32, #tpu.memory_space<vmem>>
      %dma_wait3A_630 = tpu.memref_slice %arg13[%mul3A_606] : memref<5376xi32, #tpu.memory_space<vmem>> -> memref<64xi32, #tpu.memory_space<vmem>>
      %dma_wait3A_631 = arith.constant 0 : i32
      %dma_wait3A_632 = arith.constant 0 : i32
      %dma_wait3A_633 = tpu.memref_slice %arg6[%dma_wait3A_631, %dma_wait3A_632] : memref<10240x128xf32, #tpu.memory_space<hbm>> -> memref<10240x128xf32, #tpu.memory_space<hbm>>
      tpu.wait_indirect_dma semaphore(%arg22 : memref<!tpu.dma_semaphore, #tpu.memory_space<semaphore_mem>>) src(%dma_wait3A_633 : memref<10240x128xf32, #tpu.memory_space<hbm>>) dst(%dma_wait3A_629 : memref<64x128xf32, #tpu.memory_space<vmem>>)
      %dma_wait3A_634 = arith.constant 1 : i32
      %dma_wait3A_635 = arith.constant 0 : i32
      %dma_wait3A_636 = arith.constant 0 : i32
      %dma_wait3A_637 = tpu.memref_slice %arg17[%dma_wait3A_634, %dma_wait3A_635, %dma_wait3A_636] : memref<2x64x128xf32, #tpu.memory_space<vmem>> -> memref<1x64x128xf32, #tpu.memory_space<vmem>>
      %dma_wait3A_638 = tpu.memref_squeeze %dma_wait3A_637 : memref<1x64x128xf32, #tpu.memory_space<vmem>> -> memref<64x128xf32, #tpu.memory_space<vmem>>
      %dma_wait3A_639 = tpu.memref_slice %arg13[%mul3A_606] : memref<5376xi32, #tpu.memory_space<vmem>> -> memref<64xi32, #tpu.memory_space<vmem>>
      %dma_wait3A_640 = arith.constant 0 : i32
      %dma_wait3A_641 = arith.constant 0 : i32
      %dma_wait3A_642 = tpu.memref_slice %arg7[%dma_wait3A_640, %dma_wait3A_641] : memref<10240x128xf32, #tpu.memory_space<hbm>> -> memref<10240x128xf32, #tpu.memory_space<hbm>>
      tpu.wait_indirect_dma semaphore(%arg22 : memref<!tpu.dma_semaphore, #tpu.memory_space<semaphore_mem>>) src(%dma_wait3A_642 : memref<10240x128xf32, #tpu.memory_space<hbm>>) dst(%dma_wait3A_638 : memref<64x128xf32, #tpu.memory_space<vmem>>)
      %ge3A_643 = arith.constant 2 : i32
      %ge3A_644 = arith.cmpi sge, %add3A_156, %ge3A_643 : i32
      %convert_element_type3A_645 = arith.extui %ge3A_644 : i1 to i32
      %cond3A_646 = arith.constant 0 : i32
      %cond3A_647 = arith.cmpi ne, %convert_element_type3A_645, %cond3A_646 : i32
      scf.if %cond3A_647 {
        %sub3A = arith.constant 1 : i32
        %sub3A_1017 = arith.subi %add3A_156, %sub3A : i32
        %mul3A_1018 = arith.constant 64 : i32
        %mul3A_1019 = arith.muli %sub3A_1017, %mul3A_1018 : i32
        %add3A_1020 = arith.addi %mul3A_2, %mul3A_1019 : i32
        %dma_wait3A_1021 = arith.constant 1 : i32
        %dma_wait3A_1022 = arith.constant 0 : i32
        %dma_wait3A_1023 = tpu.memref_slice %arg19[%dma_wait3A_1021, %dma_wait3A_1022] : memref<2x64xf32, #tpu.memory_space<vmem>> -> memref<1x64xf32, #tpu.memory_space<vmem>>
        %dma_wait3A_1024 = tpu.memref_squeeze %dma_wait3A_1023 : memref<1x64xf32, #tpu.memory_space<vmem>> -> memref<64xf32, #tpu.memory_space<vmem>>
        %dma_wait3A_1025 = tpu.memref_slice %arg9[%add3A_1020] : memref<172032xf32, #tpu.memory_space<hbm>> -> memref<64xf32, #tpu.memory_space<hbm>>
        %dma_wait3A_1026 = tpu.memref_slice %arg9[%add3A_1020] : memref<172032xf32, #tpu.memory_space<hbm>> -> memref<64xf32, #tpu.memory_space<hbm>>
        %dma_wait3A_1027 = arith.constant 0 : i32
        %dma_wait3A_1028 = tpu.memref_slice %arg19[%dma_wait3A_1021, %dma_wait3A_1027] : memref<2x64xf32, #tpu.memory_space<vmem>> -> memref<1x64xf32, #tpu.memory_space<vmem>>
        %dma_wait3A_1029 = tpu.memref_squeeze %dma_wait3A_1028 : memref<1x64xf32, #tpu.memory_space<vmem>> -> memref<64xf32, #tpu.memory_space<vmem>>
        tpu.wait_dma2 semaphore(%arg24 : memref<!tpu.dma_semaphore, #tpu.memory_space<semaphore_mem>>) src(%dma_wait3A_1029 : memref<64xf32, #tpu.memory_space<vmem>>) dst(%dma_wait3A_1026 : memref<64xf32, #tpu.memory_space<hbm>>)
      } else {
      }
      %add3A_648 = arith.constant 1 : i32
      %add3A_649 = arith.addi %add3A_156, %add3A_648 : i32
      %mul3A_650 = arith.constant 64 : i32
      %mul3A_651 = arith.muli %add3A_649, %mul3A_650 : i32
      %parallel_loop3A_652 = arith.constant 0 : i32
      %parallel_loop3A_653 = arith.constant 64 : i32
      %parallel_loop3A_654 = arith.constant 1 : i32
      %parallel_loop3A_655 = arith.constant 1 : i32
      %parallel_loop3A_656 = arith.constant 1 : i32
      %parallel_loop3A_657 = arith.constant 1 : i32
      %parallel_loop3A_658 = arith.constant 1 : i32
      scf.for %parallel_loop3A_1017 = %parallel_loop3A_652 to %parallel_loop3A_653 step %parallel_loop3A_654  : i32 {
        %parallel_loop3A_1018 = arith.constant 0.000000e+00 : f32
        %parallel_loop3A_1019 = vector.broadcast %parallel_loop3A_1018 : f32 to vector<16xf32>
        %parallel_loop3A_1020 = arith.constant 0 : i32
        %parallel_loop3A_1021 = arith.constant 0 : i32
        %parallel_loop3A_1022 = tpu.memref_slice %arg14[%parallel_loop3A_655, %parallel_loop3A_1020, %parallel_loop3A_1021] : memref<2x64x128xf32, #tpu.memory_space<vmem>> -> memref<1x64x128xf32, #tpu.memory_space<vmem>>
        %parallel_loop3A_1023 = tpu.memref_squeeze %parallel_loop3A_1022 : memref<1x64x128xf32, #tpu.memory_space<vmem>> -> memref<64x128xf32, #tpu.memory_space<vmem>>
        %parallel_loop3A_1024 = arith.index_cast %parallel_loop3A_1017 : i32 to index
        %parallel_loop3A_1025 = arith.constant 0 : index
        %parallel_loop3A_1026 = tpu.vector_load %parallel_loop3A_1023[%parallel_loop3A_1024, %parallel_loop3A_1025] {strides = array<i32>} : memref<64x128xf32, #tpu.memory_space<vmem>>, vector<16xf32>,
        %parallel_loop3A_1027 = arith.constant 0 : i32
        %parallel_loop3A_1028 = arith.constant 0 : i32
        %parallel_loop3A_1029 = tpu.memref_slice %arg16[%parallel_loop3A_656, %parallel_loop3A_1027, %parallel_loop3A_1028] : memref<2x64x128xf32, #tpu.memory_space<vmem>> -> memref<1x64x128xf32, #tpu.memory_space<vmem>>
        %parallel_loop3A_1030 = tpu.memref_squeeze %parallel_loop3A_1029 : memref<1x64x128xf32, #tpu.memory_space<vmem>> -> memref<64x128xf32, #tpu.memory_space<vmem>>
        %parallel_loop3A_1031 = arith.index_cast %parallel_loop3A_1017 : i32 to index
        %parallel_loop3A_1032 = arith.constant 0 : index
        %parallel_loop3A_1033 = tpu.vector_load %parallel_loop3A_1030[%parallel_loop3A_1031, %parallel_loop3A_1032] {strides = array<i32>} : memref<64x128xf32, #tpu.memory_space<vmem>>, vector<16xf32>,
        %parallel_loop3A_1034 = arith.addf %parallel_loop3A_1026, %parallel_loop3A_1033 : vector<16xf32>
        %parallel_loop3A_1035 = arith.constant 2.000000e-01 : f32
        %parallel_loop3A_1036 = vector.broadcast %parallel_loop3A_1035 : f32 to vector<16xf32>
        %parallel_loop3A_1037 = arith.mulf %parallel_loop3A_1036, %parallel_loop3A_1034 : vector<16xf32>
        %parallel_loop3A_1038 = arith.maximumf %parallel_loop3A_1034, %parallel_loop3A_1037 : vector<16xf32>
        %parallel_loop3A_1039 = arith.mulf %get3A_3, %parallel_loop3A_1038 : vector<16xf32>
        %parallel_loop3A_1040 = arith.addf %parallel_loop3A_1019, %parallel_loop3A_1039 : vector<16xf32>
        %parallel_loop3A_1041 = arith.constant 0 : i32
        %parallel_loop3A_1042 = arith.constant 0 : i32
        %parallel_loop3A_1043 = tpu.memref_slice %arg14[%parallel_loop3A_655, %parallel_loop3A_1041, %parallel_loop3A_1042] : memref<2x64x128xf32, #tpu.memory_space<vmem>> -> memref<1x64x128xf32, #tpu.memory_space<vmem>>
        %parallel_loop3A_1044 = tpu.memref_squeeze %parallel_loop3A_1043 : memref<1x64x128xf32, #tpu.memory_space<vmem>> -> memref<64x128xf32, #tpu.memory_space<vmem>>
        %parallel_loop3A_1045 = arith.index_cast %parallel_loop3A_1017 : i32 to index
        %parallel_loop3A_1046 = arith.constant 16 : index
        %parallel_loop3A_1047 = tpu.vector_load %parallel_loop3A_1044[%parallel_loop3A_1045, %parallel_loop3A_1046] {strides = array<i32>} : memref<64x128xf32, #tpu.memory_space<vmem>>, vector<16xf32>,
        %parallel_loop3A_1048 = arith.constant 0 : i32
        %parallel_loop3A_1049 = arith.constant 0 : i32
        %parallel_loop3A_1050 = tpu.memref_slice %arg16[%parallel_loop3A_656, %parallel_loop3A_1048, %parallel_loop3A_1049] : memref<2x64x128xf32, #tpu.memory_space<vmem>> -> memref<1x64x128xf32, #tpu.memory_space<vmem>>
        %parallel_loop3A_1051 = tpu.memref_squeeze %parallel_loop3A_1050 : memref<1x64x128xf32, #tpu.memory_space<vmem>> -> memref<64x128xf32, #tpu.memory_space<vmem>>
        %parallel_loop3A_1052 = arith.index_cast %parallel_loop3A_1017 : i32 to index
        %parallel_loop3A_1053 = arith.constant 16 : index
        %parallel_loop3A_1054 = tpu.vector_load %parallel_loop3A_1051[%parallel_loop3A_1052, %parallel_loop3A_1053] {strides = array<i32>} : memref<64x128xf32, #tpu.memory_space<vmem>>, vector<16xf32>,
        %parallel_loop3A_1055 = arith.addf %parallel_loop3A_1047, %parallel_loop3A_1054 : vector<16xf32>
        %parallel_loop3A_1056 = arith.constant 2.000000e-01 : f32
        %parallel_loop3A_1057 = vector.broadcast %parallel_loop3A_1056 : f32 to vector<16xf32>
        %parallel_loop3A_1058 = arith.mulf %parallel_loop3A_1057, %parallel_loop3A_1055 : vector<16xf32>
        %parallel_loop3A_1059 = arith.maximumf %parallel_loop3A_1055, %parallel_loop3A_1058 : vector<16xf32>
        %parallel_loop3A_1060 = arith.mulf %get3A_5, %parallel_loop3A_1059 : vector<16xf32>
        %parallel_loop3A_1061 = arith.addf %parallel_loop3A_1040, %parallel_loop3A_1060 : vector<16xf32>
        %parallel_loop3A_1062 = arith.constant 0 : i32
        %parallel_loop3A_1063 = arith.constant 0 : i32
        %parallel_loop3A_1064 = tpu.memref_slice %arg14[%parallel_loop3A_655, %parallel_loop3A_1062, %parallel_loop3A_1063] : memref<2x64x128xf32, #tpu.memory_space<vmem>> -> memref<1x64x128xf32, #tpu.memory_space<vmem>>
        %parallel_loop3A_1065 = tpu.memref_squeeze %parallel_loop3A_1064 : memref<1x64x128xf32, #tpu.memory_space<vmem>> -> memref<64x128xf32, #tpu.memory_space<vmem>>
        %parallel_loop3A_1066 = arith.index_cast %parallel_loop3A_1017 : i32 to index
        %parallel_loop3A_1067 = arith.constant 32 : index
        %parallel_loop3A_1068 = tpu.vector_load %parallel_loop3A_1065[%parallel_loop3A_1066, %parallel_loop3A_1067] {strides = array<i32>} : memref<64x128xf32, #tpu.memory_space<vmem>>, vector<16xf32>,
        %parallel_loop3A_1069 = arith.constant 0 : i32
        %parallel_loop3A_1070 = arith.constant 0 : i32
        %parallel_loop3A_1071 = tpu.memref_slice %arg16[%parallel_loop3A_656, %parallel_loop3A_1069, %parallel_loop3A_1070] : memref<2x64x128xf32, #tpu.memory_space<vmem>> -> memref<1x64x128xf32, #tpu.memory_space<vmem>>
        %parallel_loop3A_1072 = tpu.memref_squeeze %parallel_loop3A_1071 : memref<1x64x128xf32, #tpu.memory_space<vmem>> -> memref<64x128xf32, #tpu.memory_space<vmem>>
        %parallel_loop3A_1073 = arith.index_cast %parallel_loop3A_1017 : i32 to index
        %parallel_loop3A_1074 = arith.constant 32 : index
        %parallel_loop3A_1075 = tpu.vector_load %parallel_loop3A_1072[%parallel_loop3A_1073, %parallel_loop3A_1074] {strides = array<i32>} : memref<64x128xf32, #tpu.memory_space<vmem>>, vector<16xf32>,
        %parallel_loop3A_1076 = arith.addf %parallel_loop3A_1068, %parallel_loop3A_1075 : vector<16xf32>
        %parallel_loop3A_1077 = arith.constant 2.000000e-01 : f32
        %parallel_loop3A_1078 = vector.broadcast %parallel_loop3A_1077 : f32 to vector<16xf32>
        %parallel_loop3A_1079 = arith.mulf %parallel_loop3A_1078, %parallel_loop3A_1076 : vector<16xf32>
        %parallel_loop3A_1080 = arith.maximumf %parallel_loop3A_1076, %parallel_loop3A_1079 : vector<16xf32>
        %parallel_loop3A_1081 = arith.mulf %get3A_7, %parallel_loop3A_1080 : vector<16xf32>
        %parallel_loop3A_1082 = arith.addf %parallel_loop3A_1061, %parallel_loop3A_1081 : vector<16xf32>
        %parallel_loop3A_1083 = arith.constant 0 : i32
        %parallel_loop3A_1084 = arith.constant 0 : i32
        %parallel_loop3A_1085 = tpu.memref_slice %arg14[%parallel_loop3A_655, %parallel_loop3A_1083, %parallel_loop3A_1084] : memref<2x64x128xf32, #tpu.memory_space<vmem>> -> memref<1x64x128xf32, #tpu.memory_space<vmem>>
        %parallel_loop3A_1086 = tpu.memref_squeeze %parallel_loop3A_1085 : memref<1x64x128xf32, #tpu.memory_space<vmem>> -> memref<64x128xf32, #tpu.memory_space<vmem>>
        %parallel_loop3A_1087 = arith.index_cast %parallel_loop3A_1017 : i32 to index
        %parallel_loop3A_1088 = arith.constant 48 : index
        %parallel_loop3A_1089 = tpu.vector_load %parallel_loop3A_1086[%parallel_loop3A_1087, %parallel_loop3A_1088] {strides = array<i32>} : memref<64x128xf32, #tpu.memory_space<vmem>>, vector<16xf32>,
        %parallel_loop3A_1090 = arith.constant 0 : i32
        %parallel_loop3A_1091 = arith.constant 0 : i32
        %parallel_loop3A_1092 = tpu.memref_slice %arg16[%parallel_loop3A_656, %parallel_loop3A_1090, %parallel_loop3A_1091] : memref<2x64x128xf32, #tpu.memory_space<vmem>> -> memref<1x64x128xf32, #tpu.memory_space<vmem>>
        %parallel_loop3A_1093 = tpu.memref_squeeze %parallel_loop3A_1092 : memref<1x64x128xf32, #tpu.memory_space<vmem>> -> memref<64x128xf32, #tpu.memory_space<vmem>>
        %parallel_loop3A_1094 = arith.index_cast %parallel_loop3A_1017 : i32 to index
        %parallel_loop3A_1095 = arith.constant 48 : index
        %parallel_loop3A_1096 = tpu.vector_load %parallel_loop3A_1093[%parallel_loop3A_1094, %parallel_loop3A_1095] {strides = array<i32>} : memref<64x128xf32, #tpu.memory_space<vmem>>, vector<16xf32>,
        %parallel_loop3A_1097 = arith.addf %parallel_loop3A_1089, %parallel_loop3A_1096 : vector<16xf32>
        %parallel_loop3A_1098 = arith.constant 2.000000e-01 : f32
        %parallel_loop3A_1099 = vector.broadcast %parallel_loop3A_1098 : f32 to vector<16xf32>
        %parallel_loop3A_1100 = arith.mulf %parallel_loop3A_1099, %parallel_loop3A_1097 : vector<16xf32>
        %parallel_loop3A_1101 = arith.maximumf %parallel_loop3A_1097, %parallel_loop3A_1100 : vector<16xf32>
        %parallel_loop3A_1102 = arith.mulf %get3A_9, %parallel_loop3A_1101 : vector<16xf32>
        %parallel_loop3A_1103 = arith.addf %parallel_loop3A_1082, %parallel_loop3A_1102 : vector<16xf32>
        %parallel_loop3A_1104 = arith.constant 0 : i32
        %parallel_loop3A_1105 = arith.constant 0 : i32
        %parallel_loop3A_1106 = tpu.memref_slice %arg14[%parallel_loop3A_655, %parallel_loop3A_1104, %parallel_loop3A_1105] : memref<2x64x128xf32, #tpu.memory_space<vmem>> -> memref<1x64x128xf32, #tpu.memory_space<vmem>>
        %parallel_loop3A_1107 = tpu.memref_squeeze %parallel_loop3A_1106 : memref<1x64x128xf32, #tpu.memory_space<vmem>> -> memref<64x128xf32, #tpu.memory_space<vmem>>
        %parallel_loop3A_1108 = arith.index_cast %parallel_loop3A_1017 : i32 to index
        %parallel_loop3A_1109 = arith.constant 64 : index
        %parallel_loop3A_1110 = tpu.vector_load %parallel_loop3A_1107[%parallel_loop3A_1108, %parallel_loop3A_1109] {strides = array<i32>} : memref<64x128xf32, #tpu.memory_space<vmem>>, vector<16xf32>,
        %parallel_loop3A_1111 = arith.constant 0 : i32
        %parallel_loop3A_1112 = arith.constant 0 : i32
        %parallel_loop3A_1113 = tpu.memref_slice %arg16[%parallel_loop3A_656, %parallel_loop3A_1111, %parallel_loop3A_1112] : memref<2x64x128xf32, #tpu.memory_space<vmem>> -> memref<1x64x128xf32, #tpu.memory_space<vmem>>
        %parallel_loop3A_1114 = tpu.memref_squeeze %parallel_loop3A_1113 : memref<1x64x128xf32, #tpu.memory_space<vmem>> -> memref<64x128xf32, #tpu.memory_space<vmem>>
        %parallel_loop3A_1115 = arith.index_cast %parallel_loop3A_1017 : i32 to index
        %parallel_loop3A_1116 = arith.constant 64 : index
        %parallel_loop3A_1117 = tpu.vector_load %parallel_loop3A_1114[%parallel_loop3A_1115, %parallel_loop3A_1116] {strides = array<i32>} : memref<64x128xf32, #tpu.memory_space<vmem>>, vector<16xf32>,
        %parallel_loop3A_1118 = arith.addf %parallel_loop3A_1110, %parallel_loop3A_1117 : vector<16xf32>
        %parallel_loop3A_1119 = arith.constant 2.000000e-01 : f32
        %parallel_loop3A_1120 = vector.broadcast %parallel_loop3A_1119 : f32 to vector<16xf32>
        %parallel_loop3A_1121 = arith.mulf %parallel_loop3A_1120, %parallel_loop3A_1118 : vector<16xf32>
        %parallel_loop3A_1122 = arith.maximumf %parallel_loop3A_1118, %parallel_loop3A_1121 : vector<16xf32>
        %parallel_loop3A_1123 = arith.mulf %get3A_11, %parallel_loop3A_1122 : vector<16xf32>
        %parallel_loop3A_1124 = arith.addf %parallel_loop3A_1103, %parallel_loop3A_1123 : vector<16xf32>
        %parallel_loop3A_1125 = arith.constant 0 : i32
        %parallel_loop3A_1126 = arith.constant 0 : i32
        %parallel_loop3A_1127 = tpu.memref_slice %arg14[%parallel_loop3A_655, %parallel_loop3A_1125, %parallel_loop3A_1126] : memref<2x64x128xf32, #tpu.memory_space<vmem>> -> memref<1x64x128xf32, #tpu.memory_space<vmem>>
        %parallel_loop3A_1128 = tpu.memref_squeeze %parallel_loop3A_1127 : memref<1x64x128xf32, #tpu.memory_space<vmem>> -> memref<64x128xf32, #tpu.memory_space<vmem>>
        %parallel_loop3A_1129 = arith.index_cast %parallel_loop3A_1017 : i32 to index
        %parallel_loop3A_1130 = arith.constant 80 : index
        %parallel_loop3A_1131 = tpu.vector_load %parallel_loop3A_1128[%parallel_loop3A_1129, %parallel_loop3A_1130] {strides = array<i32>} : memref<64x128xf32, #tpu.memory_space<vmem>>, vector<16xf32>,
        %parallel_loop3A_1132 = arith.constant 0 : i32
        %parallel_loop3A_1133 = arith.constant 0 : i32
        %parallel_loop3A_1134 = tpu.memref_slice %arg16[%parallel_loop3A_656, %parallel_loop3A_1132, %parallel_loop3A_1133] : memref<2x64x128xf32, #tpu.memory_space<vmem>> -> memref<1x64x128xf32, #tpu.memory_space<vmem>>
        %parallel_loop3A_1135 = tpu.memref_squeeze %parallel_loop3A_1134 : memref<1x64x128xf32, #tpu.memory_space<vmem>> -> memref<64x128xf32, #tpu.memory_space<vmem>>
        %parallel_loop3A_1136 = arith.index_cast %parallel_loop3A_1017 : i32 to index
        %parallel_loop3A_1137 = arith.constant 80 : index
        %parallel_loop3A_1138 = tpu.vector_load %parallel_loop3A_1135[%parallel_loop3A_1136, %parallel_loop3A_1137] {strides = array<i32>} : memref<64x128xf32, #tpu.memory_space<vmem>>, vector<16xf32>,
        %parallel_loop3A_1139 = arith.addf %parallel_loop3A_1131, %parallel_loop3A_1138 : vector<16xf32>
        %parallel_loop3A_1140 = arith.constant 2.000000e-01 : f32
        %parallel_loop3A_1141 = vector.broadcast %parallel_loop3A_1140 : f32 to vector<16xf32>
        %parallel_loop3A_1142 = arith.mulf %parallel_loop3A_1141, %parallel_loop3A_1139 : vector<16xf32>
        %parallel_loop3A_1143 = arith.maximumf %parallel_loop3A_1139, %parallel_loop3A_1142 : vector<16xf32>
        %parallel_loop3A_1144 = arith.mulf %get3A_13, %parallel_loop3A_1143 : vector<16xf32>
        %parallel_loop3A_1145 = arith.addf %parallel_loop3A_1124, %parallel_loop3A_1144 : vector<16xf32>
        %parallel_loop3A_1146 = arith.constant 0 : i32
        %parallel_loop3A_1147 = arith.constant 0 : i32
        %parallel_loop3A_1148 = tpu.memref_slice %arg14[%parallel_loop3A_655, %parallel_loop3A_1146, %parallel_loop3A_1147] : memref<2x64x128xf32, #tpu.memory_space<vmem>> -> memref<1x64x128xf32, #tpu.memory_space<vmem>>
        %parallel_loop3A_1149 = tpu.memref_squeeze %parallel_loop3A_1148 : memref<1x64x128xf32, #tpu.memory_space<vmem>> -> memref<64x128xf32, #tpu.memory_space<vmem>>
        %parallel_loop3A_1150 = arith.index_cast %parallel_loop3A_1017 : i32 to index
        %parallel_loop3A_1151 = arith.constant 96 : index
        %parallel_loop3A_1152 = tpu.vector_load %parallel_loop3A_1149[%parallel_loop3A_1150, %parallel_loop3A_1151] {strides = array<i32>} : memref<64x128xf32, #tpu.memory_space<vmem>>, vector<16xf32>,
        %parallel_loop3A_1153 = arith.constant 0 : i32
        %parallel_loop3A_1154 = arith.constant 0 : i32
        %parallel_loop3A_1155 = tpu.memref_slice %arg16[%parallel_loop3A_656, %parallel_loop3A_1153, %parallel_loop3A_1154] : memref<2x64x128xf32, #tpu.memory_space<vmem>> -> memref<1x64x128xf32, #tpu.memory_space<vmem>>
        %parallel_loop3A_1156 = tpu.memref_squeeze %parallel_loop3A_1155 : memref<1x64x128xf32, #tpu.memory_space<vmem>> -> memref<64x128xf32, #tpu.memory_space<vmem>>
        %parallel_loop3A_1157 = arith.index_cast %parallel_loop3A_1017 : i32 to index
        %parallel_loop3A_1158 = arith.constant 96 : index
        %parallel_loop3A_1159 = tpu.vector_load %parallel_loop3A_1156[%parallel_loop3A_1157, %parallel_loop3A_1158] {strides = array<i32>} : memref<64x128xf32, #tpu.memory_space<vmem>>, vector<16xf32>,
        %parallel_loop3A_1160 = arith.addf %parallel_loop3A_1152, %parallel_loop3A_1159 : vector<16xf32>
        %parallel_loop3A_1161 = arith.constant 2.000000e-01 : f32
        %parallel_loop3A_1162 = vector.broadcast %parallel_loop3A_1161 : f32 to vector<16xf32>
        %parallel_loop3A_1163 = arith.mulf %parallel_loop3A_1162, %parallel_loop3A_1160 : vector<16xf32>
        %parallel_loop3A_1164 = arith.maximumf %parallel_loop3A_1160, %parallel_loop3A_1163 : vector<16xf32>
        %parallel_loop3A_1165 = arith.mulf %get3A_15, %parallel_loop3A_1164 : vector<16xf32>
        %parallel_loop3A_1166 = arith.addf %parallel_loop3A_1145, %parallel_loop3A_1165 : vector<16xf32>
        %parallel_loop3A_1167 = arith.constant 0 : i32
        %parallel_loop3A_1168 = arith.constant 0 : i32
        %parallel_loop3A_1169 = tpu.memref_slice %arg14[%parallel_loop3A_655, %parallel_loop3A_1167, %parallel_loop3A_1168] : memref<2x64x128xf32, #tpu.memory_space<vmem>> -> memref<1x64x128xf32, #tpu.memory_space<vmem>>
        %parallel_loop3A_1170 = tpu.memref_squeeze %parallel_loop3A_1169 : memref<1x64x128xf32, #tpu.memory_space<vmem>> -> memref<64x128xf32, #tpu.memory_space<vmem>>
        %parallel_loop3A_1171 = arith.index_cast %parallel_loop3A_1017 : i32 to index
        %parallel_loop3A_1172 = arith.constant 112 : index
        %parallel_loop3A_1173 = tpu.vector_load %parallel_loop3A_1170[%parallel_loop3A_1171, %parallel_loop3A_1172] {strides = array<i32>} : memref<64x128xf32, #tpu.memory_space<vmem>>, vector<16xf32>,
        %parallel_loop3A_1174 = arith.constant 0 : i32
        %parallel_loop3A_1175 = arith.constant 0 : i32
        %parallel_loop3A_1176 = tpu.memref_slice %arg16[%parallel_loop3A_656, %parallel_loop3A_1174, %parallel_loop3A_1175] : memref<2x64x128xf32, #tpu.memory_space<vmem>> -> memref<1x64x128xf32, #tpu.memory_space<vmem>>
        %parallel_loop3A_1177 = tpu.memref_squeeze %parallel_loop3A_1176 : memref<1x64x128xf32, #tpu.memory_space<vmem>> -> memref<64x128xf32, #tpu.memory_space<vmem>>
        %parallel_loop3A_1178 = arith.index_cast %parallel_loop3A_1017 : i32 to index
        %parallel_loop3A_1179 = arith.constant 112 : index
        %parallel_loop3A_1180 = tpu.vector_load %parallel_loop3A_1177[%parallel_loop3A_1178, %parallel_loop3A_1179] {strides = array<i32>} : memref<64x128xf32, #tpu.memory_space<vmem>>, vector<16xf32>,
        %parallel_loop3A_1181 = arith.addf %parallel_loop3A_1173, %parallel_loop3A_1180 : vector<16xf32>
        %parallel_loop3A_1182 = arith.constant 2.000000e-01 : f32
        %parallel_loop3A_1183 = vector.broadcast %parallel_loop3A_1182 : f32 to vector<16xf32>
        %parallel_loop3A_1184 = arith.mulf %parallel_loop3A_1183, %parallel_loop3A_1181 : vector<16xf32>
        %parallel_loop3A_1185 = arith.maximumf %parallel_loop3A_1181, %parallel_loop3A_1184 : vector<16xf32>
        %parallel_loop3A_1186 = arith.mulf %get3A_17, %parallel_loop3A_1185 : vector<16xf32>
        %parallel_loop3A_1187 = arith.addf %parallel_loop3A_1166, %parallel_loop3A_1186 : vector<16xf32>
        %parallel_loop3A_1188 = arith.constant 0 : i32
        %parallel_loop3A_1189 = arith.constant 0 : i32
        %parallel_loop3A_1190 = tpu.memref_slice %arg15[%parallel_loop3A_657, %parallel_loop3A_1188, %parallel_loop3A_1189] : memref<2x64x128xf32, #tpu.memory_space<vmem>> -> memref<1x64x128xf32, #tpu.memory_space<vmem>>
        %parallel_loop3A_1191 = tpu.memref_squeeze %parallel_loop3A_1190 : memref<1x64x128xf32, #tpu.memory_space<vmem>> -> memref<64x128xf32, #tpu.memory_space<vmem>>
        %parallel_loop3A_1192 = arith.index_cast %parallel_loop3A_1017 : i32 to index
        %parallel_loop3A_1193 = arith.constant 0 : index
        %parallel_loop3A_1194 = tpu.vector_load %parallel_loop3A_1191[%parallel_loop3A_1192, %parallel_loop3A_1193] {strides = array<i32>} : memref<64x128xf32, #tpu.memory_space<vmem>>, vector<16xf32>,
        %parallel_loop3A_1195 = arith.constant 0 : i32
        %parallel_loop3A_1196 = arith.constant 0 : i32
        %parallel_loop3A_1197 = tpu.memref_slice %arg17[%parallel_loop3A_658, %parallel_loop3A_1195, %parallel_loop3A_1196] : memref<2x64x128xf32, #tpu.memory_space<vmem>> -> memref<1x64x128xf32, #tpu.memory_space<vmem>>
        %parallel_loop3A_1198 = tpu.memref_squeeze %parallel_loop3A_1197 : memref<1x64x128xf32, #tpu.memory_space<vmem>> -> memref<64x128xf32, #tpu.memory_space<vmem>>
        %parallel_loop3A_1199 = arith.index_cast %parallel_loop3A_1017 : i32 to index
        %parallel_loop3A_1200 = arith.constant 0 : index
        %parallel_loop3A_1201 = tpu.vector_load %parallel_loop3A_1198[%parallel_loop3A_1199, %parallel_loop3A_1200] {strides = array<i32>} : memref<64x128xf32, #tpu.memory_space<vmem>>, vector<16xf32>,
        %parallel_loop3A_1202 = arith.addf %parallel_loop3A_1194, %parallel_loop3A_1201 : vector<16xf32>
        %parallel_loop3A_1203 = arith.constant 2.000000e-01 : f32
        %parallel_loop3A_1204 = vector.broadcast %parallel_loop3A_1203 : f32 to vector<16xf32>
        %parallel_loop3A_1205 = arith.mulf %parallel_loop3A_1204, %parallel_loop3A_1202 : vector<16xf32>
        %parallel_loop3A_1206 = arith.maximumf %parallel_loop3A_1202, %parallel_loop3A_1205 : vector<16xf32>
        %parallel_loop3A_1207 = arith.mulf %get3A_19, %parallel_loop3A_1206 : vector<16xf32>
        %parallel_loop3A_1208 = arith.addf %parallel_loop3A_1187, %parallel_loop3A_1207 : vector<16xf32>
        %parallel_loop3A_1209 = arith.constant 0 : i32
        %parallel_loop3A_1210 = arith.constant 0 : i32
        %parallel_loop3A_1211 = tpu.memref_slice %arg15[%parallel_loop3A_657, %parallel_loop3A_1209, %parallel_loop3A_1210] : memref<2x64x128xf32, #tpu.memory_space<vmem>> -> memref<1x64x128xf32, #tpu.memory_space<vmem>>
        %parallel_loop3A_1212 = tpu.memref_squeeze %parallel_loop3A_1211 : memref<1x64x128xf32, #tpu.memory_space<vmem>> -> memref<64x128xf32, #tpu.memory_space<vmem>>
        %parallel_loop3A_1213 = arith.index_cast %parallel_loop3A_1017 : i32 to index
        %parallel_loop3A_1214 = arith.constant 16 : index
        %parallel_loop3A_1215 = tpu.vector_load %parallel_loop3A_1212[%parallel_loop3A_1213, %parallel_loop3A_1214] {strides = array<i32>} : memref<64x128xf32, #tpu.memory_space<vmem>>, vector<16xf32>,
        %parallel_loop3A_1216 = arith.constant 0 : i32
        %parallel_loop3A_1217 = arith.constant 0 : i32
        %parallel_loop3A_1218 = tpu.memref_slice %arg17[%parallel_loop3A_658, %parallel_loop3A_1216, %parallel_loop3A_1217] : memref<2x64x128xf32, #tpu.memory_space<vmem>> -> memref<1x64x128xf32, #tpu.memory_space<vmem>>
        %parallel_loop3A_1219 = tpu.memref_squeeze %parallel_loop3A_1218 : memref<1x64x128xf32, #tpu.memory_space<vmem>> -> memref<64x128xf32, #tpu.memory_space<vmem>>
        %parallel_loop3A_1220 = arith.index_cast %parallel_loop3A_1017 : i32 to index
        %parallel_loop3A_1221 = arith.constant 16 : index
        %parallel_loop3A_1222 = tpu.vector_load %parallel_loop3A_1219[%parallel_loop3A_1220, %parallel_loop3A_1221] {strides = array<i32>} : memref<64x128xf32, #tpu.memory_space<vmem>>, vector<16xf32>,
        %parallel_loop3A_1223 = arith.addf %parallel_loop3A_1215, %parallel_loop3A_1222 : vector<16xf32>
        %parallel_loop3A_1224 = arith.constant 2.000000e-01 : f32
        %parallel_loop3A_1225 = vector.broadcast %parallel_loop3A_1224 : f32 to vector<16xf32>
        %parallel_loop3A_1226 = arith.mulf %parallel_loop3A_1225, %parallel_loop3A_1223 : vector<16xf32>
        %parallel_loop3A_1227 = arith.maximumf %parallel_loop3A_1223, %parallel_loop3A_1226 : vector<16xf32>
        %parallel_loop3A_1228 = arith.mulf %get3A_21, %parallel_loop3A_1227 : vector<16xf32>
        %parallel_loop3A_1229 = arith.addf %parallel_loop3A_1208, %parallel_loop3A_1228 : vector<16xf32>
        %parallel_loop3A_1230 = arith.constant 0 : i32
        %parallel_loop3A_1231 = arith.constant 0 : i32
        %parallel_loop3A_1232 = tpu.memref_slice %arg15[%parallel_loop3A_657, %parallel_loop3A_1230, %parallel_loop3A_1231] : memref<2x64x128xf32, #tpu.memory_space<vmem>> -> memref<1x64x128xf32, #tpu.memory_space<vmem>>
        %parallel_loop3A_1233 = tpu.memref_squeeze %parallel_loop3A_1232 : memref<1x64x128xf32, #tpu.memory_space<vmem>> -> memref<64x128xf32, #tpu.memory_space<vmem>>
        %parallel_loop3A_1234 = arith.index_cast %parallel_loop3A_1017 : i32 to index
        %parallel_loop3A_1235 = arith.constant 32 : index
        %parallel_loop3A_1236 = tpu.vector_load %parallel_loop3A_1233[%parallel_loop3A_1234, %parallel_loop3A_1235] {strides = array<i32>} : memref<64x128xf32, #tpu.memory_space<vmem>>, vector<16xf32>,
        %parallel_loop3A_1237 = arith.constant 0 : i32
        %parallel_loop3A_1238 = arith.constant 0 : i32
        %parallel_loop3A_1239 = tpu.memref_slice %arg17[%parallel_loop3A_658, %parallel_loop3A_1237, %parallel_loop3A_1238] : memref<2x64x128xf32, #tpu.memory_space<vmem>> -> memref<1x64x128xf32, #tpu.memory_space<vmem>>
        %parallel_loop3A_1240 = tpu.memref_squeeze %parallel_loop3A_1239 : memref<1x64x128xf32, #tpu.memory_space<vmem>> -> memref<64x128xf32, #tpu.memory_space<vmem>>
        %parallel_loop3A_1241 = arith.index_cast %parallel_loop3A_1017 : i32 to index
        %parallel_loop3A_1242 = arith.constant 32 : index
        %parallel_loop3A_1243 = tpu.vector_load %parallel_loop3A_1240[%parallel_loop3A_1241, %parallel_loop3A_1242] {strides = array<i32>} : memref<64x128xf32, #tpu.memory_space<vmem>>, vector<16xf32>,
        %parallel_loop3A_1244 = arith.addf %parallel_loop3A_1236, %parallel_loop3A_1243 : vector<16xf32>
        %parallel_loop3A_1245 = arith.constant 2.000000e-01 : f32
        %parallel_loop3A_1246 = vector.broadcast %parallel_loop3A_1245 : f32 to vector<16xf32>
        %parallel_loop3A_1247 = arith.mulf %parallel_loop3A_1246, %parallel_loop3A_1244 : vector<16xf32>
        %parallel_loop3A_1248 = arith.maximumf %parallel_loop3A_1244, %parallel_loop3A_1247 : vector<16xf32>
        %parallel_loop3A_1249 = arith.mulf %get3A_23, %parallel_loop3A_1248 : vector<16xf32>
        %parallel_loop3A_1250 = arith.addf %parallel_loop3A_1229, %parallel_loop3A_1249 : vector<16xf32>
        %parallel_loop3A_1251 = arith.constant 0 : i32
        %parallel_loop3A_1252 = arith.constant 0 : i32
        %parallel_loop3A_1253 = tpu.memref_slice %arg15[%parallel_loop3A_657, %parallel_loop3A_1251, %parallel_loop3A_1252] : memref<2x64x128xf32, #tpu.memory_space<vmem>> -> memref<1x64x128xf32, #tpu.memory_space<vmem>>
        %parallel_loop3A_1254 = tpu.memref_squeeze %parallel_loop3A_1253 : memref<1x64x128xf32, #tpu.memory_space<vmem>> -> memref<64x128xf32, #tpu.memory_space<vmem>>
        %parallel_loop3A_1255 = arith.index_cast %parallel_loop3A_1017 : i32 to index
        %parallel_loop3A_1256 = arith.constant 48 : index
        %parallel_loop3A_1257 = tpu.vector_load %parallel_loop3A_1254[%parallel_loop3A_1255, %parallel_loop3A_1256] {strides = array<i32>} : memref<64x128xf32, #tpu.memory_space<vmem>>, vector<16xf32>,
        %parallel_loop3A_1258 = arith.constant 0 : i32
        %parallel_loop3A_1259 = arith.constant 0 : i32
        %parallel_loop3A_1260 = tpu.memref_slice %arg17[%parallel_loop3A_658, %parallel_loop3A_1258, %parallel_loop3A_1259] : memref<2x64x128xf32, #tpu.memory_space<vmem>> -> memref<1x64x128xf32, #tpu.memory_space<vmem>>
        %parallel_loop3A_1261 = tpu.memref_squeeze %parallel_loop3A_1260 : memref<1x64x128xf32, #tpu.memory_space<vmem>> -> memref<64x128xf32, #tpu.memory_space<vmem>>
        %parallel_loop3A_1262 = arith.index_cast %parallel_loop3A_1017 : i32 to index
        %parallel_loop3A_1263 = arith.constant 48 : index
        %parallel_loop3A_1264 = tpu.vector_load %parallel_loop3A_1261[%parallel_loop3A_1262, %parallel_loop3A_1263] {strides = array<i32>} : memref<64x128xf32, #tpu.memory_space<vmem>>, vector<16xf32>,
        %parallel_loop3A_1265 = arith.addf %parallel_loop3A_1257, %parallel_loop3A_1264 : vector<16xf32>
        %parallel_loop3A_1266 = arith.constant 2.000000e-01 : f32
        %parallel_loop3A_1267 = vector.broadcast %parallel_loop3A_1266 : f32 to vector<16xf32>
        %parallel_loop3A_1268 = arith.mulf %parallel_loop3A_1267, %parallel_loop3A_1265 : vector<16xf32>
        %parallel_loop3A_1269 = arith.maximumf %parallel_loop3A_1265, %parallel_loop3A_1268 : vector<16xf32>
        %parallel_loop3A_1270 = arith.mulf %get3A_25, %parallel_loop3A_1269 : vector<16xf32>
        %parallel_loop3A_1271 = arith.addf %parallel_loop3A_1250, %parallel_loop3A_1270 : vector<16xf32>
        %parallel_loop3A_1272 = arith.constant 0 : i32
        %parallel_loop3A_1273 = arith.constant 0 : i32
        %parallel_loop3A_1274 = tpu.memref_slice %arg15[%parallel_loop3A_657, %parallel_loop3A_1272, %parallel_loop3A_1273] : memref<2x64x128xf32, #tpu.memory_space<vmem>> -> memref<1x64x128xf32, #tpu.memory_space<vmem>>
        %parallel_loop3A_1275 = tpu.memref_squeeze %parallel_loop3A_1274 : memref<1x64x128xf32, #tpu.memory_space<vmem>> -> memref<64x128xf32, #tpu.memory_space<vmem>>
        %parallel_loop3A_1276 = arith.index_cast %parallel_loop3A_1017 : i32 to index
        %parallel_loop3A_1277 = arith.constant 64 : index
        %parallel_loop3A_1278 = tpu.vector_load %parallel_loop3A_1275[%parallel_loop3A_1276, %parallel_loop3A_1277] {strides = array<i32>} : memref<64x128xf32, #tpu.memory_space<vmem>>, vector<16xf32>,
        %parallel_loop3A_1279 = arith.constant 0 : i32
        %parallel_loop3A_1280 = arith.constant 0 : i32
        %parallel_loop3A_1281 = tpu.memref_slice %arg17[%parallel_loop3A_658, %parallel_loop3A_1279, %parallel_loop3A_1280] : memref<2x64x128xf32, #tpu.memory_space<vmem>> -> memref<1x64x128xf32, #tpu.memory_space<vmem>>
        %parallel_loop3A_1282 = tpu.memref_squeeze %parallel_loop3A_1281 : memref<1x64x128xf32, #tpu.memory_space<vmem>> -> memref<64x128xf32, #tpu.memory_space<vmem>>
        %parallel_loop3A_1283 = arith.index_cast %parallel_loop3A_1017 : i32 to index
        %parallel_loop3A_1284 = arith.constant 64 : index
        %parallel_loop3A_1285 = tpu.vector_load %parallel_loop3A_1282[%parallel_loop3A_1283, %parallel_loop3A_1284] {strides = array<i32>} : memref<64x128xf32, #tpu.memory_space<vmem>>, vector<16xf32>,
        %parallel_loop3A_1286 = arith.addf %parallel_loop3A_1278, %parallel_loop3A_1285 : vector<16xf32>
        %parallel_loop3A_1287 = arith.constant 2.000000e-01 : f32
        %parallel_loop3A_1288 = vector.broadcast %parallel_loop3A_1287 : f32 to vector<16xf32>
        %parallel_loop3A_1289 = arith.mulf %parallel_loop3A_1288, %parallel_loop3A_1286 : vector<16xf32>
        %parallel_loop3A_1290 = arith.maximumf %parallel_loop3A_1286, %parallel_loop3A_1289 : vector<16xf32>
        %parallel_loop3A_1291 = arith.mulf %get3A_27, %parallel_loop3A_1290 : vector<16xf32>
        %parallel_loop3A_1292 = arith.addf %parallel_loop3A_1271, %parallel_loop3A_1291 : vector<16xf32>
        %parallel_loop3A_1293 = arith.constant 0 : i32
        %parallel_loop3A_1294 = arith.constant 0 : i32
        %parallel_loop3A_1295 = tpu.memref_slice %arg15[%parallel_loop3A_657, %parallel_loop3A_1293, %parallel_loop3A_1294] : memref<2x64x128xf32, #tpu.memory_space<vmem>> -> memref<1x64x128xf32, #tpu.memory_space<vmem>>
        %parallel_loop3A_1296 = tpu.memref_squeeze %parallel_loop3A_1295 : memref<1x64x128xf32, #tpu.memory_space<vmem>> -> memref<64x128xf32, #tpu.memory_space<vmem>>
        %parallel_loop3A_1297 = arith.index_cast %parallel_loop3A_1017 : i32 to index
        %parallel_loop3A_1298 = arith.constant 80 : index
        %parallel_loop3A_1299 = tpu.vector_load %parallel_loop3A_1296[%parallel_loop3A_1297, %parallel_loop3A_1298] {strides = array<i32>} : memref<64x128xf32, #tpu.memory_space<vmem>>, vector<16xf32>,
        %parallel_loop3A_1300 = arith.constant 0 : i32
        %parallel_loop3A_1301 = arith.constant 0 : i32
        %parallel_loop3A_1302 = tpu.memref_slice %arg17[%parallel_loop3A_658, %parallel_loop3A_1300, %parallel_loop3A_1301] : memref<2x64x128xf32, #tpu.memory_space<vmem>> -> memref<1x64x128xf32, #tpu.memory_space<vmem>>
        %parallel_loop3A_1303 = tpu.memref_squeeze %parallel_loop3A_1302 : memref<1x64x128xf32, #tpu.memory_space<vmem>> -> memref<64x128xf32, #tpu.memory_space<vmem>>
        %parallel_loop3A_1304 = arith.index_cast %parallel_loop3A_1017 : i32 to index
        %parallel_loop3A_1305 = arith.constant 80 : index
        %parallel_loop3A_1306 = tpu.vector_load %parallel_loop3A_1303[%parallel_loop3A_1304, %parallel_loop3A_1305] {strides = array<i32>} : memref<64x128xf32, #tpu.memory_space<vmem>>, vector<16xf32>,
        %parallel_loop3A_1307 = arith.addf %parallel_loop3A_1299, %parallel_loop3A_1306 : vector<16xf32>
        %parallel_loop3A_1308 = arith.constant 2.000000e-01 : f32
        %parallel_loop3A_1309 = vector.broadcast %parallel_loop3A_1308 : f32 to vector<16xf32>
        %parallel_loop3A_1310 = arith.mulf %parallel_loop3A_1309, %parallel_loop3A_1307 : vector<16xf32>
        %parallel_loop3A_1311 = arith.maximumf %parallel_loop3A_1307, %parallel_loop3A_1310 : vector<16xf32>
        %parallel_loop3A_1312 = arith.mulf %get3A_29, %parallel_loop3A_1311 : vector<16xf32>
        %parallel_loop3A_1313 = arith.addf %parallel_loop3A_1292, %parallel_loop3A_1312 : vector<16xf32>
        %parallel_loop3A_1314 = arith.constant 0 : i32
        %parallel_loop3A_1315 = arith.constant 0 : i32
        %parallel_loop3A_1316 = tpu.memref_slice %arg15[%parallel_loop3A_657, %parallel_loop3A_1314, %parallel_loop3A_1315] : memref<2x64x128xf32, #tpu.memory_space<vmem>> -> memref<1x64x128xf32, #tpu.memory_space<vmem>>
        %parallel_loop3A_1317 = tpu.memref_squeeze %parallel_loop3A_1316 : memref<1x64x128xf32, #tpu.memory_space<vmem>> -> memref<64x128xf32, #tpu.memory_space<vmem>>
        %parallel_loop3A_1318 = arith.index_cast %parallel_loop3A_1017 : i32 to index
        %parallel_loop3A_1319 = arith.constant 96 : index
        %parallel_loop3A_1320 = tpu.vector_load %parallel_loop3A_1317[%parallel_loop3A_1318, %parallel_loop3A_1319] {strides = array<i32>} : memref<64x128xf32, #tpu.memory_space<vmem>>, vector<16xf32>,
        %parallel_loop3A_1321 = arith.constant 0 : i32
        %parallel_loop3A_1322 = arith.constant 0 : i32
        %parallel_loop3A_1323 = tpu.memref_slice %arg17[%parallel_loop3A_658, %parallel_loop3A_1321, %parallel_loop3A_1322] : memref<2x64x128xf32, #tpu.memory_space<vmem>> -> memref<1x64x128xf32, #tpu.memory_space<vmem>>
        %parallel_loop3A_1324 = tpu.memref_squeeze %parallel_loop3A_1323 : memref<1x64x128xf32, #tpu.memory_space<vmem>> -> memref<64x128xf32, #tpu.memory_space<vmem>>
        %parallel_loop3A_1325 = arith.index_cast %parallel_loop3A_1017 : i32 to index
        %parallel_loop3A_1326 = arith.constant 96 : index
        %parallel_loop3A_1327 = tpu.vector_load %parallel_loop3A_1324[%parallel_loop3A_1325, %parallel_loop3A_1326] {strides = array<i32>} : memref<64x128xf32, #tpu.memory_space<vmem>>, vector<16xf32>,
        %parallel_loop3A_1328 = arith.addf %parallel_loop3A_1320, %parallel_loop3A_1327 : vector<16xf32>
        %parallel_loop3A_1329 = arith.constant 2.000000e-01 : f32
        %parallel_loop3A_1330 = vector.broadcast %parallel_loop3A_1329 : f32 to vector<16xf32>
        %parallel_loop3A_1331 = arith.mulf %parallel_loop3A_1330, %parallel_loop3A_1328 : vector<16xf32>
        %parallel_loop3A_1332 = arith.maximumf %parallel_loop3A_1328, %parallel_loop3A_1331 : vector<16xf32>
        %parallel_loop3A_1333 = arith.mulf %get3A_31, %parallel_loop3A_1332 : vector<16xf32>
        %parallel_loop3A_1334 = arith.addf %parallel_loop3A_1313, %parallel_loop3A_1333 : vector<16xf32>
        %parallel_loop3A_1335 = arith.constant 0 : i32
        %parallel_loop3A_1336 = arith.constant 0 : i32
        %parallel_loop3A_1337 = tpu.memref_slice %arg15[%parallel_loop3A_657, %parallel_loop3A_1335, %parallel_loop3A_1336] : memref<2x64x128xf32, #tpu.memory_space<vmem>> -> memref<1x64x128xf32, #tpu.memory_space<vmem>>
        %parallel_loop3A_1338 = tpu.memref_squeeze %parallel_loop3A_1337 : memref<1x64x128xf32, #tpu.memory_space<vmem>> -> memref<64x128xf32, #tpu.memory_space<vmem>>
        %parallel_loop3A_1339 = arith.index_cast %parallel_loop3A_1017 : i32 to index
        %parallel_loop3A_1340 = arith.constant 112 : index
        %parallel_loop3A_1341 = tpu.vector_load %parallel_loop3A_1338[%parallel_loop3A_1339, %parallel_loop3A_1340] {strides = array<i32>} : memref<64x128xf32, #tpu.memory_space<vmem>>, vector<16xf32>,
        %parallel_loop3A_1342 = arith.constant 0 : i32
        %parallel_loop3A_1343 = arith.constant 0 : i32
        %parallel_loop3A_1344 = tpu.memref_slice %arg17[%parallel_loop3A_658, %parallel_loop3A_1342, %parallel_loop3A_1343] : memref<2x64x128xf32, #tpu.memory_space<vmem>> -> memref<1x64x128xf32, #tpu.memory_space<vmem>>
        %parallel_loop3A_1345 = tpu.memref_squeeze %parallel_loop3A_1344 : memref<1x64x128xf32, #tpu.memory_space<vmem>> -> memref<64x128xf32, #tpu.memory_space<vmem>>
        %parallel_loop3A_1346 = arith.index_cast %parallel_loop3A_1017 : i32 to index
        %parallel_loop3A_1347 = arith.constant 112 : index
        %parallel_loop3A_1348 = tpu.vector_load %parallel_loop3A_1345[%parallel_loop3A_1346, %parallel_loop3A_1347] {strides = array<i32>} : memref<64x128xf32, #tpu.memory_space<vmem>>, vector<16xf32>,
        %parallel_loop3A_1349 = arith.addf %parallel_loop3A_1341, %parallel_loop3A_1348 : vector<16xf32>
        %parallel_loop3A_1350 = arith.constant 2.000000e-01 : f32
        %parallel_loop3A_1351 = vector.broadcast %parallel_loop3A_1350 : f32 to vector<16xf32>
        %parallel_loop3A_1352 = arith.mulf %parallel_loop3A_1351, %parallel_loop3A_1349 : vector<16xf32>
        %parallel_loop3A_1353 = arith.maximumf %parallel_loop3A_1349, %parallel_loop3A_1352 : vector<16xf32>
        %parallel_loop3A_1354 = arith.mulf %get3A_33, %parallel_loop3A_1353 : vector<16xf32>
        %parallel_loop3A_1355 = arith.addf %parallel_loop3A_1334, %parallel_loop3A_1354 : vector<16xf32>
        %parallel_loop3A_1356 = arith.index_cast %parallel_loop3A_1017 : i32 to index
        %parallel_loop3A_1357 = arith.constant 0 : index
        %parallel_loop3A_1358 = tpu.vector_load %arg18[%parallel_loop3A_1356, %parallel_loop3A_1357] {strides = array<i32>} : memref<64x16xf32, #tpu.memory_space<vmem>>, vector<16xf32>,
        tpu.vector_store %arg18[%parallel_loop3A_1356, %parallel_loop3A_1357], %parallel_loop3A_1355 {strides = array<i32>} : memref<64x16xf32, #tpu.memory_space<vmem>>, vector<16xf32>,
      } {sc.loop_unroll_factor = 4 : i64, sc.parallel_access}
      %add3A_659 = arith.constant 0 : i32
      %add3A_660 = vector.broadcast %add3A_659 : i32 to vector<16xi32>
      %add3A_661 = arith.addi %iota3A, %add3A_660 : vector<16xi32>
      %broadcast_in_dim3A_662 = arith.constant 0.000000e+00 : f32
      %broadcast_in_dim3A_663 = vector.broadcast %broadcast_in_dim3A_662 : f32 to vector<16xf32>
      %broadcast_in_dim3A_664 = arith.constant 0 : i32
      %broadcast_in_dim3A_665 = vector.broadcast %broadcast_in_dim3A_664 : i32 to vector<16xi32>
      %gather3A_666 = tpu.vector_load_idx %arg18[%add3A_661, %broadcast_in_dim3A_665] : memref<64x16xf32, #tpu.memory_space<vmem>>[vector<16xi32>, vector<16xi32>], vector<16xf32>,
      %add3A_667 = arith.addf %broadcast_in_dim3A_663, %gather3A_666 : vector<16xf32>
      %broadcast_in_dim3A_668 = arith.constant 1 : i32
      %broadcast_in_dim3A_669 = vector.broadcast %broadcast_in_dim3A_668 : i32 to vector<16xi32>
      %gather3A_670 = tpu.vector_load_idx %arg18[%add3A_661, %broadcast_in_dim3A_669] : memref<64x16xf32, #tpu.memory_space<vmem>>[vector<16xi32>, vector<16xi32>], vector<16xf32>,
      %add3A_671 = arith.addf %add3A_667, %gather3A_670 : vector<16xf32>
      %broadcast_in_dim3A_672 = arith.constant 2 : i32
      %broadcast_in_dim3A_673 = vector.broadcast %broadcast_in_dim3A_672 : i32 to vector<16xi32>
      %gather3A_674 = tpu.vector_load_idx %arg18[%add3A_661, %broadcast_in_dim3A_673] : memref<64x16xf32, #tpu.memory_space<vmem>>[vector<16xi32>, vector<16xi32>], vector<16xf32>,
      %add3A_675 = arith.addf %add3A_671, %gather3A_674 : vector<16xf32>
      %broadcast_in_dim3A_676 = arith.constant 3 : i32
      %broadcast_in_dim3A_677 = vector.broadcast %broadcast_in_dim3A_676 : i32 to vector<16xi32>
      %gather3A_678 = tpu.vector_load_idx %arg18[%add3A_661, %broadcast_in_dim3A_677] : memref<64x16xf32, #tpu.memory_space<vmem>>[vector<16xi32>, vector<16xi32>], vector<16xf32>,
      %add3A_679 = arith.addf %add3A_675, %gather3A_678 : vector<16xf32>
      %broadcast_in_dim3A_680 = arith.constant 4 : i32
      %broadcast_in_dim3A_681 = vector.broadcast %broadcast_in_dim3A_680 : i32 to vector<16xi32>
      %gather3A_682 = tpu.vector_load_idx %arg18[%add3A_661, %broadcast_in_dim3A_681] : memref<64x16xf32, #tpu.memory_space<vmem>>[vector<16xi32>, vector<16xi32>], vector<16xf32>,
      %add3A_683 = arith.addf %add3A_679, %gather3A_682 : vector<16xf32>
      %broadcast_in_dim3A_684 = arith.constant 5 : i32
      %broadcast_in_dim3A_685 = vector.broadcast %broadcast_in_dim3A_684 : i32 to vector<16xi32>
      %gather3A_686 = tpu.vector_load_idx %arg18[%add3A_661, %broadcast_in_dim3A_685] : memref<64x16xf32, #tpu.memory_space<vmem>>[vector<16xi32>, vector<16xi32>], vector<16xf32>,
      %add3A_687 = arith.addf %add3A_683, %gather3A_686 : vector<16xf32>
      %broadcast_in_dim3A_688 = arith.constant 6 : i32
      %broadcast_in_dim3A_689 = vector.broadcast %broadcast_in_dim3A_688 : i32 to vector<16xi32>
      %gather3A_690 = tpu.vector_load_idx %arg18[%add3A_661, %broadcast_in_dim3A_689] : memref<64x16xf32, #tpu.memory_space<vmem>>[vector<16xi32>, vector<16xi32>], vector<16xf32>,
      %add3A_691 = arith.addf %add3A_687, %gather3A_690 : vector<16xf32>
      %broadcast_in_dim3A_692 = arith.constant 7 : i32
      %broadcast_in_dim3A_693 = vector.broadcast %broadcast_in_dim3A_692 : i32 to vector<16xi32>
      %gather3A_694 = tpu.vector_load_idx %arg18[%add3A_661, %broadcast_in_dim3A_693] : memref<64x16xf32, #tpu.memory_space<vmem>>[vector<16xi32>, vector<16xi32>], vector<16xf32>,
      %add3A_695 = arith.addf %add3A_691, %gather3A_694 : vector<16xf32>
      %broadcast_in_dim3A_696 = arith.constant 8 : i32
      %broadcast_in_dim3A_697 = vector.broadcast %broadcast_in_dim3A_696 : i32 to vector<16xi32>
      %gather3A_698 = tpu.vector_load_idx %arg18[%add3A_661, %broadcast_in_dim3A_697] : memref<64x16xf32, #tpu.memory_space<vmem>>[vector<16xi32>, vector<16xi32>], vector<16xf32>,
      %add3A_699 = arith.addf %add3A_695, %gather3A_698 : vector<16xf32>
      %broadcast_in_dim3A_700 = arith.constant 9 : i32
      %broadcast_in_dim3A_701 = vector.broadcast %broadcast_in_dim3A_700 : i32 to vector<16xi32>
      %gather3A_702 = tpu.vector_load_idx %arg18[%add3A_661, %broadcast_in_dim3A_701] : memref<64x16xf32, #tpu.memory_space<vmem>>[vector<16xi32>, vector<16xi32>], vector<16xf32>,
      %add3A_703 = arith.addf %add3A_699, %gather3A_702 : vector<16xf32>
      %broadcast_in_dim3A_704 = arith.constant 10 : i32
      %broadcast_in_dim3A_705 = vector.broadcast %broadcast_in_dim3A_704 : i32 to vector<16xi32>
      %gather3A_706 = tpu.vector_load_idx %arg18[%add3A_661, %broadcast_in_dim3A_705] : memref<64x16xf32, #tpu.memory_space<vmem>>[vector<16xi32>, vector<16xi32>], vector<16xf32>,
      %add3A_707 = arith.addf %add3A_703, %gather3A_706 : vector<16xf32>
      %broadcast_in_dim3A_708 = arith.constant 11 : i32
      %broadcast_in_dim3A_709 = vector.broadcast %broadcast_in_dim3A_708 : i32 to vector<16xi32>
      %gather3A_710 = tpu.vector_load_idx %arg18[%add3A_661, %broadcast_in_dim3A_709] : memref<64x16xf32, #tpu.memory_space<vmem>>[vector<16xi32>, vector<16xi32>], vector<16xf32>,
      %add3A_711 = arith.addf %add3A_707, %gather3A_710 : vector<16xf32>
      %broadcast_in_dim3A_712 = arith.constant 12 : i32
      %broadcast_in_dim3A_713 = vector.broadcast %broadcast_in_dim3A_712 : i32 to vector<16xi32>
      %gather3A_714 = tpu.vector_load_idx %arg18[%add3A_661, %broadcast_in_dim3A_713] : memref<64x16xf32, #tpu.memory_space<vmem>>[vector<16xi32>, vector<16xi32>], vector<16xf32>,
      %add3A_715 = arith.addf %add3A_711, %gather3A_714 : vector<16xf32>
      %broadcast_in_dim3A_716 = arith.constant 13 : i32
      %broadcast_in_dim3A_717 = vector.broadcast %broadcast_in_dim3A_716 : i32 to vector<16xi32>
      %gather3A_718 = tpu.vector_load_idx %arg18[%add3A_661, %broadcast_in_dim3A_717] : memref<64x16xf32, #tpu.memory_space<vmem>>[vector<16xi32>, vector<16xi32>], vector<16xf32>,
      %add3A_719 = arith.addf %add3A_715, %gather3A_718 : vector<16xf32>
      %broadcast_in_dim3A_720 = arith.constant 14 : i32
      %broadcast_in_dim3A_721 = vector.broadcast %broadcast_in_dim3A_720 : i32 to vector<16xi32>
      %gather3A_722 = tpu.vector_load_idx %arg18[%add3A_661, %broadcast_in_dim3A_721] : memref<64x16xf32, #tpu.memory_space<vmem>>[vector<16xi32>, vector<16xi32>], vector<16xf32>,
      %add3A_723 = arith.addf %add3A_719, %gather3A_722 : vector<16xf32>
      %broadcast_in_dim3A_724 = arith.constant 15 : i32
      %broadcast_in_dim3A_725 = vector.broadcast %broadcast_in_dim3A_724 : i32 to vector<16xi32>
      %gather3A_726 = tpu.vector_load_idx %arg18[%add3A_661, %broadcast_in_dim3A_725] : memref<64x16xf32, #tpu.memory_space<vmem>>[vector<16xi32>, vector<16xi32>], vector<16xf32>,
      %add3A_727 = arith.addf %add3A_723, %gather3A_726 : vector<16xf32>
      %exp3A_728 = math.exp %add3A_727 : vector<16xf32>
      %swap3A_729 = arith.constant 1 : i32
      %swap3A_730 = arith.constant 0 : i32
      %swap3A_731 = tpu.memref_slice %arg19[%swap3A_729, %swap3A_730] : memref<2x64xf32, #tpu.memory_space<vmem>> -> memref<1x64xf32, #tpu.memory_space<vmem>>
      %swap3A_732 = tpu.memref_squeeze %swap3A_731 : memref<1x64xf32, #tpu.memory_space<vmem>> -> memref<64xf32, #tpu.memory_space<vmem>>
      %swap3A_733 = arith.constant 0 : index
      %swap3A_734 = tpu.vector_load %swap3A_732[%swap3A_733] {strides = array<i32>} : memref<64xf32, #tpu.memory_space<vmem>>, vector<16xf32>,
      tpu.vector_store %swap3A_732[%swap3A_733], %exp3A_728 {strides = array<i32>} : memref<64xf32, #tpu.memory_space<vmem>>, vector<16xf32>,
      %add3A_735 = arith.constant 16 : i32
      %add3A_736 = vector.broadcast %add3A_735 : i32 to vector<16xi32>
      %add3A_737 = arith.addi %iota3A, %add3A_736 : vector<16xi32>
      %broadcast_in_dim3A_738 = arith.constant 0.000000e+00 : f32
      %broadcast_in_dim3A_739 = vector.broadcast %broadcast_in_dim3A_738 : f32 to vector<16xf32>
      %broadcast_in_dim3A_740 = arith.constant 0 : i32
      %broadcast_in_dim3A_741 = vector.broadcast %broadcast_in_dim3A_740 : i32 to vector<16xi32>
      %gather3A_742 = tpu.vector_load_idx %arg18[%add3A_737, %broadcast_in_dim3A_741] : memref<64x16xf32, #tpu.memory_space<vmem>>[vector<16xi32>, vector<16xi32>], vector<16xf32>,
      %add3A_743 = arith.addf %broadcast_in_dim3A_739, %gather3A_742 : vector<16xf32>
      %broadcast_in_dim3A_744 = arith.constant 1 : i32
      %broadcast_in_dim3A_745 = vector.broadcast %broadcast_in_dim3A_744 : i32 to vector<16xi32>
      %gather3A_746 = tpu.vector_load_idx %arg18[%add3A_737, %broadcast_in_dim3A_745] : memref<64x16xf32, #tpu.memory_space<vmem>>[vector<16xi32>, vector<16xi32>], vector<16xf32>,
      %add3A_747 = arith.addf %add3A_743, %gather3A_746 : vector<16xf32>
      %broadcast_in_dim3A_748 = arith.constant 2 : i32
      %broadcast_in_dim3A_749 = vector.broadcast %broadcast_in_dim3A_748 : i32 to vector<16xi32>
      %gather3A_750 = tpu.vector_load_idx %arg18[%add3A_737, %broadcast_in_dim3A_749] : memref<64x16xf32, #tpu.memory_space<vmem>>[vector<16xi32>, vector<16xi32>], vector<16xf32>,
      %add3A_751 = arith.addf %add3A_747, %gather3A_750 : vector<16xf32>
      %broadcast_in_dim3A_752 = arith.constant 3 : i32
      %broadcast_in_dim3A_753 = vector.broadcast %broadcast_in_dim3A_752 : i32 to vector<16xi32>
      %gather3A_754 = tpu.vector_load_idx %arg18[%add3A_737, %broadcast_in_dim3A_753] : memref<64x16xf32, #tpu.memory_space<vmem>>[vector<16xi32>, vector<16xi32>], vector<16xf32>,
      %add3A_755 = arith.addf %add3A_751, %gather3A_754 : vector<16xf32>
      %broadcast_in_dim3A_756 = arith.constant 4 : i32
      %broadcast_in_dim3A_757 = vector.broadcast %broadcast_in_dim3A_756 : i32 to vector<16xi32>
      %gather3A_758 = tpu.vector_load_idx %arg18[%add3A_737, %broadcast_in_dim3A_757] : memref<64x16xf32, #tpu.memory_space<vmem>>[vector<16xi32>, vector<16xi32>], vector<16xf32>,
      %add3A_759 = arith.addf %add3A_755, %gather3A_758 : vector<16xf32>
      %broadcast_in_dim3A_760 = arith.constant 5 : i32
      %broadcast_in_dim3A_761 = vector.broadcast %broadcast_in_dim3A_760 : i32 to vector<16xi32>
      %gather3A_762 = tpu.vector_load_idx %arg18[%add3A_737, %broadcast_in_dim3A_761] : memref<64x16xf32, #tpu.memory_space<vmem>>[vector<16xi32>, vector<16xi32>], vector<16xf32>,
      %add3A_763 = arith.addf %add3A_759, %gather3A_762 : vector<16xf32>
      %broadcast_in_dim3A_764 = arith.constant 6 : i32
      %broadcast_in_dim3A_765 = vector.broadcast %broadcast_in_dim3A_764 : i32 to vector<16xi32>
      %gather3A_766 = tpu.vector_load_idx %arg18[%add3A_737, %broadcast_in_dim3A_765] : memref<64x16xf32, #tpu.memory_space<vmem>>[vector<16xi32>, vector<16xi32>], vector<16xf32>,
      %add3A_767 = arith.addf %add3A_763, %gather3A_766 : vector<16xf32>
      %broadcast_in_dim3A_768 = arith.constant 7 : i32
      %broadcast_in_dim3A_769 = vector.broadcast %broadcast_in_dim3A_768 : i32 to vector<16xi32>
      %gather3A_770 = tpu.vector_load_idx %arg18[%add3A_737, %broadcast_in_dim3A_769] : memref<64x16xf32, #tpu.memory_space<vmem>>[vector<16xi32>, vector<16xi32>], vector<16xf32>,
      %add3A_771 = arith.addf %add3A_767, %gather3A_770 : vector<16xf32>
      %broadcast_in_dim3A_772 = arith.constant 8 : i32
      %broadcast_in_dim3A_773 = vector.broadcast %broadcast_in_dim3A_772 : i32 to vector<16xi32>
      %gather3A_774 = tpu.vector_load_idx %arg18[%add3A_737, %broadcast_in_dim3A_773] : memref<64x16xf32, #tpu.memory_space<vmem>>[vector<16xi32>, vector<16xi32>], vector<16xf32>,
      %add3A_775 = arith.addf %add3A_771, %gather3A_774 : vector<16xf32>
      %broadcast_in_dim3A_776 = arith.constant 9 : i32
      %broadcast_in_dim3A_777 = vector.broadcast %broadcast_in_dim3A_776 : i32 to vector<16xi32>
      %gather3A_778 = tpu.vector_load_idx %arg18[%add3A_737, %broadcast_in_dim3A_777] : memref<64x16xf32, #tpu.memory_space<vmem>>[vector<16xi32>, vector<16xi32>], vector<16xf32>,
      %add3A_779 = arith.addf %add3A_775, %gather3A_778 : vector<16xf32>
      %broadcast_in_dim3A_780 = arith.constant 10 : i32
      %broadcast_in_dim3A_781 = vector.broadcast %broadcast_in_dim3A_780 : i32 to vector<16xi32>
      %gather3A_782 = tpu.vector_load_idx %arg18[%add3A_737, %broadcast_in_dim3A_781] : memref<64x16xf32, #tpu.memory_space<vmem>>[vector<16xi32>, vector<16xi32>], vector<16xf32>,
      %add3A_783 = arith.addf %add3A_779, %gather3A_782 : vector<16xf32>
      %broadcast_in_dim3A_784 = arith.constant 11 : i32
      %broadcast_in_dim3A_785 = vector.broadcast %broadcast_in_dim3A_784 : i32 to vector<16xi32>
      %gather3A_786 = tpu.vector_load_idx %arg18[%add3A_737, %broadcast_in_dim3A_785] : memref<64x16xf32, #tpu.memory_space<vmem>>[vector<16xi32>, vector<16xi32>], vector<16xf32>,
      %add3A_787 = arith.addf %add3A_783, %gather3A_786 : vector<16xf32>
      %broadcast_in_dim3A_788 = arith.constant 12 : i32
      %broadcast_in_dim3A_789 = vector.broadcast %broadcast_in_dim3A_788 : i32 to vector<16xi32>
      %gather3A_790 = tpu.vector_load_idx %arg18[%add3A_737, %broadcast_in_dim3A_789] : memref<64x16xf32, #tpu.memory_space<vmem>>[vector<16xi32>, vector<16xi32>], vector<16xf32>,
      %add3A_791 = arith.addf %add3A_787, %gather3A_790 : vector<16xf32>
      %broadcast_in_dim3A_792 = arith.constant 13 : i32
      %broadcast_in_dim3A_793 = vector.broadcast %broadcast_in_dim3A_792 : i32 to vector<16xi32>
      %gather3A_794 = tpu.vector_load_idx %arg18[%add3A_737, %broadcast_in_dim3A_793] : memref<64x16xf32, #tpu.memory_space<vmem>>[vector<16xi32>, vector<16xi32>], vector<16xf32>,
      %add3A_795 = arith.addf %add3A_791, %gather3A_794 : vector<16xf32>
      %broadcast_in_dim3A_796 = arith.constant 14 : i32
      %broadcast_in_dim3A_797 = vector.broadcast %broadcast_in_dim3A_796 : i32 to vector<16xi32>
      %gather3A_798 = tpu.vector_load_idx %arg18[%add3A_737, %broadcast_in_dim3A_797] : memref<64x16xf32, #tpu.memory_space<vmem>>[vector<16xi32>, vector<16xi32>], vector<16xf32>,
      %add3A_799 = arith.addf %add3A_795, %gather3A_798 : vector<16xf32>
      %broadcast_in_dim3A_800 = arith.constant 15 : i32
      %broadcast_in_dim3A_801 = vector.broadcast %broadcast_in_dim3A_800 : i32 to vector<16xi32>
      %gather3A_802 = tpu.vector_load_idx %arg18[%add3A_737, %broadcast_in_dim3A_801] : memref<64x16xf32, #tpu.memory_space<vmem>>[vector<16xi32>, vector<16xi32>], vector<16xf32>,
      %add3A_803 = arith.addf %add3A_799, %gather3A_802 : vector<16xf32>
      %exp3A_804 = math.exp %add3A_803 : vector<16xf32>
      %swap3A_805 = arith.constant 1 : i32
      %swap3A_806 = arith.constant 0 : i32
      %swap3A_807 = tpu.memref_slice %arg19[%swap3A_805, %swap3A_806] : memref<2x64xf32, #tpu.memory_space<vmem>> -> memref<1x64xf32, #tpu.memory_space<vmem>>
      %swap3A_808 = tpu.memref_squeeze %swap3A_807 : memref<1x64xf32, #tpu.memory_space<vmem>> -> memref<64xf32, #tpu.memory_space<vmem>>
      %swap3A_809 = arith.constant 16 : index
      %swap3A_810 = tpu.vector_load %swap3A_808[%swap3A_809] {strides = array<i32>} : memref<64xf32, #tpu.memory_space<vmem>>, vector<16xf32>,
      tpu.vector_store %swap3A_808[%swap3A_809], %exp3A_804 {strides = array<i32>} : memref<64xf32, #tpu.memory_space<vmem>>, vector<16xf32>,
      %add3A_811 = arith.constant 32 : i32
      %add3A_812 = vector.broadcast %add3A_811 : i32 to vector<16xi32>
      %add3A_813 = arith.addi %iota3A, %add3A_812 : vector<16xi32>
      %broadcast_in_dim3A_814 = arith.constant 0.000000e+00 : f32
      %broadcast_in_dim3A_815 = vector.broadcast %broadcast_in_dim3A_814 : f32 to vector<16xf32>
      %broadcast_in_dim3A_816 = arith.constant 0 : i32
      %broadcast_in_dim3A_817 = vector.broadcast %broadcast_in_dim3A_816 : i32 to vector<16xi32>
      %gather3A_818 = tpu.vector_load_idx %arg18[%add3A_813, %broadcast_in_dim3A_817] : memref<64x16xf32, #tpu.memory_space<vmem>>[vector<16xi32>, vector<16xi32>], vector<16xf32>,
      %add3A_819 = arith.addf %broadcast_in_dim3A_815, %gather3A_818 : vector<16xf32>
      %broadcast_in_dim3A_820 = arith.constant 1 : i32
      %broadcast_in_dim3A_821 = vector.broadcast %broadcast_in_dim3A_820 : i32 to vector<16xi32>
      %gather3A_822 = tpu.vector_load_idx %arg18[%add3A_813, %broadcast_in_dim3A_821] : memref<64x16xf32, #tpu.memory_space<vmem>>[vector<16xi32>, vector<16xi32>], vector<16xf32>,
      %add3A_823 = arith.addf %add3A_819, %gather3A_822 : vector<16xf32>
      %broadcast_in_dim3A_824 = arith.constant 2 : i32
      %broadcast_in_dim3A_825 = vector.broadcast %broadcast_in_dim3A_824 : i32 to vector<16xi32>
      %gather3A_826 = tpu.vector_load_idx %arg18[%add3A_813, %broadcast_in_dim3A_825] : memref<64x16xf32, #tpu.memory_space<vmem>>[vector<16xi32>, vector<16xi32>], vector<16xf32>,
      %add3A_827 = arith.addf %add3A_823, %gather3A_826 : vector<16xf32>
      %broadcast_in_dim3A_828 = arith.constant 3 : i32
      %broadcast_in_dim3A_829 = vector.broadcast %broadcast_in_dim3A_828 : i32 to vector<16xi32>
      %gather3A_830 = tpu.vector_load_idx %arg18[%add3A_813, %broadcast_in_dim3A_829] : memref<64x16xf32, #tpu.memory_space<vmem>>[vector<16xi32>, vector<16xi32>], vector<16xf32>,
      %add3A_831 = arith.addf %add3A_827, %gather3A_830 : vector<16xf32>
      %broadcast_in_dim3A_832 = arith.constant 4 : i32
      %broadcast_in_dim3A_833 = vector.broadcast %broadcast_in_dim3A_832 : i32 to vector<16xi32>
      %gather3A_834 = tpu.vector_load_idx %arg18[%add3A_813, %broadcast_in_dim3A_833] : memref<64x16xf32, #tpu.memory_space<vmem>>[vector<16xi32>, vector<16xi32>], vector<16xf32>,
      %add3A_835 = arith.addf %add3A_831, %gather3A_834 : vector<16xf32>
      %broadcast_in_dim3A_836 = arith.constant 5 : i32
      %broadcast_in_dim3A_837 = vector.broadcast %broadcast_in_dim3A_836 : i32 to vector<16xi32>
      %gather3A_838 = tpu.vector_load_idx %arg18[%add3A_813, %broadcast_in_dim3A_837] : memref<64x16xf32, #tpu.memory_space<vmem>>[vector<16xi32>, vector<16xi32>], vector<16xf32>,
      %add3A_839 = arith.addf %add3A_835, %gather3A_838 : vector<16xf32>
      %broadcast_in_dim3A_840 = arith.constant 6 : i32
      %broadcast_in_dim3A_841 = vector.broadcast %broadcast_in_dim3A_840 : i32 to vector<16xi32>
      %gather3A_842 = tpu.vector_load_idx %arg18[%add3A_813, %broadcast_in_dim3A_841] : memref<64x16xf32, #tpu.memory_space<vmem>>[vector<16xi32>, vector<16xi32>], vector<16xf32>,
      %add3A_843 = arith.addf %add3A_839, %gather3A_842 : vector<16xf32>
      %broadcast_in_dim3A_844 = arith.constant 7 : i32
      %broadcast_in_dim3A_845 = vector.broadcast %broadcast_in_dim3A_844 : i32 to vector<16xi32>
      %gather3A_846 = tpu.vector_load_idx %arg18[%add3A_813, %broadcast_in_dim3A_845] : memref<64x16xf32, #tpu.memory_space<vmem>>[vector<16xi32>, vector<16xi32>], vector<16xf32>,
      %add3A_847 = arith.addf %add3A_843, %gather3A_846 : vector<16xf32>
      %broadcast_in_dim3A_848 = arith.constant 8 : i32
      %broadcast_in_dim3A_849 = vector.broadcast %broadcast_in_dim3A_848 : i32 to vector<16xi32>
      %gather3A_850 = tpu.vector_load_idx %arg18[%add3A_813, %broadcast_in_dim3A_849] : memref<64x16xf32, #tpu.memory_space<vmem>>[vector<16xi32>, vector<16xi32>], vector<16xf32>,
      %add3A_851 = arith.addf %add3A_847, %gather3A_850 : vector<16xf32>
      %broadcast_in_dim3A_852 = arith.constant 9 : i32
      %broadcast_in_dim3A_853 = vector.broadcast %broadcast_in_dim3A_852 : i32 to vector<16xi32>
      %gather3A_854 = tpu.vector_load_idx %arg18[%add3A_813, %broadcast_in_dim3A_853] : memref<64x16xf32, #tpu.memory_space<vmem>>[vector<16xi32>, vector<16xi32>], vector<16xf32>,
      %add3A_855 = arith.addf %add3A_851, %gather3A_854 : vector<16xf32>
      %broadcast_in_dim3A_856 = arith.constant 10 : i32
      %broadcast_in_dim3A_857 = vector.broadcast %broadcast_in_dim3A_856 : i32 to vector<16xi32>
      %gather3A_858 = tpu.vector_load_idx %arg18[%add3A_813, %broadcast_in_dim3A_857] : memref<64x16xf32, #tpu.memory_space<vmem>>[vector<16xi32>, vector<16xi32>], vector<16xf32>,
      %add3A_859 = arith.addf %add3A_855, %gather3A_858 : vector<16xf32>
      %broadcast_in_dim3A_860 = arith.constant 11 : i32
      %broadcast_in_dim3A_861 = vector.broadcast %broadcast_in_dim3A_860 : i32 to vector<16xi32>
      %gather3A_862 = tpu.vector_load_idx %arg18[%add3A_813, %broadcast_in_dim3A_861] : memref<64x16xf32, #tpu.memory_space<vmem>>[vector<16xi32>, vector<16xi32>], vector<16xf32>,
      %add3A_863 = arith.addf %add3A_859, %gather3A_862 : vector<16xf32>
      %broadcast_in_dim3A_864 = arith.constant 12 : i32
      %broadcast_in_dim3A_865 = vector.broadcast %broadcast_in_dim3A_864 : i32 to vector<16xi32>
      %gather3A_866 = tpu.vector_load_idx %arg18[%add3A_813, %broadcast_in_dim3A_865] : memref<64x16xf32, #tpu.memory_space<vmem>>[vector<16xi32>, vector<16xi32>], vector<16xf32>,
      %add3A_867 = arith.addf %add3A_863, %gather3A_866 : vector<16xf32>
      %broadcast_in_dim3A_868 = arith.constant 13 : i32
      %broadcast_in_dim3A_869 = vector.broadcast %broadcast_in_dim3A_868 : i32 to vector<16xi32>
      %gather3A_870 = tpu.vector_load_idx %arg18[%add3A_813, %broadcast_in_dim3A_869] : memref<64x16xf32, #tpu.memory_space<vmem>>[vector<16xi32>, vector<16xi32>], vector<16xf32>,
      %add3A_871 = arith.addf %add3A_867, %gather3A_870 : vector<16xf32>
      %broadcast_in_dim3A_872 = arith.constant 14 : i32
      %broadcast_in_dim3A_873 = vector.broadcast %broadcast_in_dim3A_872 : i32 to vector<16xi32>
      %gather3A_874 = tpu.vector_load_idx %arg18[%add3A_813, %broadcast_in_dim3A_873] : memref<64x16xf32, #tpu.memory_space<vmem>>[vector<16xi32>, vector<16xi32>], vector<16xf32>,
      %add3A_875 = arith.addf %add3A_871, %gather3A_874 : vector<16xf32>
      %broadcast_in_dim3A_876 = arith.constant 15 : i32
      %broadcast_in_dim3A_877 = vector.broadcast %broadcast_in_dim3A_876 : i32 to vector<16xi32>
      %gather3A_878 = tpu.vector_load_idx %arg18[%add3A_813, %broadcast_in_dim3A_877] : memref<64x16xf32, #tpu.memory_space<vmem>>[vector<16xi32>, vector<16xi32>], vector<16xf32>,
      %add3A_879 = arith.addf %add3A_875, %gather3A_878 : vector<16xf32>
      %exp3A_880 = math.exp %add3A_879 : vector<16xf32>
      %swap3A_881 = arith.constant 1 : i32
      %swap3A_882 = arith.constant 0 : i32
      %swap3A_883 = tpu.memref_slice %arg19[%swap3A_881, %swap3A_882] : memref<2x64xf32, #tpu.memory_space<vmem>> -> memref<1x64xf32, #tpu.memory_space<vmem>>
      %swap3A_884 = tpu.memref_squeeze %swap3A_883 : memref<1x64xf32, #tpu.memory_space<vmem>> -> memref<64xf32, #tpu.memory_space<vmem>>
      %swap3A_885 = arith.constant 32 : index
      %swap3A_886 = tpu.vector_load %swap3A_884[%swap3A_885] {strides = array<i32>} : memref<64xf32, #tpu.memory_space<vmem>>, vector<16xf32>,
      tpu.vector_store %swap3A_884[%swap3A_885], %exp3A_880 {strides = array<i32>} : memref<64xf32, #tpu.memory_space<vmem>>, vector<16xf32>,
      %add3A_887 = arith.constant 48 : i32
      %add3A_888 = vector.broadcast %add3A_887 : i32 to vector<16xi32>
      %add3A_889 = arith.addi %iota3A, %add3A_888 : vector<16xi32>
      %broadcast_in_dim3A_890 = arith.constant 0.000000e+00 : f32
      %broadcast_in_dim3A_891 = vector.broadcast %broadcast_in_dim3A_890 : f32 to vector<16xf32>
      %broadcast_in_dim3A_892 = arith.constant 0 : i32
      %broadcast_in_dim3A_893 = vector.broadcast %broadcast_in_dim3A_892 : i32 to vector<16xi32>
      %gather3A_894 = tpu.vector_load_idx %arg18[%add3A_889, %broadcast_in_dim3A_893] : memref<64x16xf32, #tpu.memory_space<vmem>>[vector<16xi32>, vector<16xi32>], vector<16xf32>,
      %add3A_895 = arith.addf %broadcast_in_dim3A_891, %gather3A_894 : vector<16xf32>
      %broadcast_in_dim3A_896 = arith.constant 1 : i32
      %broadcast_in_dim3A_897 = vector.broadcast %broadcast_in_dim3A_896 : i32 to vector<16xi32>
      %gather3A_898 = tpu.vector_load_idx %arg18[%add3A_889, %broadcast_in_dim3A_897] : memref<64x16xf32, #tpu.memory_space<vmem>>[vector<16xi32>, vector<16xi32>], vector<16xf32>,
      %add3A_899 = arith.addf %add3A_895, %gather3A_898 : vector<16xf32>
      %broadcast_in_dim3A_900 = arith.constant 2 : i32
      %broadcast_in_dim3A_901 = vector.broadcast %broadcast_in_dim3A_900 : i32 to vector<16xi32>
      %gather3A_902 = tpu.vector_load_idx %arg18[%add3A_889, %broadcast_in_dim3A_901] : memref<64x16xf32, #tpu.memory_space<vmem>>[vector<16xi32>, vector<16xi32>], vector<16xf32>,
      %add3A_903 = arith.addf %add3A_899, %gather3A_902 : vector<16xf32>
      %broadcast_in_dim3A_904 = arith.constant 3 : i32
      %broadcast_in_dim3A_905 = vector.broadcast %broadcast_in_dim3A_904 : i32 to vector<16xi32>
      %gather3A_906 = tpu.vector_load_idx %arg18[%add3A_889, %broadcast_in_dim3A_905] : memref<64x16xf32, #tpu.memory_space<vmem>>[vector<16xi32>, vector<16xi32>], vector<16xf32>,
      %add3A_907 = arith.addf %add3A_903, %gather3A_906 : vector<16xf32>
      %broadcast_in_dim3A_908 = arith.constant 4 : i32
      %broadcast_in_dim3A_909 = vector.broadcast %broadcast_in_dim3A_908 : i32 to vector<16xi32>
      %gather3A_910 = tpu.vector_load_idx %arg18[%add3A_889, %broadcast_in_dim3A_909] : memref<64x16xf32, #tpu.memory_space<vmem>>[vector<16xi32>, vector<16xi32>], vector<16xf32>,
      %add3A_911 = arith.addf %add3A_907, %gather3A_910 : vector<16xf32>
      %broadcast_in_dim3A_912 = arith.constant 5 : i32
      %broadcast_in_dim3A_913 = vector.broadcast %broadcast_in_dim3A_912 : i32 to vector<16xi32>
      %gather3A_914 = tpu.vector_load_idx %arg18[%add3A_889, %broadcast_in_dim3A_913] : memref<64x16xf32, #tpu.memory_space<vmem>>[vector<16xi32>, vector<16xi32>], vector<16xf32>,
      %add3A_915 = arith.addf %add3A_911, %gather3A_914 : vector<16xf32>
      %broadcast_in_dim3A_916 = arith.constant 6 : i32
      %broadcast_in_dim3A_917 = vector.broadcast %broadcast_in_dim3A_916 : i32 to vector<16xi32>
      %gather3A_918 = tpu.vector_load_idx %arg18[%add3A_889, %broadcast_in_dim3A_917] : memref<64x16xf32, #tpu.memory_space<vmem>>[vector<16xi32>, vector<16xi32>], vector<16xf32>,
      %add3A_919 = arith.addf %add3A_915, %gather3A_918 : vector<16xf32>
      %broadcast_in_dim3A_920 = arith.constant 7 : i32
      %broadcast_in_dim3A_921 = vector.broadcast %broadcast_in_dim3A_920 : i32 to vector<16xi32>
      %gather3A_922 = tpu.vector_load_idx %arg18[%add3A_889, %broadcast_in_dim3A_921] : memref<64x16xf32, #tpu.memory_space<vmem>>[vector<16xi32>, vector<16xi32>], vector<16xf32>,
      %add3A_923 = arith.addf %add3A_919, %gather3A_922 : vector<16xf32>
      %broadcast_in_dim3A_924 = arith.constant 8 : i32
      %broadcast_in_dim3A_925 = vector.broadcast %broadcast_in_dim3A_924 : i32 to vector<16xi32>
      %gather3A_926 = tpu.vector_load_idx %arg18[%add3A_889, %broadcast_in_dim3A_925] : memref<64x16xf32, #tpu.memory_space<vmem>>[vector<16xi32>, vector<16xi32>], vector<16xf32>,
      %add3A_927 = arith.addf %add3A_923, %gather3A_926 : vector<16xf32>
      %broadcast_in_dim3A_928 = arith.constant 9 : i32
      %broadcast_in_dim3A_929 = vector.broadcast %broadcast_in_dim3A_928 : i32 to vector<16xi32>
      %gather3A_930 = tpu.vector_load_idx %arg18[%add3A_889, %broadcast_in_dim3A_929] : memref<64x16xf32, #tpu.memory_space<vmem>>[vector<16xi32>, vector<16xi32>], vector<16xf32>,
      %add3A_931 = arith.addf %add3A_927, %gather3A_930 : vector<16xf32>
      %broadcast_in_dim3A_932 = arith.constant 10 : i32
      %broadcast_in_dim3A_933 = vector.broadcast %broadcast_in_dim3A_932 : i32 to vector<16xi32>
      %gather3A_934 = tpu.vector_load_idx %arg18[%add3A_889, %broadcast_in_dim3A_933] : memref<64x16xf32, #tpu.memory_space<vmem>>[vector<16xi32>, vector<16xi32>], vector<16xf32>,
      %add3A_935 = arith.addf %add3A_931, %gather3A_934 : vector<16xf32>
      %broadcast_in_dim3A_936 = arith.constant 11 : i32
      %broadcast_in_dim3A_937 = vector.broadcast %broadcast_in_dim3A_936 : i32 to vector<16xi32>
      %gather3A_938 = tpu.vector_load_idx %arg18[%add3A_889, %broadcast_in_dim3A_937] : memref<64x16xf32, #tpu.memory_space<vmem>>[vector<16xi32>, vector<16xi32>], vector<16xf32>,
      %add3A_939 = arith.addf %add3A_935, %gather3A_938 : vector<16xf32>
      %broadcast_in_dim3A_940 = arith.constant 12 : i32
      %broadcast_in_dim3A_941 = vector.broadcast %broadcast_in_dim3A_940 : i32 to vector<16xi32>
      %gather3A_942 = tpu.vector_load_idx %arg18[%add3A_889, %broadcast_in_dim3A_941] : memref<64x16xf32, #tpu.memory_space<vmem>>[vector<16xi32>, vector<16xi32>], vector<16xf32>,
      %add3A_943 = arith.addf %add3A_939, %gather3A_942 : vector<16xf32>
      %broadcast_in_dim3A_944 = arith.constant 13 : i32
      %broadcast_in_dim3A_945 = vector.broadcast %broadcast_in_dim3A_944 : i32 to vector<16xi32>
      %gather3A_946 = tpu.vector_load_idx %arg18[%add3A_889, %broadcast_in_dim3A_945] : memref<64x16xf32, #tpu.memory_space<vmem>>[vector<16xi32>, vector<16xi32>], vector<16xf32>,
      %add3A_947 = arith.addf %add3A_943, %gather3A_946 : vector<16xf32>
      %broadcast_in_dim3A_948 = arith.constant 14 : i32
      %broadcast_in_dim3A_949 = vector.broadcast %broadcast_in_dim3A_948 : i32 to vector<16xi32>
      %gather3A_950 = tpu.vector_load_idx %arg18[%add3A_889, %broadcast_in_dim3A_949] : memref<64x16xf32, #tpu.memory_space<vmem>>[vector<16xi32>, vector<16xi32>], vector<16xf32>,
      %add3A_951 = arith.addf %add3A_947, %gather3A_950 : vector<16xf32>
      %broadcast_in_dim3A_952 = arith.constant 15 : i32
      %broadcast_in_dim3A_953 = vector.broadcast %broadcast_in_dim3A_952 : i32 to vector<16xi32>
      %gather3A_954 = tpu.vector_load_idx %arg18[%add3A_889, %broadcast_in_dim3A_953] : memref<64x16xf32, #tpu.memory_space<vmem>>[vector<16xi32>, vector<16xi32>], vector<16xf32>,
      %add3A_955 = arith.addf %add3A_951, %gather3A_954 : vector<16xf32>
      %exp3A_956 = math.exp %add3A_955 : vector<16xf32>
      %swap3A_957 = arith.constant 1 : i32
      %swap3A_958 = arith.constant 0 : i32
      %swap3A_959 = tpu.memref_slice %arg19[%swap3A_957, %swap3A_958] : memref<2x64xf32, #tpu.memory_space<vmem>> -> memref<1x64xf32, #tpu.memory_space<vmem>>
      %swap3A_960 = tpu.memref_squeeze %swap3A_959 : memref<1x64xf32, #tpu.memory_space<vmem>> -> memref<64xf32, #tpu.memory_space<vmem>>
      %swap3A_961 = arith.constant 48 : index
      %swap3A_962 = tpu.vector_load %swap3A_960[%swap3A_961] {strides = array<i32>} : memref<64xf32, #tpu.memory_space<vmem>>, vector<16xf32>,
      tpu.vector_store %swap3A_960[%swap3A_961], %exp3A_956 {strides = array<i32>} : memref<64xf32, #tpu.memory_space<vmem>>, vector<16xf32>,
      %add3A_963 = arith.constant 0 : i32
      %add3A_964 = arith.addi %mul3A_651, %add3A_963 : i32
      %get3A_965 = arith.index_cast %add3A_964 : i32 to index
      %get3A_966 = tpu.vector_load %arg13[%get3A_965] {strides = array<i32>} : memref<5376xi32, #tpu.memory_space<vmem>>, vector<16xi32>,
      %get3A_967 = arith.constant 1 : i32
      %get3A_968 = arith.constant 0 : i32
      %get3A_969 = tpu.memref_slice %arg19[%get3A_967, %get3A_968] : memref<2x64xf32, #tpu.memory_space<vmem>> -> memref<1x64xf32, #tpu.memory_space<vmem>>
      %get3A_970 = tpu.memref_squeeze %get3A_969 : memref<1x64xf32, #tpu.memory_space<vmem>> -> memref<64xf32, #tpu.memory_space<vmem>>
      %get3A_971 = arith.constant 0 : index
      %get3A_972 = tpu.vector_load %get3A_970[%get3A_971] {strides = array<i32>} : memref<64xf32, #tpu.memory_space<vmem>>, vector<16xf32>,
      tpu.vector_store_idx %arg11[%get3A_966], %get3A_972 masked %eq3A_35 {add = true} : memref<10240xf32, #tpu.memory_space<vmem>>[vector<16xi32>], vector<16xf32>, vector<16xi1>
      tpu.vector_store_idx %arg11[%get3A_966], %get3A_972 masked %eq3A_38 {add = true} : memref<10240xf32, #tpu.memory_space<vmem>>[vector<16xi32>], vector<16xf32>, vector<16xi1>
      tpu.vector_store_idx %arg11[%get3A_966], %get3A_972 masked %eq3A_41 {add = true} : memref<10240xf32, #tpu.memory_space<vmem>>[vector<16xi32>], vector<16xf32>, vector<16xi1>
      tpu.vector_store_idx %arg11[%get3A_966], %get3A_972 masked %eq3A_44 {add = true} : memref<10240xf32, #tpu.memory_space<vmem>>[vector<16xi32>], vector<16xf32>, vector<16xi1>
      tpu.vector_store_idx %arg11[%get3A_966], %get3A_972 masked %eq3A_47 {add = true} : memref<10240xf32, #tpu.memory_space<vmem>>[vector<16xi32>], vector<16xf32>, vector<16xi1>
      tpu.vector_store_idx %arg11[%get3A_966], %get3A_972 masked %eq3A_50 {add = true} : memref<10240xf32, #tpu.memory_space<vmem>>[vector<16xi32>], vector<16xf32>, vector<16xi1>
      tpu.vector_store_idx %arg11[%get3A_966], %get3A_972 masked %eq3A_53 {add = true} : memref<10240xf32, #tpu.memory_space<vmem>>[vector<16xi32>], vector<16xf32>, vector<16xi1>
      tpu.vector_store_idx %arg11[%get3A_966], %get3A_972 masked %eq3A_56 {add = true} : memref<10240xf32, #tpu.memory_space<vmem>>[vector<16xi32>], vector<16xf32>, vector<16xi1>
      tpu.vector_store_idx %arg11[%get3A_966], %get3A_972 masked %eq3A_59 {add = true} : memref<10240xf32, #tpu.memory_space<vmem>>[vector<16xi32>], vector<16xf32>, vector<16xi1>
      tpu.vector_store_idx %arg11[%get3A_966], %get3A_972 masked %eq3A_62 {add = true} : memref<10240xf32, #tpu.memory_space<vmem>>[vector<16xi32>], vector<16xf32>, vector<16xi1>
      tpu.vector_store_idx %arg11[%get3A_966], %get3A_972 masked %eq3A_65 {add = true} : memref<10240xf32, #tpu.memory_space<vmem>>[vector<16xi32>], vector<16xf32>, vector<16xi1>
      tpu.vector_store_idx %arg11[%get3A_966], %get3A_972 masked %eq3A_68 {add = true} : memref<10240xf32, #tpu.memory_space<vmem>>[vector<16xi32>], vector<16xf32>, vector<16xi1>
      tpu.vector_store_idx %arg11[%get3A_966], %get3A_972 masked %eq3A_71 {add = true} : memref<10240xf32, #tpu.memory_space<vmem>>[vector<16xi32>], vector<16xf32>, vector<16xi1>
      tpu.vector_store_idx %arg11[%get3A_966], %get3A_972 masked %eq3A_74 {add = true} : memref<10240xf32, #tpu.memory_space<vmem>>[vector<16xi32>], vector<16xf32>, vector<16xi1>
      tpu.vector_store_idx %arg11[%get3A_966], %get3A_972 masked %eq3A_77 {add = true} : memref<10240xf32, #tpu.memory_space<vmem>>[vector<16xi32>], vector<16xf32>, vector<16xi1>
      tpu.vector_store_idx %arg11[%get3A_966], %get3A_972 masked %eq3A_80 {add = true} : memref<10240xf32, #tpu.memory_space<vmem>>[vector<16xi32>], vector<16xf32>, vector<16xi1>
      %add3A_973 = arith.constant 16 : i32
      %add3A_974 = arith.addi %mul3A_651, %add3A_973 : i32
      %get3A_975 = arith.index_cast %add3A_974 : i32 to index
      %get3A_976 = tpu.vector_load %arg13[%get3A_975] {strides = array<i32>} : memref<5376xi32, #tpu.memory_space<vmem>>, vector<16xi32>,
      %get3A_977 = arith.constant 1 : i32
      %get3A_978 = arith.constant 0 : i32
      %get3A_979 = tpu.memref_slice %arg19[%get3A_977, %get3A_978] : memref<2x64xf32, #tpu.memory_space<vmem>> -> memref<1x64xf32, #tpu.memory_space<vmem>>
      %get3A_980 = tpu.memref_squeeze %get3A_979 : memref<1x64xf32, #tpu.memory_space<vmem>> -> memref<64xf32, #tpu.memory_space<vmem>>
      %get3A_981 = arith.constant 16 : index
      %get3A_982 = tpu.vector_load %get3A_980[%get3A_981] {strides = array<i32>} : memref<64xf32, #tpu.memory_space<vmem>>, vector<16xf32>,
      tpu.vector_store_idx %arg11[%get3A_976], %get3A_982 masked %eq3A_35 {add = true} : memref<10240xf32, #tpu.memory_space<vmem>>[vector<16xi32>], vector<16xf32>, vector<16xi1>
      tpu.vector_store_idx %arg11[%get3A_976], %get3A_982 masked %eq3A_38 {add = true} : memref<10240xf32, #tpu.memory_space<vmem>>[vector<16xi32>], vector<16xf32>, vector<16xi1>
      tpu.vector_store_idx %arg11[%get3A_976], %get3A_982 masked %eq3A_41 {add = true} : memref<10240xf32, #tpu.memory_space<vmem>>[vector<16xi32>], vector<16xf32>, vector<16xi1>
      tpu.vector_store_idx %arg11[%get3A_976], %get3A_982 masked %eq3A_44 {add = true} : memref<10240xf32, #tpu.memory_space<vmem>>[vector<16xi32>], vector<16xf32>, vector<16xi1>
      tpu.vector_store_idx %arg11[%get3A_976], %get3A_982 masked %eq3A_47 {add = true} : memref<10240xf32, #tpu.memory_space<vmem>>[vector<16xi32>], vector<16xf32>, vector<16xi1>
      tpu.vector_store_idx %arg11[%get3A_976], %get3A_982 masked %eq3A_50 {add = true} : memref<10240xf32, #tpu.memory_space<vmem>>[vector<16xi32>], vector<16xf32>, vector<16xi1>
      tpu.vector_store_idx %arg11[%get3A_976], %get3A_982 masked %eq3A_53 {add = true} : memref<10240xf32, #tpu.memory_space<vmem>>[vector<16xi32>], vector<16xf32>, vector<16xi1>
      tpu.vector_store_idx %arg11[%get3A_976], %get3A_982 masked %eq3A_56 {add = true} : memref<10240xf32, #tpu.memory_space<vmem>>[vector<16xi32>], vector<16xf32>, vector<16xi1>
      tpu.vector_store_idx %arg11[%get3A_976], %get3A_982 masked %eq3A_59 {add = true} : memref<10240xf32, #tpu.memory_space<vmem>>[vector<16xi32>], vector<16xf32>, vector<16xi1>
      tpu.vector_store_idx %arg11[%get3A_976], %get3A_982 masked %eq3A_62 {add = true} : memref<10240xf32, #tpu.memory_space<vmem>>[vector<16xi32>], vector<16xf32>, vector<16xi1>
      tpu.vector_store_idx %arg11[%get3A_976], %get3A_982 masked %eq3A_65 {add = true} : memref<10240xf32, #tpu.memory_space<vmem>>[vector<16xi32>], vector<16xf32>, vector<16xi1>
      tpu.vector_store_idx %arg11[%get3A_976], %get3A_982 masked %eq3A_68 {add = true} : memref<10240xf32, #tpu.memory_space<vmem>>[vector<16xi32>], vector<16xf32>, vector<16xi1>
      tpu.vector_store_idx %arg11[%get3A_976], %get3A_982 masked %eq3A_71 {add = true} : memref<10240xf32, #tpu.memory_space<vmem>>[vector<16xi32>], vector<16xf32>, vector<16xi1>
      tpu.vector_store_idx %arg11[%get3A_976], %get3A_982 masked %eq3A_74 {add = true} : memref<10240xf32, #tpu.memory_space<vmem>>[vector<16xi32>], vector<16xf32>, vector<16xi1>
      tpu.vector_store_idx %arg11[%get3A_976], %get3A_982 masked %eq3A_77 {add = true} : memref<10240xf32, #tpu.memory_space<vmem>>[vector<16xi32>], vector<16xf32>, vector<16xi1>
      tpu.vector_store_idx %arg11[%get3A_976], %get3A_982 masked %eq3A_80 {add = true} : memref<10240xf32, #tpu.memory_space<vmem>>[vector<16xi32>], vector<16xf32>, vector<16xi1>
      %add3A_983 = arith.constant 32 : i32
      %add3A_984 = arith.addi %mul3A_651, %add3A_983 : i32
      %get3A_985 = arith.index_cast %add3A_984 : i32 to index
      %get3A_986 = tpu.vector_load %arg13[%get3A_985] {strides = array<i32>} : memref<5376xi32, #tpu.memory_space<vmem>>, vector<16xi32>,
      %get3A_987 = arith.constant 1 : i32
      %get3A_988 = arith.constant 0 : i32
      %get3A_989 = tpu.memref_slice %arg19[%get3A_987, %get3A_988] : memref<2x64xf32, #tpu.memory_space<vmem>> -> memref<1x64xf32, #tpu.memory_space<vmem>>
      %get3A_990 = tpu.memref_squeeze %get3A_989 : memref<1x64xf32, #tpu.memory_space<vmem>> -> memref<64xf32, #tpu.memory_space<vmem>>
      %get3A_991 = arith.constant 32 : index
      %get3A_992 = tpu.vector_load %get3A_990[%get3A_991] {strides = array<i32>} : memref<64xf32, #tpu.memory_space<vmem>>, vector<16xf32>,
      tpu.vector_store_idx %arg11[%get3A_986], %get3A_992 masked %eq3A_35 {add = true} : memref<10240xf32, #tpu.memory_space<vmem>>[vector<16xi32>], vector<16xf32>, vector<16xi1>
      tpu.vector_store_idx %arg11[%get3A_986], %get3A_992 masked %eq3A_38 {add = true} : memref<10240xf32, #tpu.memory_space<vmem>>[vector<16xi32>], vector<16xf32>, vector<16xi1>
      tpu.vector_store_idx %arg11[%get3A_986], %get3A_992 masked %eq3A_41 {add = true} : memref<10240xf32, #tpu.memory_space<vmem>>[vector<16xi32>], vector<16xf32>, vector<16xi1>
      tpu.vector_store_idx %arg11[%get3A_986], %get3A_992 masked %eq3A_44 {add = true} : memref<10240xf32, #tpu.memory_space<vmem>>[vector<16xi32>], vector<16xf32>, vector<16xi1>
      tpu.vector_store_idx %arg11[%get3A_986], %get3A_992 masked %eq3A_47 {add = true} : memref<10240xf32, #tpu.memory_space<vmem>>[vector<16xi32>], vector<16xf32>, vector<16xi1>
      tpu.vector_store_idx %arg11[%get3A_986], %get3A_992 masked %eq3A_50 {add = true} : memref<10240xf32, #tpu.memory_space<vmem>>[vector<16xi32>], vector<16xf32>, vector<16xi1>
      tpu.vector_store_idx %arg11[%get3A_986], %get3A_992 masked %eq3A_53 {add = true} : memref<10240xf32, #tpu.memory_space<vmem>>[vector<16xi32>], vector<16xf32>, vector<16xi1>
      tpu.vector_store_idx %arg11[%get3A_986], %get3A_992 masked %eq3A_56 {add = true} : memref<10240xf32, #tpu.memory_space<vmem>>[vector<16xi32>], vector<16xf32>, vector<16xi1>
      tpu.vector_store_idx %arg11[%get3A_986], %get3A_992 masked %eq3A_59 {add = true} : memref<10240xf32, #tpu.memory_space<vmem>>[vector<16xi32>], vector<16xf32>, vector<16xi1>
      tpu.vector_store_idx %arg11[%get3A_986], %get3A_992 masked %eq3A_62 {add = true} : memref<10240xf32, #tpu.memory_space<vmem>>[vector<16xi32>], vector<16xf32>, vector<16xi1>
      tpu.vector_store_idx %arg11[%get3A_986], %get3A_992 masked %eq3A_65 {add = true} : memref<10240xf32, #tpu.memory_space<vmem>>[vector<16xi32>], vector<16xf32>, vector<16xi1>
      tpu.vector_store_idx %arg11[%get3A_986], %get3A_992 masked %eq3A_68 {add = true} : memref<10240xf32, #tpu.memory_space<vmem>>[vector<16xi32>], vector<16xf32>, vector<16xi1>
      tpu.vector_store_idx %arg11[%get3A_986], %get3A_992 masked %eq3A_71 {add = true} : memref<10240xf32, #tpu.memory_space<vmem>>[vector<16xi32>], vector<16xf32>, vector<16xi1>
      tpu.vector_store_idx %arg11[%get3A_986], %get3A_992 masked %eq3A_74 {add = true} : memref<10240xf32, #tpu.memory_space<vmem>>[vector<16xi32>], vector<16xf32>, vector<16xi1>
      tpu.vector_store_idx %arg11[%get3A_986], %get3A_992 masked %eq3A_77 {add = true} : memref<10240xf32, #tpu.memory_space<vmem>>[vector<16xi32>], vector<16xf32>, vector<16xi1>
      tpu.vector_store_idx %arg11[%get3A_986], %get3A_992 masked %eq3A_80 {add = true} : memref<10240xf32, #tpu.memory_space<vmem>>[vector<16xi32>], vector<16xf32>, vector<16xi1>
      %add3A_993 = arith.constant 48 : i32
      %add3A_994 = arith.addi %mul3A_651, %add3A_993 : i32
      %get3A_995 = arith.index_cast %add3A_994 : i32 to index
      %get3A_996 = tpu.vector_load %arg13[%get3A_995] {strides = array<i32>} : memref<5376xi32, #tpu.memory_space<vmem>>, vector<16xi32>,
      %get3A_997 = arith.constant 1 : i32
      %get3A_998 = arith.constant 0 : i32
      %get3A_999 = tpu.memref_slice %arg19[%get3A_997, %get3A_998] : memref<2x64xf32, #tpu.memory_space<vmem>> -> memref<1x64xf32, #tpu.memory_space<vmem>>
      %get3A_1000 = tpu.memref_squeeze %get3A_999 : memref<1x64xf32, #tpu.memory_space<vmem>> -> memref<64xf32, #tpu.memory_space<vmem>>
      %get3A_1001 = arith.constant 48 : index
      %get3A_1002 = tpu.vector_load %get3A_1000[%get3A_1001] {strides = array<i32>} : memref<64xf32, #tpu.memory_space<vmem>>, vector<16xf32>,
      tpu.vector_store_idx %arg11[%get3A_996], %get3A_1002 masked %eq3A_35 {add = true} : memref<10240xf32, #tpu.memory_space<vmem>>[vector<16xi32>], vector<16xf32>, vector<16xi1>
      tpu.vector_store_idx %arg11[%get3A_996], %get3A_1002 masked %eq3A_38 {add = true} : memref<10240xf32, #tpu.memory_space<vmem>>[vector<16xi32>], vector<16xf32>, vector<16xi1>
      tpu.vector_store_idx %arg11[%get3A_996], %get3A_1002 masked %eq3A_41 {add = true} : memref<10240xf32, #tpu.memory_space<vmem>>[vector<16xi32>], vector<16xf32>, vector<16xi1>
      tpu.vector_store_idx %arg11[%get3A_996], %get3A_1002 masked %eq3A_44 {add = true} : memref<10240xf32, #tpu.memory_space<vmem>>[vector<16xi32>], vector<16xf32>, vector<16xi1>
      tpu.vector_store_idx %arg11[%get3A_996], %get3A_1002 masked %eq3A_47 {add = true} : memref<10240xf32, #tpu.memory_space<vmem>>[vector<16xi32>], vector<16xf32>, vector<16xi1>
      tpu.vector_store_idx %arg11[%get3A_996], %get3A_1002 masked %eq3A_50 {add = true} : memref<10240xf32, #tpu.memory_space<vmem>>[vector<16xi32>], vector<16xf32>, vector<16xi1>
      tpu.vector_store_idx %arg11[%get3A_996], %get3A_1002 masked %eq3A_53 {add = true} : memref<10240xf32, #tpu.memory_space<vmem>>[vector<16xi32>], vector<16xf32>, vector<16xi1>
      tpu.vector_store_idx %arg11[%get3A_996], %get3A_1002 masked %eq3A_56 {add = true} : memref<10240xf32, #tpu.memory_space<vmem>>[vector<16xi32>], vector<16xf32>, vector<16xi1>
      tpu.vector_store_idx %arg11[%get3A_996], %get3A_1002 masked %eq3A_59 {add = true} : memref<10240xf32, #tpu.memory_space<vmem>>[vector<16xi32>], vector<16xf32>, vector<16xi1>
      tpu.vector_store_idx %arg11[%get3A_996], %get3A_1002 masked %eq3A_62 {add = true} : memref<10240xf32, #tpu.memory_space<vmem>>[vector<16xi32>], vector<16xf32>, vector<16xi1>
      tpu.vector_store_idx %arg11[%get3A_996], %get3A_1002 masked %eq3A_65 {add = true} : memref<10240xf32, #tpu.memory_space<vmem>>[vector<16xi32>], vector<16xf32>, vector<16xi1>
      tpu.vector_store_idx %arg11[%get3A_996], %get3A_1002 masked %eq3A_68 {add = true} : memref<10240xf32, #tpu.memory_space<vmem>>[vector<16xi32>], vector<16xf32>, vector<16xi1>
      tpu.vector_store_idx %arg11[%get3A_996], %get3A_1002 masked %eq3A_71 {add = true} : memref<10240xf32, #tpu.memory_space<vmem>>[vector<16xi32>], vector<16xf32>, vector<16xi1>
      tpu.vector_store_idx %arg11[%get3A_996], %get3A_1002 masked %eq3A_74 {add = true} : memref<10240xf32, #tpu.memory_space<vmem>>[vector<16xi32>], vector<16xf32>, vector<16xi1>
      tpu.vector_store_idx %arg11[%get3A_996], %get3A_1002 masked %eq3A_77 {add = true} : memref<10240xf32, #tpu.memory_space<vmem>>[vector<16xi32>], vector<16xf32>, vector<16xi1>
      tpu.vector_store_idx %arg11[%get3A_996], %get3A_1002 masked %eq3A_80 {add = true} : memref<10240xf32, #tpu.memory_space<vmem>>[vector<16xi32>], vector<16xf32>, vector<16xi1>
      %add3A_1003 = arith.constant 1 : i32
      %add3A_1004 = arith.addi %add3A_156, %add3A_1003 : i32
      %mul3A_1005 = arith.constant 64 : i32
      %mul3A_1006 = arith.muli %add3A_1004, %mul3A_1005 : i32
      %add3A_1007 = arith.addi %mul3A_2, %mul3A_1006 : i32
      %dma_start3A_1008 = arith.constant 1 : i32
      %dma_start3A_1009 = arith.constant 0 : i32
      %dma_start3A_1010 = tpu.memref_slice %arg19[%dma_start3A_1008, %dma_start3A_1009] : memref<2x64xf32, #tpu.memory_space<vmem>> -> memref<1x64xf32, #tpu.memory_space<vmem>>
      %dma_start3A_1011 = tpu.memref_squeeze %dma_start3A_1010 : memref<1x64xf32, #tpu.memory_space<vmem>> -> memref<64xf32, #tpu.memory_space<vmem>>
      %dma_start3A_1012 = tpu.memref_slice %arg9[%add3A_1007] : memref<172032xf32, #tpu.memory_space<hbm>> -> memref<64xf32, #tpu.memory_space<hbm>>
      %dma_start3A_1013 = tpu.memref_slice %arg9[%add3A_1007] : memref<172032xf32, #tpu.memory_space<hbm>> -> memref<64xf32, #tpu.memory_space<hbm>>
      %dma_start3A_1014 = arith.constant 0 : i32
      %dma_start3A_1015 = tpu.memref_slice %arg19[%dma_start3A_1008, %dma_start3A_1014] : memref<2x64xf32, #tpu.memory_space<vmem>> -> memref<1x64xf32, #tpu.memory_space<vmem>>
      %dma_start3A_1016 = tpu.memref_squeeze %dma_start3A_1015 : memref<1x64xf32, #tpu.memory_space<vmem>> -> memref<64xf32, #tpu.memory_space<vmem>>
      tpu.enqueue_dma source(%dma_start3A_1016 : memref<64xf32, #tpu.memory_space<vmem>>) target(%dma_start3A_1013 : memref<64xf32, #tpu.memory_space<hbm>>) target_semaphore(%arg24 : memref<!tpu.dma_semaphore, #tpu.memory_space<semaphore_mem>>)
    }
    %scan3A_128 = arith.constant 42 : i32
    %add3A_129 = arith.constant 5248 : i32
    %add3A_130 = arith.addi %mul3A_2, %add3A_129 : i32
    %dma_wait3A = arith.constant 0 : i32
    %dma_wait3A_131 = arith.constant 0 : i32
    %dma_wait3A_132 = tpu.memref_slice %arg19[%dma_wait3A, %dma_wait3A_131] : memref<2x64xf32, #tpu.memory_space<vmem>> -> memref<1x64xf32, #tpu.memory_space<vmem>>
    %dma_wait3A_133 = tpu.memref_squeeze %dma_wait3A_132 : memref<1x64xf32, #tpu.memory_space<vmem>> -> memref<64xf32, #tpu.memory_space<vmem>>
    %dma_wait3A_134 = tpu.memref_slice %arg9[%add3A_130] : memref<172032xf32, #tpu.memory_space<hbm>> -> memref<64xf32, #tpu.memory_space<hbm>>
    %dma_wait3A_135 = tpu.memref_slice %arg9[%add3A_130] : memref<172032xf32, #tpu.memory_space<hbm>> -> memref<64xf32, #tpu.memory_space<hbm>>
    %dma_wait3A_136 = arith.constant 0 : i32
    %dma_wait3A_137 = tpu.memref_slice %arg19[%dma_wait3A, %dma_wait3A_136] : memref<2x64xf32, #tpu.memory_space<vmem>> -> memref<1x64xf32, #tpu.memory_space<vmem>>
    %dma_wait3A_138 = tpu.memref_squeeze %dma_wait3A_137 : memref<1x64xf32, #tpu.memory_space<vmem>> -> memref<64xf32, #tpu.memory_space<vmem>>
    tpu.wait_dma2 semaphore(%arg23 : memref<!tpu.dma_semaphore, #tpu.memory_space<semaphore_mem>>) src(%dma_wait3A_138 : memref<64xf32, #tpu.memory_space<vmem>>) dst(%dma_wait3A_135 : memref<64xf32, #tpu.memory_space<hbm>>)
    %add3A_139 = arith.constant 5312 : i32
    %add3A_140 = arith.addi %mul3A_2, %add3A_139 : i32
    %dma_wait3A_141 = arith.constant 1 : i32
    %dma_wait3A_142 = arith.constant 0 : i32
    %dma_wait3A_143 = tpu.memref_slice %arg19[%dma_wait3A_141, %dma_wait3A_142] : memref<2x64xf32, #tpu.memory_space<vmem>> -> memref<1x64xf32, #tpu.memory_space<vmem>>
    %dma_wait3A_144 = tpu.memref_squeeze %dma_wait3A_143 : memref<1x64xf32, #tpu.memory_space<vmem>> -> memref<64xf32, #tpu.memory_space<vmem>>
    %dma_wait3A_145 = tpu.memref_slice %arg9[%add3A_140] : memref<172032xf32, #tpu.memory_space<hbm>> -> memref<64xf32, #tpu.memory_space<hbm>>
    %dma_wait3A_146 = tpu.memref_slice %arg9[%add3A_140] : memref<172032xf32, #tpu.memory_space<hbm>> -> memref<64xf32, #tpu.memory_space<hbm>>
    %dma_wait3A_147 = arith.constant 0 : i32
    %dma_wait3A_148 = tpu.memref_slice %arg19[%dma_wait3A_141, %dma_wait3A_147] : memref<2x64xf32, #tpu.memory_space<vmem>> -> memref<1x64xf32, #tpu.memory_space<vmem>>
    %dma_wait3A_149 = tpu.memref_squeeze %dma_wait3A_148 : memref<1x64xf32, #tpu.memory_space<vmem>> -> memref<64xf32, #tpu.memory_space<vmem>>
    tpu.wait_dma2 semaphore(%arg24 : memref<!tpu.dma_semaphore, #tpu.memory_space<semaphore_mem>>) src(%dma_wait3A_149 : memref<64xf32, #tpu.memory_space<vmem>>) dst(%dma_wait3A_146 : memref<64xf32, #tpu.memory_space<hbm>>)
    %mul3A_150 = arith.constant 10240 : i32
    %mul3A_151 = arith.muli %add3A, %mul3A_150 : i32
    "tpu.region"() ({
      %run_scoped3A = tpu.sem_alloc : memref<!tpu.dma_semaphore, #tpu.memory_space<semaphore_mem>>
      %dma_start3A_152 = tpu.memref_slice %arg10[%mul3A_151] : memref<327680xf32, #tpu.memory_space<hbm>> -> memref<10240xf32, #tpu.memory_space<hbm>>
      %dma_start3A_153 = tpu.memref_slice %arg10[%mul3A_151] : memref<327680xf32, #tpu.memory_space<hbm>> -> memref<10240xf32, #tpu.memory_space<hbm>>
      tpu.enqueue_dma source(%arg11 : memref<10240xf32, #tpu.memory_space<vmem>>) target(%dma_start3A_153 : memref<10240xf32, #tpu.memory_space<hbm>>) target_semaphore(%run_scoped3A : memref<!tpu.dma_semaphore, #tpu.memory_space<semaphore_mem>>)
      %dma_wait3A_154 = tpu.memref_slice %arg10[%mul3A_151] : memref<327680xf32, #tpu.memory_space<hbm>> -> memref<10240xf32, #tpu.memory_space<hbm>>
      %dma_wait3A_155 = tpu.memref_slice %arg10[%mul3A_151] : memref<327680xf32, #tpu.memory_space<hbm>> -> memref<10240xf32, #tpu.memory_space<hbm>>
      tpu.wait_dma2 semaphore(%run_scoped3A : memref<!tpu.dma_semaphore, #tpu.memory_space<semaphore_mem>>) src(%arg11 : memref<10240xf32, #tpu.memory_space<vmem>>) dst(%dma_wait3A_155 : memref<10240xf32, #tpu.memory_space<hbm>>)
      tpu.yield
    }) : () -> ()
    return
  }
}

module attributes {stable_mosaic.version = 14 : i64} {
  func.func @mm_kernel(%arg0: i32, %arg1: memref<400x480xf32, #tpu.memory_space<vmem>>, %arg2: memref<480x256xf32, #tpu.memory_space<vmem>>, %arg3: memref<480x256xf32, #tpu.memory_space<vmem>>, %arg4: memref<400x128xf32, #tpu.memory_space<vmem>>, %arg5: memref<400x128xf32, #tpu.memory_space<vmem>>, %arg6: memref<400x128xf32, #tpu.memory_space<vmem>>, %arg7: memref<400x128xf32, #tpu.memory_space<vmem>>) attributes {dimension_semantics = [#tpu.dimension_semantics<arbitrary>], iteration_bounds = array<i64: 25>, scalar_prefetch = 0 : i64, scratch_operands = 0 : i64, tpu.core_type = #tpu.core_type<tc>, window_params = [{transform_indices = @transform_0, window_bounds = array<i64: 400, 480>}, {pipeline_mode = #tpu.pipeline_mode<synchronous>, transform_indices = @transform_1, window_bounds = array<i64: 480, 256>}, {pipeline_mode = #tpu.pipeline_mode<synchronous>, transform_indices = @transform_2, window_bounds = array<i64: 480, 256>}, {transform_indices = @transform_3, window_bounds = array<i64: 400, 128>}, {transform_indices = @transform_4, window_bounds = array<i64: 400, 128>}, {transform_indices = @transform_5, window_bounds = array<i64: 400, 128>}, {transform_indices = @transform_6, window_bounds = array<i64: 400, 128>}]} {
    %get3A = arith.constant 0 : index
    %get3A_0 = arith.constant 0 : index
    %get3A_1 = vector.load %arg1[%get3A, %get3A_0] : memref<400x480xf32, #tpu.memory_space<vmem>>, vector<400x480xf32>
    %get3A_2 = arith.constant 0 : index
    %get3A_3 = arith.constant 0 : index
    %get3A_4 = vector.load %arg2[%get3A_2, %get3A_3] : memref<480x256xf32, #tpu.memory_space<vmem>>, vector<480x256xf32>
    %dot_general3A = arith.constant dense<0.000000e+00> : vector<400x256xf32>
    %dot_general3A_5 = tpu.matmul %get3A_1, %get3A_4, %dot_general3A {dimension_numbers = #tpu.dot_dimension_numbers<[1], [0], [0], [1], [0, 0, 1, 1], [], []>, precision = #tpu.contract_precision<fp32>, transpose_lhs_hint = false} : vector<400x480xf32>, vector<480x256xf32>, vector<400x256xf32> -> vector<400x256xf32>
    %get3A_6 = arith.constant 0 : index
    %get3A_7 = arith.constant 0 : index
    %get3A_8 = vector.load %arg3[%get3A_6, %get3A_7] : memref<480x256xf32, #tpu.memory_space<vmem>>, vector<480x256xf32>
    %dot_general3A_9 = arith.constant dense<0.000000e+00> : vector<400x256xf32>
    %dot_general3A_10 = tpu.matmul %get3A_1, %get3A_8, %dot_general3A_9 {dimension_numbers = #tpu.dot_dimension_numbers<[1], [0], [0], [1], [0, 0, 1, 1], [], []>, precision = #tpu.contract_precision<fp32>, transpose_lhs_hint = false} : vector<400x480xf32>, vector<480x256xf32>, vector<400x256xf32> -> vector<400x256xf32>
    %slice3A = vector.extract_strided_slice %dot_general3A_5 {offsets = [0, 0], sizes = [400, 128], strides = [1, 1]} : vector<400x256xf32> to vector<400x128xf32>
    %swap3A = arith.constant 0 : index
    %swap3A_11 = arith.constant 0 : index
    %swap3A_12 = vector.load %arg4[%swap3A, %swap3A_11] : memref<400x128xf32, #tpu.memory_space<vmem>>, vector<400x128xf32>
    tpu.vector_store %arg4[%swap3A, %swap3A_11], %slice3A {strides = array<i32>} : memref<400x128xf32, #tpu.memory_space<vmem>>, vector<400x128xf32>,
    %slice3A_13 = vector.extract_strided_slice %dot_general3A_5 {offsets = [0, 128], sizes = [400, 128], strides = [1, 1]} : vector<400x256xf32> to vector<400x128xf32>
    %swap3A_14 = arith.constant 0 : index
    %swap3A_15 = arith.constant 0 : index
    %swap3A_16 = vector.load %arg5[%swap3A_14, %swap3A_15] : memref<400x128xf32, #tpu.memory_space<vmem>>, vector<400x128xf32>
    tpu.vector_store %arg5[%swap3A_14, %swap3A_15], %slice3A_13 {strides = array<i32>} : memref<400x128xf32, #tpu.memory_space<vmem>>, vector<400x128xf32>,
    %slice3A_17 = vector.extract_strided_slice %dot_general3A_10 {offsets = [0, 0], sizes = [400, 128], strides = [1, 1]} : vector<400x256xf32> to vector<400x128xf32>
    %swap3A_18 = arith.constant 0 : index
    %swap3A_19 = arith.constant 0 : index
    %swap3A_20 = vector.load %arg6[%swap3A_18, %swap3A_19] : memref<400x128xf32, #tpu.memory_space<vmem>>, vector<400x128xf32>
    tpu.vector_store %arg6[%swap3A_18, %swap3A_19], %slice3A_17 {strides = array<i32>} : memref<400x128xf32, #tpu.memory_space<vmem>>, vector<400x128xf32>,
    %slice3A_21 = vector.extract_strided_slice %dot_general3A_10 {offsets = [0, 128], sizes = [400, 128], strides = [1, 1]} : vector<400x256xf32> to vector<400x128xf32>
    %swap3A_22 = arith.constant 0 : index
    %swap3A_23 = arith.constant 0 : index
    %swap3A_24 = vector.load %arg7[%swap3A_22, %swap3A_23] : memref<400x128xf32, #tpu.memory_space<vmem>>, vector<400x128xf32>
    tpu.vector_store %arg7[%swap3A_22, %swap3A_23], %slice3A_21 {strides = array<i32>} : memref<400x128xf32, #tpu.memory_space<vmem>>, vector<400x128xf32>,
    return
  }
  func.func @transform_0(%arg0: i32) -> (i32, i32) {
    %c0_i32 = arith.constant 0 : i32
    %c0_i32_0 = arith.constant 0 : i32
    return %arg0, %c0_i32 : i32, i32
  }
  func.func @transform_1(%arg0: i32) -> (i32, i32) {
    %c0_i32 = arith.constant 0 : i32
    %c0_i32_0 = arith.constant 0 : i32
    %c0_i32_1 = arith.constant 0 : i32
    return %c0_i32, %c0_i32_0 : i32, i32
  }
  func.func @transform_2(%arg0: i32) -> (i32, i32) {
    %c0_i32 = arith.constant 0 : i32
    %c0_i32_0 = arith.constant 0 : i32
    %c0_i32_1 = arith.constant 0 : i32
    return %c0_i32, %c0_i32_0 : i32, i32
  }
  func.func @transform_3(%arg0: i32) -> (i32, i32) {
    %c0_i32 = arith.constant 0 : i32
    %c0_i32_0 = arith.constant 0 : i32
    return %arg0, %c0_i32 : i32, i32
  }
  func.func @transform_4(%arg0: i32) -> (i32, i32) {
    %c0_i32 = arith.constant 0 : i32
    %c0_i32_0 = arith.constant 0 : i32
    return %arg0, %c0_i32 : i32, i32
  }
  func.func @transform_5(%arg0: i32) -> (i32, i32) {
    %c0_i32 = arith.constant 0 : i32
    %c0_i32_0 = arith.constant 0 : i32
    return %arg0, %c0_i32 : i32, i32
  }
  func.func @transform_6(%arg0: i32) -> (i32, i32) {
    %c0_i32 = arith.constant 0 : i32
    %c0_i32_0 = arith.constant 0 : i32
    return %arg0, %c0_i32 : i32, i32
  }
}

module attributes {stable_mosaic.version = 14 : i64} {
  func.func @fin_kernel(%arg0: i32, %arg1: memref<512x128xf32, #tpu.memory_space<vmem>>, %arg2: memref<512x128xf32, #tpu.memory_space<vmem>>, %arg3: memref<32x512xf32, #tpu.memory_space<vmem>>, %arg4: memref<1x256xf32, #tpu.memory_space<vmem>>, %arg5: memref<512x256xf32, #tpu.memory_space<vmem>>) attributes {dimension_semantics = [#tpu.dimension_semantics<arbitrary>], iteration_bounds = array<i64: 20>, scalar_prefetch = 0 : i64, scratch_operands = 0 : i64, tpu.core_type = #tpu.core_type<tc>, window_params = [{transform_indices = @transform_0, window_bounds = array<i64: 512, 128>}, {transform_indices = @transform_1, window_bounds = array<i64: 512, 128>}, {transform_indices = @transform_2, window_bounds = array<i64: 32, 512>}, {pipeline_mode = #tpu.pipeline_mode<synchronous>, transform_indices = @transform_3, window_bounds = array<i64: 1, 256>}, {transform_indices = @transform_4, window_bounds = array<i64: 512, 256>}]} {
    %get3A = arith.constant 0 : index
    %get3A_0 = arith.constant 0 : index
    %get3A_1 = vector.load %arg3[%get3A, %get3A_0] : memref<32x512xf32, #tpu.memory_space<vmem>>, vector<32x512xf32>
    %reduce_sum3A = arith.constant dense<0.000000e+00> : vector<512xf32>
    %reduce_sum3A_2 = vector.multi_reduction <add>, %get3A_1, %reduce_sum3A [0] : vector<32x512xf32> to vector<512xf32>
    %broadcast_in_dim3A = vector.shape_cast %reduce_sum3A_2 : vector<512xf32> to vector<512x1xf32>
    %get3A_3 = arith.constant 0 : index
    %get3A_4 = arith.constant 0 : index
    %get3A_5 = vector.load %arg1[%get3A_3, %get3A_4] : memref<512x128xf32, #tpu.memory_space<vmem>>, vector<512x128xf32>
    %get3A_6 = arith.constant 0 : index
    %get3A_7 = arith.constant 0 : index
    %get3A_8 = vector.load %arg2[%get3A_6, %get3A_7] : memref<512x128xf32, #tpu.memory_space<vmem>>, vector<512x128xf32>
    %concatenate3A = tpu.concatenate %get3A_5, %get3A_8 in 1 : vector<512x128xf32>, vector<512x128xf32> -> vector<512x256xf32>
    %div3A = vector.broadcast %broadcast_in_dim3A : vector<512x1xf32> to vector<512x256xf32>
    %div3A_9 = arith.divf %concatenate3A, %div3A : vector<512x256xf32>
    %get3A_10 = arith.constant 0 : index
    %get3A_11 = arith.constant 0 : index
    %get3A_12 = vector.load %arg4[%get3A_10, %get3A_11] : memref<1x256xf32, #tpu.memory_space<vmem>>, vector<1x256xf32>
    %add3A = vector.broadcast %get3A_12 : vector<1x256xf32> to vector<512x256xf32>
    %add3A_13 = arith.addf %div3A_9, %add3A : vector<512x256xf32>
    %swap3A = arith.constant 0 : index
    %swap3A_14 = arith.constant 0 : index
    %swap3A_15 = vector.load %arg5[%swap3A, %swap3A_14] : memref<512x256xf32, #tpu.memory_space<vmem>>, vector<512x256xf32>
    tpu.vector_store %arg5[%swap3A, %swap3A_14], %add3A_13 {strides = array<i32>} : memref<512x256xf32, #tpu.memory_space<vmem>>, vector<512x256xf32>,
    return
  }
  func.func @transform_0(%arg0: i32) -> (i32, i32) {
    %c0_i32 = arith.constant 0 : i32
    %c0_i32_0 = arith.constant 0 : i32
    return %arg0, %c0_i32 : i32, i32
  }
  func.func @transform_1(%arg0: i32) -> (i32, i32) {
    %c0_i32 = arith.constant 0 : i32
    %c0_i32_0 = arith.constant 0 : i32
    return %arg0, %c0_i32 : i32, i32
  }
  func.func @transform_2(%arg0: i32) -> (i32, i32) {
    %c0_i32 = arith.constant 0 : i32
    %c0_i32_0 = arith.constant 0 : i32
    return %c0_i32, %arg0 : i32, i32
  }
  func.func @transform_3(%arg0: i32) -> (i32, i32) {
    %c0_i32 = arith.constant 0 : i32
    %c0_i32_0 = arith.constant 0 : i32
    %c0_i32_1 = arith.constant 0 : i32
    return %c0_i32, %c0_i32_0 : i32, i32
  }
  func.func @transform_4(%arg0: i32) -> (i32, i32) {
    %c0_i32 = arith.constant 0 : i32
    %c0_i32_0 = arith.constant 0 : i32
    return %arg0, %c0_i32 : i32, i32
  }
}

</mosaic_0001>

<sc_bundles>
// kernel: kernel.6.cloned.1.call-start
scs
__scs_entry_jumppad:
0x0: {  	(pc) =	sbr.rel $0x88, $3  }
0x1: {  	(tag) =	ssettag $0x0;
	lr =	simm.s32 $0x1  }
0x2: {  	[smem:$0x3F9B] =	sst lr;
	_ =	strace $0xD0000000  }
0x3: {  	_ = 	snop  }
0x4: {  	_ = 	snop  }
0x5: {  	_ = 	snop  }
0x6: {  	_ = 	snop  }
0x7: {  	_ = 	snop  }
__scs_overlays_trampoline_lowered:
0x8: {  	[smem:$0x3FAA] =	sst s0  }
0x9: {  	[smem:$0x3FAB] =	sst s1  }
0xa: {  	[smem:$0x3FAC] =	sst s2  }
0xb: {  	[smem:$0x3FAD] =	sst s3  }
0xc: {  	[smem:$0x3FAE] =	sst s4  }
0xd: {  	[smem:$0x3FAF] =	sst s5  }
0xe: {  	[smem:$0x3FB0] =	sst s6  }
0xf: {  	[smem:$0x3FB1] =	sst s7  }
0x10: {  	[smem:$0x3FB2] =	sst s8  }
0x11: {  	[smem:$0x3FB3] =	sst s9;
	s0 =	simm.s32 @!p0 $0x0  }
0x12: {  	s1 =	sld [smem:$0x3F99];
	s0 =	simm.s32 @p0 $0x1  }
0x13: {  	[smem:$0x3FB4] =	sst s0;
	s0 =	simm.s32 @!p1 $0x0  }
0x14: {  	s2 =	sld [smem:$0x3F98];
	s0 =	simm.s32 @p1 $0x1  }
0x15: {  	[smem:$0x3FB5] =	sst s0;
	s0 =	simm.s32 @!p2 $0x0  }
0x16: {  	s3 =	sld [smem:$0x3FDB];
	s0 =	simm.s32 @p2 $0x1  }
0x17: {  	s4 =	simm.s32 $0x1BF5;
	[smem:$0x3FB7] =	sst s0  }
0x18: {  	s0 =	sld [smem:$0x3F9A];
	_ =	swait.ge [sflag:s4], $0x0  }
0x19: {  	s7 =	sld [smem:$0x3F9B]  }
0x1a: {  	s8 =	sadd.s32 $0xFFFFE003, lr  }
0x1b: {  	s9 =	sadd.s32 $0xFFFFFEF7, lr;
	s5 =	simm.s32 $0xFFFFFFFF;
	p2 =	slt.u32 s8, $0xFFFFF086  }
0x1c: {  	p1 =	slt.u32 s9, $0xF7A;
	s5 =	simm.s32 @!p2 $0x0  }
0x1d: {  	s5 =	simm.s32 @p1 $0x1;
	p0 =	seq.s32 s7, s2  }
0x1e: {  	s7 =	smul.u32 @!p0 $0xF7A, s2;
	p2 =	seq.s32 @!p0 s5, $0x0  }
0x1f: {  	s9 =	smul.u32 $0xF7A, s1;
	s8 =	simm.s32 @!p0 $0x1BF5;
	p2 =	por !p2, p0  }
0x20: {  	[sflag:s8] =	ssyncset.s32 @!p0 $0xFFFFF086;
	s6 =	sadd.s32 @!p0 s3, s7;
	s7 =	simm.s32 @!p0 $0x108  }
0x21: {  	s3 =	sadd.s32 s3, s9;
	s6 =	sadd.s32 @!p0 $0x88, s6;
	s7 =	simm.s32 @p2 $0x1082  }
0x22: {  	[simem:s7], [sflag:s8] =	dma.local @!p0 [hbm:s6], $0xF7A  }
0x23: {  	s9 =	sor.u32 $0xD0000000, s2;
	s6 =	simm.s32 $0x108;
	_ =	swait.ge @!p0 [sflag:s8], $0x0  }
0x24: {  	s3 =	sadd.s32 $0x88, s3;
	s6 =	simm.s32 @!p1 $0x1082;
	[sflag:s4] =	ssyncset.s32 $0xFFFFF086  }
0x25: {  	[simem:s6], [sflag:s4] =	dma.local [hbm:s3], $0xF7A  }
0x26: {  	[smem:$0x3F9B] =	sst s1;
	(tag) =	ssettag s2;
	_ =	strace s9  }
0x27: {  	s1 =	sld [smem:$0x3FAB]  }
0x28: {  	s2 =	sld [smem:$0x3FAC]  }
0x29: {  	s4 =	sld [smem:$0x3FAE]  }
0x2a: {  	p0 =	seq.s32 s5, $0x0;
	s5 =	sld [smem:$0x3FAF]  }
0x2b: {  	s6 =	sld [smem:$0x3FB0]  }
0x2c: {  	s7 =	sld [smem:$0x3FB1]  }
0x2d: {  	s3 =	simm.s32 $0x108;
	s8 =	sld [smem:$0x3FB2]  }
0x2e: {  	s3 =	simm.s32 @!p0 $0x1082;
	s9 =	sld [smem:$0x3FB3]  }
0x2f: {  	lr =	sadd.s32 s0, s3;
	s0 =	sld [smem:$0x3FAA]  }
0x30: {  	s3 =	sld [smem:$0x3FAD]  }
0x31: {  	[smem:$0x3FB6] =	sst s10  }
0x32: {  	s10 =	sld [smem:$0x3FB4];
	_ =	sdelay $0x3  }
0x33: {  	p0 =	seq.s32 s10, $0x1;
	s10 =	sld [smem:$0x3FB6];
	_ =	sdelay $0x3  }
0x34: {  	[smem:$0x3FB6] =	sst s10  }
0x35: {  	s10 =	sld [smem:$0x3FB5];
	_ =	sdelay $0x3  }
0x36: {  	p1 =	seq.s32 s10, $0x1;
	s10 =	sld [smem:$0x3FB6];
	_ =	sdelay $0x3  }
0x37: {  	[smem:$0x3FB6] =	sst s10  }
0x38: {  	s10 =	sld [smem:$0x3FB7]  }
0x39: {  	_ = 	snop;
	(pc) =	sbr.ind lr, $3  }
0x3a: {  	_ = 	snop  }
0x3b: {  	_ = 	snop  }
0x3c: {  	p2 =	seq.s32 s10, $0x1;
	s10 =	sld [smem:$0x3FB6]  }
0x3d: {  	_ =	shalt  }
0x3e: {  	_ =	shalt  }
0x3f: {  	_ =	shalt  }
0x40: {  	_ =	shalt  }
0x41: {  	_ =	shalt  }
0x42: {  	_ =	shalt  }
0x43: {  	_ =	shalt  }
0x44: {  	_ =	shalt  }
0x45: {  	_ =	shalt  }
0x46: {  	_ =	shalt  }
0x47: {  	_ =	shalt  }
0x48: {  	_ =	shalt  }
0x49: {  	_ =	shalt  }
0x4a: {  	_ =	shalt  }
0x4b: {  	_ =	shalt  }
0x4c: {  	_ =	shalt  }
0x4d: {  	_ =	shalt  }
0x4e: {  	_ =	shalt  }
0x4f: {  	_ =	shalt  }
0x50: {  	_ =	shalt  }
0x51: {  	_ =	shalt  }
0x52: {  	_ =	shalt  }
0x53: {  	_ =	shalt  }
0x54: {  	_ =	shalt  }
0x55: {  	_ =	shalt  }
0x56: {  	_ =	shalt  }
0x57: {  	_ =	shalt  }
0x58: {  	_ =	shalt  }
0x59: {  	_ =	shalt  }
0x5a: {  	_ =	shalt  }
0x5b: {  	_ =	shalt  }
0x5c: {  	_ =	shalt  }
0x5d: {  	_ =	shalt  }
0x5e: {  	_ =	shalt  }
0x5f: {  	_ =	shalt  }
0x60: {  	_ =	shalt  }
0x61: {  	_ =	shalt  }
0x62: {  	_ =	shalt  }
0x63: {  	_ =	shalt  }
0x64: {  	_ =	shalt  }
0x65: {  	_ =	shalt  }
0x66: {  	_ =	shalt  }
0x67: {  	_ =	shalt  }
0x68: {  	_ =	shalt  }
0x69: {  	_ =	shalt  }
0x6a: {  	_ =	shalt  }
0x6b: {  	_ =	shalt  }
0x6c: {  	_ =	shalt  }
0x6d: {  	_ =	shalt  }
0x6e: {  	_ =	shalt  }
0x6f: {  	_ =	shalt  }
0x70: {  	_ =	shalt  }
0x71: {  	_ =	shalt  }
0x72: {  	_ =	shalt  }
0x73: {  	_ =	shalt  }
0x74: {  	_ =	shalt  }
0x75: {  	_ =	shalt  }
0x76: {  	_ =	shalt  }
0x77: {  	_ =	shalt  }
0x78: {  	_ =	shalt  }
0x79: {  	_ =	shalt  }
0x7a: {  	_ =	shalt  }
0x7b: {  	_ =	shalt  }
0x7c: {  	_ =	shalt  }
0x7d: {  	_ =	shalt  }
0x7e: {  	_ =	shalt  }
0x7f: {  	_ =	shalt  }
0x80: {  	_ =	shalt  }
0x81: {  	_ =	shalt  }
0x82: {  	_ =	shalt  }
0x83: {  	_ =	shalt  }
0x84: {  	_ =	shalt  }
0x85: {  	_ =	shalt  }
0x86: {  	_ =	shalt  }
0x87: {  	_ =	shalt  }
.Lfunc_end0:
.L_simem_size_0:
called_computation_lowered:
.L_overlay_start_0:
0x88: {  	s2 =	sld [smem:$0x3FD9]  }
0x89: {  	s3 =	sld [smem:$0x3FFE];
	_ =	sdelay $0x1  }
0x8a: {  	s1 =	srdreg.scid  }
0x8b: {  	s0 =	sand.u32 $0x1, s1  }
0x8c: {  	s17 =	sshll.u32 s0, $0xA;
	s2 =	sadd.s32 s3, s2  }
0x8d: {  	s2 =	sadd.s32 s2, s17  }
0x8e: {  	[smem:$0x3FC2] =	sst s2  }
0x8f: {  	_ = 	snop  }
0x90: {  	s2 =	sld [smem:$0x3FC5]  }
0x91: {  	s18 =	sld [smem:$0x3FD0];
	(tm) =	ssettm $0x1  }
0x92: {  	s4 =	sld [smem:$0x3FFB];
	_ =	sdelay $0x3  }
0x93: {  	_ =	strace s4  }
0x94: {  	s4 =	sld [smem:$0x3FFC];
	_ =	sdelay $0x3  }
0x95: {  	_ =	strace s4  }
0x96: {  	s4 =	sld [smem:$0x3FFD];
	_ =	sdelay $0x3  }
0x97: {  	_ =	strace s4  }
0x98: {  	_ =	strace $0x8FFFFFFF  }
0x99: {  	s19 =	sld [smem:$0x3FDB];
	_ =	sdelay $0x1  }
0x9a: {  	s5 =	simm.s32 $_scs_section_size  }
0x9b: {  	s6 =	simm.s32 $_size__tile_overlayer_lowered;
	s7 =	simm.s32 $_tile_overlayer_lowered  }
0x9c: {  	s22 =	simm.s32 $0x1BFF;
	s21 =	sshll.u32 s7, $0x1;
	s4 =	sadd.s32 s5, s19  }
0x9d: {  	s8 =	simm.s32 $0x0;
	s20 =	sshll.u32 s6, $0x1;
	s6 =	sadd.s32 s21, s4  }
0x9e: {  	[timem:s8], [sflag:s22] =	dma.local [hbm:s6], s20  }
0x9f: {  	_ =	swait.ge [sflag:s22], s20  }
0xa0: {  	s5 =	ssub.s32 $0x0, s20;
	[sflag:s22] =	ssyncset.done $0x0  }
0xa1: {  	[sflag:s22] =	ssyncadd.s32 s5;
	_ =	sdelay $0x1  }
0xa2: {  	s23 =	simm.s32 $0x1B8B  }
0xa3: {  	_ =	swait.ge [sflag:s23], $0x1  }
0xa4: {  	[sflag:s23] =	ssyncset.done $0x0  }
0xa5: {  	s25 =	simm.s32 $0x1B8E;
	s24 =	sld [smem:$0x3FFE];
	[sflag:s23] =	ssyncadd.s32 $0xFFFFFFFF  }
0xa6: {  	s26 =	simm.s32 $execute0_lowered;
	[smem:$0x3FD2] =	sst s25  }
0xa7: {  	s6 =	sshll.u32 s26, $0x1;
	_ =	strace $0x80000046;
	[dreg:$0x1] =	wrdreg $0xFFFFFFFF  }
0xa8: {  	s28 =	simm.s32 $_size_execute0_lowered;
	s4 =	sadd.s32 s4, s6;
	[dreg:$0x0] =	wrdreg $0x0  }
0xa9: {  	s6 =	sshll.u32 s28, $0x1;
	[dreg:$0x2] =	wrdreg s4  }
0xaa: {  	[dreg:$0x3] =	wrdreg s6  }
0xab: {  	[dreg:$0x4] =	wrdreg $0xC0  }
0xac: {  	_ =	task [dreg:s8], $0x5FFFF  }
0xad: {  	[dreg:$0x1] =	wrdreg $0xFFFFFFFF  }
0xae: {  	[dreg:$0x0] =	wrdreg $0x60  }
0xaf: {  	[dreg:$0x2] =	wrdreg s24  }
0xb0: {  	[dreg:$0x3] =	wrdreg s18  }
0xb1: {  	[dreg:$0x4] =	wrdreg s2  }
0xb2: {  	[dreg:$0x5] =	wrdreg $0x9  }
0xb3: {  	_ =	task.clear_ibuf [dreg:s8], $0x6FFFF;
	_ =	strace $0x90000046  }
0xb4: {  	s29 =	simm.s32 $0x9;
	_ =	strace $0x80000048  }
0xb5: {  	_ =	swait.ge [sflag:s29], $0x1  }
0xb6: {  	[sflag:s29] =	ssyncadd.s32 $0xFFFFFFFF  }
0xb7: {  	_ =	strace $0x90000048  }
0xb8: {  	_ =	sfence  }
0xb9: {  	s30 =	sld [smem:$0x0];
	_ =	sdelay $0x2  }
0xba: {  	s31 =	sshll.u32 s1, $0xD;
	s1 =	sshrl.u32 s1, $0x2  }
0xbb: {  	s3 =	sand.u32 $0x4000, s31;
	s1 =	sadd.s32 s1, s30  }
0xbc: {  	s0 =	sor.u32 s3, s0;
	s1 =	sshll.u32 s1, $0x11  }
0xbd: {  	s0 =	sor.u32 s1, s0  }
0xbe: {  	s0 =	sadd.s32 $0x8F2B, s0  }
0xbf: {  	[sflag:s0] =	ssyncadd.remote.s32 $0x1  }
0xc0: {  	_ =	sfence.sel $0xFFFF  }
0xc1: {  	[dreg:$0x0] =	wrdreg $0xFFFFFFFF;
	(pc) =	sbr.abs _section_cstart, $3  }
0xc2: {  	[dreg:$0x1] =	wrdreg $0xFFFFFFFF  }
0xc3: {  	_ =	task.clear_ibuf [dreg:s8], $0x2FFFF;
	_ =	strace $0x9FFFFFFF  }
0xc4: {  	(tm) =	ssettm $0x7FFFFFFF  }
0xc5: {  	_ =	shalt  }
tec
execute0_lowered:
.L_overlay_start_1:
0x0: {  	(tag) =	ssettag $0x1  }
0x1: {  	s0 =	srdreg.scid  }
0x2: {  	s2 =	stileid.u32;
	s1 =	rddreg [dreg:$0x0];
	s5 =	simm.s32 $0x0  }
0x3: {  	s15 =	simm.s32 $0x5;
	s12 =	simm.s32 $0x2800;
	s17 =	simm.s32 $0x3D00  }
0x4: {  	s18 =	simm.s32 $0x40;
	s23 =	simm.s32 $0x7200;
	s24 =	simm.s32 $0xB200  }
0x5: {  	s28 =	simm.s32 $0x1;
	s29 =	simm.s32 $0x15200;
	s30 =	simm.s32 $0x17200  }
0x6: {  	s0 =	sand.u32 $0x1, s0;
	s3 =	sshll.u32 s2, $0x1;
	s2 =	rddreg [dreg:$0x1]  }
0x7: {  	s31 =	simm.s32 $0x2;
	[smem:$0x7FF] =	sst s5;
	s3 =	sor.u32 s0, s3  }
0x8: {  	s7 =	sadd.s32 $0x2A000, s1;
	s0 =	ssub.s32 $0x2, s0;
	s4 =	smul.u32 $0x1500, s3  }
0x9: {  	s8 =	sadd.s32 $0x52000, s1;
	s9 =	sadd.s32 $0x84000, s1;
	s11 =	sshrl.u32 s0, $0x1  }
0xa: {  	_ =	strace $0x80000047;
	s0 =	ssub.s32 s0, s11;
	s6 =	sshrl.u32 s4, $0x3  }
0xb: {  	v1 =	vlaneseq.u32;
	v0 =	vimm.f32 $0.0e+00;
	vm0 =	vcmask $0x704;
	s3 =	smul.u32 $0x500, s3;
	s0 =	smax.u32 s0, $0x1;
	s10 =	sadd.s32 s6, s1  }
0xc: {  	vm1 =	vcmask $0xB08;
	vm2 =	vcmask $0xF0C;
	vm3 =	vcmask $0x1310;
	s6 =	sadd.s32 $0x2000, s1;
	[dreg:$0x7] =	wrdreg s0;
	s25 =	sadd.s32 $0x9E400, s10  }
0xd: {  	vm4 =	vcmask $0x1714;
	vm5 =	vcmask $0x1B18;
	vm6 =	vcmask $0x1F1C;
	s1 =	sadd.s32 s3, s1;
	s26 =	sadd.s32 $0xA3800, s10;
	[dreg:$0x4] =	wrdreg s25  }
0xe: {  	vm7 =	vcmask $0x2320;
	vm8 =	vcmask $0x2724;
	vm9 =	vcmask $0x2B28;
	s14 =	simm.s32 $0x0;
	s1 =	sadd.s32 $0x7A000, s1;
	[dreg:$0x5] =	wrdreg s26  }
0xf: {  	vm10 =	vcmask $0x2F2C;
	vm11 =	vcmask $0x3330;
	vm12 =	vcmask $0x3734;
	s0 =	simm.s32 $0x3;
	s3 =	simm.s32 $0x4;
	[dreg:$0x6] =	wrdreg s1  }
0x10: {  	vm13 =	vcmask $0x3B38;
	vm14 =	vcmask $0x3F3C;
	v1 =	vmul.u32 $0x80, v1;
	s25 =	simm.s32 $0xF200;
	s26 =	simm.s32 $0x13200;
	s1 =	simm.s32 $0x17280  }
.LBB2_1:
0x11: {  	s10 =	rddreg [dreg:$0x2];
	s11 =	simm.s32 $0x17300  }
0x12: {  	[tilespmem:s11], [sflag:$0x5] =	stream.linear.gather [hbm4b:s10+s5], $0x100, $0x38;
	[tilespmem:$0x17400] =	vst v63  }
0x13: {  	_ =	swait.ge [sflag:s15], $0x100  }
0x14: {  	[sflag:s15] =	ssyncset.done $0x0  }
0x15: {  	s21 =	rddreg [dreg:$0x4];
	[sflag:s15] =	ssyncadd.s32 $0xFFFFFF00  }
0x16: {  	[tilespmem:s12], [sflag:$0x5] =	stream.linear.gather [hbm4b:s21+s5], $0x1500, $0x38;
	[tilespmem:$0x17400] =	vst v63  }
0x17: {  	_ =	swait.ge [sflag:s15], $0x1500  }
0x18: {  	[sflag:s15] =	ssyncset.done $0x0  }
0x19: {  	s22 =	rddreg [dreg:$0x5];
	[sflag:s15] =	ssyncadd.s32 $0xFFFFEB00  }
0x1a: {  	[tilespmem:s17], [sflag:$0x5] =	stream.linear.gather [hbm4b:s22+s5], $0x1500, $0x38;
	[tilespmem:$0x17400] =	vst v63  }
0x1b: {  	_ =	swait.ge [sflag:s15], $0x1500  }
0x1c: {  	[sflag:s15] =	ssyncset.done $0x0  }
0x1d: {  	[sflag:s15] =	ssyncadd.s32 $0xFFFFEB00  }
0x1e: {  	v2 =	vld [tilespmem:$0x17300]  }
0x1f: {  	v3 =	vld [tilespmem:$0x17310]  }
0x20: {  	v4 =	vld [tilespmem:$0x17320]  }
0x21: {  	v5 =	vld [tilespmem:$0x17330]  }
0x22: {  	v6 =	vld [tilespmem:$0x17340]  }
0x23: {  	v7 =	vld [tilespmem:$0x17350]  }
0x24: {  	v8 =	vld [tilespmem:$0x17360]  }
0x25: {  	v9 =	vld [tilespmem:$0x17370]  }
0x26: {  	v10 =	vld [tilespmem:$0x17380]  }
0x27: {  	v11 =	vld [tilespmem:$0x17390]  }
0x28: {  	v12 =	vld [tilespmem:$0x173A0]  }
0x29: {  	v13 =	vld [tilespmem:$0x173B0]  }
0x2a: {  	v16 =	vld [tilespmem:$0x173E0]  }
0x2b: {  	v14 =	vld [tilespmem:$0x173C0]  }
0x2c: {  	v15 =	vld [tilespmem:$0x173D0]  }
0x2d: {  	s10 =	simm.s32 $0x40;
	s11 =	simm.s32 $0x0;
	v17 =	vld [tilespmem:$0x173F0]  }
.LBB2_2:
0x2e: {  	p0 =	sne.s32 s10, $0x9FC0;
	[tilespmem:s11+$0x0] =	vst v0;
	s11 =	smov.u32 s10;
	s10 =	sadd.s32 $0x40, s10  }
.Ltmp0:
0x2f: {  	(pc) =	sbr.rel @p0 .LBB2_2-.Ltmp0, $2  }
0x30: {  	_ =	sdelay $0x2  }
0x31: {  	s11 =	sshra.s32 s11, $0x2  }
0x32: {  	[tilespmem:s11+$0x0] =	vst v0;
	s10 =	simm.s32 $0x5200  }
0x33: {  	[tilespmem:s10], [sflag:$0x1] =	stream.indirect.gather [hbm4b:s2+s18], $0x80, s12, s18, $0xb8;
	[tilespmem:$0x17400] =	vst v63  }
0x34: {  	s20 =	simm.s32 $0x9200  }
0x35: {  	[tilespmem:s20], [sflag:$0x1] =	stream.indirect.gather [hbm4b:s6+s18], $0x80, s12, s18, $0xb8;
	[tilespmem:$0x17400] =	vst v63  }
0x36: {  	s21 =	simm.s32 $0xD200  }
0x37: {  	[tilespmem:s21], [sflag:$0x1] =	stream.indirect.gather [hbm4b:s7+s18], $0x80, s17, s18, $0xb8;
	[tilespmem:$0x17400] =	vst v63  }
0x38: {  	s22 =	simm.s32 $0x11200;
	s19 =	simm.s32 $0x0  }
0x39: {  	[tilespmem:s22], [sflag:$0x1] =	stream.indirect.gather [hbm4b:s8+s18], $0x80, s17, s18, $0xb8;
	[tilespmem:$0x17400] =	vst v63  }
.LBB2_4:
0x3a: {  	s21 =	sshll.u32 s19, $0x7  }
0x3b: {  	s10 =	sadd.s32 $0x2840, s21  }
0x3c: {  	[tilespmem:s23], [sflag:$0x2] =	stream.indirect.gather [hbm4b:s2+s18], $0x80, s10, s18, $0xb8;
	[tilespmem:$0x17400] =	vst v63  }
0x3d: {  	_ = 	snop  }
0x3e: {  	[tilespmem:s24], [sflag:$0x2] =	stream.indirect.gather [hbm4b:s6+s18], $0x80, s10, s18, $0xb8;
	[tilespmem:$0x17400] =	vst v63  }
0x3f: {  	s22 =	sadd.s32 $0x3D40, s21  }
0x40: {  	[tilespmem:s25], [sflag:$0x2] =	stream.indirect.gather [hbm4b:s7+s18], $0x80, s22, s18, $0xb8;
	[tilespmem:$0x17400] =	vst v63  }
0x41: {  	_ = 	snop  }
0x42: {  	[tilespmem:s26], [sflag:$0x2] =	stream.indirect.gather [hbm4b:s8+s18], $0x80, s22, s18, $0xb8;
	[tilespmem:$0x17400] =	vst v63  }
0x43: {  	_ =	swait.ge [sflag:s28], $0x2000  }
0x44: {  	[sflag:s28] =	ssyncset.done $0x0  }
0x45: {  	[sflag:s28] =	ssyncadd.s32 $0xFFFFE000  }
0x46: {  	_ =	swait.ge [sflag:s28], $0x2000  }
0x47: {  	[sflag:s28] =	ssyncset.done $0x0  }
0x48: {  	[sflag:s28] =	ssyncadd.s32 $0xFFFFE000  }
0x49: {  	_ =	swait.ge [sflag:s28], $0x2000  }
0x4a: {  	[sflag:s28] =	ssyncset.done $0x0  }
0x4b: {  	[sflag:s28] =	ssyncadd.s32 $0xFFFFE000  }
0x4c: {  	_ =	swait.ge [sflag:s28], $0x2000  }
0x4d: {  	p0 =	seq.s32 s19, $0x0;
	[sflag:s28] =	ssyncset.done $0x0  }
0x4e: {  	s10 =	simm.s32 @!p0 $0x3;
	[sflag:s28] =	ssyncadd.s32 $0xFFFFE000  }
0x4f: {  	_ =	swait.ge @!p0 [sflag:s10], $0x40  }
0x50: {  	[sflag:s10] =	ssyncset.done @!p0 $0x0  }
0x51: {  	s12 =	simm.s32 $0x5300;
	[sflag:s10] =	ssyncadd.s32 @!p0 $0xFFFFFFC0  }
0x52: {  	s22 =	simm.s32 $0xD300;
	v18 =	vld [tilespmem:s12+$0x80]  }
0x53: {  	v19 =	vld [tilespmem:s22+$0x80]  }
0x54: {  	v20 =	vld [tilespmem:s12+$0x90]  }
0x55: {  	v21 =	vld [tilespmem:s22+$0x90]  }
0x56: {  	v22 =	vld [tilespmem:s12+$0xA0]  }
0x57: {  	v23 =	vld [tilespmem:s22+$0xA0]  }
0x58: {  	v24 =	vld [tilespmem:s12+$0xB0]  }
0x59: {  	v25 =	vld [tilespmem:s22+$0xB0]  }
0x5a: {  	v26 =	vld [tilespmem:s12+$0xC0]  }
0x5b: {  	v27 =	vld [tilespmem:s22+$0xC0]  }
0x5c: {  	v28 =	vld [tilespmem:s12+$0xD0]  }
0x5d: {  	v29 =	vld [tilespmem:s22+$0xD0]  }
0x5e: {  	v30 =	vld [tilespmem:s12+$0xE0]  }
0x5f: {  	v31 =	vld [tilespmem:s22+$0xE0]  }
0x60: {  	v32 =	vld [tilespmem:s12+$0xF0]  }
0x61: {  	s10 =	simm.s32 $0x9300;
	v33 =	vld [tilespmem:s22+$0xF0]  }
0x62: {  	s11 =	simm.s32 $0x11300;
	v34 =	vld [tilespmem:s10+$0x80]  }
0x63: {  	v35 =	vld [tilespmem:s11+$0x80]  }
0x64: {  	v36 =	vld [tilespmem:s10+$0x90]  }
0x65: {  	v37 =	vld [tilespmem:s11+$0x90]  }
0x66: {  	v38 =	vld [tilespmem:s10+$0xA0]  }
0x67: {  	v39 =	vld [tilespmem:s10+$0xB0]  }
0x68: {  	v41 =	vld [tilespmem:s10+$0xC0]  }
0x69: {  	v42 =	vld [tilespmem:s10+$0xD0]  }
0x6a: {  	v43 =	vld [tilespmem:s10+$0xE0]  }
0x6b: {  	v46 =	vld [tilespmem:s12+$0x0]  }
0x6c: {  	v52 =	vld [tilespmem:s12+$0xFFFFFF00];
	v18 =	vadd.f32 v19, v18  }
0x6d: {  	v55 =	vld [tilespmem:s22+$0xFFFFFF90]  }
0x6e: {  	v56 =	vld [tilespmem:s12+$0x10];
	v20 =	vadd.f32 v21, v20;
	v40 =	vmul.f32 $2.000000030e-01, v18  }
0x6f: {  	v58 =	vld [tilespmem:s22+$0x10];
	v22 =	vadd.f32 v23, v22  }
0x70: {  	v59 =	vld [tilespmem:s12+$0xFFFFFF20];
	v24 =	vadd.f32 v25, v24;
	v60 =	vmul.f32 $2.000000030e-01, v20;
	v18 =	vmax.f32 v18, v40  }
0x71: {  	v48 =	vld [tilespmem:s22+$0x20];
	v26 =	vadd.f32 v27, v26;
	v28 =	vadd.f32 v29, v28;
	v18 =	vmul.f32 v18, v2  }
0x72: {  	v19 =	vld [tilespmem:s11+$0xA0];
	v30 =	vadd.f32 v31, v30;
	v61 =	vmul.f32 $2.000000030e-01, v22;
	v20 =	vmax.f32 v20, v60  }
0x73: {  	v21 =	vld [tilespmem:s11+$0xB0];
	v32 =	vadd.f32 v33, v32;
	v20 =	vmul.f32 v20, v3;
	v18 =	vadd.f32 $0.0e+00, v18  }
0x74: {  	v23 =	vld [tilespmem:s11+$0xC0];
	v34 =	vadd.f32 v35, v34;
	v62 =	vmul.f32 $2.000000030e-01, v24;
	v22 =	vmax.f32 v22, v61  }
0x75: {  	v25 =	vld [tilespmem:s11+$0xD0];
	v36 =	vadd.f32 v37, v36;
	v18 =	vadd.f32 v20, v18;
	v20 =	vmul.f32 v22, v4  }
0x76: {  	v27 =	vld [tilespmem:s11+$0xE0];
	v63 =	vmul.f32 $2.000000030e-01, v26;
	v44 =	vmul.f32 $2.000000030e-01, v28;
	v24 =	vmax.f32 v24, v62  }
0x77: {  	v29 =	vld [tilespmem:s11+$0xF0];
	v45 =	vmul.f32 $2.000000030e-01, v30;
	v18 =	vadd.f32 v20, v18;
	v20 =	vmul.f32 v24, v5  }
0x78: {  	v31 =	vld [tilespmem:s12+$0xFFFFFF80];
	v51 =	vmul.f32 $2.000000030e-01, v32;
	v53 =	vmul.f32 $2.000000030e-01, v34;
	v26 =	vmax.f32 v26, v63  }
0x79: {  	v37 =	vld [tilespmem:s22+$0xFFFFFF10];
	v54 =	vmul.f32 $2.000000030e-01, v36;
	v18 =	vadd.f32 v20, v18;
	v20 =	vmul.f32 v26, v6  }
0x7a: {  	v28 =	vmax.f32 v28, v44;
	v30 =	vmax.f32 v30, v45;
	v32 =	vmax.f32 v32, v51;
	v61 =	vld [tilespmem:s22+$0xFFFFFF20]  }
0x7b: {  	v34 =	vmax.f32 v34, v53;
	v63 =	vld [tilespmem:s22+$0xFFFFFFA0];
	v18 =	vadd.f32 v20, v18;
	v20 =	vmul.f32 v28, v7  }
0x7c: {  	v36 =	vmax.f32 v36, v54;
	v53 =	vld [tilespmem:s12+$0xFFFFFF40];
	v19 =	vadd.f32 v19, v38;
	v21 =	vadd.f32 v21, v39  }
0x7d: {  	v23 =	vadd.f32 v23, v41;
	v22 =	vld [tilespmem:s10+$0xF0];
	v18 =	vadd.f32 v20, v18;
	v20 =	vmul.f32 v30, v8  }
0x7e: {  	v25 =	vadd.f32 v25, v42;
	v27 =	vadd.f32 v27, v43;
	v57 =	vmul.f32 $2.000000030e-01, v19;
	v24 =	vld [tilespmem:s22+$0xFFFFFF00]  }
0x7f: {  	v54 =	vld [tilespmem:s22+$0xFFFFFF40];
	v60 =	vmul.f32 $2.000000030e-01, v21;
	v18 =	vadd.f32 v20, v18;
	v20 =	vmul.f32 v32, v9  }
0x80: {  	v40 =	vld [tilespmem:s11+$0x10];
	v62 =	vmul.f32 $2.000000030e-01, v23;
	v47 =	vmul.f32 $2.000000030e-01, v25  }
0x81: {  	v49 =	vmul.f32 $2.000000030e-01, v27;
	v26 =	vld [tilespmem:s22+$0xFFFFFF80];
	v18 =	vadd.f32 v20, v18;
	v20 =	vmul.f32 v34, v10  }
0x82: {  	v19 =	vmax.f32 v19, v57;
	v21 =	vmax.f32 v21, v60;
	v57 =	vld [tilespmem:s22+$0x40];
	v22 =	vadd.f32 v29, v22  }
0x83: {  	v60 =	vld [tilespmem:s22+$0xFFFFFF50];
	v24 =	vadd.f32 v24, v52;
	v18 =	vadd.f32 v20, v18;
	v20 =	vmul.f32 v36, v11  }
0x84: {  	v23 =	vmax.f32 v23, v62;
	v25 =	vmax.f32 v25, v47;
	v50 =	vmul.f32 $2.000000030e-01, v22;
	v30 =	vld [tilespmem:s12+$0xFFFFFF10]  }
0x85: {  	v62 =	vld [tilespmem:s12+$0xFFFFFFD0];
	v19 =	vmul.f32 v19, v12;
	v44 =	vmul.f32 $2.000000030e-01, v24;
	v18 =	vadd.f32 v20, v18  }
0x86: {  	v27 =	vmax.f32 v27, v49;
	v26 =	vadd.f32 v26, v31;
	v22 =	vmax.f32 v22, v50;
	v32 =	vld [tilespmem:s12+$0xFFFFFF90]  }
0x87: {  	v24 =	vmax.f32 v24, v44;
	v20 =	vld [tilespmem:s12+$0xFFFFFFA0];
	v18 =	vadd.f32 v19, v18;
	v19 =	vmul.f32 v21, v13  }
0x88: {  	v28 =	vld [tilespmem:s22+$0x0];
	v51 =	vmul.f32 $2.000000030e-01, v26;
	v24 =	vmul.f32 v24, v2;
	v34 =	vadd.f32 v58, v56  }
0x89: {  	v30 =	vadd.f32 v37, v30;
	v21 =	vld [tilespmem:s12+$0x20];
	v18 =	vadd.f32 v19, v18;
	v19 =	vmul.f32 v23, v14  }
0x8a: {  	v29 =	vld [tilespmem:s22+$0xFFFFFF30];
	v26 =	vmax.f32 v26, v51;
	v24 =	vadd.f32 $0.0e+00, v24;
	v36 =	vadd.f32 v61, v59  }
0x8b: {  	v58 =	vmul.f32 $2.000000030e-01, v34;
	v23 =	vld [tilespmem:s12+$0xFFFFFF30];
	v18 =	vadd.f32 v19, v18;
	v19 =	vmul.f32 v25, v15  }
0x8c: {  	v31 =	vld [tilespmem:s22+$0xFFFFFFB0];
	v32 =	vadd.f32 v55, v32;
	v61 =	vmul.f32 $2.000000030e-01, v36;
	v20 =	vadd.f32 v63, v20  }
0x8d: {  	v25 =	vld [tilespmem:s12+$0xFFFFFFB0];
	v18 =	vadd.f32 v19, v18;
	v19 =	vmul.f32 v27, v16;
	v27 =	vadd.f32 v28, v46  }
0x8e: {  	v47 =	vld [tilespmem:s12+$0xFFFFFF60];
	v34 =	vmax.f32 v34, v58;
	v45 =	vmul.f32 $2.000000030e-01, v20;
	v21 =	vadd.f32 v48, v21  }
0x8f: {  	v52 =	vld [tilespmem:s22+$0x30];
	v18 =	vadd.f32 v19, v18;
	v19 =	vmul.f32 v22, v17;
	v22 =	vmul.f32 $2.000000030e-01, v27  }
0x90: {  	v36 =	vmax.f32 v36, v61;
	v28 =	vld [tilespmem:s12+$0x30];
	v23 =	vadd.f32 v29, v23;
	v20 =	vmax.f32 v20, v45  }
0x91: {  	v50 =	vld [tilespmem:s12+$0x60];
	v29 =	vmul.f32 $2.000000030e-01, v21;
	v22 =	vmax.f32 v27, v22;
	v27 =	vmul.f32 $2.000000030e-01, v30  }
0x92: {  	v44 =	vld [tilespmem:s10+$0xFFFFFF20];
	v25 =	vadd.f32 v31, v25;
	v31 =	vmul.f32 $2.000000030e-01, v23;
	v18 =	vadd.f32 v19, v18  }
0x93: {  	v56 =	vld [tilespmem:s12+$0x40];
	v19 =	vmul.f32 v26, v2;
	v27 =	vmax.f32 v30, v27;
	v30 =	vmul.f32 $2.000000030e-01, v32  }
0x94: {  	v55 =	vld [tilespmem:s22+$0xFFFFFFC0];
	v21 =	vmax.f32 v21, v29;
	v22 =	vmul.f32 v22, v2;
	v27 =	vmul.f32 v27, v3  }
0x95: {  	v48 =	vld [tilespmem:s22+$0xFFFFFFE0];
	v28 =	vadd.f32 v52, v28;
	v23 =	vmax.f32 v23, v31;
	v30 =	vmax.f32 v32, v30  }
0x96: {  	v29 =	vld [tilespmem:s12+$0xFFFFFFE0];
	v19 =	vadd.f32 $0.0e+00, v19;
	v24 =	vadd.f32 v27, v24;
	v27 =	vmul.f32 v30, v3  }
0x97: {  	v26 =	vld [tilespmem:s12+$0xFFFFFFC0];
	v31 =	vadd.f32 v54, v53;
	v22 =	vadd.f32 $0.0e+00, v22;
	v30 =	vmul.f32 v34, v3  }
0x98: {  	v46 =	vld [tilespmem:s12+$0x50];
	v20 =	vmul.f32 v20, v4;
	v52 =	vadd.f32 v57, v56;
	v19 =	vadd.f32 v27, v19  }
0x99: {  	v49 =	vmul.f32 $2.000000030e-01, v28;
	v27 =	vmul.f32 v36, v4;
	v22 =	vadd.f32 v30, v22;
	v30 =	vld [tilespmem:s22+$0x50]  }
0x9a: {  	v51 =	vld [tilespmem:s12+$0xFFFFFF70];
	v19 =	vadd.f32 v20, v19;
	v20 =	vmul.f32 v21, v4;
	v21 =	vmul.f32 $2.000000030e-01, v25  }
0x9b: {  	v59 =	vld [tilespmem:s12+$0xFFFFFF50];
	v29 =	vadd.f32 v48, v29;
	v28 =	vmax.f32 v28, v49;
	v24 =	vadd.f32 v27, v24  }
0x9c: {  	v58 =	vld [tilespmem:s11+$0xFFFFFF00];
	v21 =	vmax.f32 v25, v21;
	v25 =	vadd.f32 v55, v26;
	v26 =	vmul.f32 $2.000000030e-01, v31  }
0x9d: {  	v63 =	vld [tilespmem:s22+$0xFFFFFFD0];
	v20 =	vadd.f32 v20, v22;
	v22 =	vmul.f32 v23, v5;
	v21 =	vmul.f32 v21, v5  }
0x9e: {  	v61 =	vld [tilespmem:s10+$0x0];
	v30 =	vadd.f32 v30, v46;
	v26 =	vmax.f32 v31, v26;
	v31 =	vmul.f32 $2.000000030e-01, v25  }
0x9f: {  	v27 =	vld [tilespmem:s22+$0xFFFFFF60];
	v22 =	vadd.f32 v22, v24;
	v19 =	vadd.f32 v21, v19;
	v21 =	vmul.f32 v26, v6  }
0xa0: {  	v45 =	vld [tilespmem:s10+$0xFFFFFFA0];
	v26 =	vadd.f32 v60, v59;
	v25 =	vmax.f32 v25, v31;
	v31 =	vmul.f32 $2.000000030e-01, v52  }
0xa1: {  	v57 =	vld [tilespmem:s10+$0xFFFFFF00];
	v24 =	vmul.f32 v28, v5;
	v21 =	vadd.f32 v21, v22;
	v22 =	vmul.f32 v25, v6  }
0xa2: {  	v53 =	vld [tilespmem:s12+$0xFFFFFFF0];
	v25 =	vadd.f32 v63, v62;
	v56 =	vmul.f32 $2.000000030e-01, v26;
	v31 =	vmax.f32 v52, v31  }
0xa3: {  	v23 =	vld [tilespmem:s22+$0x60];
	v20 =	vadd.f32 v24, v20;
	v19 =	vadd.f32 v22, v19;
	v22 =	vmul.f32 v31, v6  }
0xa4: {  	v54 =	vld [tilespmem:s12+$0x70];
	v27 =	vadd.f32 v27, v47;
	v31 =	vmul.f32 $2.000000030e-01, v25;
	v26 =	vmax.f32 v26, v56  }
0xa5: {  	v28 =	vld [tilespmem:s22+$0xFFFFFF70];
	v59 =	vmul.f32 $2.000000030e-01, v30;
	v20 =	vadd.f32 v22, v20;
	v22 =	vmul.f32 v26, v7  }
0xa6: {  	v42 =	vadd.f32 v58, v57;
	v24 =	vld [tilespmem:s22+$0xFFFFFFF0];
	v25 =	vmax.f32 v25, v31;
	v31 =	vmul.f32 $2.000000030e-01, v27  }
0xa7: {  	v55 =	vld [tilespmem:s22+$0x70];
	v30 =	vmax.f32 v30, v59;
	v21 =	vadd.f32 v22, v21;
	v22 =	vmul.f32 v25, v7  }
0xa8: {  	v60 =	vld [tilespmem:s10+$0xFFFFFF80];
	v23 =	vadd.f32 v23, v50;
	v27 =	vmax.f32 v27, v31;
	v31 =	vmul.f32 $2.000000030e-01, v29  }
0xa9: {  	v26 =	vld [tilespmem:s11+$0xFFFFFF80];
	v25 =	vmul.f32 v30, v7;
	v19 =	vadd.f32 v22, v19;
	v22 =	vmul.f32 v27, v8  }
0xaa: {  	v48 =	vld [tilespmem:s10+$0xFFFFFF30];
	v27 =	vadd.f32 v28, v51;
	v28 =	vmax.f32 v29, v31;
	v29 =	vmul.f32 $2.000000030e-01, v23  }
0xab: {  	v49 =	vld [tilespmem:s10+$0xFFFFFFB0];
	v24 =	vadd.f32 v24, v53;
	v21 =	vadd.f32 v22, v21;
	v22 =	vmul.f32 v28, v8  }
0xac: {  	v62 =	vld [tilespmem:s10+$0xFFFFFF10];
	v20 =	vadd.f32 v25, v20;
	v33 =	vmul.f32 $2.000000030e-01, v27;
	v23 =	vmax.f32 v23, v29  }
0xad: {  	v30 =	vld [tilespmem:s11+$0x0];
	v29 =	vadd.f32 v55, v54;
	v19 =	vadd.f32 v22, v19;
	v22 =	vmul.f32 v23, v8  }
0xae: {  	v25 =	vld [tilespmem:s11+$0xFFFFFF10];
	v26 =	vadd.f32 v26, v60;
	v23 =	vmul.f32 $2.000000030e-01, v24;
	v27 =	vmax.f32 v27, v33  }
0xaf: {  	v31 =	vld [tilespmem:s10+$0xFFFFFF90];
	v43 =	vmul.f32 $2.000000030e-01, v29;
	v20 =	vadd.f32 v22, v20;
	v22 =	vmul.f32 v27, v9  }
0xb0: {  	v28 =	vld [tilespmem:s11+$0xFFFFFF90];
	v46 =	vmul.f32 $2.000000030e-01, v26;
	v23 =	vmax.f32 v24, v23;
	v27 =	vmul.f32 $2.000000030e-01, v42  }
0xb1: {  	v50 =	vld [tilespmem:s11+$0xFFFFFFB0];
	v29 =	vmax.f32 v29, v43;
	v21 =	vadd.f32 v22, v21;
	v22 =	vmul.f32 v23, v9  }
0xb2: {  	v63 =	vld [tilespmem:s10+$0x10];
	v30 =	vadd.f32 v30, v61;
	v23 =	vmul.f32 v29, v9;
	v27 =	vmax.f32 v42, v27  }
0xb3: {  	v25 =	vadd.f32 v25, v62;
	v24 =	vld [tilespmem:s11+$0xFFFFFF20];
	v19 =	vadd.f32 v22, v19;
	v22 =	vmul.f32 v27, v10  }
0xb4: {  	v47 =	vld [tilespmem:s10+$0x20];
	v20 =	vadd.f32 v23, v20;
	v23 =	vmax.f32 v26, v46;
	v26 =	vmul.f32 $2.000000030e-01, v30  }
0xb5: {  	v28 =	vadd.f32 v28, v31;
	v29 =	vld [tilespmem:s11+$0xFFFFFFA0];
	v21 =	vadd.f32 v22, v21;
	v22 =	vmul.f32 $2.000000030e-01, v25  }
0xb6: {  	v52 =	vld [tilespmem:s10+$0x30];
	v32 =	vadd.f32 v50, v49;
	v23 =	vmul.f32 v23, v10;
	v26 =	vmax.f32 v30, v26  }
0xb7: {  	v27 =	vld [tilespmem:s11+$0x20];
	v30 =	vadd.f32 v40, v63;
	v22 =	vmax.f32 v25, v22;
	v25 =	vmul.f32 $2.000000030e-01, v28  }
0xb8: {  	v31 =	vld [tilespmem:s11+$0xFFFFFF30];
	v24 =	vadd.f32 v24, v44;
	v26 =	vmul.f32 v26, v10;
	v22 =	vmul.f32 v22, v11  }
0xb9: {  	v19 =	vadd.f32 v23, v19;
	v51 =	vmul.f32 $2.000000030e-01, v30;
	v23 =	vmax.f32 v28, v25;
	v25 =	vld [tilespmem:s11+$0x30]  }
0xba: {  	v29 =	vadd.f32 v29, v45;
	v28 =	vld [tilespmem:s10+$0xFFFFFF40];
	v21 =	vadd.f32 v22, v21;
	v22 =	vmul.f32 $2.000000030e-01, v24  }
0xbb: {  	v20 =	vadd.f32 v26, v20;
	v26 =	vmax.f32 v30, v51;
	v30 =	vld [tilespmem:s11+$0xFFFFFF40];
	v23 =	vmul.f32 v23, v11  }
0xbc: {  	v56 =	vld [tilespmem:s11+$0xFFFFFF50];
	v26 =	vmul.f32 v26, v11;
	v22 =	vmax.f32 v24, v22;
	v24 =	vadd.f32 v27, v47  }
0xbd: {  	v53 =	vld [tilespmem:s11+$0xFFFFFFC0];
	v27 =	vadd.f32 v31, v48;
	v19 =	vadd.f32 v23, v19;
	v23 =	vmul.f32 $2.000000030e-01, v29  }
0xbe: {  	v31 =	vld [tilespmem:s10+$0xFFFFFFC0];
	v20 =	vadd.f32 v26, v20;
	v22 =	vmul.f32 v22, v12;
	v35 =	vmul.f32 $2.000000030e-01, v24  }
0xbf: {  	v55 =	vld [tilespmem:s10+$0x40];
	v54 =	vmul.f32 $2.000000030e-01, v27;
	v23 =	vmax.f32 v29, v23;
	v25 =	vadd.f32 v25, v52  }
0xc0: {  	v29 =	vld [tilespmem:s10+$0xFFFFFF50];
	v28 =	vadd.f32 v30, v28;
	v21 =	vadd.f32 v22, v21;
	v23 =	vmul.f32 v23, v12  }
0xc1: {  	v22 =	vld [tilespmem:s11+$0x40];
	v24 =	vmax.f32 v24, v35;
	v26 =	vmax.f32 v27, v54;
	v27 =	vmul.f32 $2.000000030e-01, v32  }
0xc2: {  	v57 =	vld [tilespmem:s11+$0xFFFFFFD0];
	v24 =	vmul.f32 v24, v12;
	v26 =	vmul.f32 v26, v13;
	v19 =	vadd.f32 v23, v19  }
0xc3: {  	v30 =	vld [tilespmem:s10+$0xFFFFFFD0];
	v23 =	vmul.f32 $2.000000030e-01, v25;
	v31 =	vadd.f32 v53, v31;
	v27 =	vmax.f32 v32, v27  }
0xc4: {  	v20 =	vadd.f32 v24, v20;
	v21 =	vadd.f32 v26, v21;
	v24 =	vmul.f32 $2.000000030e-01, v28;
	v26 =	vld [tilespmem:s10+$0x50]  }
0xc5: {  	v27 =	vmul.f32 v27, v13;
	v23 =	vmax.f32 v25, v23;
	v25 =	vld [tilespmem:s11+$0x50];
	v29 =	vadd.f32 v56, v29  }
0xc6: {  	v58 =	vld [tilespmem:s11+$0xFFFFFF60];
	v23 =	vmul.f32 v23, v13;
	v22 =	vadd.f32 v22, v55;
	v24 =	vmax.f32 v28, v24  }
0xc7: {  	v19 =	vadd.f32 v27, v19;
	v27 =	vld [tilespmem:s10+$0xFFFFFF60];
	v28 =	vmul.f32 $2.000000030e-01, v31;
	v24 =	vmul.f32 v24, v14  }
0xc8: {  	v59 =	vadd.f32 v23, v20;
	v20 =	vmul.f32 $2.000000030e-01, v22;
	v23 =	vadd.f32 v57, v30;
	v30 =	vld [tilespmem:s10+$0xFFFFFFE0]  }
0xc9: {  	v28 =	vmax.f32 v31, v28;
	v31 =	vld [tilespmem:s11+$0xFFFFFFE0];
	v21 =	vadd.f32 v24, v21;
	v24 =	vmul.f32 $2.000000030e-01, v29  }
0xca: {  	v60 =	vld [tilespmem:s10+$0x60];
	v20 =	vmax.f32 v22, v20;
	v22 =	vmul.f32 $2.000000030e-01, v23;
	v25 =	vadd.f32 v25, v26  }
0xcb: {  	v26 =	vmul.f32 v28, v14;
	v28 =	vmul.f32 v20, v14;
	v24 =	vmax.f32 v29, v24;
	v29 =	vld [tilespmem:s11+$0x60]  }
0xcc: {  	v20 =	vld [tilespmem:s10+$0xFFFFFF70];
	v27 =	vadd.f32 v58, v27;
	v22 =	vmax.f32 v23, v22;
	v61 =	vmul.f32 $2.000000030e-01, v25  }
0xcd: {  	v19 =	vadd.f32 v26, v19;
	v23 =	vld [tilespmem:s11+$0xFFFFFF70];
	v24 =	vmul.f32 v24, v15;
	v62 =	vmul.f32 v22, v15  }
0xce: {  	v22 =	vld [tilespmem:s10+$0xFFFFFFF0];
	v26 =	vadd.f32 v31, v30;
	v30 =	vmul.f32 $2.000000030e-01, v27;
	v31 =	vmax.f32 v25, v61  }
0xcf: {  	v28 =	vadd.f32 v28, v59;
	v25 =	vld [tilespmem:s11+$0xFFFFFFF0];
	v21 =	vadd.f32 v24, v21;
	v31 =	vmul.f32 v31, v15  }
0xd0: {  	s12 =	simm.s32 $0x15300;
	v24 =	vld [tilespmem:s10+$0x70];
	v63 =	vmax.f32 v27, v30;
	v30 =	vmul.f32 $2.000000030e-01, v26;
	v27 =	vadd.f32 v29, v60  }
0xd1: {  	s13 =	simm.s32 $0x0;
	s16 =	simm.s32 $0x5500;
	s20 =	sor.u32 $0x40, s21;
	[tilespmem:s12+$0x80] =	vst v18;
	v19 =	vadd.f32 v62, v19;
	v29 =	vmul.f32 v63, v16;
	v18 =	vadd.f32 v31, v28;
	v28 =	vld [tilespmem:s11+$0x70]  }
.LBB2_5:
0xd2: {  	v31 =	vld [tilespmem:s16+$0x80];
	v20 =	vadd.f32 v23, v20;
	v23 =	vmax.f32 v26, v30;
	v26 =	vmul.f32 $2.000000030e-01, v27;
	s22 =	sadd.s32 $0x200, s22  }
0xd3: {  	s13 =	sadd.s32 $0x4, s13;
	v30 =	vld [tilespmem:s22+$0x80];
	v21 =	vadd.f32 v29, v21;
	v23 =	vmul.f32 v23, v16  }
0xd4: {  	p1 =	slt.u32 s13, $0x3C;
	v29 =	vld [tilespmem:s16+$0x90];
	v32 =	vmul.f32 $2.000000030e-01, v20;
	v22 =	vadd.f32 v25, v22;
	v25 =	vmax.f32 v27, v26  }
0xd5: {  	v26 =	vld [tilespmem:s22+$0x90];
	v19 =	vadd.f32 v23, v19;
	v23 =	vmul.f32 v25, v16  }
0xd6: {  	v25 =	vld [tilespmem:s16+$0xA0];
	v20 =	vmax.f32 v20, v32;
	v27 =	vmul.f32 $2.000000030e-01, v22;
	v24 =	vadd.f32 v28, v24  }
0xd7: {  	v28 =	vld [tilespmem:s22+$0xA0];
	v20 =	vmul.f32 v20, v17;
	v18 =	vadd.f32 v23, v18  }
0xd8: {  	v23 =	vadd.f32 v30, v31;
	v30 =	vld [tilespmem:s16+$0xB0];
	v22 =	vmax.f32 v22, v27;
	v27 =	vmul.f32 $2.000000030e-01, v24  }
0xd9: {  	v31 =	vld [tilespmem:s22+$0xB0];
	v20 =	vadd.f32 v20, v21;
	v21 =	vmul.f32 v22, v17  }
0xda: {  	v22 =	vmul.f32 $2.000000030e-01, v23;
	v26 =	vadd.f32 v26, v29;
	v29 =	vld [tilespmem:s16+$0xC0];
	v24 =	vmax.f32 v24, v27  }
0xdb: {  	v27 =	vld [tilespmem:s22+$0xC0];
	[tilespmem:s12+$0xFFFFFF00] =	vst v20;
	v19 =	vadd.f32 v21, v19;
	v20 =	vmul.f32 v24, v17  }
0xdc: {  	v21 =	vmax.f32 v23, v22;
	v22 =	vmul.f32 $2.000000030e-01, v26;
	v23 =	vadd.f32 v28, v25;
	v24 =	vld [tilespmem:s16+$0xD0]  }
0xdd: {  	v21 =	vmul.f32 v21, v2;
	v25 =	vld [tilespmem:s22+$0xD0];
	[tilespmem:s12+$0xFFFFFF80] =	vst v19;
	v18 =	vadd.f32 v20, v18  }
0xde: {  	v19 =	vmax.f32 v26, v22;
	v20 =	vmul.f32 $2.000000030e-01, v23;
	v22 =	vadd.f32 v31, v30;
	v26 =	vld [tilespmem:s16+$0xE0]  }
0xdf: {  	v21 =	vadd.f32 $0.0e+00, v21;
	v19 =	vmul.f32 v19, v3;
	v28 =	vld [tilespmem:s22+$0xE0];
	[tilespmem:s12+$0x0] =	vst v18  }
0xe0: {  	v18 =	vmax.f32 v23, v20;
	v20 =	vmul.f32 $2.000000030e-01, v22;
	v23 =	vadd.f32 v27, v29;
	v27 =	vld [tilespmem:s16+$0xF0]  }
0xe1: {  	s10 =	sadd.s32 $0x200, s10;
	v19 =	vadd.f32 v19, v21;
	v18 =	vmul.f32 v18, v4;
	v21 =	vld [tilespmem:s22+$0xF0]  }
0xe2: {  	s11 =	sadd.s32 $0x200, s11;
	v20 =	vmax.f32 v22, v20;
	v22 =	vmul.f32 $2.000000030e-01, v23;
	v24 =	vadd.f32 v25, v24;
	v25 =	vld [tilespmem:s10+$0x80]  }
0xe3: {  	v18 =	vadd.f32 v18, v19;
	v19 =	vmul.f32 v20, v5;
	v20 =	vld [tilespmem:s11+$0x80]  }
0xe4: {  	v22 =	vmax.f32 v23, v22;
	v23 =	vmul.f32 $2.000000030e-01, v24;
	v26 =	vadd.f32 v28, v26;
	v28 =	vld [tilespmem:s10+$0x90]  }
0xe5: {  	v18 =	vadd.f32 v19, v18;
	v19 =	vmul.f32 v22, v6;
	v22 =	vld [tilespmem:s11+$0x90]  }
0xe6: {  	v23 =	vmax.f32 v24, v23;
	v24 =	vmul.f32 $2.000000030e-01, v26;
	v21 =	vadd.f32 v21, v27;
	v27 =	vld [tilespmem:s10+$0xA0]  }
0xe7: {  	v18 =	vadd.f32 v19, v18;
	v19 =	vmul.f32 v23, v7;
	v23 =	vld [tilespmem:s11+$0xA0]  }
0xe8: {  	v24 =	vmax.f32 v26, v24;
	v26 =	vmul.f32 $2.000000030e-01, v21;
	v20 =	vadd.f32 v20, v25;
	v25 =	vld [tilespmem:s10+$0xB0]  }
0xe9: {  	v18 =	vadd.f32 v19, v18;
	v19 =	vmul.f32 v24, v8;
	v24 =	vld [tilespmem:s11+$0xB0]  }
0xea: {  	v21 =	vmax.f32 v21, v26;
	v26 =	vmul.f32 $2.000000030e-01, v20;
	v22 =	vadd.f32 v22, v28;
	v28 =	vld [tilespmem:s10+$0xC0]  }
0xeb: {  	v18 =	vadd.f32 v19, v18;
	v19 =	vmul.f32 v21, v9;
	v21 =	vld [tilespmem:s11+$0xC0]  }
0xec: {  	v20 =	vmax.f32 v20, v26;
	v26 =	vmul.f32 $2.000000030e-01, v22;
	v23 =	vadd.f32 v23, v27;
	v27 =	vld [tilespmem:s10+$0xD0]  }
0xed: {  	v18 =	vadd.f32 v19, v18;
	v19 =	vmul.f32 v20, v10;
	v20 =	vld [tilespmem:s11+$0xD0]  }
0xee: {  	v22 =	vmax.f32 v22, v26;
	v26 =	vmul.f32 $2.000000030e-01, v23;
	v24 =	vadd.f32 v24, v25;
	v25 =	vld [tilespmem:s10+$0xE0]  }
0xef: {  	v18 =	vadd.f32 v19, v18;
	v19 =	vmul.f32 v22, v11;
	v22 =	vld [tilespmem:s11+$0xE0]  }
0xf0: {  	v23 =	vmax.f32 v23, v26;
	v26 =	vmul.f32 $2.000000030e-01, v24;
	v21 =	vadd.f32 v21, v28;
	v28 =	vld [tilespmem:s10+$0xF0]  }
0xf1: {  	v18 =	vadd.f32 v19, v18;
	v19 =	vmul.f32 v23, v12;
	v23 =	vld [tilespmem:s11+$0xF0]  }
0xf2: {  	v29 =	vld [tilespmem:s22+$0xFFFFFF00];
	v24 =	vmax.f32 v24, v26;
	v26 =	vmul.f32 $2.000000030e-01, v21;
	v20 =	vadd.f32 v20, v27  }
0xf3: {  	v27 =	vld [tilespmem:s16+$0xFFFFFF80];
	v18 =	vadd.f32 v19, v18;
	v19 =	vmul.f32 v24, v13  }
0xf4: {  	v24 =	vld [tilespmem:s22+$0xFFFFFF80];
	v21 =	vmax.f32 v21, v26;
	v26 =	vmul.f32 $2.000000030e-01, v20;
	v22 =	vadd.f32 v22, v25  }
0xf5: {  	v25 =	vld [tilespmem:s16+$0x0];
	v18 =	vadd.f32 v19, v18;
	v19 =	vmul.f32 v21, v14  }
0xf6: {  	v21 =	vld [tilespmem:s22+$0x0];
	v20 =	vmax.f32 v20, v26;
	v26 =	vmul.f32 $2.000000030e-01, v22;
	v23 =	vadd.f32 v23, v28  }
0xf7: {  	v28 =	vld [tilespmem:s16+$0xFFFFFF00];
	v18 =	vadd.f32 v19, v18;
	v19 =	vmul.f32 v20, v15  }
0xf8: {  	v20 =	vld [tilespmem:s16+$0xFFFFFF10];
	v22 =	vmax.f32 v22, v26;
	v26 =	vmul.f32 $2.000000030e-01, v23  }
0xf9: {  	v30 =	vld [tilespmem:s22+$0xFFFFFF10];
	v24 =	vadd.f32 v24, v27;
	v18 =	vadd.f32 v19, v18;
	v19 =	vmul.f32 v22, v16  }
0xfa: {  	v22 =	vld [tilespmem:s16+$0xFFFFFF90];
	v23 =	vmax.f32 v23, v26  }
0xfb: {  	v26 =	vld [tilespmem:s22+$0xFFFFFF90];
	v21 =	vadd.f32 v21, v25;
	v18 =	vadd.f32 v19, v18;
	v19 =	vmul.f32 v23, v17  }
0xfc: {  	v25 =	vmul.f32 $2.000000030e-01, v24;
	v23 =	vadd.f32 v29, v28;
	v27 =	vld [tilespmem:s16+$0x10]  }
0xfd: {  	v28 =	vmul.f32 $2.000000030e-01, v21;
	v29 =	vld [tilespmem:s22+$0x10];
	v18 =	vadd.f32 v19, v18  }
0xfe: {  	s12 =	sadd.s32 $0x200, s12;
	v24 =	vmax.f32 v24, v25;
	v19 =	vmul.f32 $2.000000030e-01, v23;
	v20 =	vadd.f32 v30, v20;
	v30 =	vld [tilespmem:s16+$0xFFFFFF20]  }
0xff: {  	v24 =	vmul.f32 v24, v2;
	v25 =	vld [tilespmem:s22+$0xFFFFFF20];
	v21 =	vmax.f32 v21, v28;
	[tilespmem:s12+$0x80] =	vst v18  }
0x100: {  	v18 =	vmax.f32 v23, v19;
	v19 =	vmul.f32 $2.000000030e-01, v20;
	v22 =	vadd.f32 v26, v22;
	v23 =	vld [tilespmem:s16+$0xFFFFFFA0]  }
0x101: {  	v24 =	vadd.f32 $0.0e+00, v24;
	v21 =	vmul.f32 v21, v2;
	v18 =	vmul.f32 v18, v2;
	v26 =	vld [tilespmem:s22+$0xFFFFFFA0]  }
0x102: {  	v19 =	vmax.f32 v20, v19;
	v20 =	vmul.f32 $2.000000030e-01, v22;
	v27 =	vadd.f32 v29, v27;
	v28 =	vld [tilespmem:s16+$0x20]  }
0x103: {  	v21 =	vadd.f32 $0.0e+00, v21;
	v18 =	vadd.f32 $0.0e+00, v18;
	v19 =	vmul.f32 v19, v3;
	v29 =	vld [tilespmem:s22+$0x20]  }
0x104: {  	v25 =	vadd.f32 v25, v30;
	v30 =	vld [tilespmem:s16+$0xFFFFFF30];
	v20 =	vmax.f32 v22, v20;
	v22 =	vmul.f32 $2.000000030e-01, v27  }
0x105: {  	v18 =	vadd.f32 v19, v18;
	v19 =	vld [tilespmem:s22+$0xFFFFFF30];
	v20 =	vmul.f32 v20, v3  }
0x106: {  	v31 =	vmul.f32 $2.000000030e-01, v25;
	v23 =	vadd.f32 v26, v23;
	v26 =	vld [tilespmem:s16+$0xFFFFFFB0];
	v22 =	vmax.f32 v27, v22  }
0x107: {  	v20 =	vadd.f32 v20, v24;
	v24 =	vld [tilespmem:s22+$0xFFFFFFB0];
	v22 =	vmul.f32 v22, v3  }
0x108: {  	v25 =	vmax.f32 v25, v31;
	v27 =	vmul.f32 $2.000000030e-01, v23;
	v28 =	vadd.f32 v29, v28;
	v29 =	vld [tilespmem:s16+$0x30]  }
0x109: {  	v25 =	vmul.f32 v25, v4;
	v21 =	vadd.f32 v22, v21;
	v22 =	vld [tilespmem:s22+$0x30]  }
0x10a: {  	v19 =	vadd.f32 v19, v30;
	v30 =	vld [tilespmem:s16+$0xFFFFFF40];
	v23 =	vmax.f32 v23, v27;
	v27 =	vmul.f32 $2.000000030e-01, v28  }
0x10b: {  	v18 =	vadd.f32 v25, v18;
	v25 =	vld [tilespmem:s22+$0xFFFFFF40];
	v23 =	vmul.f32 v23, v4  }
0x10c: {  	v31 =	vmul.f32 $2.000000030e-01, v19;
	v24 =	vadd.f32 v24, v26;
	v26 =	vld [tilespmem:s16+$0xFFFFFFC0];
	v27 =	vmax.f32 v28, v27  }
0x10d: {  	v20 =	vadd.f32 v23, v20;
	v23 =	vld [tilespmem:s22+$0xFFFFFFC0];
	v27 =	vmul.f32 v27, v4  }
0x10e: {  	v19 =	vmax.f32 v19, v31;
	v28 =	vmul.f32 $2.000000030e-01, v24;
	v22 =	vadd.f32 v22, v29;
	v29 =	vld [tilespmem:s16+$0x40]  }
0x10f: {  	v19 =	vmul.f32 v19, v5;
	v21 =	vadd.f32 v27, v21;
	v27 =	vld [tilespmem:s22+$0x40]  }
0x110: {  	v25 =	vadd.f32 v25, v30;
	v30 =	vld [tilespmem:s16+$0xFFFFFF50];
	v24 =	vmax.f32 v24, v28;
	v28 =	vmul.f32 $2.000000030e-01, v22  }
0x111: {  	v18 =	vadd.f32 v19, v18;
	v19 =	vld [tilespmem:s22+$0xFFFFFF50];
	v24 =	vmul.f32 v24, v5  }
0x112: {  	v31 =	vmul.f32 $2.000000030e-01, v25;
	v23 =	vadd.f32 v23, v26;
	v26 =	vld [tilespmem:s16+$0xFFFFFFD0];
	v22 =	vmax.f32 v22, v28  }
0x113: {  	v20 =	vadd.f32 v24, v20;
	v24 =	vld [tilespmem:s22+$0xFFFFFFD0];
	v22 =	vmul.f32 v22, v5  }
0x114: {  	v25 =	vmax.f32 v25, v31;
	v28 =	vmul.f32 $2.000000030e-01, v23;
	v27 =	vadd.f32 v27, v29;
	v29 =	vld [tilespmem:s16+$0x50]  }
0x115: {  	v25 =	vmul.f32 v25, v6;
	v21 =	vadd.f32 v22, v21;
	v22 =	vld [tilespmem:s22+$0x50]  }
0x116: {  	v19 =	vadd.f32 v19, v30;
	v30 =	vld [tilespmem:s16+$0xFFFFFF60];
	v23 =	vmax.f32 v23, v28;
	v28 =	vmul.f32 $2.000000030e-01, v27  }
0x117: {  	v18 =	vadd.f32 v25, v18;
	v25 =	vld [tilespmem:s22+$0xFFFFFF60];
	v23 =	vmul.f32 v23, v6  }
0x118: {  	v31 =	vmul.f32 $2.000000030e-01, v19;
	v24 =	vadd.f32 v24, v26;
	v26 =	vld [tilespmem:s16+$0xFFFFFFE0];
	v27 =	vmax.f32 v27, v28  }
0x119: {  	v20 =	vadd.f32 v23, v20;
	v23 =	vld [tilespmem:s22+$0xFFFFFFE0];
	v27 =	vmul.f32 v27, v6  }
0x11a: {  	v19 =	vmax.f32 v19, v31;
	v28 =	vmul.f32 $2.000000030e-01, v24;
	v22 =	vadd.f32 v22, v29;
	v29 =	vld [tilespmem:s16+$0x60]  }
0x11b: {  	v19 =	vmul.f32 v19, v7;
	v21 =	vadd.f32 v27, v21;
	v27 =	vld [tilespmem:s22+$0x60]  }
0x11c: {  	v25 =	vadd.f32 v25, v30;
	v30 =	vld [tilespmem:s16+$0xFFFFFF70];
	v24 =	vmax.f32 v24, v28;
	v28 =	vmul.f32 $2.000000030e-01, v22  }
0x11d: {  	v18 =	vadd.f32 v19, v18;
	v19 =	vld [tilespmem:s22+$0xFFFFFF70];
	v24 =	vmul.f32 v24, v7  }
0x11e: {  	v31 =	vmul.f32 $2.000000030e-01, v25;
	v23 =	vadd.f32 v23, v26;
	v26 =	vld [tilespmem:s16+$0xFFFFFFF0];
	v22 =	vmax.f32 v22, v28  }
0x11f: {  	v20 =	vadd.f32 v24, v20;
	v24 =	vld [tilespmem:s22+$0xFFFFFFF0];
	v22 =	vmul.f32 v22, v7  }
0x120: {  	v25 =	vmax.f32 v25, v31;
	v28 =	vmul.f32 $2.000000030e-01, v23;
	v27 =	vadd.f32 v27, v29;
	v29 =	vld [tilespmem:s16+$0x70]  }
0x121: {  	v25 =	vmul.f32 v25, v8;
	v21 =	vadd.f32 v22, v21;
	v22 =	vld [tilespmem:s22+$0x70]  }
0x122: {  	v19 =	vadd.f32 v19, v30;
	v30 =	vld [tilespmem:s10+$0xFFFFFF00];
	v23 =	vmax.f32 v23, v28;
	v28 =	vmul.f32 $2.000000030e-01, v27  }
0x123: {  	v18 =	vadd.f32 v25, v18;
	v25 =	vld [tilespmem:s11+$0xFFFFFF00];
	v23 =	vmul.f32 v23, v8  }
0x124: {  	v31 =	vmul.f32 $2.000000030e-01, v19;
	v24 =	vadd.f32 v24, v26;
	v26 =	vld [tilespmem:s10+$0xFFFFFF80];
	v27 =	vmax.f32 v27, v28  }
0x125: {  	v20 =	vadd.f32 v23, v20;
	v23 =	vld [tilespmem:s11+$0xFFFFFF80];
	v27 =	vmul.f32 v27, v8  }
0x126: {  	v19 =	vmax.f32 v19, v31;
	v28 =	vmul.f32 $2.000000030e-01, v24;
	v22 =	vadd.f32 v22, v29;
	v29 =	vld [tilespmem:s10+$0x0]  }
0x127: {  	v19 =	vmul.f32 v19, v9;
	v21 =	vadd.f32 v27, v21;
	v27 =	vld [tilespmem:s11+$0x0]  }
0x128: {  	v25 =	vadd.f32 v25, v30;
	v30 =	vld [tilespmem:s10+$0xFFFFFF10];
	v24 =	vmax.f32 v24, v28;
	v28 =	vmul.f32 $2.000000030e-01, v22  }
0x129: {  	v18 =	vadd.f32 v19, v18;
	v19 =	vld [tilespmem:s11+$0xFFFFFF10];
	v24 =	vmul.f32 v24, v9  }
0x12a: {  	v31 =	vmul.f32 $2.000000030e-01, v25;
	v23 =	vadd.f32 v23, v26;
	v26 =	vld [tilespmem:s10+$0xFFFFFF90];
	v22 =	vmax.f32 v22, v28  }
0x12b: {  	v20 =	vadd.f32 v24, v20;
	v24 =	vld [tilespmem:s11+$0xFFFFFF90];
	v22 =	vmul.f32 v22, v9  }
0x12c: {  	v25 =	vmax.f32 v25, v31;
	v28 =	vmul.f32 $2.000000030e-01, v23;
	v27 =	vadd.f32 v27, v29;
	v29 =	vld [tilespmem:s10+$0x10]  }
0x12d: {  	v25 =	vmul.f32 v25, v10;
	v21 =	vadd.f32 v22, v21;
	v22 =	vld [tilespmem:s11+$0x10]  }
0x12e: {  	v19 =	vadd.f32 v19, v30;
	v30 =	vld [tilespmem:s10+$0xFFFFFF20];
	v23 =	vmax.f32 v23, v28;
	v28 =	vmul.f32 $2.000000030e-01, v27  }
0x12f: {  	v18 =	vadd.f32 v25, v18;
	v25 =	vld [tilespmem:s11+$0xFFFFFF20];
	v23 =	vmul.f32 v23, v10  }
0x130: {  	v31 =	vmul.f32 $2.000000030e-01, v19;
	v24 =	vadd.f32 v24, v26;
	v26 =	vld [tilespmem:s10+$0xFFFFFFA0];
	v27 =	vmax.f32 v27, v28  }
0x131: {  	v20 =	vadd.f32 v23, v20;
	v23 =	vld [tilespmem:s11+$0xFFFFFFA0];
	v27 =	vmul.f32 v27, v10  }
0x132: {  	v19 =	vmax.f32 v19, v31;
	v28 =	vmul.f32 $2.000000030e-01, v24;
	v22 =	vadd.f32 v22, v29;
	v29 =	vld [tilespmem:s10+$0x20]  }
0x133: {  	v19 =	vmul.f32 v19, v11;
	v21 =	vadd.f32 v27, v21;
	v27 =	vld [tilespmem:s11+$0x20]  }
0x134: {  	v25 =	vadd.f32 v25, v30;
	v30 =	vld [tilespmem:s10+$0xFFFFFF30];
	v24 =	vmax.f32 v24, v28;
	v28 =	vmul.f32 $2.000000030e-01, v22  }
0x135: {  	v18 =	vadd.f32 v19, v18;
	v19 =	vld [tilespmem:s11+$0xFFFFFF30];
	v24 =	vmul.f32 v24, v11  }
0x136: {  	v31 =	vmul.f32 $2.000000030e-01, v25;
	v23 =	vadd.f32 v23, v26;
	v26 =	vld [tilespmem:s10+$0xFFFFFFB0];
	v22 =	vmax.f32 v22, v28  }
0x137: {  	v20 =	vadd.f32 v24, v20;
	v24 =	vld [tilespmem:s11+$0xFFFFFFB0];
	v22 =	vmul.f32 v22, v11  }
0x138: {  	v25 =	vmax.f32 v25, v31;
	v28 =	vmul.f32 $2.000000030e-01, v23;
	v27 =	vadd.f32 v27, v29;
	v29 =	vld [tilespmem:s10+$0x30]  }
0x139: {  	v25 =	vmul.f32 v25, v12;
	v21 =	vadd.f32 v22, v21;
	v22 =	vld [tilespmem:s11+$0x30]  }
0x13a: {  	v19 =	vadd.f32 v19, v30;
	v30 =	vld [tilespmem:s10+$0xFFFFFF40];
	v23 =	vmax.f32 v23, v28;
	v28 =	vmul.f32 $2.000000030e-01, v27  }
0x13b: {  	v18 =	vadd.f32 v25, v18;
	v25 =	vld [tilespmem:s11+$0xFFFFFF40];
	v23 =	vmul.f32 v23, v12  }
0x13c: {  	v31 =	vmul.f32 $2.000000030e-01, v19;
	v24 =	vadd.f32 v24, v26;
	v26 =	vld [tilespmem:s10+$0xFFFFFFC0];
	v27 =	vmax.f32 v27, v28  }
0x13d: {  	v20 =	vadd.f32 v23, v20;
	v23 =	vld [tilespmem:s11+$0xFFFFFFC0];
	v27 =	vmul.f32 v27, v12  }
0x13e: {  	v19 =	vmax.f32 v19, v31;
	v28 =	vmul.f32 $2.000000030e-01, v24;
	v22 =	vadd.f32 v22, v29;
	v29 =	vld [tilespmem:s10+$0x40]  }
0x13f: {  	v19 =	vmul.f32 v19, v13;
	v21 =	vadd.f32 v27, v21;
	v27 =	vld [tilespmem:s11+$0x40]  }
0x140: {  	v25 =	vadd.f32 v25, v30;
	v30 =	vld [tilespmem:s10+$0xFFFFFF50];
	v24 =	vmax.f32 v24, v28;
	v28 =	vmul.f32 $2.000000030e-01, v22  }
0x141: {  	v18 =	vadd.f32 v19, v18;
	v19 =	vld [tilespmem:s11+$0xFFFFFF50];
	v24 =	vmul.f32 v24, v13  }
0x142: {  	v31 =	vmul.f32 $2.000000030e-01, v25;
	v23 =	vadd.f32 v23, v26;
	v26 =	vld [tilespmem:s10+$0xFFFFFFD0];
	v22 =	vmax.f32 v22, v28  }
0x143: {  	v20 =	vadd.f32 v24, v20;
	v24 =	vld [tilespmem:s11+$0xFFFFFFD0];
	v22 =	vmul.f32 v22, v13  }
0x144: {  	v25 =	vmax.f32 v25, v31;
	v28 =	vmul.f32 $2.000000030e-01, v23;
	v27 =	vadd.f32 v27, v29;
	v29 =	vld [tilespmem:s10+$0x50]  }
0x145: {  	v25 =	vmul.f32 v25, v14;
	v21 =	vadd.f32 v22, v21;
	v22 =	vld [tilespmem:s11+$0x50]  }
0x146: {  	v19 =	vadd.f32 v19, v30;
	v30 =	vld [tilespmem:s10+$0xFFFFFF60];
	v23 =	vmax.f32 v23, v28;
	v28 =	vmul.f32 $2.000000030e-01, v27  }
0x147: {  	v18 =	vadd.f32 v25, v18;
	v25 =	vld [tilespmem:s11+$0xFFFFFF60];
	v23 =	vmul.f32 v23, v14  }
0x148: {  	v31 =	vmul.f32 $2.000000030e-01, v19;
	v24 =	vadd.f32 v24, v26;
	v26 =	vld [tilespmem:s10+$0xFFFFFFE0];
	v27 =	vmax.f32 v27, v28  }
0x149: {  	v28 =	vadd.f32 v23, v20;
	v32 =	vld [tilespmem:s11+$0xFFFFFFE0];
	v20 =	vmul.f32 v27, v14  }
0x14a: {  	v19 =	vmax.f32 v19, v31;
	v23 =	vmul.f32 $2.000000030e-01, v24;
	v27 =	vadd.f32 v22, v29;
	v29 =	vld [tilespmem:s10+$0x60]  }
0x14b: {  	v19 =	vmul.f32 v19, v15;
	v31 =	vadd.f32 v20, v21;
	v33 =	vld [tilespmem:s11+$0x60]  }
0x14c: {  	v30 =	vadd.f32 v25, v30;
	v20 =	vld [tilespmem:s10+$0xFFFFFF70];
	v22 =	vmax.f32 v24, v23;
	v24 =	vmul.f32 $2.000000030e-01, v27  }
.Ltmp1:
0x14d: {  	v21 =	vadd.f32 v19, v18;
	v23 =	vld [tilespmem:s11+$0xFFFFFF70];
	v18 =	vmul.f32 v22, v15;
	(pc) =	sbr.rel @p1 .LBB2_5-.Ltmp1, $4  }
0x14e: {  	v34 =	vmul.f32 $2.000000030e-01, v30;
	v26 =	vadd.f32 v32, v26;
	v22 =	vld [tilespmem:s10+$0xFFFFFFF0];
	v24 =	vmax.f32 v27, v24  }
0x14f: {  	v19 =	vadd.f32 v18, v28;
	v25 =	vld [tilespmem:s11+$0xFFFFFFF0];
	v18 =	vmul.f32 v24, v15  }
0x150: {  	v28 =	vmax.f32 v30, v34;
	v30 =	vmul.f32 $2.000000030e-01, v26;
	v27 =	vadd.f32 v33, v29;
	v24 =	vld [tilespmem:s10+$0x70]  }
0x151: {  	s16 =	sadd.s32 $0x200, s16;
	v29 =	vmul.f32 v28, v16;
	v18 =	vadd.f32 v18, v31;
	v28 =	vld [tilespmem:s11+$0x70]  }
0x152: {  	_ =	sdelay $0x1  }
0x153: {  	v20 =	vadd.f32 v23, v20  }
0x154: {  	v23 =	vmax.f32 v26, v30;
	v22 =	vadd.f32 v25, v22  }
0x155: {  	v25 =	vmul.f32 $2.000000030e-01, v27;
	v26 =	vmul.f32 $2.000000030e-01, v20;
	v24 =	vadd.f32 v28, v24  }
0x156: {  	v21 =	vadd.f32 v29, v21;
	v23 =	vmul.f32 v23, v16;
	v28 =	vmul.f32 $2.000000030e-01, v22  }
0x157: {  	v25 =	vmax.f32 v27, v25;
	v20 =	vmax.f32 v20, v26;
	v26 =	vmul.f32 $2.000000030e-01, v24  }
0x158: {  	v25 =	vmul.f32 v25, v16;
	v20 =	vmul.f32 v20, v17;
	v22 =	vmax.f32 v22, v28  }
0x159: {  	v19 =	vadd.f32 v23, v19;
	v22 =	vmul.f32 v22, v17;
	v23 =	vmax.f32 v24, v26  }
0x15a: {  	v18 =	vadd.f32 v25, v18;
	v20 =	vadd.f32 v20, v21;
	v21 =	vmul.f32 v23, v17  }
0x15b: {  	v19 =	vadd.f32 v22, v19  }
0x15c: {  	[tilespmem:s12+$0xFFFFFF00] =	vst v20;
	v20 =	vor.u32 $0x1, v1;
	v18 =	vadd.f32 v21, v18  }
0x15d: {  	[tilespmem:s12+$0xFFFFFF80] =	vst v19  }
0x15e: {  	v21 =	vor.u32 $0x2, v1;
	[tilespmem:s12+$0x0] =	vst v18  }
0x15f: {  	v18 =	vld.idx.msk [tilespmem:v1+s29+$0x0], $0xffff  }
0x160: {  	v22 =	vor.u32 $0x3, v1  }
0x161: {  	v19 =	vld.idx.msk [tilespmem:v20+s29+$0x0], $0xffff  }
0x162: {  	v23 =	vor.u32 $0x4, v1  }
0x163: {  	[tilespmem:$0x1FD40] =	vst v20;
	v20 =	vld.idx.msk [tilespmem:v21+s29+$0x0], $0xffff  }
0x164: {  	v24 =	vor.u32 $0x5, v1;
	v18 =	vadd.f32 $0.0e+00, v18  }
0x165: {  	[tilespmem:$0x1FD50] =	vst v21;
	v21 =	vld.idx.msk [tilespmem:v22+s29+$0x0], $0xffff  }
0x166: {  	[tilespmem:$0x1FD60] =	vst v22;
	v22 =	vor.u32 $0x6, v1;
	v18 =	vadd.f32 v19, v18  }
0x167: {  	v19 =	vld.idx.msk [tilespmem:v23+s29+$0x0], $0xffff  }
0x168: {  	[tilespmem:$0x1FD70] =	vst v23;
	v23 =	vor.u32 $0x7, v1;
	v18 =	vadd.f32 v20, v18  }
0x169: {  	v20 =	vld.idx.msk [tilespmem:v24+s29+$0x0], $0xffff  }
0x16a: {  	[tilespmem:$0x1FD80] =	vst v24;
	v24 =	vor.u32 $0x8, v1;
	v18 =	vadd.f32 v21, v18  }
0x16b: {  	v21 =	vld.idx.msk [tilespmem:v22+s29+$0x0], $0xffff  }
0x16c: {  	[tilespmem:$0x1FD90] =	vst v22;
	v22 =	vor.u32 $0x9, v1;
	v18 =	vadd.f32 v19, v18  }
0x16d: {  	v19 =	vld.idx.msk [tilespmem:v23+s29+$0x0], $0xffff  }
0x16e: {  	[tilespmem:$0x1FDA0] =	vst v23;
	v23 =	vor.u32 $0xA, v1;
	v18 =	vadd.f32 v20, v18  }
0x16f: {  	v20 =	vld.idx.msk [tilespmem:v24+s29+$0x0], $0xffff  }
0x170: {  	[tilespmem:$0x1FDB0] =	vst v24;
	v24 =	vor.u32 $0xB, v1;
	v18 =	vadd.f32 v21, v18  }
0x171: {  	v21 =	vld.idx.msk [tilespmem:v22+s29+$0x0], $0xffff  }
0x172: {  	[tilespmem:$0x1FDC0] =	vst v22;
	v22 =	vor.u32 $0xC, v1;
	v18 =	vadd.f32 v19, v18  }
0x173: {  	v19 =	vld.idx.msk [tilespmem:v23+s29+$0x0], $0xffff  }
0x174: {  	[tilespmem:$0x1FDD0] =	vst v23;
	v23 =	vor.u32 $0xD, v1;
	v18 =	vadd.f32 v20, v18  }
0x175: {  	v20 =	vld.idx.msk [tilespmem:v24+s29+$0x0], $0xffff  }
0x176: {  	[tilespmem:$0x1FDE0] =	vst v24;
	v24 =	vor.u32 $0xE, v1;
	v18 =	vadd.f32 v21, v18  }
0x177: {  	v21 =	vld.idx.msk [tilespmem:v22+s29+$0x0], $0xffff  }
0x178: {  	[tilespmem:$0x1FDF0] =	vst v22;
	v22 =	vor.u32 $0xF, v1;
	v18 =	vadd.f32 v19, v18  }
0x179: {  	v19 =	vld.idx.msk [tilespmem:v23+s29+$0x0], $0xffff  }
0x17a: {  	v18 =	vadd.f32 v20, v18  }
0x17b: {  	v20 =	vld.idx.msk [tilespmem:v24+s29+$0x0], $0xffff  }
0x17c: {  	v18 =	vadd.f32 v21, v18  }
0x17d: {  	v21 =	vld.idx.msk [tilespmem:v22+s29+$0x0], $0xffff  }
0x17e: {  	v18 =	vadd.f32 v19, v18;
	_ =	sdelay $0x1  }
0x17f: {  	v18 =	vadd.f32 v20, v18;
	_ =	sdelay $0x1  }
0x180: {  	v18 =	vadd.f32 v21, v18;
	_ =	sdelay $0x1  }
0x181: {  	v18 =	vmul.f32 $1.442695020e+00, v18;
	_ =	sdelay $0x1  }
0x182: {  	(erf) = vpow2.f32 v18;
	_ =	sdelay $0x5  }
0x183: {  	v18 =	vor.u32 $0x800, v1;
	_ =	sdelay $0x1  }
0x184: {  	v19 =	vor.u32 $0x801, v1  }
0x185: {  	v35 =	vpop (erf)  }
0x186: {  	v20 =	vor.u32 $0x802, v1;
	[tilespmem:$0x17200] =	vst v35  }
0x187: {  	[tilespmem:$0x1FE30] =	vst v18;
	v18 =	vld.idx.msk [tilespmem:v18+s29+$0x0], $0xffff  }
0x188: {  	v21 =	vor.u32 $0x803, v1  }
0x189: {  	[tilespmem:$0x1FE40] =	vst v19;
	v19 =	vld.idx.msk [tilespmem:v19+s29+$0x0], $0xffff  }
0x18a: {  	[tilespmem:$0x1FE20] =	vst v22;
	v22 =	vor.u32 $0x804, v1  }
0x18b: {  	[tilespmem:$0x1FE50] =	vst v20;
	v20 =	vld.idx.msk [tilespmem:v20+s29+$0x0], $0xffff  }
0x18c: {  	[tilespmem:$0x1FE00] =	vst v23;
	v23 =	vor.u32 $0x805, v1;
	v18 =	vadd.f32 $0.0e+00, v18  }
0x18d: {  	[tilespmem:$0x1FE60] =	vst v21;
	v21 =	vld.idx.msk [tilespmem:v21+s29+$0x0], $0xffff  }
0x18e: {  	[tilespmem:$0x1FE10] =	vst v24;
	v24 =	vor.u32 $0x806, v1;
	v18 =	vadd.f32 v19, v18  }
0x18f: {  	v19 =	vld.idx.msk [tilespmem:v22+s29+$0x0], $0xffff  }
0x190: {  	[tilespmem:$0x1FE70] =	vst v22;
	v22 =	vor.u32 $0x807, v1;
	v18 =	vadd.f32 v20, v18  }
0x191: {  	v20 =	vld.idx.msk [tilespmem:v23+s29+$0x0], $0xffff  }
0x192: {  	[tilespmem:$0x1FE80] =	vst v23;
	v23 =	vor.u32 $0x808, v1;
	v18 =	vadd.f32 v21, v18  }
0x193: {  	v21 =	vld.idx.msk [tilespmem:v24+s29+$0x0], $0xffff  }
0x194: {  	[tilespmem:$0x1FE90] =	vst v24;
	v24 =	vor.u32 $0x809, v1;
	v18 =	vadd.f32 v19, v18  }
0x195: {  	v19 =	vld.idx.msk [tilespmem:v22+s29+$0x0], $0xffff  }
0x196: {  	[tilespmem:$0x1FEA0] =	vst v22;
	v22 =	vor.u32 $0x80A, v1;
	v18 =	vadd.f32 v20, v18  }
0x197: {  	v20 =	vld.idx.msk [tilespmem:v23+s29+$0x0], $0xffff  }
0x198: {  	[tilespmem:$0x1FEB0] =	vst v23;
	v23 =	vor.u32 $0x80B, v1;
	v18 =	vadd.f32 v21, v18  }
0x199: {  	v21 =	vld.idx.msk [tilespmem:v24+s29+$0x0], $0xffff  }
0x19a: {  	[tilespmem:$0x1FEC0] =	vst v24;
	v24 =	vor.u32 $0x80C, v1;
	v18 =	vadd.f32 v19, v18  }
0x19b: {  	v19 =	vld.idx.msk [tilespmem:v22+s29+$0x0], $0xffff  }
0x19c: {  	[tilespmem:$0x1FED0] =	vst v22;
	v22 =	vor.u32 $0x80D, v1;
	v18 =	vadd.f32 v20, v18  }
0x19d: {  	v20 =	vld.idx.msk [tilespmem:v23+s29+$0x0], $0xffff  }
0x19e: {  	[tilespmem:$0x1FEE0] =	vst v23;
	v23 =	vor.u32 $0x80E, v1;
	v18 =	vadd.f32 v21, v18  }
0x19f: {  	v21 =	vld.idx.msk [tilespmem:v24+s29+$0x0], $0xffff  }
0x1a0: {  	[tilespmem:$0x1FEF0] =	vst v24;
	v24 =	vor.u32 $0x80F, v1;
	v18 =	vadd.f32 v19, v18  }
0x1a1: {  	v19 =	vld.idx.msk [tilespmem:v22+s29+$0x0], $0xffff  }
0x1a2: {  	v18 =	vadd.f32 v20, v18  }
0x1a3: {  	v20 =	vld.idx.msk [tilespmem:v23+s29+$0x0], $0xffff  }
0x1a4: {  	v18 =	vadd.f32 v21, v18  }
0x1a5: {  	v21 =	vld.idx.msk [tilespmem:v24+s29+$0x0], $0xffff  }
0x1a6: {  	v18 =	vadd.f32 v19, v18;
	_ =	sdelay $0x1  }
0x1a7: {  	v18 =	vadd.f32 v20, v18;
	_ =	sdelay $0x1  }
0x1a8: {  	v18 =	vadd.f32 v21, v18;
	_ =	sdelay $0x1  }
0x1a9: {  	v18 =	vmul.f32 $1.442695020e+00, v18;
	_ =	sdelay $0x1  }
0x1aa: {  	(erf) = vpow2.f32 v18;
	_ =	sdelay $0x5  }
0x1ab: {  	v19 =	vor.u32 $0x1000, v1;
	_ =	sdelay $0x1  }
0x1ac: {  	v20 =	vor.u32 $0x1001, v1  }
0x1ad: {  	v18 =	vpop (erf)  }
0x1ae: {  	v21 =	vor.u32 $0x1002, v1;
	[tilespmem:$0x17210] =	vst v18  }
0x1af: {  	v18 =	vld.idx.msk [tilespmem:v19+s29+$0x0], $0xffff  }
0x1b0: {  	[tilespmem:$0x1FF00] =	vst v22;
	v22 =	vor.u32 $0x1003, v1  }
0x1b1: {  	[tilespmem:$0x1FF30] =	vst v19;
	v19 =	vld.idx.msk [tilespmem:v20+s29+$0x0], $0xffff  }
0x1b2: {  	[tilespmem:$0x1FF10] =	vst v23;
	v23 =	vor.u32 $0x1004, v1  }
0x1b3: {  	[tilespmem:$0x1FF40] =	vst v20;
	v20 =	vld.idx.msk [tilespmem:v21+s29+$0x0], $0xffff  }
0x1b4: {  	[tilespmem:$0x1FF20] =	vst v24;
	v24 =	vor.u32 $0x1005, v1;
	v18 =	vadd.f32 $0.0e+00, v18  }
0x1b5: {  	[tilespmem:$0x1FF50] =	vst v21;
	v21 =	vld.idx.msk [tilespmem:v22+s29+$0x0], $0xffff  }
0x1b6: {  	[tilespmem:$0x1FF60] =	vst v22;
	v22 =	vor.u32 $0x1006, v1;
	v18 =	vadd.f32 v19, v18  }
0x1b7: {  	v19 =	vld.idx.msk [tilespmem:v23+s29+$0x0], $0xffff  }
0x1b8: {  	[tilespmem:$0x1FF70] =	vst v23;
	v23 =	vor.u32 $0x1007, v1;
	v18 =	vadd.f32 v20, v18  }
0x1b9: {  	v20 =	vld.idx.msk [tilespmem:v24+s29+$0x0], $0xffff  }
0x1ba: {  	[tilespmem:$0x1FF80] =	vst v24;
	v24 =	vor.u32 $0x1008, v1;
	v18 =	vadd.f32 v21, v18  }
0x1bb: {  	v21 =	vld.idx.msk [tilespmem:v22+s29+$0x0], $0xffff  }
0x1bc: {  	[tilespmem:$0x1FF90] =	vst v22;
	v22 =	vor.u32 $0x1009, v1;
	v18 =	vadd.f32 v19, v18  }
0x1bd: {  	v19 =	vld.idx.msk [tilespmem:v23+s29+$0x0], $0xffff  }
0x1be: {  	[tilespmem:$0x1FFA0] =	vst v23;
	v23 =	vor.u32 $0x100A, v1;
	v18 =	vadd.f32 v20, v18  }
0x1bf: {  	v20 =	vld.idx.msk [tilespmem:v24+s29+$0x0], $0xffff  }
0x1c0: {  	[tilespmem:$0x1FFB0] =	vst v24;
	v24 =	vor.u32 $0x100B, v1;
	v18 =	vadd.f32 v21, v18  }
0x1c1: {  	v21 =	vld.idx.msk [tilespmem:v22+s29+$0x0], $0xffff  }
0x1c2: {  	[tilespmem:$0x1FFC0] =	vst v22;
	v22 =	vor.u32 $0x100C, v1;
	v18 =	vadd.f32 v19, v18  }
0x1c3: {  	v19 =	vld.idx.msk [tilespmem:v23+s29+$0x0], $0xffff  }
0x1c4: {  	v62 =	vor.u32 $0x100D, v1;
	v18 =	vadd.f32 v20, v18  }
0x1c5: {  	v20 =	vld.idx.msk [tilespmem:v24+s29+$0x0], $0xffff  }
0x1c6: {  	v63 =	vor.u32 $0x100E, v1;
	v18 =	vadd.f32 v21, v18  }
0x1c7: {  	v21 =	vld.idx.msk [tilespmem:v22+s29+$0x0], $0xffff  }
0x1c8: {  	v19 =	vadd.f32 v19, v18;
	v18 =	vor.u32 $0x100F, v1  }
0x1c9: {  	[tilespmem:$0x1FFF0] =	vst v22;
	v22 =	vld.idx.msk [tilespmem:v62+s29+$0x0], $0xffff  }
0x1ca: {  	v19 =	vadd.f32 v20, v19  }
0x1cb: {  	v20 =	vld.idx.msk [tilespmem:v63+s29+$0x0], $0xffff  }
0x1cc: {  	v19 =	vadd.f32 v21, v19  }
0x1cd: {  	v21 =	vld.idx.msk [tilespmem:v18+s29+$0x0], $0xffff  }
0x1ce: {  	v19 =	vadd.f32 v22, v19;
	_ =	sdelay $0x1  }
0x1cf: {  	v19 =	vadd.f32 v20, v19;
	_ =	sdelay $0x1  }
0x1d0: {  	v19 =	vadd.f32 v21, v19;
	_ =	sdelay $0x1  }
0x1d1: {  	v19 =	vmul.f32 $1.442695020e+00, v19;
	_ =	sdelay $0x1  }
0x1d2: {  	(erf) = vpow2.f32 v19;
	_ =	sdelay $0x5  }
0x1d3: {  	v19 =	vor.u32 $0x1800, v1;
	_ =	sdelay $0x1  }
0x1d4: {  	v20 =	vor.u32 $0x1801, v1  }
0x1d5: {  	v21 =	vpop (erf)  }
0x1d6: {  	[tilespmem:$0x17220] =	vst v21;
	v21 =	vor.u32 $0x1802, v1  }
0x1d7: {  	[tilespmem:$0x1FFE0] =	vst v24;
	v24 =	vld.idx.msk [tilespmem:v19+s29+$0x0], $0xffff  }
0x1d8: {  	v22 =	vor.u32 $0x1803, v1  }
0x1d9: {  	v25 =	vld.idx.msk [tilespmem:v20+s29+$0x0], $0xffff  }
0x1da: {  	[tilespmem:$0x1FFD0] =	vst v23;
	v23 =	vor.u32 $0x1804, v1  }
0x1db: {  	v26 =	vld.idx.msk [tilespmem:v21+s29+$0x0], $0xffff  }
0x1dc: {  	v27 =	vadd.f32 $0.0e+00, v24;
	v24 =	vor.u32 $0x1805, v1  }
0x1dd: {  	v28 =	vld.idx.msk [tilespmem:v22+s29+$0x0], $0xffff  }
0x1de: {  	v27 =	vadd.f32 v25, v27;
	v25 =	vor.u32 $0x1806, v1  }
0x1df: {  	v29 =	vld.idx.msk [tilespmem:v23+s29+$0x0], $0xffff  }
0x1e0: {  	v27 =	vadd.f32 v26, v27;
	v26 =	vor.u32 $0x1807, v1  }
0x1e1: {  	v30 =	vld.idx.msk [tilespmem:v24+s29+$0x0], $0xffff  }
0x1e2: {  	v28 =	vadd.f32 v28, v27;
	v27 =	vor.u32 $0x1808, v1  }
0x1e3: {  	v31 =	vld.idx.msk [tilespmem:v25+s29+$0x0], $0xffff  }
0x1e4: {  	v29 =	vadd.f32 v29, v28;
	v28 =	vor.u32 $0x1809, v1  }
0x1e5: {  	v32 =	vld.idx.msk [tilespmem:v26+s29+$0x0], $0xffff  }
0x1e6: {  	v30 =	vadd.f32 v30, v29;
	v29 =	vor.u32 $0x180A, v1  }
0x1e7: {  	v33 =	vld.idx.msk [tilespmem:v27+s29+$0x0], $0xffff  }
0x1e8: {  	v31 =	vadd.f32 v31, v30;
	v30 =	vor.u32 $0x180B, v1  }
0x1e9: {  	v34 =	vld.idx.msk [tilespmem:v28+s29+$0x0], $0xffff  }
0x1ea: {  	v32 =	vadd.f32 v32, v31;
	v31 =	vor.u32 $0x180C, v1  }
0x1eb: {  	v36 =	vld.idx.msk [tilespmem:v29+s29+$0x0], $0xffff  }
0x1ec: {  	v33 =	vadd.f32 v33, v32;
	v32 =	vor.u32 $0x180D, v1  }
0x1ed: {  	v37 =	vld.idx.msk [tilespmem:v30+s29+$0x0], $0xffff  }
0x1ee: {  	v34 =	vadd.f32 v34, v33;
	v33 =	vor.u32 $0x180E, v1  }
0x1ef: {  	v38 =	vld.idx.msk [tilespmem:v31+s29+$0x0], $0xffff  }
0x1f0: {  	v36 =	vadd.f32 v36, v34;
	v34 =	vor.u32 $0x180F, v1  }
0x1f1: {  	v39 =	vld.idx.msk [tilespmem:v32+s29+$0x0], $0xffff  }
0x1f2: {  	v36 =	vadd.f32 v37, v36  }
0x1f3: {  	v55 =	vld.idx.msk [tilespmem:v33+s29+$0x0], $0xffff  }
0x1f4: {  	v36 =	vadd.f32 v38, v36  }
0x1f5: {  	v56 =	vld.idx.msk [tilespmem:v34+s29+$0x0], $0xffff  }
0x1f6: {  	v36 =	vadd.f32 v39, v36;
	_ =	sdelay $0x1  }
0x1f7: {  	v36 =	vadd.f32 v55, v36;
	_ =	sdelay $0x1  }
0x1f8: {  	v36 =	vadd.f32 v56, v36;
	_ =	sdelay $0x1  }
0x1f9: {  	v36 =	vmul.f32 $1.442695020e+00, v36;
	_ =	sdelay $0x1  }
0x1fa: {  	(erf) = vpow2.f32 v36;
	_ =	sdelay $0x8  }
0x1fb: {  	v36 =	vpop (erf)  }
0x1fc: {  	s22 =	sand.u32 $0x3FFFFF80, s21;
	[tilespmem:$0x17230] =	vst v36  }
0x1fd: {  	v36 =	vld [tilespmem:s22+$0x3D00];
	_ =	sdelay $0x7  }
0x1fe: {  	[tilespmem:v36+s5+$0x0] =	vst.idx.add.f32.msk $0x1, v35  }
0x1ff: {  	[tilespmem:v36+s5+$0x0] =	vst.idx.add.f32.msk vm0, v35  }
0x200: {  	[tilespmem:v36+s5+$0x0] =	vst.idx.add.f32.msk vm1, v35  }
0x201: {  	[tilespmem:v36+s5+$0x0] =	vst.idx.add.f32.msk vm2, v35  }
0x202: {  	[tilespmem:v36+s5+$0x0] =	vst.idx.add.f32.msk vm3, v35  }
0x203: {  	[tilespmem:v36+s5+$0x0] =	vst.idx.add.f32.msk vm4, v35  }
0x204: {  	[tilespmem:v36+s5+$0x0] =	vst.idx.add.f32.msk vm5, v35  }
0x205: {  	[tilespmem:v36+s5+$0x0] =	vst.idx.add.f32.msk vm6, v35  }
0x206: {  	[tilespmem:v36+s5+$0x0] =	vst.idx.add.f32.msk vm7, v35  }
0x207: {  	[tilespmem:v36+s5+$0x0] =	vst.idx.add.f32.msk vm8, v35  }
0x208: {  	[tilespmem:v36+s5+$0x0] =	vst.idx.add.f32.msk vm9, v35  }
0x209: {  	[tilespmem:v36+s5+$0x0] =	vst.idx.add.f32.msk vm10, v35  }
0x20a: {  	[tilespmem:v36+s5+$0x0] =	vst.idx.add.f32.msk vm11, v35  }
0x20b: {  	[tilespmem:v36+s5+$0x0] =	vst.idx.add.f32.msk vm12, v35  }
0x20c: {  	[tilespmem:v36+s5+$0x0] =	vst.idx.add.f32.msk vm13, v35  }
0x20d: {  	[tilespmem:v36+s5+$0x0] =	vst.idx.add.f32.msk vm14, v35  }
0x20e: {  	v35 =	vld [tilespmem:s22+$0x3D10];
	_ =	sdelay $0x2  }
0x20f: {  	v36 =	vld [tilespmem:$0x17210];
	_ =	sdelay $0x4  }
0x210: {  	[tilespmem:v35+s5+$0x0] =	vst.idx.add.f32.msk $0x1, v36  }
0x211: {  	[tilespmem:v35+s5+$0x0] =	vst.idx.add.f32.msk vm0, v36  }
0x212: {  	[tilespmem:v35+s5+$0x0] =	vst.idx.add.f32.msk vm1, v36  }
0x213: {  	[tilespmem:v35+s5+$0x0] =	vst.idx.add.f32.msk vm2, v36  }
0x214: {  	[tilespmem:v35+s5+$0x0] =	vst.idx.add.f32.msk vm3, v36  }
0x215: {  	[tilespmem:v35+s5+$0x0] =	vst.idx.add.f32.msk vm4, v36  }
0x216: {  	[tilespmem:v35+s5+$0x0] =	vst.idx.add.f32.msk vm5, v36  }
0x217: {  	[tilespmem:v35+s5+$0x0] =	vst.idx.add.f32.msk vm6, v36  }
0x218: {  	[tilespmem:v35+s5+$0x0] =	vst.idx.add.f32.msk vm7, v36  }
0x219: {  	[tilespmem:v35+s5+$0x0] =	vst.idx.add.f32.msk vm8, v36  }
0x21a: {  	[tilespmem:v35+s5+$0x0] =	vst.idx.add.f32.msk vm9, v36  }
0x21b: {  	[tilespmem:v35+s5+$0x0] =	vst.idx.add.f32.msk vm10, v36  }
0x21c: {  	[tilespmem:v35+s5+$0x0] =	vst.idx.add.f32.msk vm11, v36  }
0x21d: {  	[tilespmem:v35+s5+$0x0] =	vst.idx.add.f32.msk vm12, v36  }
0x21e: {  	[tilespmem:v35+s5+$0x0] =	vst.idx.add.f32.msk vm13, v36  }
0x21f: {  	[tilespmem:v35+s5+$0x0] =	vst.idx.add.f32.msk vm14, v36  }
0x220: {  	v35 =	vld [tilespmem:s22+$0x3D20];
	_ =	sdelay $0x2  }
0x221: {  	v36 =	vld [tilespmem:$0x17220];
	_ =	sdelay $0x4  }
0x222: {  	[tilespmem:v35+s5+$0x0] =	vst.idx.add.f32.msk $0x1, v36  }
0x223: {  	[tilespmem:v35+s5+$0x0] =	vst.idx.add.f32.msk vm0, v36  }
0x224: {  	[tilespmem:v35+s5+$0x0] =	vst.idx.add.f32.msk vm1, v36  }
0x225: {  	[tilespmem:v35+s5+$0x0] =	vst.idx.add.f32.msk vm2, v36  }
0x226: {  	[tilespmem:v35+s5+$0x0] =	vst.idx.add.f32.msk vm3, v36  }
0x227: {  	[tilespmem:v35+s5+$0x0] =	vst.idx.add.f32.msk vm4, v36  }
0x228: {  	[tilespmem:v35+s5+$0x0] =	vst.idx.add.f32.msk vm5, v36  }
0x229: {  	[tilespmem:v35+s5+$0x0] =	vst.idx.add.f32.msk vm6, v36  }
0x22a: {  	[tilespmem:v35+s5+$0x0] =	vst.idx.add.f32.msk vm7, v36  }
0x22b: {  	[tilespmem:v35+s5+$0x0] =	vst.idx.add.f32.msk vm8, v36  }
0x22c: {  	[tilespmem:v35+s5+$0x0] =	vst.idx.add.f32.msk vm9, v36  }
0x22d: {  	[tilespmem:v35+s5+$0x0] =	vst.idx.add.f32.msk vm10, v36  }
0x22e: {  	[tilespmem:v35+s5+$0x0] =	vst.idx.add.f32.msk vm11, v36  }
0x22f: {  	[tilespmem:v35+s5+$0x0] =	vst.idx.add.f32.msk vm12, v36  }
0x230: {  	[tilespmem:v35+s5+$0x0] =	vst.idx.add.f32.msk vm13, v36  }
0x231: {  	[tilespmem:v35+s5+$0x0] =	vst.idx.add.f32.msk vm14, v36  }
0x232: {  	v35 =	vld [tilespmem:s22+$0x3D30];
	_ =	sdelay $0x2  }
0x233: {  	v36 =	vld [tilespmem:$0x17230];
	_ =	sdelay $0x4  }
0x234: {  	[tilespmem:v35+s5+$0x0] =	vst.idx.add.f32.msk $0x1, v36  }
0x235: {  	[tilespmem:v35+s5+$0x0] =	vst.idx.add.f32.msk vm0, v36  }
0x236: {  	[tilespmem:v35+s5+$0x0] =	vst.idx.add.f32.msk vm1, v36  }
0x237: {  	[tilespmem:v35+s5+$0x0] =	vst.idx.add.f32.msk vm2, v36  }
0x238: {  	[tilespmem:v35+s5+$0x0] =	vst.idx.add.f32.msk vm3, v36  }
0x239: {  	[tilespmem:v35+s5+$0x0] =	vst.idx.add.f32.msk vm4, v36  }
0x23a: {  	[tilespmem:v35+s5+$0x0] =	vst.idx.add.f32.msk vm5, v36  }
0x23b: {  	[tilespmem:v35+s5+$0x0] =	vst.idx.add.f32.msk vm6, v36  }
0x23c: {  	[tilespmem:v35+s5+$0x0] =	vst.idx.add.f32.msk vm7, v36  }
0x23d: {  	[tilespmem:v35+s5+$0x0] =	vst.idx.add.f32.msk vm8, v36  }
0x23e: {  	[tilespmem:v35+s5+$0x0] =	vst.idx.add.f32.msk vm9, v36  }
0x23f: {  	[tilespmem:v35+s5+$0x0] =	vst.idx.add.f32.msk vm10, v36  }
0x240: {  	[tilespmem:v35+s5+$0x0] =	vst.idx.add.f32.msk vm11, v36  }
0x241: {  	s10 =	sadd.s32 s4, s21;
	[tilespmem:v35+s5+$0x0] =	vst.idx.add.f32.msk vm12, v36  }
0x242: {  	s10 =	sshrl.u32 s10, $0x3;
	[tilespmem:v35+s5+$0x0] =	vst.idx.add.f32.msk vm13, v36  }
0x243: {  	p1 =	seq.s32 s19, $0x29;
	s10 =	sadd.s32 s9, s10;
	[tilespmem:v35+s5+$0x0] =	vst.idx.add.f32.msk vm14, v36  }
0x244: {  	[hbm4b:s10+s5] =	stream.linear.scatter [tilespmem:s30], [sflag:$0x3], $0x40, $0x38;
	[tilespmem:$0x17400] =	vst v63  }
0x245: {  	s11 =	simm.s32 @!p1 $0x40;
	s12 =	simm.s32 @!p1 $0x5200;
	s10 =	sadd.s32 @!p1 $0x2880, s21  }
0x246: {  	[tilespmem:s12], [sflag:$0x1] =	stream.indirect.gather @!p1 [hbm4b:s2+s11], $0x80, s10, s11, $0xb8;
	[tilespmem:$0x17400] =	vst v63  }
0x247: {  	s12 =	simm.s32 @!p1 $0x9200  }
0x248: {  	[tilespmem:s12], [sflag:$0x1] =	stream.indirect.gather @!p1 [hbm4b:s6+s11], $0x80, s10, s11, $0xb8;
	[tilespmem:$0x17400] =	vst v63  }
0x249: {  	s10 =	sadd.s32 @!p1 $0x3D80, s21;
	s12 =	simm.s32 @!p1 $0xD200  }
0x24a: {  	[tilespmem:s12], [sflag:$0x1] =	stream.indirect.gather @!p1 [hbm4b:s7+s11], $0x80, s10, s11, $0xb8;
	[tilespmem:$0x17400] =	vst v63  }
0x24b: {  	s12 =	simm.s32 @!p1 $0x11200  }
0x24c: {  	[tilespmem:s12], [sflag:$0x1] =	stream.indirect.gather @!p1 [hbm4b:s8+s11], $0x80, s10, s11, $0xb8;
	[tilespmem:$0x17400] =	vst v63  }
0x24d: {  	_ =	swait.ge [sflag:s31], $0x2000  }
0x24e: {  	[sflag:s31] =	ssyncset.done $0x0  }
0x24f: {  	[sflag:s31] =	ssyncadd.s32 $0xFFFFE000  }
0x250: {  	_ =	swait.ge [sflag:s31], $0x2000  }
0x251: {  	[sflag:s31] =	ssyncset.done $0x0  }
0x252: {  	[sflag:s31] =	ssyncadd.s32 $0xFFFFE000  }
0x253: {  	_ =	swait.ge [sflag:s31], $0x2000  }
0x254: {  	[sflag:s31] =	ssyncset.done $0x0  }
0x255: {  	[sflag:s31] =	ssyncadd.s32 $0xFFFFE000  }
0x256: {  	_ =	swait.ge [sflag:s31], $0x2000  }
0x257: {  	[sflag:s31] =	ssyncset.done $0x0  }
0x258: {  	s10 =	simm.s32 @!p0 $0x4;
	[sflag:s31] =	ssyncadd.s32 $0xFFFFE000  }
0x259: {  	_ =	swait.ge @!p0 [sflag:s10], $0x40  }
0x25a: {  	[sflag:s10] =	ssyncset.done @!p0 $0x0  }
0x25b: {  	s16 =	simm.s32 $0x73F0;
	[sflag:s10] =	ssyncadd.s32 @!p0 $0xFFFFFFC0  }
0x25c: {  	s21 =	simm.s32 $0xF3F0;
	v57 =	vld [tilespmem:s16+$0xFFFFFF90]  }
0x25d: {  	v58 =	vld [tilespmem:s21+$0xFFFFFF90]  }
0x25e: {  	v59 =	vld [tilespmem:s16+$0xFFFFFFA0]  }
0x25f: {  	v60 =	vld [tilespmem:s21+$0xFFFFFFA0]  }
0x260: {  	v61 =	vld [tilespmem:s16+$0xFFFFFFB0]  }
0x261: {  	v40 =	vld [tilespmem:s21+$0xFFFFFFB0]  }
0x262: {  	v41 =	vld [tilespmem:s16+$0xFFFFFFC0]  }
0x263: {  	v42 =	vld [tilespmem:s21+$0xFFFFFFC0]  }
0x264: {  	v43 =	vld [tilespmem:s16+$0xFFFFFFD0]  }
0x265: {  	v44 =	vld [tilespmem:s21+$0xFFFFFFD0]  }
0x266: {  	v45 =	vld [tilespmem:s16+$0xFFFFFFE0]  }
0x267: {  	v46 =	vld [tilespmem:s21+$0xFFFFFFE0]  }
0x268: {  	v47 =	vld [tilespmem:s16+$0xFFFFFFF0]  }
0x269: {  	v48 =	vld [tilespmem:s21+$0xFFFFFFF0]  }
0x26a: {  	v49 =	vld [tilespmem:s16+$0x0]  }
0x26b: {  	s10 =	simm.s32 $0xB3F0;
	v50 =	vld [tilespmem:s21+$0x0]  }
0x26c: {  	s11 =	simm.s32 $0x133F0;
	v51 =	vld [tilespmem:s10+$0xFFFFFF90]  }
0x26d: {  	v52 =	vld [tilespmem:s11+$0xFFFFFF90]  }
0x26e: {  	v53 =	vld [tilespmem:s10+$0xFFFFFFA0]  }
0x26f: {  	v54 =	vld [tilespmem:s11+$0xFFFFFFA0]  }
0x270: {  	v36 =	vld [tilespmem:s10+$0xFFFFFFB0]  }
0x271: {  	v55 =	vld [tilespmem:s11+$0xFFFFFFB0];
	v35 =	vadd.f32 v58, v57  }
0x272: {  	v56 =	vld [tilespmem:s10+$0xFFFFFFC0]  }
0x273: {  	v37 =	vadd.f32 v60, v59;
	v57 =	vld [tilespmem:s11+$0xFFFFFFC0];
	v60 =	vmul.f32 $2.000000030e-01, v35  }
0x274: {  	v38 =	vadd.f32 v40, v61;
	v40 =	vld [tilespmem:s10+$0xFFFFFFD0]  }
0x275: {  	v58 =	vld [tilespmem:s11+$0xFFFFFFD0];
	v61 =	vmul.f32 $2.000000030e-01, v37;
	v35 =	vmax.f32 v35, v60  }
0x276: {  	v39 =	vadd.f32 v42, v41;
	v42 =	vld [tilespmem:s10+$0xFFFFFFE0];
	v35 =	vmul.f32 v35, v2  }
0x277: {  	v59 =	vld [tilespmem:s11+$0xFFFFFFE0];
	v37 =	vmax.f32 v37, v61;
	v60 =	vmul.f32 $2.000000030e-01, v38  }
0x278: {  	v41 =	vadd.f32 v44, v43;
	v44 =	vld [tilespmem:s10+$0xFFFFFFF0];
	v37 =	vmul.f32 v37, v3;
	v35 =	vadd.f32 $0.0e+00, v35  }
0x279: {  	v43 =	vadd.f32 v46, v45;
	v46 =	vld [tilespmem:s10+$0x0];
	v61 =	vmul.f32 $2.000000030e-01, v39;
	v38 =	vmax.f32 v38, v60  }
0x27a: {  	v45 =	vadd.f32 v48, v47;
	v48 =	vld [tilespmem:s21+$0xFFFFFE10];
	v60 =	vmul.f32 v38, v4;
	v35 =	vadd.f32 v37, v35  }
0x27b: {  	v47 =	vadd.f32 v50, v49;
	v50 =	vld [tilespmem:s21+$0xFFFFFE90];
	v39 =	vmax.f32 v39, v61;
	v61 =	vmul.f32 $2.000000030e-01, v41  }
0x27c: {  	v49 =	vadd.f32 v52, v51;
	v52 =	vld [tilespmem:s21+$0xFFFFFF10];
	v35 =	vadd.f32 v60, v35;
	v60 =	vmul.f32 v39, v5  }
0x27d: {  	v51 =	vadd.f32 v54, v53;
	v54 =	vld [tilespmem:s16+$0xFFFFFE20];
	v41 =	vmax.f32 v41, v61;
	v61 =	vmul.f32 $2.000000030e-01, v43  }
0x27e: {  	v36 =	vadd.f32 v55, v36;
	v55 =	vld [tilespmem:s16+$0xFFFFFEA0];
	v35 =	vadd.f32 v60, v35;
	v60 =	vmul.f32 v41, v6  }
0x27f: {  	v53 =	vadd.f32 v57, v56;
	v57 =	vld [tilespmem:s16+$0xFFFFFF20];
	v43 =	vmax.f32 v43, v61;
	v61 =	vmul.f32 $2.000000030e-01, v45  }
0x280: {  	v40 =	vadd.f32 v58, v40;
	v58 =	vld [tilespmem:s16+$0xFFFFFE30];
	v35 =	vadd.f32 v60, v35;
	v60 =	vmul.f32 v43, v7  }
0x281: {  	v42 =	vadd.f32 v59, v42;
	v59 =	vld [tilespmem:s16+$0xFFFFFEB0];
	v45 =	vmax.f32 v45, v61;
	v61 =	vmul.f32 $2.000000030e-01, v47  }
0x282: {  	v37 =	vld [tilespmem:s21+$0xFFFFFE30];
	v35 =	vadd.f32 v60, v35;
	v60 =	vmul.f32 v45, v8  }
0x283: {  	v39 =	vld [tilespmem:s11+$0x0];
	v47 =	vmax.f32 v47, v61;
	v61 =	vmul.f32 $2.000000030e-01, v49  }
0x284: {  	v38 =	vld [tilespmem:s11+$0xFFFFFFF0];
	v35 =	vadd.f32 v60, v35;
	v60 =	vmul.f32 v47, v9  }
0x285: {  	v56 =	vld [tilespmem:s16+$0xFFFFFF30];
	v49 =	vmax.f32 v49, v61;
	v61 =	vmul.f32 $2.000000030e-01, v51  }
0x286: {  	v41 =	vld [tilespmem:s16+$0xFFFFFE90];
	v35 =	vadd.f32 v60, v35;
	v60 =	vmul.f32 v49, v10  }
0x287: {  	v37 =	vadd.f32 v37, v58;
	v58 =	vld [tilespmem:s16+$0xFFFFFE60];
	v51 =	vmax.f32 v51, v61;
	v61 =	vmul.f32 $2.000000030e-01, v36  }
0x288: {  	v43 =	vld [tilespmem:s16+$0xFFFFFF10];
	v39 =	vadd.f32 v39, v46;
	v35 =	vadd.f32 v60, v35;
	v60 =	vmul.f32 v51, v11  }
0x289: {  	v38 =	vadd.f32 v38, v44;
	v46 =	vld [tilespmem:s16+$0xFFFFFE40];
	v36 =	vmax.f32 v36, v61;
	v61 =	vmul.f32 $2.000000030e-01, v53  }
0x28a: {  	v45 =	vld [tilespmem:s16+$0xFFFFFE10];
	v44 =	vmul.f32 $2.000000030e-01, v39;
	v36 =	vmul.f32 v36, v12;
	v35 =	vadd.f32 v60, v35  }
0x28b: {  	v41 =	vadd.f32 v50, v41;
	v50 =	vld [tilespmem:s16+$0xFFFFFE50];
	v53 =	vmax.f32 v53, v61;
	v60 =	vmul.f32 $2.000000030e-01, v40  }
0x28c: {  	v47 =	vld [tilespmem:s21+$0xFFFFFE20];
	v39 =	vmax.f32 v39, v44;
	v61 =	vmul.f32 v53, v13;
	v35 =	vadd.f32 v36, v35  }
0x28d: {  	v43 =	vadd.f32 v52, v43;
	v49 =	vld [tilespmem:s21+$0xFFFFFEA0];
	v40 =	vmax.f32 v40, v60;
	v60 =	vmul.f32 $2.000000030e-01, v42  }
0x28e: {  	v52 =	vmul.f32 v39, v17;
	v39 =	vld [tilespmem:s21+$0xFFFFFF40];
	v35 =	vadd.f32 v61, v35;
	v61 =	vmul.f32 v40, v14  }
0x28f: {  	v40 =	vld [tilespmem:s21+$0xFFFFFF30];
	v42 =	vmax.f32 v42, v60;
	v60 =	vmul.f32 $2.000000030e-01, v38  }
0x290: {  	v51 =	vld [tilespmem:s21+$0xFFFFFF20];
	v36 =	vmul.f32 v42, v15;
	v35 =	vadd.f32 v61, v35  }
0x291: {  	v42 =	vld [tilespmem:s21+$0xFFFFFE40];
	v38 =	vmax.f32 v38, v60;
	v61 =	vadd.f32 v48, v45  }
0x292: {  	v45 =	vld [tilespmem:s16+$0xFFFFFF40];
	v35 =	vadd.f32 v36, v35;
	v36 =	vmul.f32 v38, v16  }
0x293: {  	v53 =	vld [tilespmem:s21+$0xFFFFFEB0];
	v47 =	vadd.f32 v47, v54;
	v48 =	vmul.f32 $2.000000030e-01, v61  }
0x294: {  	v54 =	vld [tilespmem:s21+$0xFFFFFE50];
	v40 =	vadd.f32 v40, v56;
	v35 =	vadd.f32 v36, v35;
	v36 =	vmul.f32 $2.000000030e-01, v41  }
0x295: {  	v60 =	vld [tilespmem:s16+$0xFFFFFEC0];
	v44 =	vmax.f32 v61, v48;
	v48 =	vadd.f32 v49, v55;
	v61 =	vmul.f32 $2.000000030e-01, v47  }
0x296: {  	v38 =	vld [tilespmem:s21+$0xFFFFFEC0];
	v49 =	vadd.f32 v51, v57;
	v51 =	vmul.f32 $2.000000030e-01, v37;
	v42 =	vadd.f32 v42, v46  }
0x297: {  	v56 =	vld [tilespmem:s16+$0xFFFFFF60];
	v39 =	vadd.f32 v39, v45;
	v35 =	vadd.f32 v52, v35;
	v52 =	vmul.f32 $2.000000030e-01, v43  }
0x298: {  	v55 =	vld [tilespmem:s16+$0xFFFFFED0];
	v36 =	vmax.f32 v41, v36;
	v47 =	vmax.f32 v47, v61;
	v61 =	vmul.f32 $2.000000030e-01, v48  }
0x299: {  	v57 =	vld [tilespmem:s21+$0xFFFFFF50];
	v37 =	vmax.f32 v37, v51;
	v45 =	vmul.f32 $2.000000030e-01, v42;
	v47 =	vmul.f32 v47, v3  }
0x29a: {  	v36 =	vmul.f32 v36, v2;
	v41 =	vmax.f32 v43, v52;
	v43 =	vmul.f32 v44, v2;
	v44 =	vld [tilespmem:s21+$0xFFFFFED0]  }
0x29b: {  	v38 =	vadd.f32 v38, v60;
	v52 =	vld [tilespmem:s16+$0xFFFFFF50];
	v48 =	vmax.f32 v48, v61;
	v61 =	vmul.f32 $2.000000030e-01, v49  }
0x29c: {  	v42 =	vmax.f32 v42, v45;
	v45 =	vadd.f32 v54, v50;
	v50 =	vmul.f32 $2.000000030e-01, v39;
	v54 =	vld [tilespmem:s16+$0xFFFFFF70]  }
0x29d: {  	v36 =	vadd.f32 $0.0e+00, v36;
	v48 =	vmul.f32 v48, v3;
	v49 =	vmax.f32 v49, v61;
	v61 =	vld [tilespmem:s21+$0xFFFFFEE0]  }
0x29e: {  	v60 =	vmul.f32 $2.000000030e-01, v38;
	v43 =	vadd.f32 $0.0e+00, v43;
	v39 =	vmax.f32 v39, v50;
	v50 =	vld [tilespmem:s16+$0xFFFFFE80]  }
0x29f: {  	v37 =	vmul.f32 v37, v4;
	v41 =	vmul.f32 v41, v2;
	v36 =	vadd.f32 v48, v36;
	v48 =	vld [tilespmem:s21+$0xFFFFFF60]  }
0x2a0: {  	v38 =	vmax.f32 v38, v60;
	v60 =	vmul.f32 v42, v5;
	v42 =	vld [tilespmem:s21+$0xFFFFFF70];
	v43 =	vadd.f32 v47, v43  }
0x2a1: {  	v41 =	vadd.f32 $0.0e+00, v41;
	v49 =	vmul.f32 v49, v3;
	v47 =	vadd.f32 v53, v59;
	v53 =	vld [tilespmem:s21+$0xFFFFFE60]  }
0x2a2: {  	v59 =	vld [tilespmem:s16+$0xFFFFFEE0];
	v37 =	vadd.f32 v37, v43;
	v43 =	vadd.f32 v44, v55;
	v55 =	vmul.f32 $2.000000030e-01, v45  }
0x2a3: {  	v41 =	vadd.f32 v49, v41;
	v49 =	vld [tilespmem:s16+$0xFFFFFE70]  }
0x2a4: {  	v51 =	vmul.f32 $2.000000030e-01, v47;
	v44 =	vmax.f32 v45, v55;
	v55 =	vld [tilespmem:s16+$0xFFFFFF00]  }
0x2a5: {  	v48 =	vadd.f32 v48, v56;
	v56 =	vld [tilespmem:s10+$0xFFFFFE10]  }
0x2a6: {  	v46 =	vmax.f32 v47, v51;
	v45 =	vadd.f32 v57, v52;
	v52 =	vld [tilespmem:s10+$0xFFFFFE90]  }
0x2a7: {  	v47 =	vmul.f32 $2.000000030e-01, v40;
	v37 =	vadd.f32 v60, v37;
	v51 =	vmul.f32 v46, v4;
	v46 =	vld [tilespmem:s21+$0xFFFFFE70]  }
0x2a8: {  	v60 =	vmul.f32 $2.000000030e-01, v43;
	v57 =	vmul.f32 v44, v6;
	v44 =	vadd.f32 v53, v58;
	v53 =	vld [tilespmem:s16+$0xFFFFFF80]  }
0x2a9: {  	v39 =	vmul.f32 v39, v5;
	v58 =	vld [tilespmem:s11+$0xFFFFFE10]  }
0x2aa: {  	v42 =	vadd.f32 v42, v54;
	v40 =	vmax.f32 v40, v47;
	v47 =	vld [tilespmem:s16+$0xFFFFFEF0];
	v43 =	vmax.f32 v43, v60  }
0x2ab: {  	v60 =	vmul.f32 $2.000000030e-01, v45;
	v36 =	vadd.f32 v51, v36;
	v40 =	vmul.f32 v40, v4;
	v51 =	vld [tilespmem:s21+$0xFFFFFEF0]  }
0x2ac: {  	v38 =	vmul.f32 v38, v5;
	v54 =	vmul.f32 $2.000000030e-01, v42;
	v37 =	vadd.f32 v57, v37;
	v57 =	vld [tilespmem:s21+$0xFFFFFF80]  }
0x2ad: {  	v43 =	vmul.f32 v43, v6;
	v45 =	vmax.f32 v45, v60;
	v40 =	vadd.f32 v40, v41;
	v41 =	vld [tilespmem:s21+$0xFFFFFE80]  }
0x2ae: {  	v42 =	vmax.f32 v42, v54;
	v54 =	vld [tilespmem:s11+$0xFFFFFF20];
	v36 =	vadd.f32 v38, v36;
	v46 =	vadd.f32 v46, v49  }
0x2af: {  	v49 =	vld [tilespmem:s10+$0xFFFFFF10];
	v38 =	vadd.f32 v39, v40;
	v39 =	vadd.f32 v61, v59;
	v61 =	vmul.f32 $2.000000030e-01, v44  }
0x2b0: {  	v36 =	vadd.f32 v43, v36;
	v43 =	vmul.f32 v45, v6;
	v45 =	vadd.f32 v51, v47;
	v47 =	vld [tilespmem:s11+$0xFFFFFF10]  }
0x2b1: {  	v40 =	vld [tilespmem:s21+$0xFFFFFF00];
	v60 =	vmul.f32 $2.000000030e-01, v39;
	v44 =	vmax.f32 v44, v61;
	v61 =	vmul.f32 $2.000000030e-01, v48  }
0x2b2: {  	v51 =	vld [tilespmem:s10+$0xFFFFFE20];
	v38 =	vadd.f32 v43, v38;
	v59 =	vmul.f32 v44, v7;
	v41 =	vadd.f32 v41, v50  }
0x2b3: {  	v43 =	vld [tilespmem:s11+$0xFFFFFE20];
	v39 =	vmax.f32 v39, v60;
	v60 =	vmax.f32 v48, v61;
	v61 =	vmul.f32 $2.000000030e-01, v46  }
0x2b4: {  	v44 =	vld [tilespmem:s11+$0xFFFFFE90];
	v37 =	vadd.f32 v59, v37;
	v39 =	vmul.f32 v39, v7;
	v59 =	vmul.f32 v60, v7  }
0x2b5: {  	v48 =	vld [tilespmem:s10+$0xFFFFFEA0];
	v60 =	vmul.f32 $2.000000030e-01, v45;
	v50 =	vmul.f32 $2.000000030e-01, v41;
	v47 =	vadd.f32 v47, v49  }
0x2b6: {  	v46 =	vmax.f32 v46, v61;
	v49 =	vld [tilespmem:s10+$0xFFFFFE40];
	v36 =	vadd.f32 v39, v36;
	v38 =	vadd.f32 v59, v38  }
0x2b7: {  	v61 =	vmul.f32 v46, v8;
	v45 =	vmax.f32 v45, v60;
	v46 =	vadd.f32 v57, v53;
	v53 =	vld [tilespmem:s10+$0xFFFFFF20]  }
0x2b8: {  	v39 =	vadd.f32 v40, v55;
	v41 =	vmax.f32 v41, v50;
	v50 =	vadd.f32 v58, v56;
	v56 =	vld [tilespmem:s10+$0xFFFFFE30]  }
0x2b9: {  	v40 =	vmul.f32 v42, v8;
	v43 =	vadd.f32 v43, v51;
	v59 =	vmul.f32 v45, v8;
	v45 =	vld [tilespmem:s11+$0xFFFFFEA0]  }
0x2ba: {  	v57 =	vmul.f32 v41, v9;
	v41 =	vld [tilespmem:s11+$0xFFFFFE30];
	v58 =	vadd.f32 v44, v52;
	v60 =	vmul.f32 $2.000000030e-01, v39  }
0x2bb: {  	v52 =	vld [tilespmem:s10+$0xFFFFFEB0];
	v37 =	vadd.f32 v61, v37;
	v61 =	vmul.f32 $2.000000030e-01, v46;
	v38 =	vadd.f32 v40, v38  }
0x2bc: {  	v44 =	vld [tilespmem:s11+$0xFFFFFEB0];
	v36 =	vadd.f32 v59, v36;
	v55 =	vmul.f32 $2.000000030e-01, v58;
	v39 =	vmax.f32 v39, v60  }
0x2bd: {  	v51 =	vld [tilespmem:s10+$0xFFFFFEC0];
	v59 =	vmax.f32 v46, v61;
	v60 =	vmul.f32 $2.000000030e-01, v50;
	v37 =	vadd.f32 v57, v37  }
0x2be: {  	v40 =	vld [tilespmem:s11+$0xFFFFFF30];
	v39 =	vmul.f32 v39, v9;
	v61 =	vmul.f32 v59, v9;
	v42 =	vmax.f32 v58, v55  }
0x2bf: {  	v58 =	vmul.f32 $2.000000030e-01, v47;
	v46 =	vmax.f32 v50, v60;
	v50 =	vld [tilespmem:s10+$0xFFFFFF30];
	v59 =	vadd.f32 v45, v48  }
0x2c0: {  	v42 =	vmul.f32 v42, v10;
	v45 =	vld [tilespmem:s11+$0xFFFFFE40];
	v60 =	vmul.f32 $2.000000030e-01, v43;
	v41 =	vadd.f32 v41, v56  }
0x2c1: {  	v44 =	vadd.f32 v44, v52;
	v48 =	vld [tilespmem:s10+$0xFFFFFE50];
	v36 =	vadd.f32 v39, v36;
	v57 =	vmul.f32 v46, v10  }
0x2c2: {  	v38 =	vadd.f32 v61, v38;
	v46 =	vmax.f32 v47, v58;
	v47 =	vadd.f32 v54, v53;
	v53 =	vld [tilespmem:s11+$0xFFFFFEC0]  }
0x2c3: {  	v54 =	vld [tilespmem:s10+$0xFFFFFF40];
	v61 =	vmul.f32 v46, v10;
	v37 =	vadd.f32 v57, v37;
	v57 =	vmul.f32 $2.000000030e-01, v59  }
0x2c4: {  	v43 =	vmax.f32 v43, v60;
	v46 =	vld [tilespmem:s11+$0xFFFFFE50];
	v55 =	vmul.f32 $2.000000030e-01, v44;
	v36 =	vadd.f32 v42, v36  }
0x2c5: {  	v58 =	vmul.f32 $2.000000030e-01, v47;
	v39 =	vmax.f32 v59, v57;
	v59 =	vmul.f32 v43, v11;
	v43 =	vld [tilespmem:s11+$0xFFFFFF40]  }
0x2c6: {  	v38 =	vadd.f32 v61, v38;
	v61 =	vmul.f32 $2.000000030e-01, v41;
	v40 =	vadd.f32 v40, v50;
	v50 =	vld [tilespmem:s10+$0xFFFFFED0]  }
0x2c7: {  	v44 =	vmax.f32 v44, v55;
	v60 =	vmax.f32 v47, v58;
	v57 =	vadd.f32 v45, v49;
	v47 =	vld [tilespmem:s10+$0xFFFFFF50]  }
0x2c8: {  	v44 =	vmul.f32 v44, v12;
	v49 =	vld [tilespmem:s11+$0xFFFFFF50];
	v39 =	vmul.f32 v39, v11;
	v41 =	vmax.f32 v41, v61  }
0x2c9: {  	v52 =	vmul.f32 v60, v11;
	v37 =	vadd.f32 v59, v37;
	v56 =	vmul.f32 v41, v12;
	v41 =	vld [tilespmem:s11+$0xFFFFFED0]  }
0x2ca: {  	v58 =	vmul.f32 $2.000000030e-01, v40;
	v59 =	vadd.f32 v53, v51;
	v51 =	vld [tilespmem:s10+$0xFFFFFE60];
	v55 =	vadd.f32 v46, v48  }
0x2cb: {  	v60 =	vmul.f32 $2.000000030e-01, v57;
	v48 =	vld [tilespmem:s10+$0xFFFFFEE0];
	v36 =	vadd.f32 v39, v36;
	v38 =	vadd.f32 v52, v38  }
0x2cc: {  	v46 =	vld [tilespmem:s10+$0xFFFFFF60];
	v37 =	vadd.f32 v56, v37;
	v40 =	vmax.f32 v40, v58;
	v61 =	vmul.f32 $2.000000030e-01, v59  }
0x2cd: {  	v52 =	vld [tilespmem:s11+$0xFFFFFE60];
	v42 =	vmax.f32 v57, v60;
	v58 =	vmul.f32 $2.000000030e-01, v55;
	v43 =	vadd.f32 v43, v54  }
0x2ce: {  	v60 =	vld [tilespmem:s11+$0xFFFFFF60];
	v36 =	vadd.f32 v44, v36;
	v40 =	vmul.f32 v40, v12;
	v57 =	vmul.f32 v42, v13  }
0x2cf: {  	v42 =	vld [tilespmem:s11+$0xFFFFFEE0];
	v39 =	vmax.f32 v59, v61;
	v44 =	vmax.f32 v55, v58;
	v61 =	vadd.f32 v49, v47  }
0x2d0: {  	v49 =	vld [tilespmem:s10+$0xFFFFFE70];
	v56 =	vmul.f32 $2.000000030e-01, v43;
	v41 =	vadd.f32 v41, v50;
	v39 =	vmul.f32 v39, v13  }
0x2d1: {  	v55 =	vld [tilespmem:s11+$0xFFFFFE70];
	v38 =	vadd.f32 v40, v38;
	v37 =	vadd.f32 v57, v37;
	v54 =	vmul.f32 v44, v14  }
0x2d2: {  	v57 =	vmul.f32 $2.000000030e-01, v61;
	v53 =	vmul.f32 $2.000000030e-01, v41;
	v36 =	vadd.f32 v39, v36  }
0x2d3: {  	v50 =	vld [tilespmem:s10+$0xFFFFFEF0];
	v43 =	vmax.f32 v43, v56;
	v56 =	vadd.f32 v52, v51;
	v51 =	vadd.f32 v54, v37  }
0x2d4: {  	v59 =	vmul.f32 v43, v13;
	v43 =	vadd.f32 v60, v46;
	v46 =	vld [tilespmem:s10+$0xFFFFFF70];
	v41 =	vmax.f32 v41, v53  }
0x2d5: {  	v39 =	vadd.f32 v42, v48;
	v60 =	vmul.f32 $2.000000030e-01, v56;
	v58 =	vmul.f32 v41, v14;
	v41 =	vld [tilespmem:s11+$0xFFFFFEF0]  }
0x2d6: {  	v48 =	vld [tilespmem:s11+$0xFFFFFF70];
	v45 =	vadd.f32 v55, v49;
	v38 =	vadd.f32 v59, v38;
	v59 =	vmax.f32 v61, v57  }
0x2d7: {  	v61 =	vmul.f32 $2.000000030e-01, v39;
	v42 =	vmul.f32 v59, v14;
	v44 =	vmax.f32 v56, v60  }
0x2d8: {  	v40 =	vld [tilespmem:s11+$0xFFFFFE80];
	v56 =	vmul.f32 $2.000000030e-01, v43;
	v60 =	vmul.f32 $2.000000030e-01, v45;
	v36 =	vadd.f32 v58, v36  }
0x2d9: {  	v37 =	vld [tilespmem:s10+$0xFFFFFE80];
	v58 =	vmax.f32 v39, v61;
	v59 =	vmul.f32 v44, v15;
	v57 =	vadd.f32 v42, v38  }
0x2da: {  	v39 =	vld [tilespmem:s10+$0xFFFFFF00];
	v43 =	vmax.f32 v43, v56;
	v47 =	vmul.f32 v58, v15;
	v44 =	vadd.f32 v41, v50  }
0x2db: {  	v42 =	vld [tilespmem:s11+$0xFFFFFF00];
	v45 =	vmax.f32 v45, v60;
	v61 =	vmul.f32 v43, v15;
	v43 =	vadd.f32 v48, v46  }
0x2dc: {  	s12 =	simm.s32 $0x15300;
	v46 =	vmul.f32 v45, v16;
	v45 =	vld [tilespmem:s11+$0xFFFFFF80];
	v36 =	vadd.f32 v47, v36;
	v47 =	vmul.f32 $2.000000030e-01, v44  }
0x2dd: {  	s13 =	simm.s32 $0x0;
	[tilespmem:s12+$0x80] =	vst v35;
	s16 =	simm.s32 $0x75F0;
	v38 =	vadd.f32 v59, v51;
	v41 =	vld [tilespmem:s10+$0xFFFFFF80];
	v35 =	vadd.f32 v61, v57  }
.LBB2_7:
0x2de: {  	v48 =	vld [tilespmem:s16+$0xFFFFFF90];
	v37 =	vadd.f32 v40, v37;
	v40 =	vmax.f32 v44, v47;
	v44 =	vmul.f32 $2.000000030e-01, v43;
	s21 =	sadd.s32 $0x200, s21  }
0x2df: {  	s13 =	sadd.s32 $0x4, s13;
	v47 =	vld [tilespmem:s21+$0xFFFFFF90];
	v38 =	vadd.f32 v46, v38;
	v40 =	vmul.f32 v40, v16  }
0x2e0: {  	p0 =	slt.u32 s13, $0x3C;
	v46 =	vld [tilespmem:s16+$0xFFFFFFA0];
	v49 =	vmul.f32 $2.000000030e-01, v37;
	v39 =	vadd.f32 v42, v39;
	v42 =	vmax.f32 v43, v44  }
0x2e1: {  	v43 =	vld [tilespmem:s21+$0xFFFFFFA0];
	v36 =	vadd.f32 v40, v36;
	v40 =	vmul.f32 v42, v16  }
0x2e2: {  	v42 =	vld [tilespmem:s16+$0xFFFFFFB0];
	v37 =	vmax.f32 v37, v49;
	v44 =	vmul.f32 $2.000000030e-01, v39;
	v41 =	vadd.f32 v45, v41  }
0x2e3: {  	v45 =	vld [tilespmem:s21+$0xFFFFFFB0];
	v37 =	vmul.f32 v37, v17;
	v35 =	vadd.f32 v40, v35  }
0x2e4: {  	v40 =	vadd.f32 v47, v48;
	v47 =	vld [tilespmem:s16+$0xFFFFFFC0];
	v39 =	vmax.f32 v39, v44;
	v44 =	vmul.f32 $2.000000030e-01, v41  }
0x2e5: {  	v48 =	vld [tilespmem:s21+$0xFFFFFFC0];
	v37 =	vadd.f32 v37, v38;
	v38 =	vmul.f32 v39, v17  }
0x2e6: {  	v39 =	vmul.f32 $2.000000030e-01, v40;
	v43 =	vadd.f32 v43, v46;
	v46 =	vld [tilespmem:s16+$0xFFFFFFD0];
	v41 =	vmax.f32 v41, v44  }
0x2e7: {  	v44 =	vld [tilespmem:s21+$0xFFFFFFD0];
	[tilespmem:s12+$0xFFFFFF00] =	vst v37;
	v36 =	vadd.f32 v38, v36;
	v37 =	vmul.f32 v41, v17  }
0x2e8: {  	v38 =	vmax.f32 v40, v39;
	v39 =	vmul.f32 $2.000000030e-01, v43;
	v40 =	vadd.f32 v45, v42;
	v41 =	vld [tilespmem:s16+$0xFFFFFFE0]  }
0x2e9: {  	v38 =	vmul.f32 v38, v2;
	v42 =	vld [tilespmem:s21+$0xFFFFFFE0];
	[tilespmem:s12+$0xFFFFFF80] =	vst v36;
	v35 =	vadd.f32 v37, v35  }
0x2ea: {  	v36 =	vmax.f32 v43, v39;
	v37 =	vmul.f32 $2.000000030e-01, v40;
	v39 =	vadd.f32 v48, v47;
	v43 =	vld [tilespmem:s16+$0xFFFFFFF0]  }
0x2eb: {  	v38 =	vadd.f32 $0.0e+00, v38;
	v36 =	vmul.f32 v36, v3;
	v45 =	vld [tilespmem:s21+$0xFFFFFFF0];
	[tilespmem:s12+$0x0] =	vst v35  }
0x2ec: {  	v35 =	vmax.f32 v40, v37;
	v37 =	vmul.f32 $2.000000030e-01, v39;
	v40 =	vadd.f32 v44, v46;
	v44 =	vld [tilespmem:s16+$0x0]  }
0x2ed: {  	s10 =	sadd.s32 $0x200, s10;
	v36 =	vadd.f32 v36, v38;
	v35 =	vmul.f32 v35, v4;
	v38 =	vld [tilespmem:s21+$0x0]  }
0x2ee: {  	s11 =	sadd.s32 $0x200, s11;
	v37 =	vmax.f32 v39, v37;
	v39 =	vmul.f32 $2.000000030e-01, v40;
	v41 =	vadd.f32 v42, v41;
	v42 =	vld [tilespmem:s10+$0xFFFFFF90]  }
0x2ef: {  	v35 =	vadd.f32 v35, v36;
	v36 =	vmul.f32 v37, v5;
	v37 =	vld [tilespmem:s11+$0xFFFFFF90]  }
0x2f0: {  	v39 =	vmax.f32 v40, v39;
	v40 =	vmul.f32 $2.000000030e-01, v41;
	v43 =	vadd.f32 v45, v43;
	v45 =	vld [tilespmem:s10+$0xFFFFFFA0]  }
0x2f1: {  	v35 =	vadd.f32 v36, v35;
	v36 =	vmul.f32 v39, v6;
	v39 =	vld [tilespmem:s11+$0xFFFFFFA0]  }
0x2f2: {  	v40 =	vmax.f32 v41, v40;
	v41 =	vmul.f32 $2.000000030e-01, v43;
	v38 =	vadd.f32 v38, v44;
	v44 =	vld [tilespmem:s10+$0xFFFFFFB0]  }
0x2f3: {  	v35 =	vadd.f32 v36, v35;
	v36 =	vmul.f32 v40, v7;
	v40 =	vld [tilespmem:s11+$0xFFFFFFB0]  }
0x2f4: {  	v41 =	vmax.f32 v43, v41;
	v43 =	vmul.f32 $2.000000030e-01, v38;
	v37 =	vadd.f32 v37, v42;
	v42 =	vld [tilespmem:s10+$0xFFFFFFC0]  }
0x2f5: {  	v35 =	vadd.f32 v36, v35;
	v36 =	vmul.f32 v41, v8;
	v41 =	vld [tilespmem:s11+$0xFFFFFFC0]  }
0x2f6: {  	v38 =	vmax.f32 v38, v43;
	v43 =	vmul.f32 $2.000000030e-01, v37;
	v39 =	vadd.f32 v39, v45;
	v45 =	vld [tilespmem:s10+$0xFFFFFFD0]  }
0x2f7: {  	v35 =	vadd.f32 v36, v35;
	v36 =	vmul.f32 v38, v9;
	v38 =	vld [tilespmem:s11+$0xFFFFFFD0]  }
0x2f8: {  	v37 =	vmax.f32 v37, v43;
	v43 =	vmul.f32 $2.000000030e-01, v39;
	v40 =	vadd.f32 v40, v44;
	v44 =	vld [tilespmem:s10+$0xFFFFFFE0]  }
0x2f9: {  	v35 =	vadd.f32 v36, v35;
	v36 =	vmul.f32 v37, v10;
	v37 =	vld [tilespmem:s11+$0xFFFFFFE0]  }
0x2fa: {  	v39 =	vmax.f32 v39, v43;
	v43 =	vmul.f32 $2.000000030e-01, v40;
	v41 =	vadd.f32 v41, v42;
	v42 =	vld [tilespmem:s10+$0xFFFFFFF0]  }
0x2fb: {  	v35 =	vadd.f32 v36, v35;
	v36 =	vmul.f32 v39, v11;
	v39 =	vld [tilespmem:s11+$0xFFFFFFF0]  }
0x2fc: {  	v40 =	vmax.f32 v40, v43;
	v43 =	vmul.f32 $2.000000030e-01, v41;
	v38 =	vadd.f32 v38, v45;
	v45 =	vld [tilespmem:s10+$0x0]  }
0x2fd: {  	v35 =	vadd.f32 v36, v35;
	v36 =	vmul.f32 v40, v12;
	v40 =	vld [tilespmem:s11+$0x0]  }
0x2fe: {  	v46 =	vld [tilespmem:s21+$0xFFFFFE10];
	v41 =	vmax.f32 v41, v43;
	v43 =	vmul.f32 $2.000000030e-01, v38;
	v37 =	vadd.f32 v37, v44  }
0x2ff: {  	v44 =	vld [tilespmem:s16+$0xFFFFFE90];
	v35 =	vadd.f32 v36, v35;
	v36 =	vmul.f32 v41, v13  }
0x300: {  	v41 =	vld [tilespmem:s21+$0xFFFFFE90];
	v38 =	vmax.f32 v38, v43;
	v43 =	vmul.f32 $2.000000030e-01, v37;
	v39 =	vadd.f32 v39, v42  }
0x301: {  	v42 =	vld [tilespmem:s16+$0xFFFFFF10];
	v35 =	vadd.f32 v36, v35;
	v36 =	vmul.f32 v38, v14  }
0x302: {  	v38 =	vld [tilespmem:s21+$0xFFFFFF10];
	v37 =	vmax.f32 v37, v43;
	v43 =	vmul.f32 $2.000000030e-01, v39;
	v40 =	vadd.f32 v40, v45  }
0x303: {  	v45 =	vld [tilespmem:s16+$0xFFFFFE10];
	v35 =	vadd.f32 v36, v35;
	v36 =	vmul.f32 v37, v15  }
0x304: {  	v37 =	vld [tilespmem:s16+$0xFFFFFE20];
	v39 =	vmax.f32 v39, v43;
	v43 =	vmul.f32 $2.000000030e-01, v40  }
0x305: {  	v47 =	vld [tilespmem:s21+$0xFFFFFE20];
	v41 =	vadd.f32 v41, v44;
	v35 =	vadd.f32 v36, v35;
	v36 =	vmul.f32 v39, v16  }
0x306: {  	v39 =	vld [tilespmem:s16+$0xFFFFFEA0];
	v40 =	vmax.f32 v40, v43  }
0x307: {  	v43 =	vld [tilespmem:s21+$0xFFFFFEA0];
	v38 =	vadd.f32 v38, v42;
	v35 =	vadd.f32 v36, v35;
	v36 =	vmul.f32 v40, v17  }
0x308: {  	v42 =	vmul.f32 $2.000000030e-01, v41;
	v40 =	vadd.f32 v46, v45;
	v44 =	vld [tilespmem:s16+$0xFFFFFF20]  }
0x309: {  	v45 =	vmul.f32 $2.000000030e-01, v38;
	v46 =	vld [tilespmem:s21+$0xFFFFFF20];
	v35 =	vadd.f32 v36, v35  }
0x30a: {  	s12 =	sadd.s32 $0x200, s12;
	v41 =	vmax.f32 v41, v42;
	v36 =	vmul.f32 $2.000000030e-01, v40;
	v37 =	vadd.f32 v47, v37;
	v47 =	vld [tilespmem:s16+$0xFFFFFE30]  }
0x30b: {  	v41 =	vmul.f32 v41, v2;
	v42 =	vld [tilespmem:s21+$0xFFFFFE30];
	v38 =	vmax.f32 v38, v45;
	[tilespmem:s12+$0x80] =	vst v35  }
0x30c: {  	v35 =	vmax.f32 v40, v36;
	v36 =	vmul.f32 $2.000000030e-01, v37;
	v39 =	vadd.f32 v43, v39;
	v40 =	vld [tilespmem:s16+$0xFFFFFEB0]  }
0x30d: {  	v41 =	vadd.f32 $0.0e+00, v41;
	v38 =	vmul.f32 v38, v2;
	v35 =	vmul.f32 v35, v2;
	v43 =	vld [tilespmem:s21+$0xFFFFFEB0]  }
0x30e: {  	v36 =	vmax.f32 v37, v36;
	v37 =	vmul.f32 $2.000000030e-01, v39;
	v44 =	vadd.f32 v46, v44;
	v45 =	vld [tilespmem:s16+$0xFFFFFF30]  }
0x30f: {  	v38 =	vadd.f32 $0.0e+00, v38;
	v35 =	vadd.f32 $0.0e+00, v35;
	v36 =	vmul.f32 v36, v3;
	v46 =	vld [tilespmem:s21+$0xFFFFFF30]  }
0x310: {  	v42 =	vadd.f32 v42, v47;
	v47 =	vld [tilespmem:s16+$0xFFFFFE40];
	v37 =	vmax.f32 v39, v37;
	v39 =	vmul.f32 $2.000000030e-01, v44  }
0x311: {  	v35 =	vadd.f32 v36, v35;
	v36 =	vld [tilespmem:s21+$0xFFFFFE40];
	v37 =	vmul.f32 v37, v3  }
0x312: {  	v48 =	vmul.f32 $2.000000030e-01, v42;
	v40 =	vadd.f32 v43, v40;
	v43 =	vld [tilespmem:s16+$0xFFFFFEC0];
	v39 =	vmax.f32 v44, v39  }
0x313: {  	v37 =	vadd.f32 v37, v41;
	v41 =	vld [tilespmem:s21+$0xFFFFFEC0];
	v39 =	vmul.f32 v39, v3  }
0x314: {  	v42 =	vmax.f32 v42, v48;
	v44 =	vmul.f32 $2.000000030e-01, v40;
	v45 =	vadd.f32 v46, v45;
	v46 =	vld [tilespmem:s16+$0xFFFFFF40]  }
0x315: {  	v42 =	vmul.f32 v42, v4;
	v38 =	vadd.f32 v39, v38;
	v39 =	vld [tilespmem:s21+$0xFFFFFF40]  }
0x316: {  	v36 =	vadd.f32 v36, v47;
	v47 =	vld [tilespmem:s16+$0xFFFFFE50];
	v40 =	vmax.f32 v40, v44;
	v44 =	vmul.f32 $2.000000030e-01, v45  }
0x317: {  	v35 =	vadd.f32 v42, v35;
	v42 =	vld [tilespmem:s21+$0xFFFFFE50];
	v40 =	vmul.f32 v40, v4  }
0x318: {  	v48 =	vmul.f32 $2.000000030e-01, v36;
	v41 =	vadd.f32 v41, v43;
	v43 =	vld [tilespmem:s16+$0xFFFFFED0];
	v44 =	vmax.f32 v45, v44  }
0x319: {  	v37 =	vadd.f32 v40, v37;
	v40 =	vld [tilespmem:s21+$0xFFFFFED0];
	v44 =	vmul.f32 v44, v4  }
0x31a: {  	v36 =	vmax.f32 v36, v48;
	v45 =	vmul.f32 $2.000000030e-01, v41;
	v39 =	vadd.f32 v39, v46;
	v46 =	vld [tilespmem:s16+$0xFFFFFF50]  }
0x31b: {  	v36 =	vmul.f32 v36, v5;
	v38 =	vadd.f32 v44, v38;
	v44 =	vld [tilespmem:s21+$0xFFFFFF50]  }
0x31c: {  	v42 =	vadd.f32 v42, v47;
	v47 =	vld [tilespmem:s16+$0xFFFFFE60];
	v41 =	vmax.f32 v41, v45;
	v45 =	vmul.f32 $2.000000030e-01, v39  }
0x31d: {  	v35 =	vadd.f32 v36, v35;
	v36 =	vld [tilespmem:s21+$0xFFFFFE60];
	v41 =	vmul.f32 v41, v5  }
0x31e: {  	v48 =	vmul.f32 $2.000000030e-01, v42;
	v40 =	vadd.f32 v40, v43;
	v43 =	vld [tilespmem:s16+$0xFFFFFEE0];
	v39 =	vmax.f32 v39, v45  }
0x31f: {  	v37 =	vadd.f32 v41, v37;
	v41 =	vld [tilespmem:s21+$0xFFFFFEE0];
	v39 =	vmul.f32 v39, v5  }
0x320: {  	v42 =	vmax.f32 v42, v48;
	v45 =	vmul.f32 $2.000000030e-01, v40;
	v44 =	vadd.f32 v44, v46;
	v46 =	vld [tilespmem:s16+$0xFFFFFF60]  }
0x321: {  	v42 =	vmul.f32 v42, v6;
	v38 =	vadd.f32 v39, v38;
	v39 =	vld [tilespmem:s21+$0xFFFFFF60]  }
0x322: {  	v36 =	vadd.f32 v36, v47;
	v47 =	vld [tilespmem:s16+$0xFFFFFE70];
	v40 =	vmax.f32 v40, v45;
	v45 =	vmul.f32 $2.000000030e-01, v44  }
0x323: {  	v35 =	vadd.f32 v42, v35;
	v42 =	vld [tilespmem:s21+$0xFFFFFE70];
	v40 =	vmul.f32 v40, v6  }
0x324: {  	v48 =	vmul.f32 $2.000000030e-01, v36;
	v41 =	vadd.f32 v41, v43;
	v43 =	vld [tilespmem:s16+$0xFFFFFEF0];
	v44 =	vmax.f32 v44, v45  }
0x325: {  	v37 =	vadd.f32 v40, v37;
	v40 =	vld [tilespmem:s21+$0xFFFFFEF0];
	v44 =	vmul.f32 v44, v6  }
0x326: {  	v36 =	vmax.f32 v36, v48;
	v45 =	vmul.f32 $2.000000030e-01, v41;
	v39 =	vadd.f32 v39, v46;
	v46 =	vld [tilespmem:s16+$0xFFFFFF70]  }
0x327: {  	v36 =	vmul.f32 v36, v7;
	v38 =	vadd.f32 v44, v38;
	v44 =	vld [tilespmem:s21+$0xFFFFFF70]  }
0x328: {  	v42 =	vadd.f32 v42, v47;
	v47 =	vld [tilespmem:s16+$0xFFFFFE80];
	v41 =	vmax.f32 v41, v45;
	v45 =	vmul.f32 $2.000000030e-01, v39  }
0x329: {  	v35 =	vadd.f32 v36, v35;
	v36 =	vld [tilespmem:s21+$0xFFFFFE80];
	v41 =	vmul.f32 v41, v7  }
0x32a: {  	v48 =	vmul.f32 $2.000000030e-01, v42;
	v40 =	vadd.f32 v40, v43;
	v43 =	vld [tilespmem:s16+$0xFFFFFF00];
	v39 =	vmax.f32 v39, v45  }
0x32b: {  	v37 =	vadd.f32 v41, v37;
	v41 =	vld [tilespmem:s21+$0xFFFFFF00];
	v39 =	vmul.f32 v39, v7  }
0x32c: {  	v42 =	vmax.f32 v42, v48;
	v45 =	vmul.f32 $2.000000030e-01, v40;
	v44 =	vadd.f32 v44, v46;
	v46 =	vld [tilespmem:s16+$0xFFFFFF80]  }
0x32d: {  	v42 =	vmul.f32 v42, v8;
	v38 =	vadd.f32 v39, v38;
	v39 =	vld [tilespmem:s21+$0xFFFFFF80]  }
0x32e: {  	v36 =	vadd.f32 v36, v47;
	v47 =	vld [tilespmem:s10+$0xFFFFFE10];
	v40 =	vmax.f32 v40, v45;
	v45 =	vmul.f32 $2.000000030e-01, v44  }
0x32f: {  	v35 =	vadd.f32 v42, v35;
	v42 =	vld [tilespmem:s11+$0xFFFFFE10];
	v40 =	vmul.f32 v40, v8  }
0x330: {  	v48 =	vmul.f32 $2.000000030e-01, v36;
	v41 =	vadd.f32 v41, v43;
	v43 =	vld [tilespmem:s10+$0xFFFFFE90];
	v44 =	vmax.f32 v44, v45  }
0x331: {  	v37 =	vadd.f32 v40, v37;
	v40 =	vld [tilespmem:s11+$0xFFFFFE90];
	v44 =	vmul.f32 v44, v8  }
0x332: {  	v36 =	vmax.f32 v36, v48;
	v45 =	vmul.f32 $2.000000030e-01, v41;
	v39 =	vadd.f32 v39, v46;
	v46 =	vld [tilespmem:s10+$0xFFFFFF10]  }
0x333: {  	v36 =	vmul.f32 v36, v9;
	v38 =	vadd.f32 v44, v38;
	v44 =	vld [tilespmem:s11+$0xFFFFFF10]  }
0x334: {  	v42 =	vadd.f32 v42, v47;
	v47 =	vld [tilespmem:s10+$0xFFFFFE20];
	v41 =	vmax.f32 v41, v45;
	v45 =	vmul.f32 $2.000000030e-01, v39  }
0x335: {  	v35 =	vadd.f32 v36, v35;
	v36 =	vld [tilespmem:s11+$0xFFFFFE20];
	v41 =	vmul.f32 v41, v9  }
0x336: {  	v48 =	vmul.f32 $2.000000030e-01, v42;
	v40 =	vadd.f32 v40, v43;
	v43 =	vld [tilespmem:s10+$0xFFFFFEA0];
	v39 =	vmax.f32 v39, v45  }
0x337: {  	v37 =	vadd.f32 v41, v37;
	v41 =	vld [tilespmem:s11+$0xFFFFFEA0];
	v39 =	vmul.f32 v39, v9  }
0x338: {  	v42 =	vmax.f32 v42, v48;
	v45 =	vmul.f32 $2.000000030e-01, v40;
	v44 =	vadd.f32 v44, v46;
	v46 =	vld [tilespmem:s10+$0xFFFFFF20]  }
0x339: {  	v42 =	vmul.f32 v42, v10;
	v38 =	vadd.f32 v39, v38;
	v39 =	vld [tilespmem:s11+$0xFFFFFF20]  }
0x33a: {  	v36 =	vadd.f32 v36, v47;
	v47 =	vld [tilespmem:s10+$0xFFFFFE30];
	v40 =	vmax.f32 v40, v45;
	v45 =	vmul.f32 $2.000000030e-01, v44  }
0x33b: {  	v35 =	vadd.f32 v42, v35;
	v42 =	vld [tilespmem:s11+$0xFFFFFE30];
	v40 =	vmul.f32 v40, v10  }
0x33c: {  	v48 =	vmul.f32 $2.000000030e-01, v36;
	v41 =	vadd.f32 v41, v43;
	v43 =	vld [tilespmem:s10+$0xFFFFFEB0];
	v44 =	vmax.f32 v44, v45  }
0x33d: {  	v37 =	vadd.f32 v40, v37;
	v40 =	vld [tilespmem:s11+$0xFFFFFEB0];
	v44 =	vmul.f32 v44, v10  }
0x33e: {  	v36 =	vmax.f32 v36, v48;
	v45 =	vmul.f32 $2.000000030e-01, v41;
	v39 =	vadd.f32 v39, v46;
	v46 =	vld [tilespmem:s10+$0xFFFFFF30]  }
0x33f: {  	v36 =	vmul.f32 v36, v11;
	v38 =	vadd.f32 v44, v38;
	v44 =	vld [tilespmem:s11+$0xFFFFFF30]  }
0x340: {  	v42 =	vadd.f32 v42, v47;
	v47 =	vld [tilespmem:s10+$0xFFFFFE40];
	v41 =	vmax.f32 v41, v45;
	v45 =	vmul.f32 $2.000000030e-01, v39  }
0x341: {  	v35 =	vadd.f32 v36, v35;
	v36 =	vld [tilespmem:s11+$0xFFFFFE40];
	v41 =	vmul.f32 v41, v11  }
0x342: {  	v48 =	vmul.f32 $2.000000030e-01, v42;
	v40 =	vadd.f32 v40, v43;
	v43 =	vld [tilespmem:s10+$0xFFFFFEC0];
	v39 =	vmax.f32 v39, v45  }
0x343: {  	v37 =	vadd.f32 v41, v37;
	v41 =	vld [tilespmem:s11+$0xFFFFFEC0];
	v39 =	vmul.f32 v39, v11  }
0x344: {  	v42 =	vmax.f32 v42, v48;
	v45 =	vmul.f32 $2.000000030e-01, v40;
	v44 =	vadd.f32 v44, v46;
	v46 =	vld [tilespmem:s10+$0xFFFFFF40]  }
0x345: {  	v42 =	vmul.f32 v42, v12;
	v38 =	vadd.f32 v39, v38;
	v39 =	vld [tilespmem:s11+$0xFFFFFF40]  }
0x346: {  	v36 =	vadd.f32 v36, v47;
	v47 =	vld [tilespmem:s10+$0xFFFFFE50];
	v40 =	vmax.f32 v40, v45;
	v45 =	vmul.f32 $2.000000030e-01, v44  }
0x347: {  	v35 =	vadd.f32 v42, v35;
	v42 =	vld [tilespmem:s11+$0xFFFFFE50];
	v40 =	vmul.f32 v40, v12  }
0x348: {  	v48 =	vmul.f32 $2.000000030e-01, v36;
	v41 =	vadd.f32 v41, v43;
	v43 =	vld [tilespmem:s10+$0xFFFFFED0];
	v44 =	vmax.f32 v44, v45  }
0x349: {  	v37 =	vadd.f32 v40, v37;
	v40 =	vld [tilespmem:s11+$0xFFFFFED0];
	v44 =	vmul.f32 v44, v12  }
0x34a: {  	v36 =	vmax.f32 v36, v48;
	v45 =	vmul.f32 $2.000000030e-01, v41;
	v39 =	vadd.f32 v39, v46;
	v46 =	vld [tilespmem:s10+$0xFFFFFF50]  }
0x34b: {  	v36 =	vmul.f32 v36, v13;
	v38 =	vadd.f32 v44, v38;
	v44 =	vld [tilespmem:s11+$0xFFFFFF50]  }
0x34c: {  	v42 =	vadd.f32 v42, v47;
	v47 =	vld [tilespmem:s10+$0xFFFFFE60];
	v41 =	vmax.f32 v41, v45;
	v45 =	vmul.f32 $2.000000030e-01, v39  }
0x34d: {  	v35 =	vadd.f32 v36, v35;
	v36 =	vld [tilespmem:s11+$0xFFFFFE60];
	v41 =	vmul.f32 v41, v13  }
0x34e: {  	v48 =	vmul.f32 $2.000000030e-01, v42;
	v40 =	vadd.f32 v40, v43;
	v43 =	vld [tilespmem:s10+$0xFFFFFEE0];
	v39 =	vmax.f32 v39, v45  }
0x34f: {  	v37 =	vadd.f32 v41, v37;
	v41 =	vld [tilespmem:s11+$0xFFFFFEE0];
	v39 =	vmul.f32 v39, v13  }
0x350: {  	v42 =	vmax.f32 v42, v48;
	v45 =	vmul.f32 $2.000000030e-01, v40;
	v44 =	vadd.f32 v44, v46;
	v46 =	vld [tilespmem:s10+$0xFFFFFF60]  }
0x351: {  	v42 =	vmul.f32 v42, v14;
	v38 =	vadd.f32 v39, v38;
	v39 =	vld [tilespmem:s11+$0xFFFFFF60]  }
0x352: {  	v36 =	vadd.f32 v36, v47;
	v47 =	vld [tilespmem:s10+$0xFFFFFE70];
	v40 =	vmax.f32 v40, v45;
	v45 =	vmul.f32 $2.000000030e-01, v44  }
0x353: {  	v35 =	vadd.f32 v42, v35;
	v42 =	vld [tilespmem:s11+$0xFFFFFE70];
	v40 =	vmul.f32 v40, v14  }
0x354: {  	v48 =	vmul.f32 $2.000000030e-01, v36;
	v41 =	vadd.f32 v41, v43;
	v43 =	vld [tilespmem:s10+$0xFFFFFEF0];
	v44 =	vmax.f32 v44, v45  }
0x355: {  	v45 =	vadd.f32 v40, v37;
	v49 =	vld [tilespmem:s11+$0xFFFFFEF0];
	v37 =	vmul.f32 v44, v14  }
0x356: {  	v36 =	vmax.f32 v36, v48;
	v40 =	vmul.f32 $2.000000030e-01, v41;
	v46 =	vadd.f32 v39, v46;
	v48 =	vld [tilespmem:s10+$0xFFFFFF70]  }
0x357: {  	v36 =	vmul.f32 v36, v15;
	v50 =	vadd.f32 v37, v38;
	v51 =	vld [tilespmem:s11+$0xFFFFFF70]  }
0x358: {  	v47 =	vadd.f32 v42, v47;
	v37 =	vld [tilespmem:s10+$0xFFFFFE80];
	v39 =	vmax.f32 v41, v40;
	v41 =	vmul.f32 $2.000000030e-01, v46  }
.Ltmp2:
0x359: {  	v38 =	vadd.f32 v36, v35;
	v40 =	vld [tilespmem:s11+$0xFFFFFE80];
	v35 =	vmul.f32 v39, v15;
	(pc) =	sbr.rel @p0 .LBB2_7-.Ltmp2, $4  }
0x35a: {  	v52 =	vmul.f32 $2.000000030e-01, v47;
	v44 =	vadd.f32 v49, v43;
	v39 =	vld [tilespmem:s10+$0xFFFFFF00];
	v41 =	vmax.f32 v46, v41  }
0x35b: {  	v36 =	vadd.f32 v35, v45;
	v42 =	vld [tilespmem:s11+$0xFFFFFF00];
	v35 =	vmul.f32 v41, v15  }
0x35c: {  	v45 =	vmax.f32 v47, v52;
	v47 =	vmul.f32 $2.000000030e-01, v44;
	v43 =	vadd.f32 v51, v48;
	v41 =	vld [tilespmem:s10+$0xFFFFFF80]  }
0x35d: {  	s16 =	sadd.s32 $0x200, s16;
	v46 =	vmul.f32 v45, v16;
	v35 =	vadd.f32 v35, v50;
	v45 =	vld [tilespmem:s11+$0xFFFFFF80]  }
0x35e: {  	_ =	sdelay $0x1  }
0x35f: {  	v37 =	vadd.f32 v40, v37  }
0x360: {  	v48 =	vmul.f32 $2.000000030e-01, v43;
	v39 =	vadd.f32 v42, v39  }
0x361: {  	v49 =	vmax.f32 v44, v47;
	v50 =	vmul.f32 $2.000000030e-01, v37;
	v41 =	vadd.f32 v45, v41  }
0x362: {  	v38 =	vadd.f32 v46, v38;
	v40 =	vmax.f32 v43, v48;
	v51 =	vmul.f32 $2.000000030e-01, v39  }
0x363: {  	v42 =	vmul.f32 v49, v16;
	v37 =	vmax.f32 v37, v50;
	v52 =	vmul.f32 $2.000000030e-01, v41  }
0x364: {  	v40 =	vmul.f32 v40, v16;
	v37 =	vmul.f32 v37, v17;
	v39 =	vmax.f32 v39, v51  }
0x365: {  	v36 =	vadd.f32 v42, v36;
	v39 =	vmul.f32 v39, v17;
	v41 =	vmax.f32 v41, v52  }
0x366: {  	v35 =	vadd.f32 v40, v35;
	v37 =	vadd.f32 v37, v38;
	v53 =	vmul.f32 v41, v17  }
0x367: {  	v36 =	vadd.f32 v39, v36  }
0x368: {  	[tilespmem:s12+$0xFFFFFF00] =	vst v37;
	v35 =	vadd.f32 v53, v35  }
0x369: {  	[tilespmem:s12+$0xFFFFFF80] =	vst v36  }
0x36a: {  	[tilespmem:s12+$0x0] =	vst v35  }
0x36b: {  	v36 =	vld [tilespmem:$0x1FD40];
	_ =	sdelay $0x1  }
0x36c: {  	v37 =	vld [tilespmem:$0x1FD50];
	_ =	sdelay $0x1  }
0x36d: {  	v54 =	vld [tilespmem:$0x1FD60]  }
0x36e: {  	v35 =	vld.idx.msk [tilespmem:v1+s29+$0x0], $0xffff  }
0x36f: {  	v55 =	vld [tilespmem:$0x1FD70]  }
0x370: {  	v56 =	vld [tilespmem:$0x1FD80]  }
0x371: {  	v36 =	vld.idx.msk [tilespmem:v36+s29+$0x0], $0xffff  }
0x372: {  	v57 =	vld [tilespmem:$0x1FD90]  }
0x373: {  	v37 =	vld.idx.msk [tilespmem:v37+s29+$0x0], $0xffff  }
0x374: {  	v58 =	vld [tilespmem:$0x1FDA0];
	v35 =	vadd.f32 $0.0e+00, v35  }
0x375: {  	v38 =	vld.idx.msk [tilespmem:v54+s29+$0x0], $0xffff  }
0x376: {  	v59 =	vld [tilespmem:$0x1FDB0];
	v35 =	vadd.f32 v36, v35  }
0x377: {  	v36 =	vld.idx.msk [tilespmem:v55+s29+$0x0], $0xffff  }
0x378: {  	v60 =	vld [tilespmem:$0x1FDC0];
	v35 =	vadd.f32 v37, v35  }
0x379: {  	v37 =	vld.idx.msk [tilespmem:v56+s29+$0x0], $0xffff  }
0x37a: {  	v61 =	vld [tilespmem:$0x1FDD0];
	v35 =	vadd.f32 v38, v35  }
0x37b: {  	v38 =	vld.idx.msk [tilespmem:v57+s29+$0x0], $0xffff  }
0x37c: {  	v40 =	vld [tilespmem:$0x1FDE0];
	v35 =	vadd.f32 v36, v35  }
0x37d: {  	v36 =	vld.idx.msk [tilespmem:v58+s29+$0x0], $0xffff  }
0x37e: {  	v41 =	vld [tilespmem:$0x1FDF0];
	v35 =	vadd.f32 v37, v35  }
0x37f: {  	v37 =	vld.idx.msk [tilespmem:v59+s29+$0x0], $0xffff  }
0x380: {  	v42 =	vld [tilespmem:$0x1FE00];
	v35 =	vadd.f32 v38, v35  }
0x381: {  	v38 =	vld.idx.msk [tilespmem:v60+s29+$0x0], $0xffff  }
0x382: {  	v43 =	vld [tilespmem:$0x1FE10];
	v35 =	vadd.f32 v36, v35  }
0x383: {  	v36 =	vld.idx.msk [tilespmem:v61+s29+$0x0], $0xffff  }
0x384: {  	v44 =	vld [tilespmem:$0x1FE20];
	v35 =	vadd.f32 v37, v35  }
0x385: {  	v37 =	vld.idx.msk [tilespmem:v40+s29+$0x0], $0xffff  }
0x386: {  	v35 =	vadd.f32 v38, v35  }
0x387: {  	v38 =	vld.idx.msk [tilespmem:v41+s29+$0x0], $0xffff  }
0x388: {  	v35 =	vadd.f32 v36, v35  }
0x389: {  	v36 =	vld.idx.msk [tilespmem:v42+s29+$0x0], $0xffff  }
0x38a: {  	v35 =	vadd.f32 v37, v35  }
0x38b: {  	v37 =	vld.idx.msk [tilespmem:v43+s29+$0x0], $0xffff  }
0x38c: {  	v35 =	vadd.f32 v38, v35  }
0x38d: {  	v38 =	vld.idx.msk [tilespmem:v44+s29+$0x0], $0xffff  }
0x38e: {  	v35 =	vadd.f32 v36, v35;
	_ =	sdelay $0x1  }
0x38f: {  	v35 =	vadd.f32 v37, v35;
	_ =	sdelay $0x1  }
0x390: {  	v35 =	vadd.f32 v38, v35;
	_ =	sdelay $0x1  }
0x391: {  	v35 =	vmul.f32 $1.442695020e+00, v35;
	_ =	sdelay $0x1  }
0x392: {  	(erf) = vpow2.f32 v35;
	_ =	sdelay $0x2  }
0x393: {  	v45 =	vld [tilespmem:$0x1FE30];
	_ =	sdelay $0x1  }
0x394: {  	v46 =	vld [tilespmem:$0x1FE40];
	_ =	sdelay $0x1  }
0x395: {  	v47 =	vld [tilespmem:$0x1FE50];
	_ =	sdelay $0x1  }
0x396: {  	v48 =	vld [tilespmem:$0x1FE60];
	v35 =	vpop (erf)  }
0x397: {  	v49 =	vld [tilespmem:$0x1FE70];
	[tilespmem:$0x17280] =	vst v35  }
0x398: {  	v36 =	vld.idx.msk [tilespmem:v45+s29+$0x0], $0xffff  }
0x399: {  	v50 =	vld [tilespmem:$0x1FE80]  }
0x39a: {  	v37 =	vld.idx.msk [tilespmem:v46+s29+$0x0], $0xffff  }
0x39b: {  	v51 =	vld [tilespmem:$0x1FE90]  }
0x39c: {  	v38 =	vld.idx.msk [tilespmem:v47+s29+$0x0], $0xffff  }
0x39d: {  	v52 =	vld [tilespmem:$0x1FEA0];
	v36 =	vadd.f32 $0.0e+00, v36  }
0x39e: {  	v39 =	vld.idx.msk [tilespmem:v48+s29+$0x0], $0xffff  }
0x39f: {  	v53 =	vld [tilespmem:$0x1FEB0];
	v36 =	vadd.f32 v37, v36  }
0x3a0: {  	v37 =	vld.idx.msk [tilespmem:v49+s29+$0x0], $0xffff  }
0x3a1: {  	v54 =	vld [tilespmem:$0x1FEC0];
	v36 =	vadd.f32 v38, v36  }
0x3a2: {  	v38 =	vld.idx.msk [tilespmem:v50+s29+$0x0], $0xffff  }
0x3a3: {  	v55 =	vld [tilespmem:$0x1FED0];
	v36 =	vadd.f32 v39, v36  }
0x3a4: {  	v39 =	vld.idx.msk [tilespmem:v51+s29+$0x0], $0xffff  }
0x3a5: {  	v56 =	vld [tilespmem:$0x1FEE0];
	v36 =	vadd.f32 v37, v36  }
0x3a6: {  	v37 =	vld.idx.msk [tilespmem:v52+s29+$0x0], $0xffff  }
0x3a7: {  	v57 =	vld [tilespmem:$0x1FEF0];
	v36 =	vadd.f32 v38, v36  }
0x3a8: {  	v38 =	vld.idx.msk [tilespmem:v53+s29+$0x0], $0xffff  }
0x3a9: {  	v58 =	vld [tilespmem:$0x1FF00];
	v36 =	vadd.f32 v39, v36  }
0x3aa: {  	v39 =	vld.idx.msk [tilespmem:v54+s29+$0x0], $0xffff  }
0x3ab: {  	v59 =	vld [tilespmem:$0x1FF10];
	v36 =	vadd.f32 v37, v36  }
0x3ac: {  	v37 =	vld.idx.msk [tilespmem:v55+s29+$0x0], $0xffff  }
0x3ad: {  	v60 =	vld [tilespmem:$0x1FF20];
	v36 =	vadd.f32 v38, v36  }
0x3ae: {  	v38 =	vld.idx.msk [tilespmem:v56+s29+$0x0], $0xffff  }
0x3af: {  	v36 =	vadd.f32 v39, v36  }
0x3b0: {  	v39 =	vld.idx.msk [tilespmem:v57+s29+$0x0], $0xffff  }
0x3b1: {  	v36 =	vadd.f32 v37, v36  }
0x3b2: {  	v37 =	vld.idx.msk [tilespmem:v58+s29+$0x0], $0xffff  }
0x3b3: {  	v36 =	vadd.f32 v38, v36  }
0x3b4: {  	v38 =	vld.idx.msk [tilespmem:v59+s29+$0x0], $0xffff  }
0x3b5: {  	v36 =	vadd.f32 v39, v36  }
0x3b6: {  	v39 =	vld.idx.msk [tilespmem:v60+s29+$0x0], $0xffff  }
0x3b7: {  	v36 =	vadd.f32 v37, v36;
	_ =	sdelay $0x1  }
0x3b8: {  	v36 =	vadd.f32 v38, v36;
	_ =	sdelay $0x1  }
0x3b9: {  	v36 =	vadd.f32 v39, v36;
	_ =	sdelay $0x1  }
0x3ba: {  	v36 =	vmul.f32 $1.442695020e+00, v36;
	_ =	sdelay $0x1  }
0x3bb: {  	(erf) = vpow2.f32 v36;
	_ =	sdelay $0x2  }
0x3bc: {  	v61 =	vld [tilespmem:$0x1FF30];
	_ =	sdelay $0x1  }
0x3bd: {  	v40 =	vld [tilespmem:$0x1FF40];
	_ =	sdelay $0x1  }
0x3be: {  	v41 =	vld [tilespmem:$0x1FF50];
	_ =	sdelay $0x1  }
0x3bf: {  	v42 =	vld [tilespmem:$0x1FF60];
	v36 =	vpop (erf)  }
0x3c0: {  	v43 =	vld [tilespmem:$0x1FF70];
	[tilespmem:$0x17290] =	vst v36  }
0x3c1: {  	v36 =	vld.idx.msk [tilespmem:v61+s29+$0x0], $0xffff  }
0x3c2: {  	v44 =	vld [tilespmem:$0x1FF80]  }
0x3c3: {  	v37 =	vld.idx.msk [tilespmem:v40+s29+$0x0], $0xffff  }
0x3c4: {  	v45 =	vld [tilespmem:$0x1FF90]  }
0x3c5: {  	v38 =	vld.idx.msk [tilespmem:v41+s29+$0x0], $0xffff  }
0x3c6: {  	v46 =	vld [tilespmem:$0x1FFA0];
	v36 =	vadd.f32 $0.0e+00, v36  }
0x3c7: {  	v39 =	vld.idx.msk [tilespmem:v42+s29+$0x0], $0xffff  }
0x3c8: {  	v47 =	vld [tilespmem:$0x1FFB0];
	v36 =	vadd.f32 v37, v36  }
0x3c9: {  	v37 =	vld.idx.msk [tilespmem:v43+s29+$0x0], $0xffff  }
0x3ca: {  	v48 =	vld [tilespmem:$0x1FFC0];
	v36 =	vadd.f32 v38, v36  }
0x3cb: {  	v38 =	vld.idx.msk [tilespmem:v44+s29+$0x0], $0xffff  }
0x3cc: {  	v49 =	vld [tilespmem:$0x1FFD0];
	v36 =	vadd.f32 v39, v36  }
0x3cd: {  	v39 =	vld.idx.msk [tilespmem:v45+s29+$0x0], $0xffff  }
0x3ce: {  	v50 =	vld [tilespmem:$0x1FFE0];
	v36 =	vadd.f32 v37, v36  }
0x3cf: {  	v37 =	vld.idx.msk [tilespmem:v46+s29+$0x0], $0xffff  }
0x3d0: {  	v51 =	vld [tilespmem:$0x1FFF0];
	v36 =	vadd.f32 v38, v36  }
0x3d1: {  	v38 =	vld.idx.msk [tilespmem:v47+s29+$0x0], $0xffff  }
0x3d2: {  	v36 =	vadd.f32 v39, v36  }
0x3d3: {  	v39 =	vld.idx.msk [tilespmem:v48+s29+$0x0], $0xffff  }
0x3d4: {  	v36 =	vadd.f32 v37, v36  }
0x3d5: {  	v37 =	vld.idx.msk [tilespmem:v49+s29+$0x0], $0xffff  }
0x3d6: {  	v36 =	vadd.f32 v38, v36  }
0x3d7: {  	v38 =	vld.idx.msk [tilespmem:v50+s29+$0x0], $0xffff  }
0x3d8: {  	v36 =	vadd.f32 v39, v36  }
0x3d9: {  	v39 =	vld.idx.msk [tilespmem:v51+s29+$0x0], $0xffff  }
0x3da: {  	v36 =	vadd.f32 v37, v36  }
0x3db: {  	v52 =	vld.idx.msk [tilespmem:v62+s29+$0x0], $0xffff  }
0x3dc: {  	v36 =	vadd.f32 v38, v36  }
0x3dd: {  	v53 =	vld.idx.msk [tilespmem:v63+s29+$0x0], $0xffff  }
0x3de: {  	v36 =	vadd.f32 v39, v36  }
0x3df: {  	v18 =	vld.idx.msk [tilespmem:v18+s29+$0x0], $0xffff  }
0x3e0: {  	v36 =	vadd.f32 v52, v36;
	_ =	sdelay $0x1  }
0x3e1: {  	v36 =	vadd.f32 v53, v36;
	_ =	sdelay $0x1  }
0x3e2: {  	v18 =	vadd.f32 v18, v36;
	_ =	sdelay $0x1  }
0x3e3: {  	v18 =	vmul.f32 $1.442695020e+00, v18;
	_ =	sdelay $0x1  }
0x3e4: {  	(erf) = vpow2.f32 v18;
	_ =	sdelay $0x8  }
0x3e5: {  	v18 =	vpop (erf)  }
0x3e6: {  	[tilespmem:$0x172A0] =	vst v18  }
0x3e7: {  	v18 =	vld.idx.msk [tilespmem:v19+s29+$0x0], $0xffff;
	_ =	sdelay $0x1  }
0x3e8: {  	v19 =	vld.idx.msk [tilespmem:v20+s29+$0x0], $0xffff;
	_ =	sdelay $0x1  }
0x3e9: {  	v54 =	vld.idx.msk [tilespmem:v21+s29+$0x0], $0xffff  }
0x3ea: {  	v18 =	vadd.f32 $0.0e+00, v18  }
0x3eb: {  	v55 =	vld.idx.msk [tilespmem:v22+s29+$0x0], $0xffff  }
0x3ec: {  	v18 =	vadd.f32 v19, v18  }
0x3ed: {  	v19 =	vld.idx.msk [tilespmem:v23+s29+$0x0], $0xffff  }
0x3ee: {  	v18 =	vadd.f32 v54, v18  }
0x3ef: {  	v56 =	vld.idx.msk [tilespmem:v24+s29+$0x0], $0xffff  }
0x3f0: {  	v18 =	vadd.f32 v55, v18  }
0x3f1: {  	v57 =	vld.idx.msk [tilespmem:v25+s29+$0x0], $0xffff  }
0x3f2: {  	v18 =	vadd.f32 v19, v18  }
0x3f3: {  	v19 =	vld.idx.msk [tilespmem:v26+s29+$0x0], $0xffff  }
0x3f4: {  	v18 =	vadd.f32 v56, v18  }
0x3f5: {  	v58 =	vld.idx.msk [tilespmem:v27+s29+$0x0], $0xffff  }
0x3f6: {  	v18 =	vadd.f32 v57, v18  }
0x3f7: {  	v59 =	vld.idx.msk [tilespmem:v28+s29+$0x0], $0xffff  }
0x3f8: {  	v18 =	vadd.f32 v19, v18  }
0x3f9: {  	v19 =	vld.idx.msk [tilespmem:v29+s29+$0x0], $0xffff  }
0x3fa: {  	v18 =	vadd.f32 v58, v18  }
0x3fb: {  	v60 =	vld.idx.msk [tilespmem:v30+s29+$0x0], $0xffff  }
0x3fc: {  	v18 =	vadd.f32 v59, v18  }
0x3fd: {  	v61 =	vld.idx.msk [tilespmem:v31+s29+$0x0], $0xffff  }
0x3fe: {  	v18 =	vadd.f32 v19, v18  }
0x3ff: {  	v19 =	vld.idx.msk [tilespmem:v32+s29+$0x0], $0xffff  }
0x400: {  	v18 =	vadd.f32 v60, v18  }
0x401: {  	v62 =	vld.idx.msk [tilespmem:v33+s29+$0x0], $0xffff  }
0x402: {  	v18 =	vadd.f32 v61, v18  }
0x403: {  	v63 =	vld.idx.msk [tilespmem:v34+s29+$0x0], $0xffff  }
0x404: {  	v18 =	vadd.f32 v19, v18;
	_ =	sdelay $0x1  }
0x405: {  	v18 =	vadd.f32 v62, v18;
	_ =	sdelay $0x1  }
0x406: {  	v18 =	vadd.f32 v63, v18;
	_ =	sdelay $0x1  }
0x407: {  	v18 =	vmul.f32 $1.442695020e+00, v18;
	_ =	sdelay $0x1  }
0x408: {  	(erf) = vpow2.f32 v18;
	_ =	sdelay $0x8  }
0x409: {  	v18 =	vpop (erf)  }
0x40a: {  	[tilespmem:$0x172B0] =	vst v18  }
0x40b: {  	v18 =	vld [tilespmem:s22+$0x3D40];
	_ =	sdelay $0x7  }
0x40c: {  	[tilespmem:v18+s5+$0x0] =	vst.idx.add.f32.msk $0x1, v35  }
0x40d: {  	[tilespmem:v18+s5+$0x0] =	vst.idx.add.f32.msk vm0, v35  }
0x40e: {  	[tilespmem:v18+s5+$0x0] =	vst.idx.add.f32.msk vm1, v35  }
0x40f: {  	[tilespmem:v18+s5+$0x0] =	vst.idx.add.f32.msk vm2, v35  }
0x410: {  	[tilespmem:v18+s5+$0x0] =	vst.idx.add.f32.msk vm3, v35  }
0x411: {  	[tilespmem:v18+s5+$0x0] =	vst.idx.add.f32.msk vm4, v35  }
0x412: {  	[tilespmem:v18+s5+$0x0] =	vst.idx.add.f32.msk vm5, v35  }
0x413: {  	[tilespmem:v18+s5+$0x0] =	vst.idx.add.f32.msk vm6, v35  }
0x414: {  	[tilespmem:v18+s5+$0x0] =	vst.idx.add.f32.msk vm7, v35  }
0x415: {  	[tilespmem:v18+s5+$0x0] =	vst.idx.add.f32.msk vm8, v35  }
0x416: {  	[tilespmem:v18+s5+$0x0] =	vst.idx.add.f32.msk vm9, v35  }
0x417: {  	[tilespmem:v18+s5+$0x0] =	vst.idx.add.f32.msk vm10, v35  }
0x418: {  	[tilespmem:v18+s5+$0x0] =	vst.idx.add.f32.msk vm11, v35  }
0x419: {  	[tilespmem:v18+s5+$0x0] =	vst.idx.add.f32.msk vm12, v35  }
0x41a: {  	[tilespmem:v18+s5+$0x0] =	vst.idx.add.f32.msk vm13, v35  }
0x41b: {  	[tilespmem:v18+s5+$0x0] =	vst.idx.add.f32.msk vm14, v35  }
0x41c: {  	v18 =	vld [tilespmem:s22+$0x3D50];
	_ =	sdelay $0x2  }
0x41d: {  	v19 =	vld [tilespmem:$0x17290];
	_ =	sdelay $0x4  }
0x41e: {  	[tilespmem:v18+s5+$0x0] =	vst.idx.add.f32.msk $0x1, v19  }
0x41f: {  	[tilespmem:v18+s5+$0x0] =	vst.idx.add.f32.msk vm0, v19  }
0x420: {  	[tilespmem:v18+s5+$0x0] =	vst.idx.add.f32.msk vm1, v19  }
0x421: {  	[tilespmem:v18+s5+$0x0] =	vst.idx.add.f32.msk vm2, v19  }
0x422: {  	[tilespmem:v18+s5+$0x0] =	vst.idx.add.f32.msk vm3, v19  }
0x423: {  	[tilespmem:v18+s5+$0x0] =	vst.idx.add.f32.msk vm4, v19  }
0x424: {  	[tilespmem:v18+s5+$0x0] =	vst.idx.add.f32.msk vm5, v19  }
0x425: {  	[tilespmem:v18+s5+$0x0] =	vst.idx.add.f32.msk vm6, v19  }
0x426: {  	[tilespmem:v18+s5+$0x0] =	vst.idx.add.f32.msk vm7, v19  }
0x427: {  	[tilespmem:v18+s5+$0x0] =	vst.idx.add.f32.msk vm8, v19  }
0x428: {  	[tilespmem:v18+s5+$0x0] =	vst.idx.add.f32.msk vm9, v19  }
0x429: {  	[tilespmem:v18+s5+$0x0] =	vst.idx.add.f32.msk vm10, v19  }
0x42a: {  	[tilespmem:v18+s5+$0x0] =	vst.idx.add.f32.msk vm11, v19  }
0x42b: {  	[tilespmem:v18+s5+$0x0] =	vst.idx.add.f32.msk vm12, v19  }
0x42c: {  	[tilespmem:v18+s5+$0x0] =	vst.idx.add.f32.msk vm13, v19  }
0x42d: {  	[tilespmem:v18+s5+$0x0] =	vst.idx.add.f32.msk vm14, v19  }
0x42e: {  	v18 =	vld [tilespmem:s22+$0x3D60];
	_ =	sdelay $0x2  }
0x42f: {  	v19 =	vld [tilespmem:$0x172A0];
	_ =	sdelay $0x4  }
0x430: {  	[tilespmem:v18+s5+$0x0] =	vst.idx.add.f32.msk $0x1, v19  }
0x431: {  	[tilespmem:v18+s5+$0x0] =	vst.idx.add.f32.msk vm0, v19  }
0x432: {  	[tilespmem:v18+s5+$0x0] =	vst.idx.add.f32.msk vm1, v19  }
0x433: {  	[tilespmem:v18+s5+$0x0] =	vst.idx.add.f32.msk vm2, v19  }
0x434: {  	[tilespmem:v18+s5+$0x0] =	vst.idx.add.f32.msk vm3, v19  }
0x435: {  	[tilespmem:v18+s5+$0x0] =	vst.idx.add.f32.msk vm4, v19  }
0x436: {  	[tilespmem:v18+s5+$0x0] =	vst.idx.add.f32.msk vm5, v19  }
0x437: {  	[tilespmem:v18+s5+$0x0] =	vst.idx.add.f32.msk vm6, v19  }
0x438: {  	[tilespmem:v18+s5+$0x0] =	vst.idx.add.f32.msk vm7, v19  }
0x439: {  	[tilespmem:v18+s5+$0x0] =	vst.idx.add.f32.msk vm8, v19  }
0x43a: {  	[tilespmem:v18+s5+$0x0] =	vst.idx.add.f32.msk vm9, v19  }
0x43b: {  	[tilespmem:v18+s5+$0x0] =	vst.idx.add.f32.msk vm10, v19  }
0x43c: {  	[tilespmem:v18+s5+$0x0] =	vst.idx.add.f32.msk vm11, v19  }
0x43d: {  	[tilespmem:v18+s5+$0x0] =	vst.idx.add.f32.msk vm12, v19  }
0x43e: {  	[tilespmem:v18+s5+$0x0] =	vst.idx.add.f32.msk vm13, v19  }
0x43f: {  	[tilespmem:v18+s5+$0x0] =	vst.idx.add.f32.msk vm14, v19  }
0x440: {  	v18 =	vld [tilespmem:s22+$0x3D70];
	_ =	sdelay $0x2  }
0x441: {  	v19 =	vld [tilespmem:$0x172B0];
	_ =	sdelay $0x4  }
0x442: {  	[tilespmem:v18+s5+$0x0] =	vst.idx.add.f32.msk $0x1, v19  }
0x443: {  	[tilespmem:v18+s5+$0x0] =	vst.idx.add.f32.msk vm0, v19  }
0x444: {  	[tilespmem:v18+s5+$0x0] =	vst.idx.add.f32.msk vm1, v19  }
0x445: {  	[tilespmem:v18+s5+$0x0] =	vst.idx.add.f32.msk vm2, v19  }
0x446: {  	[tilespmem:v18+s5+$0x0] =	vst.idx.add.f32.msk vm3, v19  }
0x447: {  	[tilespmem:v18+s5+$0x0] =	vst.idx.add.f32.msk vm4, v19  }
0x448: {  	[tilespmem:v18+s5+$0x0] =	vst.idx.add.f32.msk vm5, v19  }
0x449: {  	[tilespmem:v18+s5+$0x0] =	vst.idx.add.f32.msk vm6, v19  }
0x44a: {  	[tilespmem:v18+s5+$0x0] =	vst.idx.add.f32.msk vm7, v19  }
0x44b: {  	[tilespmem:v18+s5+$0x0] =	vst.idx.add.f32.msk vm8, v19  }
0x44c: {  	s19 =	sadd.s32 $0x1, s19;
	[tilespmem:v18+s5+$0x0] =	vst.idx.add.f32.msk vm9, v19  }
0x44d: {  	p0 =	sne.s32 s19, $0x2A;
	[tilespmem:v18+s5+$0x0] =	vst.idx.add.f32.msk vm10, v19  }
.Ltmp3:
0x44e: {  	[tilespmem:v18+s5+$0x0] =	vst.idx.add.f32.msk vm11, v19;
	(pc) =	sbr.rel @p0 .LBB2_4-.Ltmp3, $4  }
0x44f: {  	s10 =	sadd.s32 s4, s20;
	[tilespmem:v18+s5+$0x0] =	vst.idx.add.f32.msk vm12, v19  }
0x450: {  	s10 =	sshrl.u32 s10, $0x3;
	[tilespmem:v18+s5+$0x0] =	vst.idx.add.f32.msk vm13, v19  }
0x451: {  	s10 =	sadd.s32 s9, s10;
	[tilespmem:v18+s5+$0x0] =	vst.idx.add.f32.msk vm14, v19  }
0x452: {  	[hbm4b:s10+s5] =	stream.linear.scatter [tilespmem:s1], [sflag:$0x4], $0x40, $0x38;
	[tilespmem:$0x17400] =	vst v63  }
0x453: {  	_ =	swait.ge [sflag:s0], $0x40  }
0x454: {  	[sflag:s0] =	ssyncset.done $0x0  }
0x455: {  	[sflag:s0] =	ssyncadd.s32 $0xFFFFFFC0  }
0x456: {  	_ =	swait.ge [sflag:s3], $0x40  }
0x457: {  	[sflag:s3] =	ssyncset.done $0x0  }
0x458: {  	s10 =	rddreg [dreg:$0x6];
	[sflag:s3] =	ssyncadd.s32 $0xFFFFFFC0  }
0x459: {  	[hbm4b:s10+s5] =	stream.linear.scatter [tilespmem:s5], [sflag:$0x5], $0x2800, $0x38;
	[tilespmem:$0x17400] =	vst v63  }
0x45a: {  	_ =	swait.ge [sflag:s15], $0x2800  }
0x45b: {  	s14 =	sadd.s32 $0x1, s14;
	s22 =	rddreg [dreg:$0x7]  }
0x45c: {  	p0 =	sne.s32 s14, s22  }
.Ltmp4:
0x45d: {  	_ = 	snop;
	(pc) =	sbr.rel @p0 .LBB2_1-.Ltmp4, $3  }
0x45e: {  	_ =	sdelay $0x1  }
0x45f: {  	[sflag:s15] =	ssyncset.done $0x0  }
0x460: {  	s12 =	simm.s32 $0x2800;
	[sflag:s15] =	ssyncadd.s32 $0xFFFFD800  }
0x461: {  	_ =	sfence.sel $0x180000  }
0x462: {  	[bflag:$0x0] =	sbarrier.arrive $0xFFFF  }
0x463: {  	_ =	strace $0x90000047  }
0x464: {  	s0 =	stileid.u32;
	[bflag:$0x2] =	sbarrier.arrive $0xFFFF  }
0x465: {  	p0 =	sne.s32 s0, $0x0;
	s0 =	rddreg [dreg:$0x3]  }
0x466: {  	s0 =	sadd.s32 @!p0 $0x100000, s0  }
0x467: {  	[sflag:s0] =	ssyncadd.tile.s32 @!p0 $0x1;
	_ =	shalt  }
.Lfunc_end2:
_tile_overlayer_lowered:
.L_overlay_start_2:
0x468: {  	(tag) =	ssettag $0x2  }
0x469: {  	s0 =	rddreg [dreg:$0x0];
	s2 =	stileid.u32  }
0x46a: {  	s1 =	rddreg [dreg:$0x1];
	p0 =	sne.s32 s2, $0x0  }
0x46b: {  	s3 =	rddreg [dreg:$0x2];
	[bflag:$0x3] =	sbarrier.arrive $0xFFFF;
	s2 =	simm.s32 @!p0 $0x1C05  }
0x46c: {  	[timem:s3], [sflag:s2] =	dma.local @!p0 [hbm:s0], s1  }
0x46d: {  	s0 =	simm.s32 @!p0 $0x5  }
0x46e: {  	_ =	swait.ge @!p0 [sflag:s0], s1  }
0x46f: {  	s1 =	ssub.s32 @!p0 $0x0, s1;
	[sflag:s0] =	ssyncset.done @!p0 $0x0  }
0x470: {  	[sflag:s0] =	ssyncadd.s32 @!p0 s1  }
0x471: {  	[bflag:$0x3] =	sbarrier.arrive $0xFFFF  }
0x472: {  	_ =	shalt  }

// kernel: kernel.9.cloned.1.call-start
scs
__scs_entry_jumppad:
0x0: {  	(pc) =	sbr.rel $0x88, $3  }
0x1: {  	(tag) =	ssettag $0x0;
	lr =	simm.s32 $0x1  }
0x2: {  	[smem:$0x3F9B] =	sst lr;
	_ =	strace $0xD0000000  }
0x3: {  	_ = 	snop  }
0x4: {  	_ = 	snop  }
0x5: {  	_ = 	snop  }
0x6: {  	_ = 	snop  }
0x7: {  	_ = 	snop  }
__scs_overlays_trampoline_lowered:
0x8: {  	[smem:$0x3FAA] =	sst s0  }
0x9: {  	[smem:$0x3FAB] =	sst s1  }
0xa: {  	[smem:$0x3FAC] =	sst s2  }
0xb: {  	[smem:$0x3FAD] =	sst s3  }
0xc: {  	[smem:$0x3FAE] =	sst s4  }
0xd: {  	[smem:$0x3FAF] =	sst s5  }
0xe: {  	[smem:$0x3FB0] =	sst s6  }
0xf: {  	[smem:$0x3FB1] =	sst s7  }
0x10: {  	[smem:$0x3FB2] =	sst s8  }
0x11: {  	[smem:$0x3FB3] =	sst s9;
	s0 =	simm.s32 @!p0 $0x0  }
0x12: {  	s1 =	sld [smem:$0x3F99];
	s0 =	simm.s32 @p0 $0x1  }
0x13: {  	[smem:$0x3FB4] =	sst s0;
	s0 =	simm.s32 @!p1 $0x0  }
0x14: {  	s2 =	sld [smem:$0x3F98];
	s0 =	simm.s32 @p1 $0x1  }
0x15: {  	[smem:$0x3FB5] =	sst s0;
	s0 =	simm.s32 @!p2 $0x0  }
0x16: {  	s3 =	sld [smem:$0x3FDB];
	s0 =	simm.s32 @p2 $0x1  }
0x17: {  	s4 =	simm.s32 $0x1BF5;
	[smem:$0x3FB7] =	sst s0  }
0x18: {  	s0 =	sld [smem:$0x3F9A];
	_ =	swait.ge [sflag:s4], $0x0  }
0x19: {  	s7 =	sld [smem:$0x3F9B]  }
0x1a: {  	s8 =	sadd.s32 $0xFFFFE003, lr  }
0x1b: {  	s9 =	sadd.s32 $0xFFFFFEF7, lr;
	s5 =	simm.s32 $0xFFFFFFFF;
	p2 =	slt.u32 s8, $0xFFFFF086  }
0x1c: {  	p1 =	slt.u32 s9, $0xF7A;
	s5 =	simm.s32 @!p2 $0x0  }
0x1d: {  	s5 =	simm.s32 @p1 $0x1;
	p0 =	seq.s32 s7, s2  }
0x1e: {  	s7 =	smul.u32 @!p0 $0xF7A, s2;
	p2 =	seq.s32 @!p0 s5, $0x0  }
0x1f: {  	s9 =	smul.u32 $0xF7A, s1;
	s8 =	simm.s32 @!p0 $0x1BF5;
	p2 =	por !p2, p0  }
0x20: {  	[sflag:s8] =	ssyncset.s32 @!p0 $0xFFFFF086;
	s6 =	sadd.s32 @!p0 s3, s7;
	s7 =	simm.s32 @!p0 $0x108  }
0x21: {  	s3 =	sadd.s32 s3, s9;
	s6 =	sadd.s32 @!p0 $0x88, s6;
	s7 =	simm.s32 @p2 $0x1082  }
0x22: {  	[simem:s7], [sflag:s8] =	dma.local @!p0 [hbm:s6], $0xF7A  }
0x23: {  	s9 =	sor.u32 $0xD0000000, s2;
	s6 =	simm.s32 $0x108;
	_ =	swait.ge @!p0 [sflag:s8], $0x0  }
0x24: {  	s3 =	sadd.s32 $0x88, s3;
	s6 =	simm.s32 @!p1 $0x1082;
	[sflag:s4] =	ssyncset.s32 $0xFFFFF086  }
0x25: {  	[simem:s6], [sflag:s4] =	dma.local [hbm:s3], $0xF7A  }
0x26: {  	[smem:$0x3F9B] =	sst s1;
	(tag) =	ssettag s2;
	_ =	strace s9  }
0x27: {  	s1 =	sld [smem:$0x3FAB]  }
0x28: {  	s2 =	sld [smem:$0x3FAC]  }
0x29: {  	s4 =	sld [smem:$0x3FAE]  }
0x2a: {  	p0 =	seq.s32 s5, $0x0;
	s5 =	sld [smem:$0x3FAF]  }
0x2b: {  	s6 =	sld [smem:$0x3FB0]  }
0x2c: {  	s7 =	sld [smem:$0x3FB1]  }
0x2d: {  	s3 =	simm.s32 $0x108;
	s8 =	sld [smem:$0x3FB2]  }
0x2e: {  	s3 =	simm.s32 @!p0 $0x1082;
	s9 =	sld [smem:$0x3FB3]  }
0x2f: {  	lr =	sadd.s32 s0, s3;
	s0 =	sld [smem:$0x3FAA]  }
0x30: {  	s3 =	sld [smem:$0x3FAD]  }
0x31: {  	[smem:$0x3FB6] =	sst s10  }
0x32: {  	s10 =	sld [smem:$0x3FB4];
	_ =	sdelay $0x3  }
0x33: {  	p0 =	seq.s32 s10, $0x1;
	s10 =	sld [smem:$0x3FB6];
	_ =	sdelay $0x3  }
0x34: {  	[smem:$0x3FB6] =	sst s10  }
0x35: {  	s10 =	sld [smem:$0x3FB5];
	_ =	sdelay $0x3  }
0x36: {  	p1 =	seq.s32 s10, $0x1;
	s10 =	sld [smem:$0x3FB6];
	_ =	sdelay $0x3  }
0x37: {  	[smem:$0x3FB6] =	sst s10  }
0x38: {  	s10 =	sld [smem:$0x3FB7]  }
0x39: {  	_ = 	snop;
	(pc) =	sbr.ind lr, $3  }
0x3a: {  	_ = 	snop  }
0x3b: {  	_ = 	snop  }
0x3c: {  	p2 =	seq.s32 s10, $0x1;
	s10 =	sld [smem:$0x3FB6]  }
0x3d: {  	_ =	shalt  }
0x3e: {  	_ =	shalt  }
0x3f: {  	_ =	shalt  }
0x40: {  	_ =	shalt  }
0x41: {  	_ =	shalt  }
0x42: {  	_ =	shalt  }
0x43: {  	_ =	shalt  }
0x44: {  	_ =	shalt  }
0x45: {  	_ =	shalt  }
0x46: {  	_ =	shalt  }
0x47: {  	_ =	shalt  }
0x48: {  	_ =	shalt  }
0x49: {  	_ =	shalt  }
0x4a: {  	_ =	shalt  }
0x4b: {  	_ =	shalt  }
0x4c: {  	_ =	shalt  }
0x4d: {  	_ =	shalt  }
0x4e: {  	_ =	shalt  }
0x4f: {  	_ =	shalt  }
0x50: {  	_ =	shalt  }
0x51: {  	_ =	shalt  }
0x52: {  	_ =	shalt  }
0x53: {  	_ =	shalt  }
0x54: {  	_ =	shalt  }
0x55: {  	_ =	shalt  }
0x56: {  	_ =	shalt  }
0x57: {  	_ =	shalt  }
0x58: {  	_ =	shalt  }
0x59: {  	_ =	shalt  }
0x5a: {  	_ =	shalt  }
0x5b: {  	_ =	shalt  }
0x5c: {  	_ =	shalt  }
0x5d: {  	_ =	shalt  }
0x5e: {  	_ =	shalt  }
0x5f: {  	_ =	shalt  }
0x60: {  	_ =	shalt  }
0x61: {  	_ =	shalt  }
0x62: {  	_ =	shalt  }
0x63: {  	_ =	shalt  }
0x64: {  	_ =	shalt  }
0x65: {  	_ =	shalt  }
0x66: {  	_ =	shalt  }
0x67: {  	_ =	shalt  }
0x68: {  	_ =	shalt  }
0x69: {  	_ =	shalt  }
0x6a: {  	_ =	shalt  }
0x6b: {  	_ =	shalt  }
0x6c: {  	_ =	shalt  }
0x6d: {  	_ =	shalt  }
0x6e: {  	_ =	shalt  }
0x6f: {  	_ =	shalt  }
0x70: {  	_ =	shalt  }
0x71: {  	_ =	shalt  }
0x72: {  	_ =	shalt  }
0x73: {  	_ =	shalt  }
0x74: {  	_ =	shalt  }
0x75: {  	_ =	shalt  }
0x76: {  	_ =	shalt  }
0x77: {  	_ =	shalt  }
0x78: {  	_ =	shalt  }
0x79: {  	_ =	shalt  }
0x7a: {  	_ =	shalt  }
0x7b: {  	_ =	shalt  }
0x7c: {  	_ =	shalt  }
0x7d: {  	_ =	shalt  }
0x7e: {  	_ =	shalt  }
0x7f: {  	_ =	shalt  }
0x80: {  	_ =	shalt  }
0x81: {  	_ =	shalt  }
0x82: {  	_ =	shalt  }
0x83: {  	_ =	shalt  }
0x84: {  	_ =	shalt  }
0x85: {  	_ =	shalt  }
0x86: {  	_ =	shalt  }
0x87: {  	_ =	shalt  }
.Lfunc_end0:
.L_simem_size_0:
called_computation.1_lowered:
.L_overlay_start_0:
0x88: {  	s2 =	sld [smem:$0x3FD9]  }
0x89: {  	s3 =	sld [smem:$0x3FFE];
	_ =	sdelay $0x1  }
0x8a: {  	s1 =	srdreg.scid  }
0x8b: {  	s0 =	sand.u32 $0x1, s1  }
0x8c: {  	s17 =	sshll.u32 s0, $0xA;
	s2 =	sadd.s32 s3, s2  }
0x8d: {  	s2 =	sadd.s32 s2, s17  }
0x8e: {  	[smem:$0x3FC2] =	sst s2  }
0x8f: {  	_ = 	snop  }
0x90: {  	s2 =	sld [smem:$0x3FD0];
	(tm) =	ssettm $0x1  }
0x91: {  	s18 =	sld [smem:$0x3FFB];
	_ =	sdelay $0x3  }
0x92: {  	_ =	strace s18  }
0x93: {  	s3 =	sld [smem:$0x3FFC];
	_ =	sdelay $0x3  }
0x94: {  	_ =	strace s3  }
0x95: {  	s3 =	sld [smem:$0x3FFD];
	_ =	sdelay $0x3  }
0x96: {  	_ =	strace s3  }
0x97: {  	_ =	strace $0x8FFFFFFF  }
0x98: {  	s19 =	sld [smem:$0x3FDB];
	_ =	sdelay $0x1  }
0x99: {  	s4 =	simm.s32 $_scs_section_size  }
0x9a: {  	s5 =	simm.s32 $_size__tile_overlayer_lowered;
	s6 =	simm.s32 $_tile_overlayer_lowered  }
0x9b: {  	s22 =	simm.s32 $0x1BFF;
	s21 =	sshll.u32 s6, $0x1;
	s3 =	sadd.s32 s4, s19  }
0x9c: {  	s7 =	simm.s32 $0x0;
	s20 =	sshll.u32 s5, $0x1;
	s5 =	sadd.s32 s21, s3  }
0x9d: {  	[timem:s7], [sflag:s22] =	dma.local [hbm:s5], s20  }
0x9e: {  	_ =	swait.ge [sflag:s22], s20  }
0x9f: {  	s4 =	ssub.s32 $0x0, s20;
	[sflag:s22] =	ssyncset.done $0x0  }
0xa0: {  	[sflag:s22] =	ssyncadd.s32 s4;
	_ =	sdelay $0x1  }
0xa1: {  	s23 =	simm.s32 $0x1B8B  }
0xa2: {  	_ =	swait.ge [sflag:s23], $0x1  }
0xa3: {  	[sflag:s23] =	ssyncset.done $0x0  }
0xa4: {  	s25 =	simm.s32 $0x1B8E;
	s24 =	sld [smem:$0x3FFE];
	[sflag:s23] =	ssyncadd.s32 $0xFFFFFFFF  }
0xa5: {  	s26 =	simm.s32 $execute0_lowered;
	[smem:$0x3FD2] =	sst s25  }
0xa6: {  	s5 =	sshll.u32 s26, $0x1;
	_ =	strace $0x80000049;
	[dreg:$0x1] =	wrdreg $0xFFFFFFFF  }
0xa7: {  	s28 =	simm.s32 $_size_execute0_lowered;
	s3 =	sadd.s32 s3, s5;
	[dreg:$0x0] =	wrdreg $0x0  }
0xa8: {  	s5 =	sshll.u32 s28, $0x1;
	[dreg:$0x2] =	wrdreg s3  }
0xa9: {  	[dreg:$0x3] =	wrdreg s5  }
0xaa: {  	[dreg:$0x4] =	wrdreg $0xC0  }
0xab: {  	_ =	task [dreg:s7], $0x5FFFF  }
0xac: {  	[dreg:$0x1] =	wrdreg $0xFFFFFFFF  }
0xad: {  	[dreg:$0x0] =	wrdreg $0x60  }
0xae: {  	[dreg:$0x2] =	wrdreg s24  }
0xaf: {  	[dreg:$0x3] =	wrdreg s2  }
0xb0: {  	[dreg:$0x4] =	wrdreg $0x8C800  }
0xb1: {  	[dreg:$0x5] =	wrdreg $0x9  }
0xb2: {  	_ =	task.clear_ibuf [dreg:s7], $0x6FFFF;
	_ =	strace $0x90000049  }
0xb3: {  	s29 =	simm.s32 $0x9;
	_ =	strace $0x8000004B  }
0xb4: {  	_ =	swait.ge [sflag:s29], $0x1  }
0xb5: {  	[sflag:s29] =	ssyncadd.s32 $0xFFFFFFFF  }
0xb6: {  	_ =	strace $0x9000004B  }
0xb7: {  	_ =	sfence  }
0xb8: {  	s30 =	sld [smem:$0x0];
	_ =	sdelay $0x2  }
0xb9: {  	s31 =	sshll.u32 s1, $0xD;
	s1 =	sshrl.u32 s1, $0x2  }
0xba: {  	s3 =	sand.u32 $0x4000, s31;
	s1 =	sadd.s32 s1, s30  }
0xbb: {  	s0 =	sor.u32 s3, s0;
	s1 =	sshll.u32 s1, $0x11  }
0xbc: {  	s0 =	sor.u32 s1, s0  }
0xbd: {  	s0 =	sadd.s32 $0x8F2B, s0  }
0xbe: {  	[sflag:s0] =	ssyncadd.remote.s32 $0x1  }
0xbf: {  	_ =	sfence.sel $0xFFFF  }
0xc0: {  	[dreg:$0x0] =	wrdreg $0xFFFFFFFF;
	(pc) =	sbr.abs _section_cstart, $3  }
0xc1: {  	[dreg:$0x1] =	wrdreg $0xFFFFFFFF  }
0xc2: {  	_ =	task.clear_ibuf [dreg:s7], $0x2FFFF;
	_ =	strace $0x9FFFFFFF  }
0xc3: {  	(tm) =	ssettm $0x7FFFFFFF  }
tec
execute0_lowered:
.L_overlay_start_1:
0x0: {  	(tag) =	ssettag $0x1  }
0x1: {  	s0 =	rddreg [dreg:$0x0]  }
0x2: {  	s1 =	rddreg [dreg:$0x1]  }
0x3: {  	s2 =	rddreg [dreg:$0x2];
	s3 =	stileid.u32;
	s19 =	simm.s32 $0x0  }
0x4: {  	s5 =	srdreg.scid;
	s15 =	simm.s32 $0x5;
	s16 =	simm.s32 $0x40  }
0x5: {  	s17 =	simm.s32 $0x2C00;
	s18 =	simm.s32 $0x6C80;
	s20 =	simm.s32 $0x2A00  }
0x6: {  	s21 =	simm.s32 $0x2B00;
	s22 =	simm.s32 $0x1;
	s23 =	simm.s32 $0x4C80  }
0x7: {  	s24 =	simm.s32 $0x2A80;
	s28 =	simm.s32 $0x3;
	s30 =	simm.s32 $0x6  }
0x8: {  	s4 =	smul.u32 $0x2A00, s3;
	[smem:$0x7FF] =	sst s19;
	s12 =	sand.u32 $0x1, s5  }
0x9: {  	s5 =	sadd.s32 $0xA3800, s0;
	s6 =	sadd.s32 $0x84000, s0;
	s7 =	sadd.s32 $0x2000, s0  }
0xa: {  	s8 =	sadd.s32 $0x2A000, s0;
	s9 =	sadd.s32 $0x52000, s0;
	_ =	strace $0x8000004A  }
0xb: {  	s10 =	ssub.s32 $0x2, s12;
	p0 =	seq.s32 s12, $0x0;
	s11 =	sshrl.u32 s4, $0x3  }
0xc: {  	s14 =	sshrl.u32 s10, $0x1;
	s7 =	smov.u32 @p0 s1;
	p0 =	sne.s32 s12, $0x0  }
0xd: {  	s13 =	sadd.s32 s11, s0;
	s25 =	ssub.s32 s10, s14;
	s29 =	sadd.s32 s5, s11  }
0xe: {  	s10 =	smul.u32 $0x280, s3;
	s31 =	sadd.s32 s6, s11;
	[dreg:$0x5] =	wrdreg s29  }
0xf: {  	s3 =	simm.s32 $0x2C80;
	s26 =	sadd.s32 $0x9E400, s13;
	[dreg:$0x6] =	wrdreg s31  }
0x10: {  	s11 =	simm.s32 $0x0;
	s0 =	smax.u32 s25, $0x1;
	[dreg:$0x4] =	wrdreg s26  }
0x11: {  	v0 =	vimm.f32 $0.0e+00;
	v1 =	vlaneseq.u32;
	s25 =	simm.s32 $0x2B80;
	[dreg:$0x7] =	wrdreg s0;
	s26 =	simm.s32 $0x2  }
.LBB2_1:
0x12: {  	[dreg:$0x8] =	wrdreg s11  }
0x13: {  	s0 =	rddreg [dreg:$0x4]  }
0x14: {  	[tilespmem:s19], [sflag:$0x5] =	stream.linear.gather [hbm4b:s0+s19], $0x2A00, $0x38;
	[tilespmem:$0x1CC80] =	vst v63  }
0x15: {  	_ =	swait.ge [sflag:s15], $0x2A00  }
0x16: {  	[sflag:s15] =	ssyncset.done $0x0  }
0x17: {  	s1 =	simm.s32 $0x200;
	s0 =	simm.s32 $0x0;
	[sflag:s15] =	ssyncadd.s32 $0xFFFFD600  }
.LBB2_2:
0x18: {  	p1 =	sne.s32 s1, $0x7E00;
	[tilespmem:s0+$0x6CF0] =	vst v0  }
0x19: {  	[tilespmem:s0+$0x6C80] =	vst v0  }
0x1a: {  	[tilespmem:s0+$0x6C90] =	vst v0  }
.Ltmp0:
0x1b: {  	[tilespmem:s0+$0x6CA0] =	vst v0;
	(pc) =	sbr.rel @p1 .LBB2_2-.Ltmp0, $4  }
0x1c: {  	[tilespmem:s0+$0x6CB0] =	vst v0  }
0x1d: {  	[tilespmem:s0+$0x6CC0] =	vst v0  }
0x1e: {  	[tilespmem:s0+$0x6CD0] =	vst v0  }
0x1f: {  	[tilespmem:s0+$0x6CE0] =	vst v0;
	s0 =	sshra.s32 s1, $0x2;
	s1 =	sadd.s32 $0x200, s1  }
0x20: {  	[tilespmem:s0+$0x6CF0] =	vst v0  }
0x21: {  	[tilespmem:s0+$0x6C80] =	vst v0  }
0x22: {  	[tilespmem:s0+$0x6C90] =	vst v0  }
0x23: {  	[tilespmem:s0+$0x6CA0] =	vst v0  }
0x24: {  	[tilespmem:s0+$0x6CB0] =	vst v0  }
0x25: {  	[tilespmem:s0+$0x6CC0] =	vst v0  }
0x26: {  	[tilespmem:s0+$0x6CD0] =	vst v0;
	s1 =	sadd.s32 $0x0, s10  }
0x27: {  	[tilespmem:s0+$0x6CE0] =	vst v0;
	v2 =	vor.u32 s1, v1;
	s31 =	sadd.s32 $0x30, s1  }
0x28: {  	s11 =	sadd.s32 $0x20, s1;
	[tilespmem:$0x2C00] =	vst v2;
	v3 =	vor.u32 s31, v1  }
0x29: {  	s0 =	simm.s32 $0x40;
	s1 =	sadd.s32 $0x10, s1;
	v2 =	vor.u32 s11, v1;
	[tilespmem:$0x2C30] =	vst v3  }
.LBB2_4:
0x2a: {  	p1 =	sne.s32 s0, $0x240;
	v3 =	vor.u32 s1, v1;
	[tilespmem:$0x2C20] =	vst v2  }
0x2b: {  	[tilespmem:$0x2C10] =	vst v3;
	[spmem:s2] =	stream.indirect.scatter [tilespmem:s18], [sflag:$0x5], $0x80, s17, s16, $0xb8  }
.Ltmp1:
0x2c: {  	_ =	swait.ge [sflag:s15], $0x2000;
	(pc) =	sbr.rel @p1 .LBB2_4-.Ltmp1, $4  }
0x2d: {  	s1 =	sadd.s32 s0, s10;
	[sflag:s15] =	ssyncset.done $0x0  }
0x2e: {  	v2 =	vor.u32 s1, v1;
	s11 =	sadd.s32 $0x30, s1;
	[sflag:s15] =	ssyncadd.s32 $0xFFFFE000  }
0x2f: {  	s12 =	sadd.s32 $0x20, s1;
	v3 =	vor.u32 s11, v1;
	[tilespmem:$0x2C00] =	vst v2  }
0x30: {  	s0 =	sadd.s32 $0x40, s0;
	s1 =	sadd.s32 $0x10, s1;
	v2 =	vor.u32 s12, v1;
	[tilespmem:$0x2C30] =	vst v3  }
0x31: {  	v3 =	vor.u32 s1, v1;
	[tilespmem:$0x2C20] =	vst v2  }
0x32: {  	[tilespmem:$0x2C10] =	vst v3  }
0x33: {  	[spmem:s2] =	stream.indirect.scatter [tilespmem:s18], [sflag:$0x5], $0x80, s17, s16, $0xb8;
	[tilespmem:$0x1CC80] =	vst v63  }
0x34: {  	_ =	swait.ge [sflag:s15], $0x2000  }
0x35: {  	[sflag:s15] =	ssyncset.done $0x0  }
0x36: {  	[sflag:s15] =	ssyncadd.s32 $0xFFFFE000  }
0x37: {  	s0 =	simm.s32 $0x0;
	[bflag:$0x0] =	sbarrier.arrive $0xFFFF  }
0x38: {  	[tilespmem:s3], [sflag:$0x1] =	stream.indirect.gather [hbm4b:s7+s16], $0x80, s0, s16, $0xb8;
	[tilespmem:$0x1CC80] =	vst v63  }
0x39: {  	s29 =	rddreg [dreg:$0x5]  }
0x3a: {  	[tilespmem:s20], [sflag:$0x1] =	stream.linear.gather [hbm4b:s29+s0], $0x40, $0x38;
	[tilespmem:$0x1CC80] =	vst v63  }
0x3b: {  	s1 =	simm.s32 $0x0;
	s31 =	rddreg [dreg:$0x6]  }
0x3c: {  	[tilespmem:s21], [sflag:$0x1] =	stream.linear.gather [hbm4b:s31+s0], $0x40, $0x38;
	[tilespmem:$0x1CC80] =	vst v63  }
.LBB2_6:
0x3d: {  	_ =	swait.ge [sflag:s22], $0x2000  }
0x3e: {  	v2 =	vmov s0;
	s11 =	simm.s32 $0x2;
	[sflag:s22] =	ssyncset.done $0x0  }
0x3f: {  	v2 =	vand.u32 $0xFFFFFFFC, v2;
	v3 =	vmov s11;
	[sflag:s22] =	ssyncadd.s32 $0xFFFFE000  }
0x40: {  	v2 =	vbroadcast v2, $0x0;
	v3 =	vand.u32 $0xFFFFFFFE, v3;
	_ =	swait.ge [sflag:s22], $0x40  }
0x41: {  	v3 =	vbroadcast v3, $0x0;
	[sflag:s22] =	ssyncset.done $0x0  }
0x42: {  	[sflag:s22] =	ssyncadd.s32 $0xFFFFFFC0  }
0x43: {  	_ =	swait.ge [sflag:s22], $0x40  }
0x44: {  	[sflag:s22] =	ssyncset.done $0x0  }
0x45: {  	[sflag:s22] =	ssyncadd.s32 $0xFFFFFFC0  }
0x46: {  	v2 =	vld.idx.msk [tilespmem:v2+s21+$0x0], $0xffff  }
0x47: {  	s12 =	simm.s32 $0x1;
	s11 =	simm.s32 $0x2D80;
	v3 =	vld.idx.msk [tilespmem:v3+s21+$0x0], $0xffff  }
0x48: {  	v4 =	vmov s12;
	v5 =	vld [tilespmem:s11+$0x70]  }
0x49: {  	v4 =	vand.u32 $0xFFFFFFFD, v4;
	v6 =	vld [tilespmem:s11+$0xFFFFFF00]  }
0x4a: {  	v4 =	vbroadcast v4, $0x0;
	v7 =	vld [tilespmem:s11+$0xFFFFFF10]  }
0x4b: {  	v8 =	vld [tilespmem:s11+$0xFFFFFF20]  }
0x4c: {  	v9 =	vld [tilespmem:s11+$0xFFFFFF30]  }
0x4d: {  	v10 =	vld [tilespmem:s11+$0xFFFFFF40]  }
0x4e: {  	v11 =	vld [tilespmem:s11+$0xFFFFFF50]  }
0x4f: {  	v12 =	vld [tilespmem:s11+$0xFFFFFF60];
	v6 =	vmul.f32 v6, v2  }
0x50: {  	v4 =	vld.idx.msk [tilespmem:v4+s21+$0x0], $0xffff;
	v5 =	vmul.f32 v5, v3  }
0x51: {  	v14 =	vld [tilespmem:s11+$0x40];
	[tilespmem:s11+$0xFFFFFF00] =	vst v6;
	v6 =	vmul.f32 v7, v2  }
0x52: {  	v7 =	vld [tilespmem:s11+$0xFFFFFF70];
	[tilespmem:s11+$0x70] =	vst v5;
	v5 =	vmul.f32 v8, v2  }
0x53: {  	v8 =	vld [tilespmem:s11+$0xFFFFFF80];
	[tilespmem:s11+$0xFFFFFF10] =	vst v6;
	v6 =	vmul.f32 v9, v2  }
0x54: {  	v9 =	vld [tilespmem:s11+$0xFFFFFF90];
	[tilespmem:s11+$0xFFFFFF20] =	vst v5;
	v5 =	vmul.f32 v10, v2  }
0x55: {  	v10 =	vld [tilespmem:s11+$0xFFFFFFA0];
	[tilespmem:s11+$0xFFFFFF30] =	vst v6;
	v6 =	vmul.f32 v11, v2  }
0x56: {  	v11 =	vld [tilespmem:s11+$0xFFFFFFB0];
	[tilespmem:s11+$0xFFFFFF40] =	vst v5;
	v5 =	vmul.f32 v12, v2  }
0x57: {  	v12 =	vld [tilespmem:s11+$0xFFFFFFC0];
	v7 =	vmul.f32 v7, v2;
	[tilespmem:s11+$0xFFFFFF50] =	vst v6  }
0x58: {  	v6 =	vmul.f32 v8, v4;
	v8 =	vld [tilespmem:s11+$0xFFFFFFD0];
	[tilespmem:s11+$0xFFFFFF60] =	vst v5  }
0x59: {  	s14 =	simm.s32 $0x3;
	v5 =	vld [tilespmem:s11+$0xFFFFFFE0];
	v9 =	vmul.f32 v9, v4;
	[tilespmem:s11+$0xFFFFFF70] =	vst v7  }
0x5a: {  	v13 =	vmov s14;
	v7 =	vld [tilespmem:s11+$0xFFFFFFF0];
	[tilespmem:s11+$0xFFFFFF80] =	vst v6;
	v6 =	vmul.f32 v10, v4  }
0x5b: {  	v10 =	vld [tilespmem:s11+$0x0];
	[tilespmem:s11+$0xFFFFFF90] =	vst v9;
	v9 =	vmul.f32 v11, v4  }
0x5c: {  	v11 =	vld [tilespmem:s11+$0x10];
	[tilespmem:s11+$0xFFFFFFA0] =	vst v6;
	v6 =	vmul.f32 v12, v4  }
0x5d: {  	[tilespmem:s11+$0xFFFFFFB0] =	vst v9;
	v8 =	vmul.f32 v8, v4;
	v9 =	vld [tilespmem:s11+$0x20]  }
0x5e: {  	v12 =	vld [tilespmem:s11+$0x30];
	v5 =	vmul.f32 v5, v4;
	[tilespmem:s11+$0xFFFFFFC0] =	vst v6  }
0x5f: {  	v2 =	vld.idx.msk [tilespmem:v13+s21+$0x0], $0xffff;
	v4 =	vmul.f32 v7, v4;
	[tilespmem:s11+$0xFFFFFFD0] =	vst v8  }
0x60: {  	[tilespmem:s11+$0xFFFFFFE0] =	vst v5;
	v6 =	vmul.f32 v10, v3;
	v5 =	vld [tilespmem:s11+$0x50]  }
0x61: {  	s29 =	simm.s32 $0x4;
	[tilespmem:s11+$0xFFFFFFF0] =	vst v4;
	v7 =	vmul.f32 v11, v3;
	v4 =	vld [tilespmem:s11+$0x60]  }
0x62: {  	s31 =	simm.s32 $0x7;
	v8 =	vmov s29;
	[tilespmem:s11+$0x0] =	vst v6;
	v10 =	vmul.f32 v9, v3;
	v9 =	vld [tilespmem:s11+$0x80]  }
0x63: {  	s13 =	simm.s32 $0x5;
	v13 =	vand.u32 $0xFFFFFFFC, v8;
	v8 =	vld [tilespmem:s11+$0x90];
	v6 =	vmov s31;
	v11 =	vmul.f32 v12, v3;
	[tilespmem:s11+$0x10] =	vst v7  }
0x64: {  	s14 =	simm.s32 $0x6;
	s12 =	simm.s32 $0x2D80;
	v12 =	vmul.f32 v14, v3;
	v7 =	vbroadcast v13, $0x0;
	v13 =	vmov s13;
	s13 =	simm.s32 $0x8;
	[tilespmem:s11+$0x20] =	vst v10;
	v10 =	vld [tilespmem:s11+$0xA0]  }
.LBB2_7:
0x65: {  	p1 =	slt.u32 s13, $0x3C;
	v13 =	vand.u32 $0xFFFFFFFD, v13;
	v14 =	vmov s14;
	[tilespmem:s11+$0x30] =	vst v11;
	v5 =	vmul.f32 v5, v3;
	v11 =	vld [tilespmem:s11+$0xB0]  }
0x66: {  	v13 =	vbroadcast v13, $0x0;
	v14 =	vand.u32 $0xFFFFFFFE, v14;
	[tilespmem:s11+$0x40] =	vst v12;
	v3 =	vmul.f32 v4, v3;
	v4 =	vld [tilespmem:s11+$0xC0]  }
0x67: {  	v12 =	vbroadcast v14, $0x0;
	[tilespmem:s11+$0x50] =	vst v5;
	v5 =	vmul.f32 v9, v2;
	v9 =	vld [tilespmem:s11+$0xD0]  }
0x68: {  	[tilespmem:s11+$0x60] =	vst v3;
	v3 =	vmul.f32 v8, v2;
	v8 =	vld [tilespmem:s11+$0xE0]  }
0x69: {  	[tilespmem:s11+$0x80] =	vst v5;
	v5 =	vmul.f32 v10, v2;
	v10 =	vld [tilespmem:s11+$0xF0]  }
0x6a: {  	v6 =	vld.idx.msk [tilespmem:v6+s21+$0x0], $0xffff;
	[tilespmem:s11+$0x90] =	vst v3;
	v3 =	vmul.f32 v11, v2  }
0x6b: {  	v7 =	vld.idx.msk [tilespmem:v7+s21+$0x0], $0xffff;
	[tilespmem:s11+$0xA0] =	vst v5;
	v4 =	vmul.f32 v4, v2  }
0x6c: {  	v5 =	vld.idx.msk [tilespmem:v13+s21+$0x0], $0xffff;
	[tilespmem:s11+$0xB0] =	vst v3;
	v9 =	vmul.f32 v9, v2  }
0x6d: {  	s11 =	sadd.s32 $0x200, s11;
	v3 =	vld.idx.msk [tilespmem:v12+s21+$0x0], $0xffff;
	[tilespmem:s12+$0xC0] =	vst v4;
	v4 =	vmul.f32 v8, v2  }
0x6e: {  	v8 =	vld [tilespmem:s11+$0x70];
	[tilespmem:s12+$0xD0] =	vst v9;
	v10 =	vmul.f32 v10, v2  }
0x6f: {  	v9 =	vld [tilespmem:s11+$0xFFFFFF00];
	[tilespmem:s12+$0xE0] =	vst v4  }
0x70: {  	v2 =	vmov v6;
	v4 =	vld [tilespmem:s11+$0xFFFFFF10];
	[tilespmem:s12+$0xF0] =	vst v10;
	s12 =	smov.u32 s11  }
0x71: {  	v6 =	vld [tilespmem:s11+$0xFFFFFF20]  }
0x72: {  	v10 =	vld [tilespmem:s11+$0xFFFFFF30]  }
0x73: {  	v11 =	vld [tilespmem:s11+$0xFFFFFF40];
	v8 =	vmul.f32 v8, v3  }
0x74: {  	v9 =	vmul.f32 v9, v7;
	v12 =	vld [tilespmem:s11+$0xFFFFFF50]  }
0x75: {  	v4 =	vmul.f32 v4, v7;
	v13 =	vld [tilespmem:s11+$0xFFFFFF60];
	[tilespmem:s11+$0x70] =	vst v8  }
0x76: {  	[tilespmem:s11+$0xFFFFFF00] =	vst v9;
	v6 =	vmul.f32 v6, v7;
	v8 =	vld [tilespmem:s11+$0xFFFFFF70]  }
0x77: {  	[tilespmem:s11+$0xFFFFFF10] =	vst v4;
	v4 =	vmul.f32 v10, v7;
	v9 =	vld [tilespmem:s11+$0xFFFFFF80]  }
0x78: {  	[tilespmem:s11+$0xFFFFFF20] =	vst v6;
	v6 =	vmul.f32 v11, v7;
	v10 =	vld [tilespmem:s11+$0xFFFFFF90]  }
0x79: {  	[tilespmem:s11+$0xFFFFFF30] =	vst v4;
	v4 =	vmul.f32 v12, v7;
	v11 =	vld [tilespmem:s11+$0xFFFFFFA0]  }
0x7a: {  	[tilespmem:s11+$0xFFFFFF40] =	vst v6;
	v6 =	vmul.f32 v13, v7;
	v12 =	vld [tilespmem:s11+$0xFFFFFFB0]  }
0x7b: {  	[tilespmem:s11+$0xFFFFFF50] =	vst v4;
	v4 =	vmul.f32 v8, v7;
	v7 =	vld [tilespmem:s11+$0xFFFFFFC0]  }
0x7c: {  	[tilespmem:s11+$0xFFFFFF60] =	vst v6;
	v6 =	vmul.f32 v9, v5;
	v8 =	vld [tilespmem:s11+$0xFFFFFFD0]  }
0x7d: {  	[tilespmem:s11+$0xFFFFFF70] =	vst v4;
	v4 =	vmul.f32 v10, v5;
	v9 =	vld [tilespmem:s11+$0xFFFFFFE0]  }
0x7e: {  	[tilespmem:s11+$0xFFFFFF80] =	vst v6;
	v6 =	vmul.f32 v11, v5;
	v10 =	vld [tilespmem:s11+$0xFFFFFFF0]  }
0x7f: {  	[tilespmem:s11+$0xFFFFFF90] =	vst v4;
	v4 =	vmul.f32 v12, v5;
	v11 =	vld [tilespmem:s11+$0x0]  }
0x80: {  	[tilespmem:s11+$0xFFFFFFA0] =	vst v6;
	v6 =	vmul.f32 v7, v5;
	v7 =	vld [tilespmem:s11+$0x10]  }
0x81: {  	[tilespmem:s11+$0xFFFFFFB0] =	vst v4;
	v4 =	vmul.f32 v8, v5;
	v8 =	vld [tilespmem:s11+$0x20]  }
0x82: {  	[tilespmem:s11+$0xFFFFFFC0] =	vst v6;
	v6 =	vmul.f32 v9, v5;
	v12 =	vld [tilespmem:s11+$0x30]  }
0x83: {  	[tilespmem:s11+$0xFFFFFFD0] =	vst v4;
	v4 =	vmul.f32 v10, v5;
	v10 =	vld [tilespmem:s11+$0x40]  }
.Ltmp2:
0x84: {  	[tilespmem:s11+$0xFFFFFFE0] =	vst v6;
	v6 =	vmul.f32 v11, v3;
	v5 =	vld [tilespmem:s11+$0x50];
	(pc) =	sbr.rel @p1 .LBB2_7-.Ltmp2, $4  }
0x85: {  	[tilespmem:s11+$0xFFFFFFF0] =	vst v4;
	v7 =	vmul.f32 v7, v3;
	v4 =	vld [tilespmem:s11+$0x60]  }
0x86: {  	s14 =	sadd.s32 $0x3, s13;
	v11 =	vmov s13;
	[tilespmem:s11+$0x0] =	vst v6;
	v14 =	vmul.f32 v8, v3;
	v9 =	vld [tilespmem:s11+$0x80]  }
0x87: {  	s29 =	sadd.s32 $0x1, s13;
	v13 =	vand.u32 $0xFFFFFFFC, v11;
	v6 =	vmov s14;
	[tilespmem:s11+$0x10] =	vst v7;
	v11 =	vmul.f32 v12, v3;
	v8 =	vld [tilespmem:s11+$0x90]  }
0x88: {  	s14 =	sadd.s32 $0x2, s13;
	s13 =	sadd.s32 $0x4, s13;
	v7 =	vbroadcast v13, $0x0;
	v13 =	vmov s29;
	[tilespmem:s11+$0x20] =	vst v14;
	v12 =	vmul.f32 v10, v3;
	v10 =	vld [tilespmem:s11+$0xA0]  }
0x89: {  	v14 =	vld [tilespmem:s11+$0xB0]  }
0x8a: {  	v16 =	vld [tilespmem:s11+$0xC0]  }
0x8b: {  	v15 =	vmov s14;
	v17 =	vld [tilespmem:s11+$0xD0]  }
0x8c: {  	v18 =	vld [tilespmem:s11+$0xE0];
	[tilespmem:s11+$0x30] =	vst v11;
	v5 =	vmul.f32 v5, v3;
	v15 =	vand.u32 $0xFFFFFFFE, v15  }
0x8d: {  	v13 =	vand.u32 $0xFFFFFFFD, v13;
	v6 =	vld.idx.msk [tilespmem:v6+s21+$0x0], $0xffff;
	[tilespmem:s11+$0x40] =	vst v12;
	v3 =	vmul.f32 v4, v3;
	v15 =	vbroadcast v15, $0x0  }
0x8e: {  	s13 =	sadd.s32 $0x200, s11;
	v13 =	vbroadcast v13, $0x0;
	v4 =	vld.idx.msk [tilespmem:v7+s21+$0x0], $0xffff;
	v9 =	vmul.f32 v9, v2;
	[tilespmem:s11+$0x50] =	vst v5  }
0x8f: {  	v11 =	vld [tilespmem:s13+$0xFFFFFF00];
	v5 =	vmul.f32 v8, v2;
	[tilespmem:s11+$0x60] =	vst v3  }
0x90: {  	[tilespmem:s11+$0x80] =	vst v9;
	v9 =	vld [tilespmem:s11+$0xF0];
	v3 =	vmul.f32 v10, v2  }
0x91: {  	v12 =	vld [tilespmem:s13+$0xFFFFFF10];
	[tilespmem:s11+$0x90] =	vst v5;
	v5 =	vmul.f32 v14, v2  }
0x92: {  	v10 =	vld [tilespmem:s13+$0x70];
	[tilespmem:s11+$0xA0] =	vst v3;
	v3 =	vmul.f32 v16, v2  }
0x93: {  	[tilespmem:s11+$0xB0] =	vst v5;
	v5 =	vmul.f32 v17, v2;
	v8 =	vld.idx.msk [tilespmem:v15+s21+$0x0], $0xffff  }
0x94: {  	v7 =	vld.idx.msk [tilespmem:v13+s21+$0x0], $0xffff;
	[tilespmem:s12+$0xC0] =	vst v3;
	v3 =	vmul.f32 v18, v2  }
0x95: {  	v13 =	vld [tilespmem:s13+$0xFFFFFF20];
	[tilespmem:s12+$0xD0] =	vst v5;
	v2 =	vmul.f32 v9, v2  }
0x96: {  	v5 =	vld [tilespmem:s13+$0xFFFFFF30];
	[tilespmem:s12+$0xE0] =	vst v3  }
0x97: {  	v3 =	vld [tilespmem:s13+$0xFFFFFF40];
	[tilespmem:s12+$0xF0] =	vst v2;
	v2 =	vmul.f32 v11, v4  }
0x98: {  	v9 =	vmul.f32 v10, v8;
	v10 =	vld [tilespmem:s13+$0xFFFFFF50]  }
0x99: {  	v11 =	vmul.f32 v12, v4;
	v12 =	vld [tilespmem:s13+$0xFFFFFF60];
	[tilespmem:s13+$0xFFFFFF00] =	vst v2  }
0x9a: {  	v2 =	vmul.f32 v13, v4;
	[tilespmem:s13+$0x70] =	vst v9;
	v9 =	vld [tilespmem:s13+$0xFFFFFF70]  }
0x9b: {  	[tilespmem:s13+$0xFFFFFF10] =	vst v11;
	v11 =	vld [tilespmem:s13+$0xFFFFFF80];
	v5 =	vmul.f32 v5, v4  }
0x9c: {  	[tilespmem:s13+$0xFFFFFF20] =	vst v2;
	v2 =	vmul.f32 v3, v4;
	v3 =	vld [tilespmem:s13+$0xFFFFFF90]  }
0x9d: {  	[tilespmem:s13+$0xFFFFFF30] =	vst v5;
	v5 =	vmul.f32 v10, v4;
	v10 =	vld [tilespmem:s13+$0xFFFFFFA0]  }
0x9e: {  	[tilespmem:s13+$0xFFFFFF40] =	vst v2;
	v2 =	vmul.f32 v12, v4;
	v12 =	vld [tilespmem:s13+$0xFFFFFFB0]  }
0x9f: {  	[tilespmem:s13+$0xFFFFFF50] =	vst v5;
	v4 =	vmul.f32 v9, v4;
	v5 =	vld [tilespmem:s13+$0xFFFFFFC0]  }
0xa0: {  	[tilespmem:s13+$0xFFFFFF60] =	vst v2;
	v2 =	vmul.f32 v11, v7;
	v9 =	vld [tilespmem:s13+$0xFFFFFFD0]  }
0xa1: {  	v3 =	vmul.f32 v3, v7;
	[tilespmem:s13+$0xFFFFFF70] =	vst v4;
	v4 =	vld [tilespmem:s13+$0xFFFFFFE0]  }
0xa2: {  	[tilespmem:s13+$0xFFFFFF80] =	vst v2;
	v2 =	vmul.f32 v10, v7;
	v10 =	vld [tilespmem:s13+$0xFFFFFFF0]  }
0xa3: {  	v11 =	vld [tilespmem:s13+$0x0];
	[tilespmem:s13+$0xFFFFFF90] =	vst v3;
	v3 =	vmul.f32 v12, v7  }
0xa4: {  	[tilespmem:s13+$0xFFFFFFA0] =	vst v2;
	v2 =	vmul.f32 v5, v7;
	v5 =	vld [tilespmem:s13+$0x10]  }
0xa5: {  	[tilespmem:s13+$0xFFFFFFB0] =	vst v3;
	v3 =	vmul.f32 v9, v7;
	v9 =	vld [tilespmem:s13+$0x20]  }
0xa6: {  	[tilespmem:s13+$0xFFFFFFC0] =	vst v2;
	v2 =	vmul.f32 v4, v7;
	v4 =	vld [tilespmem:s13+$0x30]  }
0xa7: {  	[tilespmem:s13+$0xFFFFFFD0] =	vst v3;
	v3 =	vmul.f32 v10, v7;
	v7 =	vld [tilespmem:s13+$0x40]  }
0xa8: {  	v10 =	vld [tilespmem:s13+$0x50];
	[tilespmem:s13+$0xFFFFFFE0] =	vst v2;
	v2 =	vmul.f32 v11, v8  }
0xa9: {  	[tilespmem:s13+$0xFFFFFFF0] =	vst v3;
	v3 =	vmul.f32 v5, v8;
	v5 =	vld [tilespmem:s13+$0x60]  }
0xaa: {  	[tilespmem:s13+$0x0] =	vst v2;
	v2 =	vmul.f32 v9, v8;
	v9 =	vld [tilespmem:s13+$0x80]  }
0xab: {  	[tilespmem:s13+$0x10] =	vst v3;
	v3 =	vmul.f32 v4, v8;
	v4 =	vld [tilespmem:s13+$0x90]  }
0xac: {  	[tilespmem:s13+$0x20] =	vst v2;
	v2 =	vmul.f32 v7, v8;
	v7 =	vld [tilespmem:s13+$0xA0]  }
0xad: {  	[tilespmem:s13+$0x30] =	vst v3;
	v3 =	vmul.f32 v10, v8;
	v10 =	vld [tilespmem:s13+$0xB0]  }
0xae: {  	[tilespmem:s13+$0x40] =	vst v2;
	v2 =	vmul.f32 v5, v8;
	v5 =	vld [tilespmem:s13+$0xC0]  }
0xaf: {  	v8 =	vld [tilespmem:s13+$0xD0];
	[tilespmem:s13+$0x50] =	vst v3;
	v3 =	vmul.f32 v9, v6  }
0xb0: {  	[tilespmem:s13+$0x60] =	vst v2;
	v2 =	vmul.f32 v4, v6;
	v4 =	vld [tilespmem:s13+$0xE0]  }
0xb1: {  	[tilespmem:s13+$0x80] =	vst v3;
	v3 =	vmul.f32 v7, v6;
	v7 =	vld [tilespmem:s13+$0xF0]  }
0xb2: {  	[tilespmem:s13+$0x90] =	vst v2;
	v2 =	vmul.f32 v10, v6  }
0xb3: {  	[tilespmem:s13+$0xA0] =	vst v3;
	v3 =	vmul.f32 v5, v6  }
0xb4: {  	[tilespmem:s13+$0xB0] =	vst v2;
	v2 =	vmul.f32 v8, v6  }
0xb5: {  	[tilespmem:s13+$0xC0] =	vst v3;
	v3 =	vmul.f32 v4, v6  }
0xb6: {  	[tilespmem:s13+$0xD0] =	vst v2;
	v2 =	vmul.f32 v7, v6  }
0xb7: {  	p1 =	seq.s32 s1, $0x0;
	[tilespmem:s13+$0xE0] =	vst v3  }
0xb8: {  	s11 =	sshll.u32 s1, $0x7;
	s12 =	simm.s32 @!p1 $0x4;
	[tilespmem:s13+$0xF0] =	vst v2  }
0xb9: {  	s14 =	sor.u32 $0x40, s11;
	_ =	swait.ge @!p1 [sflag:s12], $0x2000  }
0xba: {  	s31 =	sadd.s32 s4, s14;
	[sflag:s12] =	ssyncset.done @!p1 $0x0  }
0xbb: {  	[sflag:s12] =	ssyncadd.s32 @!p1 $0xFFFFE000;
	s12 =	sshrl.u32 s31, $0x3  }
0xbc: {  	[tilespmem:s23], [sflag:$0x2] =	stream.indirect.gather [hbm4b:s7+s16], $0x80, s14, s16, $0xb8;
	[tilespmem:$0x1CC80] =	vst v63  }
0xbd: {  	s31 =	simm.s32 $0x0;
	s14 =	sadd.s32 s5, s12  }
0xbe: {  	[tilespmem:s24], [sflag:$0x2] =	stream.linear.gather [hbm4b:s14+s31], $0x40, $0x38;
	[tilespmem:$0x1CC80] =	vst v63  }
0xbf: {  	s12 =	sadd.s32 s6, s12  }
0xc0: {  	[tilespmem:s25], [sflag:$0x2] =	stream.linear.gather [hbm4b:s12+s31], $0x40, $0x38;
	[tilespmem:$0x1CC80] =	vst v63  }
0xc1: {  	_ = 	snop  }
0xc2: {  	[spmem:s2] =	stream.indirect.scatter.add.f32 [tilespmem:s3], [sflag:$0x3], $0x80, s20, s16, $0xb8;
	[tilespmem:$0x1CC80] =	vst v63  }
0xc3: {  	_ =	swait.ge [sflag:s26], $0x2000  }
0xc4: {  	v2 =	vmov s31;
	s14 =	simm.s32 $0x2;
	[sflag:s26] =	ssyncset.done $0x0  }
0xc5: {  	v2 =	vand.u32 $0xFFFFFFFC, v2;
	v3 =	vmov s14;
	[sflag:s26] =	ssyncadd.s32 $0xFFFFE000  }
0xc6: {  	v2 =	vbroadcast v2, $0x0;
	v3 =	vand.u32 $0xFFFFFFFE, v3;
	_ =	swait.ge [sflag:s26], $0x40  }
0xc7: {  	v3 =	vbroadcast v3, $0x0;
	[sflag:s26] =	ssyncset.done $0x0  }
0xc8: {  	[sflag:s26] =	ssyncadd.s32 $0xFFFFFFC0  }
0xc9: {  	_ =	swait.ge [sflag:s26], $0x40  }
0xca: {  	[sflag:s26] =	ssyncset.done $0x0  }
0xcb: {  	[sflag:s26] =	ssyncadd.s32 $0xFFFFFFC0  }
0xcc: {  	v2 =	vld.idx.msk [tilespmem:v2+s25+$0x0], $0xffff  }
0xcd: {  	s12 =	simm.s32 $0x4E70;
	s31 =	simm.s32 $0x1;
	v3 =	vld.idx.msk [tilespmem:v3+s25+$0x0], $0xffff  }
0xce: {  	v4 =	vmov s31;
	v5 =	vld [tilespmem:s12+$0xFFFFFF80]  }
0xcf: {  	v4 =	vand.u32 $0xFFFFFFFD, v4;
	v6 =	vld [tilespmem:s12+$0xFFFFFE10]  }
0xd0: {  	v4 =	vbroadcast v4, $0x0;
	v7 =	vld [tilespmem:s12+$0xFFFFFE20]  }
0xd1: {  	v8 =	vld [tilespmem:s12+$0xFFFFFE30]  }
0xd2: {  	v9 =	vld [tilespmem:s12+$0xFFFFFE40]  }
0xd3: {  	v10 =	vld [tilespmem:s12+$0xFFFFFE50]  }
0xd4: {  	v11 =	vld [tilespmem:s12+$0xFFFFFE60]  }
0xd5: {  	v12 =	vld [tilespmem:s12+$0xFFFFFE70];
	v6 =	vmul.f32 v6, v2  }
0xd6: {  	v4 =	vld.idx.msk [tilespmem:v4+s25+$0x0], $0xffff;
	v5 =	vmul.f32 v5, v3  }
0xd7: {  	v14 =	vld [tilespmem:s12+$0xFFFFFF50];
	[tilespmem:s12+$0xFFFFFE10] =	vst v6;
	v6 =	vmul.f32 v7, v2  }
0xd8: {  	v7 =	vld [tilespmem:s12+$0xFFFFFE80];
	[tilespmem:s12+$0xFFFFFF80] =	vst v5;
	v5 =	vmul.f32 v8, v2  }
0xd9: {  	v8 =	vld [tilespmem:s12+$0xFFFFFE90];
	[tilespmem:s12+$0xFFFFFE20] =	vst v6;
	v6 =	vmul.f32 v9, v2  }
0xda: {  	v9 =	vld [tilespmem:s12+$0xFFFFFEA0];
	[tilespmem:s12+$0xFFFFFE30] =	vst v5;
	v5 =	vmul.f32 v10, v2  }
0xdb: {  	v10 =	vld [tilespmem:s12+$0xFFFFFEB0];
	[tilespmem:s12+$0xFFFFFE40] =	vst v6;
	v6 =	vmul.f32 v11, v2  }
0xdc: {  	v11 =	vld [tilespmem:s12+$0xFFFFFEC0];
	[tilespmem:s12+$0xFFFFFE50] =	vst v5;
	v5 =	vmul.f32 v12, v2  }
0xdd: {  	v12 =	vld [tilespmem:s12+$0xFFFFFED0];
	v7 =	vmul.f32 v7, v2;
	[tilespmem:s12+$0xFFFFFE60] =	vst v6  }
0xde: {  	v6 =	vmul.f32 v8, v4;
	v8 =	vld [tilespmem:s12+$0xFFFFFEE0];
	[tilespmem:s12+$0xFFFFFE70] =	vst v5  }
0xdf: {  	s14 =	simm.s32 $0x3;
	v5 =	vld [tilespmem:s12+$0xFFFFFEF0];
	v9 =	vmul.f32 v9, v4;
	[tilespmem:s12+$0xFFFFFE80] =	vst v7  }
0xe0: {  	v13 =	vmov s14;
	v7 =	vld [tilespmem:s12+$0xFFFFFF00];
	[tilespmem:s12+$0xFFFFFE90] =	vst v6;
	v6 =	vmul.f32 v10, v4  }
0xe1: {  	v10 =	vld [tilespmem:s12+$0xFFFFFF10];
	[tilespmem:s12+$0xFFFFFEA0] =	vst v9;
	v9 =	vmul.f32 v11, v4  }
0xe2: {  	v11 =	vld [tilespmem:s12+$0xFFFFFF20];
	[tilespmem:s12+$0xFFFFFEB0] =	vst v6;
	v6 =	vmul.f32 v12, v4  }
0xe3: {  	[tilespmem:s12+$0xFFFFFEC0] =	vst v9;
	v8 =	vmul.f32 v8, v4;
	v9 =	vld [tilespmem:s12+$0xFFFFFF30]  }
0xe4: {  	v12 =	vld [tilespmem:s12+$0xFFFFFF40];
	v5 =	vmul.f32 v5, v4;
	[tilespmem:s12+$0xFFFFFED0] =	vst v6  }
0xe5: {  	v2 =	vld.idx.msk [tilespmem:v13+s25+$0x0], $0xffff;
	v4 =	vmul.f32 v7, v4;
	[tilespmem:s12+$0xFFFFFEE0] =	vst v8  }
0xe6: {  	[tilespmem:s12+$0xFFFFFEF0] =	vst v5;
	v6 =	vmul.f32 v10, v3;
	v5 =	vld [tilespmem:s12+$0xFFFFFF60]  }
0xe7: {  	s31 =	simm.s32 $0x4;
	[tilespmem:s12+$0xFFFFFF00] =	vst v4;
	v7 =	vmul.f32 v11, v3;
	v4 =	vld [tilespmem:s12+$0xFFFFFF70]  }
0xe8: {  	s14 =	simm.s32 $0x7;
	v8 =	vmov s31;
	[tilespmem:s12+$0xFFFFFF10] =	vst v6;
	v10 =	vmul.f32 v9, v3;
	v9 =	vld [tilespmem:s12+$0xFFFFFF90]  }
0xe9: {  	s31 =	simm.s32 $0x5;
	v13 =	vand.u32 $0xFFFFFFFC, v8;
	v8 =	vld [tilespmem:s12+$0xFFFFFFA0];
	v6 =	vmov s14;
	v11 =	vmul.f32 v12, v3;
	[tilespmem:s12+$0xFFFFFF20] =	vst v7  }
0xea: {  	s29 =	simm.s32 $0x6;
	s13 =	simm.s32 $0x4E70;
	s14 =	simm.s32 $0x8;
	v12 =	vmul.f32 v14, v3;
	v7 =	vbroadcast v13, $0x0;
	v13 =	vmov s31;
	[tilespmem:s12+$0xFFFFFF30] =	vst v10;
	v10 =	vld [tilespmem:s12+$0xFFFFFFB0]  }
.LBB2_9:
0xeb: {  	p1 =	slt.u32 s14, $0x3C;
	v13 =	vand.u32 $0xFFFFFFFD, v13;
	v14 =	vmov s29;
	[tilespmem:s12+$0xFFFFFF40] =	vst v11;
	v5 =	vmul.f32 v5, v3;
	v11 =	vld [tilespmem:s12+$0xFFFFFFC0]  }
0xec: {  	v13 =	vbroadcast v13, $0x0;
	v14 =	vand.u32 $0xFFFFFFFE, v14;
	[tilespmem:s12+$0xFFFFFF50] =	vst v12;
	v3 =	vmul.f32 v4, v3;
	v4 =	vld [tilespmem:s12+$0xFFFFFFD0]  }
0xed: {  	v12 =	vbroadcast v14, $0x0;
	[tilespmem:s12+$0xFFFFFF60] =	vst v5;
	v5 =	vmul.f32 v9, v2;
	v9 =	vld [tilespmem:s12+$0xFFFFFFE0]  }
0xee: {  	[tilespmem:s12+$0xFFFFFF70] =	vst v3;
	v3 =	vmul.f32 v8, v2;
	v8 =	vld [tilespmem:s12+$0xFFFFFFF0]  }
0xef: {  	[tilespmem:s12+$0xFFFFFF90] =	vst v5;
	v5 =	vmul.f32 v10, v2;
	v10 =	vld [tilespmem:s12+$0x0]  }
0xf0: {  	v6 =	vld.idx.msk [tilespmem:v6+s25+$0x0], $0xffff;
	[tilespmem:s12+$0xFFFFFFA0] =	vst v3;
	v3 =	vmul.f32 v11, v2  }
0xf1: {  	v7 =	vld.idx.msk [tilespmem:v7+s25+$0x0], $0xffff;
	[tilespmem:s12+$0xFFFFFFB0] =	vst v5;
	v4 =	vmul.f32 v4, v2  }
0xf2: {  	v5 =	vld.idx.msk [tilespmem:v13+s25+$0x0], $0xffff;
	[tilespmem:s12+$0xFFFFFFC0] =	vst v3;
	v9 =	vmul.f32 v9, v2  }
0xf3: {  	s12 =	sadd.s32 $0x200, s12;
	v3 =	vld.idx.msk [tilespmem:v12+s25+$0x0], $0xffff;
	[tilespmem:s13+$0xFFFFFFD0] =	vst v4;
	v4 =	vmul.f32 v8, v2  }
0xf4: {  	v8 =	vld [tilespmem:s12+$0xFFFFFF80];
	[tilespmem:s13+$0xFFFFFFE0] =	vst v9;
	v10 =	vmul.f32 v10, v2  }
0xf5: {  	v9 =	vld [tilespmem:s12+$0xFFFFFE10];
	[tilespmem:s13+$0xFFFFFFF0] =	vst v4  }
0xf6: {  	v2 =	vmov v6;
	v4 =	vld [tilespmem:s12+$0xFFFFFE20];
	[tilespmem:s13+$0x0] =	vst v10;
	s13 =	smov.u32 s12  }
0xf7: {  	v6 =	vld [tilespmem:s12+$0xFFFFFE30]  }
0xf8: {  	v10 =	vld [tilespmem:s12+$0xFFFFFE40]  }
0xf9: {  	v11 =	vld [tilespmem:s12+$0xFFFFFE50];
	v8 =	vmul.f32 v8, v3  }
0xfa: {  	v9 =	vmul.f32 v9, v7;
	v12 =	vld [tilespmem:s12+$0xFFFFFE60]  }
0xfb: {  	v4 =	vmul.f32 v4, v7;
	v13 =	vld [tilespmem:s12+$0xFFFFFE70];
	[tilespmem:s12+$0xFFFFFF80] =	vst v8  }
0xfc: {  	[tilespmem:s12+$0xFFFFFE10] =	vst v9;
	v6 =	vmul.f32 v6, v7;
	v8 =	vld [tilespmem:s12+$0xFFFFFE80]  }
0xfd: {  	[tilespmem:s12+$0xFFFFFE20] =	vst v4;
	v4 =	vmul.f32 v10, v7;
	v9 =	vld [tilespmem:s12+$0xFFFFFE90]  }
0xfe: {  	[tilespmem:s12+$0xFFFFFE30] =	vst v6;
	v6 =	vmul.f32 v11, v7;
	v10 =	vld [tilespmem:s12+$0xFFFFFEA0]  }
0xff: {  	[tilespmem:s12+$0xFFFFFE40] =	vst v4;
	v4 =	vmul.f32 v12, v7;
	v11 =	vld [tilespmem:s12+$0xFFFFFEB0]  }
0x100: {  	[tilespmem:s12+$0xFFFFFE50] =	vst v6;
	v6 =	vmul.f32 v13, v7;
	v12 =	vld [tilespmem:s12+$0xFFFFFEC0]  }
0x101: {  	[tilespmem:s12+$0xFFFFFE60] =	vst v4;
	v4 =	vmul.f32 v8, v7;
	v7 =	vld [tilespmem:s12+$0xFFFFFED0]  }
0x102: {  	[tilespmem:s12+$0xFFFFFE70] =	vst v6;
	v6 =	vmul.f32 v9, v5;
	v8 =	vld [tilespmem:s12+$0xFFFFFEE0]  }
0x103: {  	[tilespmem:s12+$0xFFFFFE80] =	vst v4;
	v4 =	vmul.f32 v10, v5;
	v9 =	vld [tilespmem:s12+$0xFFFFFEF0]  }
0x104: {  	[tilespmem:s12+$0xFFFFFE90] =	vst v6;
	v6 =	vmul.f32 v11, v5;
	v10 =	vld [tilespmem:s12+$0xFFFFFF00]  }
0x105: {  	[tilespmem:s12+$0xFFFFFEA0] =	vst v4;
	v4 =	vmul.f32 v12, v5;
	v11 =	vld [tilespmem:s12+$0xFFFFFF10]  }
0x106: {  	[tilespmem:s12+$0xFFFFFEB0] =	vst v6;
	v6 =	vmul.f32 v7, v5;
	v7 =	vld [tilespmem:s12+$0xFFFFFF20]  }
0x107: {  	[tilespmem:s12+$0xFFFFFEC0] =	vst v4;
	v4 =	vmul.f32 v8, v5;
	v8 =	vld [tilespmem:s12+$0xFFFFFF30]  }
0x108: {  	[tilespmem:s12+$0xFFFFFED0] =	vst v6;
	v6 =	vmul.f32 v9, v5;
	v12 =	vld [tilespmem:s12+$0xFFFFFF40]  }
0x109: {  	[tilespmem:s12+$0xFFFFFEE0] =	vst v4;
	v4 =	vmul.f32 v10, v5;
	v10 =	vld [tilespmem:s12+$0xFFFFFF50]  }
.Ltmp3:
0x10a: {  	[tilespmem:s12+$0xFFFFFEF0] =	vst v6;
	v6 =	vmul.f32 v11, v3;
	v5 =	vld [tilespmem:s12+$0xFFFFFF60];
	(pc) =	sbr.rel @p1 .LBB2_9-.Ltmp3, $4  }
0x10b: {  	[tilespmem:s12+$0xFFFFFF00] =	vst v4;
	v7 =	vmul.f32 v7, v3;
	v4 =	vld [tilespmem:s12+$0xFFFFFF70]  }
0x10c: {  	s29 =	sadd.s32 $0x3, s14;
	v11 =	vmov s14;
	[tilespmem:s12+$0xFFFFFF10] =	vst v6;
	v14 =	vmul.f32 v8, v3;
	v9 =	vld [tilespmem:s12+$0xFFFFFF90]  }
0x10d: {  	s31 =	sadd.s32 $0x1, s14;
	v13 =	vand.u32 $0xFFFFFFFC, v11;
	v6 =	vmov s29;
	[tilespmem:s12+$0xFFFFFF20] =	vst v7;
	v11 =	vmul.f32 v12, v3;
	v8 =	vld [tilespmem:s12+$0xFFFFFFA0]  }
0x10e: {  	s29 =	sadd.s32 $0x2, s14;
	s14 =	sadd.s32 $0x4, s14;
	v7 =	vbroadcast v13, $0x0;
	v13 =	vmov s31;
	[tilespmem:s12+$0xFFFFFF30] =	vst v14;
	v12 =	vmul.f32 v10, v3;
	v10 =	vld [tilespmem:s12+$0xFFFFFFB0]  }
0x10f: {  	v14 =	vld [tilespmem:s12+$0xFFFFFFC0]  }
0x110: {  	v16 =	vld [tilespmem:s12+$0xFFFFFFD0]  }
0x111: {  	v17 =	vld [tilespmem:s12+$0xFFFFFFE0]  }
0x112: {  	v18 =	vld [tilespmem:s12+$0xFFFFFFF0]  }
0x113: {  	v24 =	vld [tilespmem:s12+$0x0];
	[tilespmem:s12+$0xFFFFFF40] =	vst v11;
	v5 =	vmul.f32 v5, v3  }
0x114: {  	v6 =	vld.idx.msk [tilespmem:v6+s25+$0x0], $0xffff;
	[tilespmem:s12+$0xFFFFFF50] =	vst v12;
	v3 =	vmul.f32 v4, v3  }
0x115: {  	s14 =	sadd.s32 $0x200, s12;
	v25 =	vld.idx.msk [tilespmem:v7+s25+$0x0], $0xffff;
	v9 =	vmul.f32 v9, v2;
	[tilespmem:s12+$0xFFFFFF60] =	vst v5  }
0x116: {  	v30 =	vld [tilespmem:s14+$0xFFFFFF80];
	v26 =	vmul.f32 v8, v2;
	[tilespmem:s12+$0xFFFFFF70] =	vst v3  }
0x117: {  	v31 =	vld [tilespmem:s14+$0xFFFFFE10];
	[tilespmem:s12+$0xFFFFFF90] =	vst v9;
	v3 =	vmul.f32 v10, v2  }
0x118: {  	v15 =	vmov s29;
	v33 =	vld [tilespmem:s14+$0xFFFFFE20];
	[tilespmem:s12+$0xFFFFFFA0] =	vst v26;
	v29 =	vmul.f32 v14, v2  }
0x119: {  	v15 =	vand.u32 $0xFFFFFFFE, v15;
	v34 =	vld [tilespmem:s14+$0xFFFFFE30];
	[tilespmem:s12+$0xFFFFFFB0] =	vst v3;
	v3 =	vmul.f32 v16, v2  }
0x11a: {  	v13 =	vand.u32 $0xFFFFFFFD, v13;
	v35 =	vld [tilespmem:s14+$0xFFFFFE40];
	v15 =	vbroadcast v15, $0x0;
	v32 =	vmul.f32 v17, v2;
	[tilespmem:s12+$0xFFFFFFC0] =	vst v29  }
0x11b: {  	v13 =	vbroadcast v13, $0x0;
	v37 =	vld [tilespmem:s14+$0xFFFFFE60];
	[tilespmem:s13+$0xFFFFFFD0] =	vst v3;
	v3 =	vmul.f32 v18, v2  }
0x11c: {  	v39 =	vld [tilespmem:s14+$0xFFFFFE70];
	[tilespmem:s13+$0xFFFFFFE0] =	vst v32;
	v2 =	vmul.f32 v24, v2  }
0x11d: {  	v38 =	vmul.f32 v33, v25;
	[tilespmem:s13+$0xFFFFFFF0] =	vst v3;
	v3 =	vld [tilespmem:s14+$0xFFFFFE50]  }
0x11e: {  	v40 =	vld [tilespmem:s14+$0xFFFFFE80];
	[tilespmem:s13+$0x0] =	vst v2;
	v2 =	vmul.f32 v31, v25  }
0x11f: {  	v41 =	vld [tilespmem:s14+$0xFFFFFE90];
	v5 =	vmul.f32 v35, v25;
	[tilespmem:s14+$0xFFFFFE20] =	vst v38  }
0x120: {  	v28 =	vld.idx.msk [tilespmem:v15+s25+$0x0], $0xffff;
	[tilespmem:s14+$0xFFFFFE10] =	vst v2;
	v2 =	vmul.f32 v34, v25  }
0x121: {  	v42 =	vmul.f32 v37, v25;
	v27 =	vld.idx.msk [tilespmem:v13+s25+$0x0], $0xffff;
	[tilespmem:s14+$0xFFFFFE40] =	vst v5  }
0x122: {  	[tilespmem:s14+$0xFFFFFE30] =	vst v2;
	v2 =	vmul.f32 v3, v25;
	v3 =	vld [tilespmem:s14+$0xFFFFFEA0]  }
0x123: {  	v43 =	vld [tilespmem:s14+$0xFFFFFEB0];
	v4 =	vmul.f32 v40, v25;
	[tilespmem:s14+$0xFFFFFE60] =	vst v42  }
0x124: {  	v44 =	vld [tilespmem:s14+$0xFFFFFEC0];
	[tilespmem:s14+$0xFFFFFE50] =	vst v2;
	v2 =	vmul.f32 v39, v25  }
0x125: {  	v45 =	vld [tilespmem:s14+$0xFFFFFED0];
	[tilespmem:s14+$0xFFFFFE80] =	vst v4;
	v36 =	vmul.f32 v30, v28  }
0x126: {  	v46 =	vld [tilespmem:s14+$0xFFFFFEE0];
	[tilespmem:s14+$0xFFFFFE70] =	vst v2;
	v2 =	vmul.f32 v41, v27  }
0x127: {  	v47 =	vld [tilespmem:s14+$0xFFFFFEF0];
	[tilespmem:s14+$0xFFFFFF80] =	vst v36;
	v3 =	vmul.f32 v3, v27  }
0x128: {  	v48 =	vld [tilespmem:s14+$0xFFFFFF00];
	[tilespmem:s14+$0xFFFFFE90] =	vst v2;
	v2 =	vmul.f32 v43, v27  }
0x129: {  	v49 =	vld [tilespmem:s14+$0xFFFFFF10];
	[tilespmem:s14+$0xFFFFFEA0] =	vst v3;
	v3 =	vmul.f32 v44, v27  }
0x12a: {  	v50 =	vld [tilespmem:s14+$0xFFFFFF20];
	[tilespmem:s14+$0xFFFFFEB0] =	vst v2;
	v2 =	vmul.f32 v45, v27  }
0x12b: {  	v51 =	vld [tilespmem:s14+$0xFFFFFF30];
	[tilespmem:s14+$0xFFFFFEC0] =	vst v3;
	v3 =	vmul.f32 v46, v27  }
0x12c: {  	v52 =	vld [tilespmem:s14+$0xFFFFFF40];
	[tilespmem:s14+$0xFFFFFED0] =	vst v2;
	v2 =	vmul.f32 v47, v27  }
0x12d: {  	v53 =	vld [tilespmem:s14+$0xFFFFFF50];
	[tilespmem:s14+$0xFFFFFEE0] =	vst v3;
	v3 =	vmul.f32 v48, v27  }
0x12e: {  	v54 =	vld [tilespmem:s14+$0xFFFFFF60];
	[tilespmem:s14+$0xFFFFFEF0] =	vst v2;
	v2 =	vmul.f32 v49, v28  }
0x12f: {  	v55 =	vld [tilespmem:s14+$0xFFFFFF70];
	[tilespmem:s14+$0xFFFFFF00] =	vst v3;
	v3 =	vmul.f32 v50, v28  }
0x130: {  	v56 =	vld [tilespmem:s14+$0xFFFFFF90];
	[tilespmem:s14+$0xFFFFFF10] =	vst v2;
	v2 =	vmul.f32 v51, v28  }
0x131: {  	v57 =	vld [tilespmem:s14+$0xFFFFFFA0];
	[tilespmem:s14+$0xFFFFFF20] =	vst v3;
	v3 =	vmul.f32 v52, v28  }
0x132: {  	v58 =	vld [tilespmem:s14+$0xFFFFFFB0];
	[tilespmem:s14+$0xFFFFFF30] =	vst v2;
	v2 =	vmul.f32 v53, v28  }
0x133: {  	v59 =	vld [tilespmem:s14+$0xFFFFFFC0];
	[tilespmem:s14+$0xFFFFFF40] =	vst v3;
	v3 =	vmul.f32 v54, v28  }
0x134: {  	v60 =	vld [tilespmem:s14+$0xFFFFFFD0];
	[tilespmem:s14+$0xFFFFFF50] =	vst v2;
	v2 =	vmul.f32 v55, v28  }
0x135: {  	v61 =	vld [tilespmem:s14+$0xFFFFFFE0];
	[tilespmem:s14+$0xFFFFFF60] =	vst v3;
	v3 =	vmul.f32 v56, v6  }
0x136: {  	v62 =	vld [tilespmem:s14+$0xFFFFFFF0];
	[tilespmem:s14+$0xFFFFFF70] =	vst v2;
	v2 =	vmul.f32 v57, v6  }
0x137: {  	v63 =	vld [tilespmem:s14+$0x0];
	[tilespmem:s14+$0xFFFFFF90] =	vst v3;
	v3 =	vmul.f32 v58, v6  }
0x138: {  	[tilespmem:s14+$0xFFFFFFA0] =	vst v2;
	v2 =	vmul.f32 v59, v6  }
0x139: {  	[tilespmem:s14+$0xFFFFFFB0] =	vst v3;
	v3 =	vmul.f32 v60, v6  }
0x13a: {  	[tilespmem:s14+$0xFFFFFFC0] =	vst v2;
	v2 =	vmul.f32 v61, v6  }
0x13b: {  	[tilespmem:s14+$0xFFFFFFD0] =	vst v3;
	v3 =	vmul.f32 v62, v6  }
0x13c: {  	p1 =	seq.s32 s1, $0x53;
	[tilespmem:s14+$0xFFFFFFE0] =	vst v2;
	v2 =	vmul.f32 v63, v6  }
.Ltmp4:
0x13d: {  	[tilespmem:s14+$0xFFFFFFF0] =	vst v3;
	(pc) =	sbr.rel @p1 .LBB2_12-.Ltmp4, $4  }
0x13e: {  	[tilespmem:s14+$0x0] =	vst v2  }
0x13f: {  	_ =	swait.ge [sflag:s28], $0x2000  }
0x140: {  	[sflag:s28] =	ssyncset.done $0x0  }
0x141: {  	[sflag:s28] =	ssyncadd.s32 $0xFFFFE000  }
0x142: {  	s11 =	sadd.s32 $0x80, s11  }
0x143: {  	s12 =	sadd.s32 s4, s11  }
0x144: {  	[tilespmem:s3], [sflag:$0x1] =	stream.indirect.gather [hbm4b:s7+s16], $0x80, s11, s16, $0xb8;
	[tilespmem:$0x1CC80] =	vst v63  }
0x145: {  	s31 =	sshrl.u32 s12, $0x3  }
0x146: {  	s12 =	sadd.s32 s5, s31  }
0x147: {  	[tilespmem:s20], [sflag:$0x1] =	stream.linear.gather [hbm4b:s12+s19], $0x40, $0x38;
	[tilespmem:$0x1CC80] =	vst v63  }
.Ltmp5:
0x148: {  	_ = 	snop;
	(pc) =	sbr.rel .LBB2_6-.Ltmp5, $4  }
0x149: {  	s11 =	sadd.s32 s6, s31  }
0x14a: {  	[tilespmem:s21], [sflag:$0x1] =	stream.linear.gather [hbm4b:s11+s19], $0x40, $0x38;
	[tilespmem:$0x1CC80] =	vst v63  }
0x14b: {  	s1 =	sadd.s32 $0x1, s1  }
0x14c: {  	[spmem:s2] =	stream.indirect.scatter.add.f32 [tilespmem:s23], [sflag:$0x4], $0x80, s24, s16, $0xb8;
	[tilespmem:$0x1CC80] =	vst v63  }
.LBB2_12:
0x14d: {  	[spmem:s2] =	stream.indirect.scatter.add.f32 [tilespmem:s23], [sflag:$0x4], $0x80, s24, s16, $0xb8;
	[tilespmem:$0x1CC80] =	vst v63  }
0x14e: {  	s0 =	simm.s32 $0x4  }
0x14f: {  	_ =	swait.ge [sflag:s0], $0x2000  }
0x150: {  	[sflag:s0] =	ssyncset.done $0x0  }
0x151: {  	s20 =	sadd.s32 $0x0, s10;
	[sflag:s0] =	ssyncadd.s32 $0xFFFFE000  }
0x152: {  	v2 =	vor.u32 s20, v1;
	s11 =	sadd.s32 $0x10, s20;
	[bflag:$0x0] =	sbarrier.arrive $0xFFFF  }
0x153: {  	s1 =	sadd.s32 $0x30, s20;
	v3 =	vor.u32 s11, v1;
	[tilespmem:$0x2C00] =	vst v2  }
0x154: {  	s0 =	sadd.s32 $0x20, s20;
	v2 =	vor.u32 s1, v1;
	[tilespmem:$0x2C10] =	vst v3  }
0x155: {  	[tilespmem:$0x2C30] =	vst v2;
	v2 =	vor.u32 s0, v1  }
0x156: {  	s12 =	simm.s32 @p0 $0x40;
	s13 =	simm.s32 $0x40;
	s14 =	simm.s32 @!p0 $0x40;
	[tilespmem:$0x2C20] =	vst v2  }
0x157: {  	[tilespmem:s18], [sflag:$0x6] =	stream.indirect.gather [spmem:s2], $0x80, s17, s16, $0xb8;
	[tilespmem:$0x1CC80] =	vst v63  }
0x158: {  	s29 =	simm.s32 @!p0 $0x2C00;
	s31 =	simm.s32 @!p0 $0x6C80;
	_ =	swait.ge [sflag:s30], $0x2000  }
0x159: {  	s11 =	simm.s32 @p0 $0x6C80;
	s0 =	simm.s32 @!p0 $0x6;
	[sflag:s30] =	ssyncset.done $0x0  }
0x15a: {  	s1 =	simm.s32 @p0 $0x2C00;
	s0 =	simm.s32 @p0 $0x5;
	[sflag:s30] =	ssyncadd.s32 $0xFFFFE000  }
0x15b: {  	[hbm4b:s9+s12] =	stream.indirect.scatter @p0 [tilespmem:s11], [sflag:$0x5], $0x80, s1, s12, $0xb8;
	[tilespmem:$0x1CC80] =	vst v63  }
.LBB2_13:
0x15c: {  	[hbm4b:s8+s14] =	stream.indirect.scatter @!p0 [tilespmem:s31], [sflag:$0x6], $0x80, s29, s14, $0xb8;
	[tilespmem:$0x1CC80] =	vst v63  }
0x15d: {  	s3 =	sadd.s32 s13, s10;
	s13 =	sadd.s32 $0x40, s13;
	_ =	swait.ge [sflag:s0], $0x2000  }
0x15e: {  	v2 =	vor.u32 s3, v1;
	s19 =	sadd.s32 $0x10, s3;
	s20 =	sadd.s32 $0x20, s3;
	[sflag:s0] =	ssyncset.done $0x0  }
0x15f: {  	s3 =	sadd.s32 $0x30, s3;
	p1 =	sne.s32 s13, $0x280;
	v3 =	vor.u32 s19, v1;
	v4 =	vor.u32 s20, v1;
	[sflag:s0] =	ssyncadd.s32 $0xFFFFE000  }
0x160: {  	[tilespmem:$0x2C00] =	vst v2;
	v2 =	vor.u32 s3, v1  }
0x161: {  	[tilespmem:$0x2C30] =	vst v2  }
0x162: {  	[tilespmem:$0x2C10] =	vst v3  }
0x163: {  	[tilespmem:$0x2C20] =	vst v4  }
0x164: {  	[tilespmem:s18], [sflag:$0x6] =	stream.indirect.gather [spmem:s2], $0x80, s17, s16, $0xb8;
	[tilespmem:$0x1CC80] =	vst v63  }
.Ltmp6:
0x165: {  	_ =	swait.ge [sflag:s30], $0x2000;
	(pc) =	sbr.rel @p1 .LBB2_13-.Ltmp6, $4  }
0x166: {  	[sflag:s30] =	ssyncset.done $0x0  }
0x167: {  	[sflag:s30] =	ssyncadd.s32 $0xFFFFE000  }
0x168: {  	[hbm4b:s9+s12] =	stream.indirect.scatter @p0 [tilespmem:s11], [sflag:$0x5], $0x80, s1, s12, $0xb8;
	[tilespmem:$0x1CC80] =	vst v63  }
0x169: {  	_ = 	snop  }
0x16a: {  	[hbm4b:s8+s14] =	stream.indirect.scatter @!p0 [tilespmem:s31], [sflag:$0x6], $0x80, s29, s14, $0xb8;
	[tilespmem:$0x1CC80] =	vst v63  }
0x16b: {  	_ =	swait.ge [sflag:s0], $0x2000  }
0x16c: {  	s11 =	rddreg [dreg:$0x8]  }
0x16d: {  	s1 =	rddreg [dreg:$0x7];
	s11 =	sadd.s32 $0x1, s11  }
0x16e: {  	p1 =	sne.s32 s11, s1  }
.Ltmp7:
0x16f: {  	_ = 	snop;
	(pc) =	sbr.rel @p1 .LBB2_1-.Ltmp7, $3  }
0x170: {  	_ =	sdelay $0x1  }
0x171: {  	s19 =	simm.s32 $0x0;
	[sflag:s0] =	ssyncset.done $0x0  }
0x172: {  	s3 =	simm.s32 $0x2C80;
	s20 =	simm.s32 $0x2A00;
	[sflag:s0] =	ssyncadd.s32 $0xFFFFE000  }
0x173: {  	_ =	sfence.sel $0x180000  }
0x174: {  	[bflag:$0x0] =	sbarrier.arrive $0xFFFF  }
0x175: {  	_ =	strace $0x9000004A  }
0x176: {  	s0 =	stileid.u32;
	[bflag:$0x2] =	sbarrier.arrive $0xFFFF  }
0x177: {  	p0 =	sne.s32 s0, $0x0;
	s0 =	rddreg [dreg:$0x3]  }
0x178: {  	s0 =	sadd.s32 @!p0 $0x100000, s0  }
0x179: {  	[sflag:s0] =	ssyncadd.tile.s32 @!p0 $0x1;
	_ =	shalt  }
.Lfunc_end2:
_tile_overlayer_lowered:
.L_overlay_start_2:
0x17a: {  	(tag) =	ssettag $0x2  }
0x17b: {  	s0 =	rddreg [dreg:$0x0];
	s2 =	stileid.u32  }
0x17c: {  	s1 =	rddreg [dreg:$0x1];
	p0 =	sne.s32 s2, $0x0  }
0x17d: {  	s3 =	rddreg [dreg:$0x2];
	[bflag:$0x3] =	sbarrier.arrive $0xFFFF;
	s2 =	simm.s32 @!p0 $0x1C05  }
0x17e: {  	[timem:s3], [sflag:s2] =	dma.local @!p0 [hbm:s0], s1  }
0x17f: {  	s0 =	simm.s32 @!p0 $0x5  }
0x180: {  	_ =	swait.ge @!p0 [sflag:s0], s1  }
0x181: {  	s1 =	ssub.s32 @!p0 $0x0, s1;
	[sflag:s0] =	ssyncset.done @!p0 $0x0  }
0x182: {  	[sflag:s0] =	ssyncadd.s32 @!p0 s1  }
0x183: {  	[bflag:$0x3] =	sbarrier.arrive $0xFFFF  }
0x184: {  	_ =	shalt  }

</sc_bundles>
